<compile_context>
chip_gen: v7x
topology: tpu7x:2x2x1
jax: 0.10.2.dev20260603
libtpu: 0.0.44.dev20260713+nightly
codegen_flags: <defaults>
</compile_context>

<pallas_src>
import functools

import jax
import jax.numpy as jnp
from jax import lax
from jax.experimental import pallas as pl
from jax.experimental.pallas import tpu as pltpu
from jax.experimental.pallas import tpu_sc as plsc

NR = 1000000
D = 32
NI = 524288
VR = NR // 4

NS = 16
WA = 256
NFB = NR // WA
REM_A = NFB % NS
NBA = NFB // NS
C2 = 256
NCH = NI // NS // C2

_mesh = plsc.VectorSubcoreMesh(core_axis_name="c", subcore_axis_name="s")


@functools.partial(
    pl.kernel,
    mesh=_mesh,
    out_type=(
        jax.ShapeDtypeStruct((D, 2 * NI), jnp.float32),
        jax.ShapeDtypeStruct((VR, 128), jnp.float32),
        jax.ShapeDtypeStruct((VR, 128), jnp.float32),
    ),
    scratch_types=[
        pltpu.VMEM((D, WA), jnp.float32),
        pltpu.VMEM((D, WA), jnp.float32),
        pltpu.VMEM((WA // 4, 128), jnp.float32),
        pltpu.VMEM((WA // 4, 128), jnp.float32),
        pltpu.VMEM((C2,), jnp.int32),
        pltpu.VMEM((C2,), jnp.int32),
        pltpu.VMEM((C2,), jnp.int32),
        pltpu.VMEM((C2,), jnp.int32),
        pltpu.VMEM((C2,), jnp.int32),
        pltpu.VMEM((C2,), jnp.int32),
        pltpu.VMEM((C2, 128), jnp.float32),
        pltpu.VMEM((C2, 128), jnp.float32),
        pltpu.VMEM((D, C2), jnp.float32),
        pltpu.VMEM((D, C2), jnp.float32),
        pltpu.SemaphoreType.DMA,
        pltpu.SemaphoreType.DMA,
        pltpu.SemaphoreType.DMA,
        pltpu.SemaphoreType.DMA,
        pltpu.SemaphoreType.DMA,
        pltpu.SemaphoreType.DMA,
        pltpu.SemaphoreType.DMA,
        pltpu.SemaphoreType.DMA,
        pltpu.SemaphoreType.DMA,
        pltpu.SemaphoreType.DMA,
    ],
    compiler_params=pltpu.CompilerParams(needs_layout_passes=False),
)
def _gather_concat(ft0, ft1, i0, i1, tl0, tl1, ot, s0, s1,
                   bufA0, bufA1, bufT0, bufT1,
                   idx0b, idx1b, vi0b, vi1b, lo0b, lo1b,
                   grows0, grows1, otb0, otb1,
                   rs0, rs1, ws0, ws1, gs0, gs1, ow0, ow1, is0, is1):
    core = lax.axis_index("c")
    t = lax.axis_index("s")
    iota = lax.iota(jnp.int32, 16)

    bufA = (bufA0, bufA1)
    bufT = (bufT0, bufT1)
    idxb = (idx0b, idx1b)
    vib = (vi0b, vi1b)
    lob = (lo0b, lo1b)
    growsb = (grows0, grows1)
    otb = (otb0, otb1)
    rs = (rs0, rs1)
    ws = (ws0, ws1)
    gs = (gs0, gs1)
    ow = (ow0, ow1)
    isx = (is0, is1)

    iotad4 = jax.lax.shift_right_logical(iota, 2)
    iotam4 = jax.lax.rem(iota, 4)
    rowvs = [iotad4 + g2 * 4 for g2 in range(8)]

    def transpose_block(bA, bT):
        def v_body(v4, carry):
            for dv in range(4):
                v = v4 * 4 + dv
                colv = iotam4 + 4 * v
                for g2 in range(8):
                    w = plsc.load_gather(bA, [rowvs[g2], colv])
                    bT[v, pl.ds(g2 * 16, 16)] = w
            return carry
        lax.fori_loop(0, WA // 16, v_body, 0)

    def stage_a(ft, s):
        nbt = jnp.where(t < REM_A, NBA + 1, NBA)

        def rd_start(m, b):
            r0 = pl.multiple_of((t + NS * m) * WA, WA)
            pltpu.async_copy(ft.at[:, pl.ds(r0, WA)], bufA[b], rs[b])

        def rd_wait(b):
            pltpu.make_async_copy(ft.at[:, pl.ds(0, WA)], bufA[b],
                                  rs[b]).wait()

        def wr_start(m, b):
            v0 = pl.multiple_of((t + NS * m) * (WA // 4), WA // 4)
            pltpu.async_copy(bufT[b], s.at[pl.ds(v0, WA // 4)], ws[b])

        def wr_wait(b):
            pltpu.make_async_copy(bufT[b], s.at[pl.ds(0, WA // 4)],
                                  ws[b]).wait()

        rd_start(0, 0)
        rd_start(1, 1)

        def pair_body(mm, carry):
            for b in (0, 1):
                m = 2 * mm + b

                @pl.when(m < nbt)
                def _():
                    rd_wait(b)

                    @pl.when(m >= 2)
                    def _():
                        wr_wait(b)

                    transpose_block(bufA[b], bufT[b])
                    wr_start(m, b)

                    @pl.when(m + 2 < nbt)
                    def _():
                        rd_start(m + 2, b)
            return carry
        lax.fori_loop(0, (NBA + 2) // 2, pair_body, 0)
        wr_wait(0)
        wr_wait(1)

    def tail_copy(tl, s):
        pltpu.sync_copy(tl, bufT0.at[pl.ds(0, 16)])
        pltpu.sync_copy(bufT0.at[pl.ds(0, 16)], s.at[pl.ds(NFB * (WA // 4), 16)])

    def stage_b(ih, s, ocol0):
        jbase = t * (NI // NS)

        def i_start(k, b):
            ioff = pl.multiple_of(jbase + k * C2, C2)
            pltpu.async_copy(ih.at[pl.ds(ioff, C2)], idxb[b], isx[b])

        def i_wait(b):
            pltpu.make_async_copy(ih.at[pl.ds(0, C2)], idxb[b],
                                  isx[b]).wait()

        def pre_and_gather(b):
            def pre_body(j, c2):
                v = idxb[b][pl.ds(j * 16, 16)]
                vib[b][pl.ds(j * 16, 16)] = jax.lax.shift_right_logical(v, 2)
                lob[b][pl.ds(j * 16, 16)] = jax.lax.rem(v, 4)
                return c2
            lax.fori_loop(0, C2 // 16, pre_body, 0)
            pltpu.async_copy(s.at[vib[b]], growsb[b], gs[b])

        def g_wait(b):
            pltpu.make_async_copy(s.at[vib[b]], growsb[b], gs[b]).wait()

        def extract(b):
            def ex_body(g, c2):
                j0 = g * 16
                jvec = iota + j0
                lo16 = lob[b][pl.ds(j0, 16)]
                for c in range(D):
                    w = plsc.load_gather(growsb[b], [jvec, lo16 + 4 * c])
                    otb[b][c, pl.ds(j0, 16)] = w
                return c2
            lax.fori_loop(0, C2 // 16, ex_body, 0)

        def w_start(k, b):
            ocol = pl.multiple_of(ocol0 + jbase + k * C2, C2)
            pltpu.async_copy(otb[b], ot.at[:, pl.ds(ocol, C2)], ow[b])

        def w_wait(b):
            pltpu.make_async_copy(otb[b], ot.at[:, pl.ds(ocol0, C2)],
                                  ow[b]).wait()

        i_start(0, 0)
        i_wait(0)
        pre_and_gather(0)
        i_start(1, 1)

        def pair_body(kk, carry):
            for b in (0, 1):
                k = 2 * kk + b
                nb = 1 - b

                @pl.when(k + 1 < NCH)
                def _():
                    i_wait(nb)
                    pre_and_gather(nb)

                @pl.when(k + 2 < NCH)
                def _():
                    i_start(k + 2, b)

                g_wait(b)

                @pl.when(k >= 2)
                def _():
                    w_wait(b)

                extract(b)
                w_start(k, b)
            return carry
        lax.fori_loop(0, NCH // 2, pair_body, 0)
        w_wait(0)
        w_wait(1)

    @pl.when(core == 0)
    def _c0a():
        stage_a(ft0, s0)

        @pl.when(t == NS - 1)
        def _():
            tail_copy(tl0, s0)

    @pl.when(core == 1)
    def _c1a():
        stage_a(ft1, s1)

        @pl.when(t == NS - 1)
        def _():
            tail_copy(tl1, s1)

    plsc.subcore_barrier()

    @pl.when(core == 0)
    def _c0b():
        stage_b(i0, s0, 0)

    @pl.when(core == 1)
    def _c1b():
        stage_b(i1, s1, NI)


def kernel(feat_0, feat_1, index_map_0, index_map_1):
    def mk_tail(feat):
        return feat[NFB * WA:].reshape(16, 4, 32).transpose(0, 2, 1).reshape(16, 128)
    tl0 = mk_tail(feat_0)
    tl1 = mk_tail(feat_1)
    ot, _, _ = _gather_concat(feat_0.T, feat_1.T,
                              index_map_0.astype(jnp.int32),
                              index_map_1.astype(jnp.int32),
                              tl0, tl1)
    return ot.T

# --- scband reference (transcript-rebuilt; emitter-appended) ---
"""Pipeline reference for scband-output-layer-41858751266861 (READ-ONLY COPY).

The authoritative reference and input builder live on the scoring server;
editing this copy changes nothing except your own understanding.
"""

import jax, jax.numpy as jnp
import numpy as np

N_ROWS = 1000000
D = 32
N_IDX = 524288

def setup_inputs(seed: int = 0) -> dict:
    key = jax.random.key(seed)
    k0, k1, k2, k3 = jax.random.split(key, 4)
    feat_0 = jax.random.normal(k0, (N_ROWS, D), dtype=jnp.float32)
    feat_1 = jax.random.normal(k1, (N_ROWS, D), dtype=jnp.float32)
    index_map_0 = jax.random.randint(k2, (N_IDX,), 0, N_ROWS, dtype=jnp.int64)
    index_map_1 = jax.random.randint(k3, (N_IDX,), 0, N_ROWS, dtype=jnp.int64)
    return {"feat_0": feat_0, "feat_1": feat_1, "index_map_0": index_map_0, "index_map_1": index_map_1}

def reference(feat_0, feat_1, index_map_0, index_map_1):
    # OutputLayer.call: gather each feature tensor by its index map, concat along axis 0
    out = []
    for feat, index_map in zip((feat_0, feat_1), (index_map_0, index_map_1)):
        out.append(jnp.take(feat, index_map, axis=0))
    return jnp.concatenate(out, axis=0)

if __name__ == "__main__":
    import jax
    _d = setup_inputs()
    print(jax.jit(kernel)(*tuple(_d.values())))

</pallas_src>

<mosaic_0001>
#map = affine_map<(d0, d1) -> (0, 0)>
#map1 = affine_map<(d0, d1) -> (0)>
module attributes {stable_mosaic.version = 14 : i64} {
  func.func @_gather_concat(%arg0: i32, %arg1: i32, %arg2: memref<32x1000000xf32, #tpu.memory_space<hbm>>, %arg3: memref<32x1000000xf32, #tpu.memory_space<hbm>>, %arg4: memref<524288xi32, #tpu.memory_space<hbm>>, %arg5: memref<524288xi32, #tpu.memory_space<hbm>>, %arg6: memref<16x128xf32, #tpu.memory_space<hbm>>, %arg7: memref<16x128xf32, #tpu.memory_space<hbm>>, %arg8: memref<32x1048576xf32, #tpu.memory_space<hbm>>, %arg9: memref<250000x128xf32, #tpu.memory_space<hbm>>, %arg10: memref<250000x128xf32, #tpu.memory_space<hbm>>, %arg11: memref<32x256xf32, #tpu.memory_space<vmem>>, %arg12: memref<32x256xf32, #tpu.memory_space<vmem>>, %arg13: memref<64x128xf32, #tpu.memory_space<vmem>>, %arg14: memref<64x128xf32, #tpu.memory_space<vmem>>, %arg15: memref<256xi32, #tpu.memory_space<vmem>>, %arg16: memref<256xi32, #tpu.memory_space<vmem>>, %arg17: memref<256xi32, #tpu.memory_space<vmem>>, %arg18: memref<256xi32, #tpu.memory_space<vmem>>, %arg19: memref<256xi32, #tpu.memory_space<vmem>>, %arg20: memref<256xi32, #tpu.memory_space<vmem>>, %arg21: memref<256x128xf32, #tpu.memory_space<vmem>>, %arg22: memref<256x128xf32, #tpu.memory_space<vmem>>, %arg23: memref<32x256xf32, #tpu.memory_space<vmem>>, %arg24: memref<32x256xf32, #tpu.memory_space<vmem>>, %arg25: memref<!tpu.dma_semaphore, #tpu.memory_space<semaphore_mem>>, %arg26: memref<!tpu.dma_semaphore, #tpu.memory_space<semaphore_mem>>, %arg27: memref<!tpu.dma_semaphore, #tpu.memory_space<semaphore_mem>>, %arg28: memref<!tpu.dma_semaphore, #tpu.memory_space<semaphore_mem>>, %arg29: memref<!tpu.dma_semaphore, #tpu.memory_space<semaphore_mem>>, %arg30: memref<!tpu.dma_semaphore, #tpu.memory_space<semaphore_mem>>, %arg31: memref<!tpu.dma_semaphore, #tpu.memory_space<semaphore_mem>>, %arg32: memref<!tpu.dma_semaphore, #tpu.memory_space<semaphore_mem>>, %arg33: memref<!tpu.dma_semaphore, #tpu.memory_space<semaphore_mem>>, %arg34: memref<!tpu.dma_semaphore, #tpu.memory_space<semaphore_mem>>) attributes {dimension_semantics = [#tpu.dimension_semantics<core_parallel>, #tpu.dimension_semantics<subcore_parallel>], iteration_bounds = array<i64: 2, 16>, scalar_prefetch = 0 : i64, scratch_operands = 24 : i64, tpu.core_type = #tpu.core_type<sc_vector_subcore>, window_params = [{transform_indices = #map}, {transform_indices = #map}, {transform_indices = #map1}, {transform_indices = #map1}, {transform_indices = #map}, {transform_indices = #map}, {transform_indices = #map}, {transform_indices = #map}, {transform_indices = #map}]} {
    %iota3A = tpu.iota {dimensions = array<i32: 0>} : vector<16xi32>
    %shift_right_logical3A = arith.constant 2 : i32
    %shift_right_logical3A_0 = vector.broadcast %shift_right_logical3A : i32 to vector<16xi32>
    %shift_right_logical3A_1 = arith.shrui %iota3A, %shift_right_logical3A_0 : vector<16xi32>
    %rem3A = arith.constant 4 : i32
    %rem3A_2 = vector.broadcast %rem3A : i32 to vector<16xi32>
    %rem3A_3 = arith.remsi %iota3A, %rem3A_2 : vector<16xi32>
    %add3A = arith.constant 0 : i32
    %add3A_4 = vector.broadcast %add3A : i32 to vector<16xi32>
    %add3A_5 = arith.addi %shift_right_logical3A_1, %add3A_4 : vector<16xi32>
    %add3A_6 = arith.constant 4 : i32
    %add3A_7 = vector.broadcast %add3A_6 : i32 to vector<16xi32>
    %add3A_8 = arith.addi %shift_right_logical3A_1, %add3A_7 : vector<16xi32>
    %add3A_9 = arith.constant 8 : i32
    %add3A_10 = vector.broadcast %add3A_9 : i32 to vector<16xi32>
    %add3A_11 = arith.addi %shift_right_logical3A_1, %add3A_10 : vector<16xi32>
    %add3A_12 = arith.constant 12 : i32
    %add3A_13 = vector.broadcast %add3A_12 : i32 to vector<16xi32>
    %add3A_14 = arith.addi %shift_right_logical3A_1, %add3A_13 : vector<16xi32>
    %add3A_15 = arith.constant 16 : i32
    %add3A_16 = vector.broadcast %add3A_15 : i32 to vector<16xi32>
    %add3A_17 = arith.addi %shift_right_logical3A_1, %add3A_16 : vector<16xi32>
    %add3A_18 = arith.constant 20 : i32
    %add3A_19 = vector.broadcast %add3A_18 : i32 to vector<16xi32>
    %add3A_20 = arith.addi %shift_right_logical3A_1, %add3A_19 : vector<16xi32>
    %add3A_21 = arith.constant 24 : i32
    %add3A_22 = vector.broadcast %add3A_21 : i32 to vector<16xi32>
    %add3A_23 = arith.addi %shift_right_logical3A_1, %add3A_22 : vector<16xi32>
    %add3A_24 = arith.constant 28 : i32
    %add3A_25 = vector.broadcast %add3A_24 : i32 to vector<16xi32>
    %add3A_26 = arith.addi %shift_right_logical3A_1, %add3A_25 : vector<16xi32>
    %eq3A = arith.constant 0 : i32
    %eq3A_27 = arith.cmpi eq, %arg0, %eq3A : i32
    %convert_element_type3A = arith.extui %eq3A_27 : i1 to i32
    %cond3A = arith.constant 0 : i32
    %cond3A_28 = arith.cmpi ne, %convert_element_type3A, %cond3A : i32
    scf.if %cond3A_28 {
      %lt3A = arith.constant 2 : i32
      %lt3A_44 = arith.cmpi slt, %arg1, %lt3A : i32
      %jit3A = arith.constant 245 : i32
      %jit3A_45 = arith.constant 244 : i32
      %select_n3A = arith.select %lt3A_44, %jit3A, %jit3A_45 : i32
      %add3A_46 = arith.constant 0 : i32
      %add3A_47 = arith.addi %arg1, %add3A_46 : i32
      %mul3A = arith.constant 256 : i32
      %mul3A_48 = arith.muli %add3A_47, %mul3A : i32
      %multiple_of3A = tpu.assume_multiple %mul3A_48, 256 : i32
      %dma_start3A = arith.constant 0 : i32
      %dma_start3A_49 = tpu.memref_slice %arg2[%dma_start3A, %multiple_of3A] : memref<32x1000000xf32, #tpu.memory_space<hbm>> -> memref<32x256xf32, #tpu.memory_space<hbm>>
      %dma_start3A_50 = arith.constant 0 : i32
      %dma_start3A_51 = tpu.memref_slice %arg2[%dma_start3A_50, %multiple_of3A] : memref<32x1000000xf32, #tpu.memory_space<hbm>> -> memref<32x256xf32, #tpu.memory_space<hbm>>
      tpu.enqueue_dma source(%dma_start3A_51 : memref<32x256xf32, #tpu.memory_space<hbm>>) target(%arg11 : memref<32x256xf32, #tpu.memory_space<vmem>>) target_semaphore(%arg25 : memref<!tpu.dma_semaphore, #tpu.memory_space<semaphore_mem>>)
      %add3A_52 = arith.constant 16 : i32
      %add3A_53 = arith.addi %arg1, %add3A_52 : i32
      %mul3A_54 = arith.constant 256 : i32
      %mul3A_55 = arith.muli %add3A_53, %mul3A_54 : i32
      %multiple_of3A_56 = tpu.assume_multiple %mul3A_55, 256 : i32
      %dma_start3A_57 = arith.constant 0 : i32
      %dma_start3A_58 = tpu.memref_slice %arg2[%dma_start3A_57, %multiple_of3A_56] : memref<32x1000000xf32, #tpu.memory_space<hbm>> -> memref<32x256xf32, #tpu.memory_space<hbm>>
      %dma_start3A_59 = arith.constant 0 : i32
      %dma_start3A_60 = tpu.memref_slice %arg2[%dma_start3A_59, %multiple_of3A_56] : memref<32x1000000xf32, #tpu.memory_space<hbm>> -> memref<32x256xf32, #tpu.memory_space<hbm>>
      tpu.enqueue_dma source(%dma_start3A_60 : memref<32x256xf32, #tpu.memory_space<hbm>>) target(%arg12 : memref<32x256xf32, #tpu.memory_space<vmem>>) target_semaphore(%arg26 : memref<!tpu.dma_semaphore, #tpu.memory_space<semaphore_mem>>)
      %scan3A = arith.constant 0 : i32
      %scan3A_61 = arith.constant 0 : i32
      %scan3A_62 = arith.constant 123 : i32
      %scan3A_63 = arith.addi %scan3A_61, %scan3A_62 : i32
      %scan3A_64 = arith.constant 1 : i32
      scf.for %scan3A_82 = %scan3A_61 to %scan3A_63 step %scan3A_64  : i32 {
        %mul3A_83 = arith.constant 2 : i32
        %mul3A_84 = arith.muli %mul3A_83, %scan3A_82 : i32
        %add3A_85 = arith.constant 0 : i32
        %add3A_86 = arith.addi %mul3A_84, %add3A_85 : i32
        %lt3A_87 = arith.cmpi slt, %add3A_86, %select_n3A : i32
        %convert_element_type3A_88 = arith.extui %lt3A_87 : i1 to i32
        %cond3A_89 = arith.constant 0 : i32
        %cond3A_90 = arith.cmpi ne, %convert_element_type3A_88, %cond3A_89 : i32
        scf.if %cond3A_90 {
          %dma_wait3A_99 = arith.constant 0 : i32
          %dma_wait3A_100 = arith.constant 0 : i32
          %dma_wait3A_101 = tpu.memref_slice %arg2[%dma_wait3A_99, %dma_wait3A_100] : memref<32x1000000xf32, #tpu.memory_space<hbm>> -> memref<32x256xf32, #tpu.memory_space<hbm>>
          %dma_wait3A_102 = arith.constant 0 : i32
          %dma_wait3A_103 = arith.constant 0 : i32
          %dma_wait3A_104 = tpu.memref_slice %arg2[%dma_wait3A_102, %dma_wait3A_103] : memref<32x1000000xf32, #tpu.memory_space<hbm>> -> memref<32x256xf32, #tpu.memory_space<hbm>>
          tpu.wait_dma2 semaphore(%arg25 : memref<!tpu.dma_semaphore, #tpu.memory_space<semaphore_mem>>) src(%dma_wait3A_104 : memref<32x256xf32, #tpu.memory_space<hbm>>) dst(%arg11 : memref<32x256xf32, #tpu.memory_space<vmem>>)
          %ge3A = arith.constant 2 : i32
          %ge3A_105 = arith.cmpi sge, %add3A_86, %ge3A : i32
          %convert_element_type3A_106 = arith.extui %ge3A_105 : i1 to i32
          %cond3A_107 = arith.constant 0 : i32
          %cond3A_108 = arith.cmpi ne, %convert_element_type3A_106, %cond3A_107 : i32
          scf.if %cond3A_108 {
            %dma_wait3A_131 = arith.constant 0 : i32
            %dma_wait3A_132 = arith.constant 0 : i32
            %dma_wait3A_133 = tpu.memref_slice %arg9[%dma_wait3A_131, %dma_wait3A_132] : memref<250000x128xf32, #tpu.memory_space<hbm>> -> memref<64x128xf32, #tpu.memory_space<hbm>>
            %dma_wait3A_134 = arith.constant 0 : i32
            %dma_wait3A_135 = arith.constant 0 : i32
            %dma_wait3A_136 = tpu.memref_slice %arg9[%dma_wait3A_134, %dma_wait3A_135] : memref<250000x128xf32, #tpu.memory_space<hbm>> -> memref<64x128xf32, #tpu.memory_space<hbm>>
            tpu.wait_dma2 semaphore(%arg27 : memref<!tpu.dma_semaphore, #tpu.memory_space<semaphore_mem>>) src(%arg13 : memref<64x128xf32, #tpu.memory_space<vmem>>) dst(%dma_wait3A_136 : memref<64x128xf32, #tpu.memory_space<hbm>>)
          } else {
          }
          %scan3A_109 = arith.constant 0 : i32
          %scan3A_110 = arith.constant 0 : i32
          %scan3A_111 = arith.constant 16 : i32
          %scan3A_112 = arith.addi %scan3A_110, %scan3A_111 : i32
          %scan3A_113 = arith.constant 1 : i32
          scf.for %scan3A_131 = %scan3A_110 to %scan3A_112 step %scan3A_113  : i32 {
            %mul3A_132 = arith.constant 4 : i32
            %mul3A_133 = arith.muli %scan3A_131, %mul3A_132 : i32
            %add3A_134 = arith.constant 0 : i32
            %add3A_135 = arith.addi %mul3A_133, %add3A_134 : i32
            %mul3A_136 = arith.constant 4 : i32
            %mul3A_137 = arith.muli %mul3A_136, %add3A_135 : i32
            %add3A_138 = vector.broadcast %mul3A_137 : i32 to vector<16xi32>
            %add3A_139 = arith.addi %rem3A_3, %add3A_138 : vector<16xi32>
            %gather3A = tpu.vector_load_idx %arg11[%add3A_5, %add3A_139] : memref<32x256xf32, #tpu.memory_space<vmem>>[vector<16xi32>, vector<16xi32>], vector<16xf32>,
            %swap3A = arith.index_cast %add3A_135 : i32 to index
            %swap3A_140 = arith.constant 0 : index
            %swap3A_141 = tpu.vector_load %arg13[%swap3A, %swap3A_140] {strides = array<i32>} : memref<64x128xf32, #tpu.memory_space<vmem>>, vector<16xf32>,
            tpu.vector_store %arg13[%swap3A, %swap3A_140], %gather3A {strides = array<i32>} : memref<64x128xf32, #tpu.memory_space<vmem>>, vector<16xf32>,
            %gather3A_142 = tpu.vector_load_idx %arg11[%add3A_8, %add3A_139] : memref<32x256xf32, #tpu.memory_space<vmem>>[vector<16xi32>, vector<16xi32>], vector<16xf32>,
            %swap3A_143 = arith.index_cast %add3A_135 : i32 to index
            %swap3A_144 = arith.constant 16 : index
            %swap3A_145 = tpu.vector_load %arg13[%swap3A_143, %swap3A_144] {strides = array<i32>} : memref<64x128xf32, #tpu.memory_space<vmem>>, vector<16xf32>,
            tpu.vector_store %arg13[%swap3A_143, %swap3A_144], %gather3A_142 {strides = array<i32>} : memref<64x128xf32, #tpu.memory_space<vmem>>, vector<16xf32>,
            %gather3A_146 = tpu.vector_load_idx %arg11[%add3A_11, %add3A_139] : memref<32x256xf32, #tpu.memory_space<vmem>>[vector<16xi32>, vector<16xi32>], vector<16xf32>,
            %swap3A_147 = arith.index_cast %add3A_135 : i32 to index
            %swap3A_148 = arith.constant 32 : index
            %swap3A_149 = tpu.vector_load %arg13[%swap3A_147, %swap3A_148] {strides = array<i32>} : memref<64x128xf32, #tpu.memory_space<vmem>>, vector<16xf32>,
            tpu.vector_store %arg13[%swap3A_147, %swap3A_148], %gather3A_146 {strides = array<i32>} : memref<64x128xf32, #tpu.memory_space<vmem>>, vector<16xf32>,
            %gather3A_150 = tpu.vector_load_idx %arg11[%add3A_14, %add3A_139] : memref<32x256xf32, #tpu.memory_space<vmem>>[vector<16xi32>, vector<16xi32>], vector<16xf32>,
            %swap3A_151 = arith.index_cast %add3A_135 : i32 to index
            %swap3A_152 = arith.constant 48 : index
            %swap3A_153 = tpu.vector_load %arg13[%swap3A_151, %swap3A_152] {strides = array<i32>} : memref<64x128xf32, #tpu.memory_space<vmem>>, vector<16xf32>,
            tpu.vector_store %arg13[%swap3A_151, %swap3A_152], %gather3A_150 {strides = array<i32>} : memref<64x128xf32, #tpu.memory_space<vmem>>, vector<16xf32>,
            %gather3A_154 = tpu.vector_load_idx %arg11[%add3A_17, %add3A_139] : memref<32x256xf32, #tpu.memory_space<vmem>>[vector<16xi32>, vector<16xi32>], vector<16xf32>,
            %swap3A_155 = arith.index_cast %add3A_135 : i32 to index
            %swap3A_156 = arith.constant 64 : index
            %swap3A_157 = tpu.vector_load %arg13[%swap3A_155, %swap3A_156] {strides = array<i32>} : memref<64x128xf32, #tpu.memory_space<vmem>>, vector<16xf32>,
            tpu.vector_store %arg13[%swap3A_155, %swap3A_156], %gather3A_154 {strides = array<i32>} : memref<64x128xf32, #tpu.memory_space<vmem>>, vector<16xf32>,
            %gather3A_158 = tpu.vector_load_idx %arg11[%add3A_20, %add3A_139] : memref<32x256xf32, #tpu.memory_space<vmem>>[vector<16xi32>, vector<16xi32>], vector<16xf32>,
            %swap3A_159 = arith.index_cast %add3A_135 : i32 to index
            %swap3A_160 = arith.constant 80 : index
            %swap3A_161 = tpu.vector_load %arg13[%swap3A_159, %swap3A_160] {strides = array<i32>} : memref<64x128xf32, #tpu.memory_space<vmem>>, vector<16xf32>,
            tpu.vector_store %arg13[%swap3A_159, %swap3A_160], %gather3A_158 {strides = array<i32>} : memref<64x128xf32, #tpu.memory_space<vmem>>, vector<16xf32>,
            %gather3A_162 = tpu.vector_load_idx %arg11[%add3A_23, %add3A_139] : memref<32x256xf32, #tpu.memory_space<vmem>>[vector<16xi32>, vector<16xi32>], vector<16xf32>,
            %swap3A_163 = arith.index_cast %add3A_135 : i32 to index
            %swap3A_164 = arith.constant 96 : index
            %swap3A_165 = tpu.vector_load %arg13[%swap3A_163, %swap3A_164] {strides = array<i32>} : memref<64x128xf32, #tpu.memory_space<vmem>>, vector<16xf32>,
            tpu.vector_store %arg13[%swap3A_163, %swap3A_164], %gather3A_162 {strides = array<i32>} : memref<64x128xf32, #tpu.memory_space<vmem>>, vector<16xf32>,
            %gather3A_166 = tpu.vector_load_idx %arg11[%add3A_26, %add3A_139] : memref<32x256xf32, #tpu.memory_space<vmem>>[vector<16xi32>, vector<16xi32>], vector<16xf32>,
            %swap3A_167 = arith.index_cast %add3A_135 : i32 to index
            %swap3A_168 = arith.constant 112 : index
            %swap3A_169 = tpu.vector_load %arg13[%swap3A_167, %swap3A_168] {strides = array<i32>} : memref<64x128xf32, #tpu.memory_space<vmem>>, vector<16xf32>,
            tpu.vector_store %arg13[%swap3A_167, %swap3A_168], %gather3A_166 {strides = array<i32>} : memref<64x128xf32, #tpu.memory_space<vmem>>, vector<16xf32>,
            %mul3A_170 = arith.constant 4 : i32
            %mul3A_171 = arith.muli %scan3A_131, %mul3A_170 : i32
            %add3A_172 = arith.constant 1 : i32
            %add3A_173 = arith.addi %mul3A_171, %add3A_172 : i32
            %mul3A_174 = arith.constant 4 : i32
            %mul3A_175 = arith.muli %mul3A_174, %add3A_173 : i32
            %add3A_176 = vector.broadcast %mul3A_175 : i32 to vector<16xi32>
            %add3A_177 = arith.addi %rem3A_3, %add3A_176 : vector<16xi32>
            %gather3A_178 = tpu.vector_load_idx %arg11[%add3A_5, %add3A_177] : memref<32x256xf32, #tpu.memory_space<vmem>>[vector<16xi32>, vector<16xi32>], vector<16xf32>,
            %swap3A_179 = arith.index_cast %add3A_173 : i32 to index
            %swap3A_180 = arith.constant 0 : index
            %swap3A_181 = tpu.vector_load %arg13[%swap3A_179, %swap3A_180] {strides = array<i32>} : memref<64x128xf32, #tpu.memory_space<vmem>>, vector<16xf32>,
            tpu.vector_store %arg13[%swap3A_179, %swap3A_180], %gather3A_178 {strides = array<i32>} : memref<64x128xf32, #tpu.memory_space<vmem>>, vector<16xf32>,
            %gather3A_182 = tpu.vector_load_idx %arg11[%add3A_8, %add3A_177] : memref<32x256xf32, #tpu.memory_space<vmem>>[vector<16xi32>, vector<16xi32>], vector<16xf32>,
            %swap3A_183 = arith.index_cast %add3A_173 : i32 to index
            %swap3A_184 = arith.constant 16 : index
            %swap3A_185 = tpu.vector_load %arg13[%swap3A_183, %swap3A_184] {strides = array<i32>} : memref<64x128xf32, #tpu.memory_space<vmem>>, vector<16xf32>,
            tpu.vector_store %arg13[%swap3A_183, %swap3A_184], %gather3A_182 {strides = array<i32>} : memref<64x128xf32, #tpu.memory_space<vmem>>, vector<16xf32>,
            %gather3A_186 = tpu.vector_load_idx %arg11[%add3A_11, %add3A_177] : memref<32x256xf32, #tpu.memory_space<vmem>>[vector<16xi32>, vector<16xi32>], vector<16xf32>,
            %swap3A_187 = arith.index_cast %add3A_173 : i32 to index
            %swap3A_188 = arith.constant 32 : index
            %swap3A_189 = tpu.vector_load %arg13[%swap3A_187, %swap3A_188] {strides = array<i32>} : memref<64x128xf32, #tpu.memory_space<vmem>>, vector<16xf32>,
            tpu.vector_store %arg13[%swap3A_187, %swap3A_188], %gather3A_186 {strides = array<i32>} : memref<64x128xf32, #tpu.memory_space<vmem>>, vector<16xf32>,
            %gather3A_190 = tpu.vector_load_idx %arg11[%add3A_14, %add3A_177] : memref<32x256xf32, #tpu.memory_space<vmem>>[vector<16xi32>, vector<16xi32>], vector<16xf32>,
            %swap3A_191 = arith.index_cast %add3A_173 : i32 to index
            %swap3A_192 = arith.constant 48 : index
            %swap3A_193 = tpu.vector_load %arg13[%swap3A_191, %swap3A_192] {strides = array<i32>} : memref<64x128xf32, #tpu.memory_space<vmem>>, vector<16xf32>,
            tpu.vector_store %arg13[%swap3A_191, %swap3A_192], %gather3A_190 {strides = array<i32>} : memref<64x128xf32, #tpu.memory_space<vmem>>, vector<16xf32>,
            %gather3A_194 = tpu.vector_load_idx %arg11[%add3A_17, %add3A_177] : memref<32x256xf32, #tpu.memory_space<vmem>>[vector<16xi32>, vector<16xi32>], vector<16xf32>,
            %swap3A_195 = arith.index_cast %add3A_173 : i32 to index
            %swap3A_196 = arith.constant 64 : index
            %swap3A_197 = tpu.vector_load %arg13[%swap3A_195, %swap3A_196] {strides = array<i32>} : memref<64x128xf32, #tpu.memory_space<vmem>>, vector<16xf32>,
            tpu.vector_store %arg13[%swap3A_195, %swap3A_196], %gather3A_194 {strides = array<i32>} : memref<64x128xf32, #tpu.memory_space<vmem>>, vector<16xf32>,
            %gather3A_198 = tpu.vector_load_idx %arg11[%add3A_20, %add3A_177] : memref<32x256xf32, #tpu.memory_space<vmem>>[vector<16xi32>, vector<16xi32>], vector<16xf32>,
            %swap3A_199 = arith.index_cast %add3A_173 : i32 to index
            %swap3A_200 = arith.constant 80 : index
            %swap3A_201 = tpu.vector_load %arg13[%swap3A_199, %swap3A_200] {strides = array<i32>} : memref<64x128xf32, #tpu.memory_space<vmem>>, vector<16xf32>,
            tpu.vector_store %arg13[%swap3A_199, %swap3A_200], %gather3A_198 {strides = array<i32>} : memref<64x128xf32, #tpu.memory_space<vmem>>, vector<16xf32>,
            %gather3A_202 = tpu.vector_load_idx %arg11[%add3A_23, %add3A_177] : memref<32x256xf32, #tpu.memory_space<vmem>>[vector<16xi32>, vector<16xi32>], vector<16xf32>,
            %swap3A_203 = arith.index_cast %add3A_173 : i32 to index
            %swap3A_204 = arith.constant 96 : index
            %swap3A_205 = tpu.vector_load %arg13[%swap3A_203, %swap3A_204] {strides = array<i32>} : memref<64x128xf32, #tpu.memory_space<vmem>>, vector<16xf32>,
            tpu.vector_store %arg13[%swap3A_203, %swap3A_204], %gather3A_202 {strides = array<i32>} : memref<64x128xf32, #tpu.memory_space<vmem>>, vector<16xf32>,
            %gather3A_206 = tpu.vector_load_idx %arg11[%add3A_26, %add3A_177] : memref<32x256xf32, #tpu.memory_space<vmem>>[vector<16xi32>, vector<16xi32>], vector<16xf32>,
            %swap3A_207 = arith.index_cast %add3A_173 : i32 to index
            %swap3A_208 = arith.constant 112 : index
            %swap3A_209 = tpu.vector_load %arg13[%swap3A_207, %swap3A_208] {strides = array<i32>} : memref<64x128xf32, #tpu.memory_space<vmem>>, vector<16xf32>,
            tpu.vector_store %arg13[%swap3A_207, %swap3A_208], %gather3A_206 {strides = array<i32>} : memref<64x128xf32, #tpu.memory_space<vmem>>, vector<16xf32>,
            %mul3A_210 = arith.constant 4 : i32
            %mul3A_211 = arith.muli %scan3A_131, %mul3A_210 : i32
            %add3A_212 = arith.constant 2 : i32
            %add3A_213 = arith.addi %mul3A_211, %add3A_212 : i32
            %mul3A_214 = arith.constant 4 : i32
            %mul3A_215 = arith.muli %mul3A_214, %add3A_213 : i32
            %add3A_216 = vector.broadcast %mul3A_215 : i32 to vector<16xi32>
            %add3A_217 = arith.addi %rem3A_3, %add3A_216 : vector<16xi32>
            %gather3A_218 = tpu.vector_load_idx %arg11[%add3A_5, %add3A_217] : memref<32x256xf32, #tpu.memory_space<vmem>>[vector<16xi32>, vector<16xi32>], vector<16xf32>,
            %swap3A_219 = arith.index_cast %add3A_213 : i32 to index
            %swap3A_220 = arith.constant 0 : index
            %swap3A_221 = tpu.vector_load %arg13[%swap3A_219, %swap3A_220] {strides = array<i32>} : memref<64x128xf32, #tpu.memory_space<vmem>>, vector<16xf32>,
            tpu.vector_store %arg13[%swap3A_219, %swap3A_220], %gather3A_218 {strides = array<i32>} : memref<64x128xf32, #tpu.memory_space<vmem>>, vector<16xf32>,
            %gather3A_222 = tpu.vector_load_idx %arg11[%add3A_8, %add3A_217] : memref<32x256xf32, #tpu.memory_space<vmem>>[vector<16xi32>, vector<16xi32>], vector<16xf32>,
            %swap3A_223 = arith.index_cast %add3A_213 : i32 to index
            %swap3A_224 = arith.constant 16 : index
            %swap3A_225 = tpu.vector_load %arg13[%swap3A_223, %swap3A_224] {strides = array<i32>} : memref<64x128xf32, #tpu.memory_space<vmem>>, vector<16xf32>,
            tpu.vector_store %arg13[%swap3A_223, %swap3A_224], %gather3A_222 {strides = array<i32>} : memref<64x128xf32, #tpu.memory_space<vmem>>, vector<16xf32>,
            %gather3A_226 = tpu.vector_load_idx %arg11[%add3A_11, %add3A_217] : memref<32x256xf32, #tpu.memory_space<vmem>>[vector<16xi32>, vector<16xi32>], vector<16xf32>,
            %swap3A_227 = arith.index_cast %add3A_213 : i32 to index
            %swap3A_228 = arith.constant 32 : index
            %swap3A_229 = tpu.vector_load %arg13[%swap3A_227, %swap3A_228] {strides = array<i32>} : memref<64x128xf32, #tpu.memory_space<vmem>>, vector<16xf32>,
            tpu.vector_store %arg13[%swap3A_227, %swap3A_228], %gather3A_226 {strides = array<i32>} : memref<64x128xf32, #tpu.memory_space<vmem>>, vector<16xf32>,
            %gather3A_230 = tpu.vector_load_idx %arg11[%add3A_14, %add3A_217] : memref<32x256xf32, #tpu.memory_space<vmem>>[vector<16xi32>, vector<16xi32>], vector<16xf32>,
            %swap3A_231 = arith.index_cast %add3A_213 : i32 to index
            %swap3A_232 = arith.constant 48 : index
            %swap3A_233 = tpu.vector_load %arg13[%swap3A_231, %swap3A_232] {strides = array<i32>} : memref<64x128xf32, #tpu.memory_space<vmem>>, vector<16xf32>,
            tpu.vector_store %arg13[%swap3A_231, %swap3A_232], %gather3A_230 {strides = array<i32>} : memref<64x128xf32, #tpu.memory_space<vmem>>, vector<16xf32>,
            %gather3A_234 = tpu.vector_load_idx %arg11[%add3A_17, %add3A_217] : memref<32x256xf32, #tpu.memory_space<vmem>>[vector<16xi32>, vector<16xi32>], vector<16xf32>,
            %swap3A_235 = arith.index_cast %add3A_213 : i32 to index
            %swap3A_236 = arith.constant 64 : index
            %swap3A_237 = tpu.vector_load %arg13[%swap3A_235, %swap3A_236] {strides = array<i32>} : memref<64x128xf32, #tpu.memory_space<vmem>>, vector<16xf32>,
            tpu.vector_store %arg13[%swap3A_235, %swap3A_236], %gather3A_234 {strides = array<i32>} : memref<64x128xf32, #tpu.memory_space<vmem>>, vector<16xf32>,
            %gather3A_238 = tpu.vector_load_idx %arg11[%add3A_20, %add3A_217] : memref<32x256xf32, #tpu.memory_space<vmem>>[vector<16xi32>, vector<16xi32>], vector<16xf32>,
            %swap3A_239 = arith.index_cast %add3A_213 : i32 to index
            %swap3A_240 = arith.constant 80 : index
            %swap3A_241 = tpu.vector_load %arg13[%swap3A_239, %swap3A_240] {strides = array<i32>} : memref<64x128xf32, #tpu.memory_space<vmem>>, vector<16xf32>,
            tpu.vector_store %arg13[%swap3A_239, %swap3A_240], %gather3A_238 {strides = array<i32>} : memref<64x128xf32, #tpu.memory_space<vmem>>, vector<16xf32>,
            %gather3A_242 = tpu.vector_load_idx %arg11[%add3A_23, %add3A_217] : memref<32x256xf32, #tpu.memory_space<vmem>>[vector<16xi32>, vector<16xi32>], vector<16xf32>,
            %swap3A_243 = arith.index_cast %add3A_213 : i32 to index
            %swap3A_244 = arith.constant 96 : index
            %swap3A_245 = tpu.vector_load %arg13[%swap3A_243, %swap3A_244] {strides = array<i32>} : memref<64x128xf32, #tpu.memory_space<vmem>>, vector<16xf32>,
            tpu.vector_store %arg13[%swap3A_243, %swap3A_244], %gather3A_242 {strides = array<i32>} : memref<64x128xf32, #tpu.memory_space<vmem>>, vector<16xf32>,
            %gather3A_246 = tpu.vector_load_idx %arg11[%add3A_26, %add3A_217] : memref<32x256xf32, #tpu.memory_space<vmem>>[vector<16xi32>, vector<16xi32>], vector<16xf32>,
            %swap3A_247 = arith.index_cast %add3A_213 : i32 to index
            %swap3A_248 = arith.constant 112 : index
            %swap3A_249 = tpu.vector_load %arg13[%swap3A_247, %swap3A_248] {strides = array<i32>} : memref<64x128xf32, #tpu.memory_space<vmem>>, vector<16xf32>,
            tpu.vector_store %arg13[%swap3A_247, %swap3A_248], %gather3A_246 {strides = array<i32>} : memref<64x128xf32, #tpu.memory_space<vmem>>, vector<16xf32>,
            %mul3A_250 = arith.constant 4 : i32
            %mul3A_251 = arith.muli %scan3A_131, %mul3A_250 : i32
            %add3A_252 = arith.constant 3 : i32
            %add3A_253 = arith.addi %mul3A_251, %add3A_252 : i32
            %mul3A_254 = arith.constant 4 : i32
            %mul3A_255 = arith.muli %mul3A_254, %add3A_253 : i32
            %add3A_256 = vector.broadcast %mul3A_255 : i32 to vector<16xi32>
            %add3A_257 = arith.addi %rem3A_3, %add3A_256 : vector<16xi32>
            %gather3A_258 = tpu.vector_load_idx %arg11[%add3A_5, %add3A_257] : memref<32x256xf32, #tpu.memory_space<vmem>>[vector<16xi32>, vector<16xi32>], vector<16xf32>,
            %swap3A_259 = arith.index_cast %add3A_253 : i32 to index
            %swap3A_260 = arith.constant 0 : index
            %swap3A_261 = tpu.vector_load %arg13[%swap3A_259, %swap3A_260] {strides = array<i32>} : memref<64x128xf32, #tpu.memory_space<vmem>>, vector<16xf32>,
            tpu.vector_store %arg13[%swap3A_259, %swap3A_260], %gather3A_258 {strides = array<i32>} : memref<64x128xf32, #tpu.memory_space<vmem>>, vector<16xf32>,
            %gather3A_262 = tpu.vector_load_idx %arg11[%add3A_8, %add3A_257] : memref<32x256xf32, #tpu.memory_space<vmem>>[vector<16xi32>, vector<16xi32>], vector<16xf32>,
            %swap3A_263 = arith.index_cast %add3A_253 : i32 to index
            %swap3A_264 = arith.constant 16 : index
            %swap3A_265 = tpu.vector_load %arg13[%swap3A_263, %swap3A_264] {strides = array<i32>} : memref<64x128xf32, #tpu.memory_space<vmem>>, vector<16xf32>,
            tpu.vector_store %arg13[%swap3A_263, %swap3A_264], %gather3A_262 {strides = array<i32>} : memref<64x128xf32, #tpu.memory_space<vmem>>, vector<16xf32>,
            %gather3A_266 = tpu.vector_load_idx %arg11[%add3A_11, %add3A_257] : memref<32x256xf32, #tpu.memory_space<vmem>>[vector<16xi32>, vector<16xi32>], vector<16xf32>,
            %swap3A_267 = arith.index_cast %add3A_253 : i32 to index
            %swap3A_268 = arith.constant 32 : index
            %swap3A_269 = tpu.vector_load %arg13[%swap3A_267, %swap3A_268] {strides = array<i32>} : memref<64x128xf32, #tpu.memory_space<vmem>>, vector<16xf32>,
            tpu.vector_store %arg13[%swap3A_267, %swap3A_268], %gather3A_266 {strides = array<i32>} : memref<64x128xf32, #tpu.memory_space<vmem>>, vector<16xf32>,
            %gather3A_270 = tpu.vector_load_idx %arg11[%add3A_14, %add3A_257] : memref<32x256xf32, #tpu.memory_space<vmem>>[vector<16xi32>, vector<16xi32>], vector<16xf32>,
            %swap3A_271 = arith.index_cast %add3A_253 : i32 to index
            %swap3A_272 = arith.constant 48 : index
            %swap3A_273 = tpu.vector_load %arg13[%swap3A_271, %swap3A_272] {strides = array<i32>} : memref<64x128xf32, #tpu.memory_space<vmem>>, vector<16xf32>,
            tpu.vector_store %arg13[%swap3A_271, %swap3A_272], %gather3A_270 {strides = array<i32>} : memref<64x128xf32, #tpu.memory_space<vmem>>, vector<16xf32>,
            %gather3A_274 = tpu.vector_load_idx %arg11[%add3A_17, %add3A_257] : memref<32x256xf32, #tpu.memory_space<vmem>>[vector<16xi32>, vector<16xi32>], vector<16xf32>,
            %swap3A_275 = arith.index_cast %add3A_253 : i32 to index
            %swap3A_276 = arith.constant 64 : index
            %swap3A_277 = tpu.vector_load %arg13[%swap3A_275, %swap3A_276] {strides = array<i32>} : memref<64x128xf32, #tpu.memory_space<vmem>>, vector<16xf32>,
            tpu.vector_store %arg13[%swap3A_275, %swap3A_276], %gather3A_274 {strides = array<i32>} : memref<64x128xf32, #tpu.memory_space<vmem>>, vector<16xf32>,
            %gather3A_278 = tpu.vector_load_idx %arg11[%add3A_20, %add3A_257] : memref<32x256xf32, #tpu.memory_space<vmem>>[vector<16xi32>, vector<16xi32>], vector<16xf32>,
            %swap3A_279 = arith.index_cast %add3A_253 : i32 to index
            %swap3A_280 = arith.constant 80 : index
            %swap3A_281 = tpu.vector_load %arg13[%swap3A_279, %swap3A_280] {strides = array<i32>} : memref<64x128xf32, #tpu.memory_space<vmem>>, vector<16xf32>,
            tpu.vector_store %arg13[%swap3A_279, %swap3A_280], %gather3A_278 {strides = array<i32>} : memref<64x128xf32, #tpu.memory_space<vmem>>, vector<16xf32>,
            %gather3A_282 = tpu.vector_load_idx %arg11[%add3A_23, %add3A_257] : memref<32x256xf32, #tpu.memory_space<vmem>>[vector<16xi32>, vector<16xi32>], vector<16xf32>,
            %swap3A_283 = arith.index_cast %add3A_253 : i32 to index
            %swap3A_284 = arith.constant 96 : index
            %swap3A_285 = tpu.vector_load %arg13[%swap3A_283, %swap3A_284] {strides = array<i32>} : memref<64x128xf32, #tpu.memory_space<vmem>>, vector<16xf32>,
            tpu.vector_store %arg13[%swap3A_283, %swap3A_284], %gather3A_282 {strides = array<i32>} : memref<64x128xf32, #tpu.memory_space<vmem>>, vector<16xf32>,
            %gather3A_286 = tpu.vector_load_idx %arg11[%add3A_26, %add3A_257] : memref<32x256xf32, #tpu.memory_space<vmem>>[vector<16xi32>, vector<16xi32>], vector<16xf32>,
            %swap3A_287 = arith.index_cast %add3A_253 : i32 to index
            %swap3A_288 = arith.constant 112 : index
            %swap3A_289 = tpu.vector_load %arg13[%swap3A_287, %swap3A_288] {strides = array<i32>} : memref<64x128xf32, #tpu.memory_space<vmem>>, vector<16xf32>,
            tpu.vector_store %arg13[%swap3A_287, %swap3A_288], %gather3A_286 {strides = array<i32>} : memref<64x128xf32, #tpu.memory_space<vmem>>, vector<16xf32>,
          }
          %scan3A_114 = arith.constant 16 : i32
          %mul3A_115 = arith.constant 16 : i32
          %mul3A_116 = arith.muli %mul3A_115, %add3A_86 : i32
          %add3A_117 = arith.addi %arg1, %mul3A_116 : i32
          %mul3A_118 = arith.constant 64 : i32
          %mul3A_119 = arith.muli %add3A_117, %mul3A_118 : i32
          %multiple_of3A_120 = tpu.assume_multiple %mul3A_119, 64 : i32
          %dma_start3A_121 = arith.constant 0 : i32
          %dma_start3A_122 = tpu.memref_slice %arg9[%multiple_of3A_120, %dma_start3A_121] : memref<250000x128xf32, #tpu.memory_space<hbm>> -> memref<64x128xf32, #tpu.memory_space<hbm>>
          %dma_start3A_123 = arith.constant 0 : i32
          %dma_start3A_124 = tpu.memref_slice %arg9[%multiple_of3A_120, %dma_start3A_123] : memref<250000x128xf32, #tpu.memory_space<hbm>> -> memref<64x128xf32, #tpu.memory_space<hbm>>
          tpu.enqueue_dma source(%arg13 : memref<64x128xf32, #tpu.memory_space<vmem>>) target(%dma_start3A_124 : memref<64x128xf32, #tpu.memory_space<hbm>>) target_semaphore(%arg27 : memref<!tpu.dma_semaphore, #tpu.memory_space<semaphore_mem>>)
          %add3A_125 = arith.constant 2 : i32
          %add3A_126 = arith.addi %add3A_86, %add3A_125 : i32
          %lt3A_127 = arith.cmpi slt, %add3A_126, %select_n3A : i32
          %convert_element_type3A_128 = arith.extui %lt3A_127 : i1 to i32
          %cond3A_129 = arith.constant 0 : i32
          %cond3A_130 = arith.cmpi ne, %convert_element_type3A_128, %cond3A_129 : i32
          scf.if %cond3A_130 {
            %add3A_131 = arith.constant 2 : i32
            %add3A_132 = arith.addi %add3A_86, %add3A_131 : i32
            %mul3A_133 = arith.constant 16 : i32
            %mul3A_134 = arith.muli %mul3A_133, %add3A_132 : i32
            %add3A_135 = arith.addi %arg1, %mul3A_134 : i32
            %mul3A_136 = arith.constant 256 : i32
            %mul3A_137 = arith.muli %add3A_135, %mul3A_136 : i32
            %multiple_of3A_138 = tpu.assume_multiple %mul3A_137, 256 : i32
            %dma_start3A_139 = arith.constant 0 : i32
            %dma_start3A_140 = tpu.memref_slice %arg2[%dma_start3A_139, %multiple_of3A_138] : memref<32x1000000xf32, #tpu.memory_space<hbm>> -> memref<32x256xf32, #tpu.memory_space<hbm>>
            %dma_start3A_141 = arith.constant 0 : i32
            %dma_start3A_142 = tpu.memref_slice %arg2[%dma_start3A_141, %multiple_of3A_138] : memref<32x1000000xf32, #tpu.memory_space<hbm>> -> memref<32x256xf32, #tpu.memory_space<hbm>>
            tpu.enqueue_dma source(%dma_start3A_142 : memref<32x256xf32, #tpu.memory_space<hbm>>) target(%arg11 : memref<32x256xf32, #tpu.memory_space<vmem>>) target_semaphore(%arg25 : memref<!tpu.dma_semaphore, #tpu.memory_space<semaphore_mem>>)
          } else {
          }
        } else {
        }
        %mul3A_91 = arith.constant 2 : i32
        %mul3A_92 = arith.muli %mul3A_91, %scan3A_82 : i32
        %add3A_93 = arith.constant 1 : i32
        %add3A_94 = arith.addi %mul3A_92, %add3A_93 : i32
        %lt3A_95 = arith.cmpi slt, %add3A_94, %select_n3A : i32
        %convert_element_type3A_96 = arith.extui %lt3A_95 : i1 to i32
        %cond3A_97 = arith.constant 0 : i32
        %cond3A_98 = arith.cmpi ne, %convert_element_type3A_96, %cond3A_97 : i32
        scf.if %cond3A_98 {
          %dma_wait3A_99 = arith.constant 0 : i32
          %dma_wait3A_100 = arith.constant 0 : i32
          %dma_wait3A_101 = tpu.memref_slice %arg2[%dma_wait3A_99, %dma_wait3A_100] : memref<32x1000000xf32, #tpu.memory_space<hbm>> -> memref<32x256xf32, #tpu.memory_space<hbm>>
          %dma_wait3A_102 = arith.constant 0 : i32
          %dma_wait3A_103 = arith.constant 0 : i32
          %dma_wait3A_104 = tpu.memref_slice %arg2[%dma_wait3A_102, %dma_wait3A_103] : memref<32x1000000xf32, #tpu.memory_space<hbm>> -> memref<32x256xf32, #tpu.memory_space<hbm>>
          tpu.wait_dma2 semaphore(%arg26 : memref<!tpu.dma_semaphore, #tpu.memory_space<semaphore_mem>>) src(%dma_wait3A_104 : memref<32x256xf32, #tpu.memory_space<hbm>>) dst(%arg12 : memref<32x256xf32, #tpu.memory_space<vmem>>)
          %ge3A = arith.constant 2 : i32
          %ge3A_105 = arith.cmpi sge, %add3A_94, %ge3A : i32
          %convert_element_type3A_106 = arith.extui %ge3A_105 : i1 to i32
          %cond3A_107 = arith.constant 0 : i32
          %cond3A_108 = arith.cmpi ne, %convert_element_type3A_106, %cond3A_107 : i32
          scf.if %cond3A_108 {
            %dma_wait3A_131 = arith.constant 0 : i32
            %dma_wait3A_132 = arith.constant 0 : i32
            %dma_wait3A_133 = tpu.memref_slice %arg9[%dma_wait3A_131, %dma_wait3A_132] : memref<250000x128xf32, #tpu.memory_space<hbm>> -> memref<64x128xf32, #tpu.memory_space<hbm>>
            %dma_wait3A_134 = arith.constant 0 : i32
            %dma_wait3A_135 = arith.constant 0 : i32
            %dma_wait3A_136 = tpu.memref_slice %arg9[%dma_wait3A_134, %dma_wait3A_135] : memref<250000x128xf32, #tpu.memory_space<hbm>> -> memref<64x128xf32, #tpu.memory_space<hbm>>
            tpu.wait_dma2 semaphore(%arg28 : memref<!tpu.dma_semaphore, #tpu.memory_space<semaphore_mem>>) src(%arg14 : memref<64x128xf32, #tpu.memory_space<vmem>>) dst(%dma_wait3A_136 : memref<64x128xf32, #tpu.memory_space<hbm>>)
          } else {
          }
          %scan3A_109 = arith.constant 0 : i32
          %scan3A_110 = arith.constant 0 : i32
          %scan3A_111 = arith.constant 16 : i32
          %scan3A_112 = arith.addi %scan3A_110, %scan3A_111 : i32
          %scan3A_113 = arith.constant 1 : i32
          scf.for %scan3A_131 = %scan3A_110 to %scan3A_112 step %scan3A_113  : i32 {
            %mul3A_132 = arith.constant 4 : i32
            %mul3A_133 = arith.muli %scan3A_131, %mul3A_132 : i32
            %add3A_134 = arith.constant 0 : i32
            %add3A_135 = arith.addi %mul3A_133, %add3A_134 : i32
            %mul3A_136 = arith.constant 4 : i32
            %mul3A_137 = arith.muli %mul3A_136, %add3A_135 : i32
            %add3A_138 = vector.broadcast %mul3A_137 : i32 to vector<16xi32>
            %add3A_139 = arith.addi %rem3A_3, %add3A_138 : vector<16xi32>
            %gather3A = tpu.vector_load_idx %arg12[%add3A_5, %add3A_139] : memref<32x256xf32, #tpu.memory_space<vmem>>[vector<16xi32>, vector<16xi32>], vector<16xf32>,
            %swap3A = arith.index_cast %add3A_135 : i32 to index
            %swap3A_140 = arith.constant 0 : index
            %swap3A_141 = tpu.vector_load %arg14[%swap3A, %swap3A_140] {strides = array<i32>} : memref<64x128xf32, #tpu.memory_space<vmem>>, vector<16xf32>,
            tpu.vector_store %arg14[%swap3A, %swap3A_140], %gather3A {strides = array<i32>} : memref<64x128xf32, #tpu.memory_space<vmem>>, vector<16xf32>,
            %gather3A_142 = tpu.vector_load_idx %arg12[%add3A_8, %add3A_139] : memref<32x256xf32, #tpu.memory_space<vmem>>[vector<16xi32>, vector<16xi32>], vector<16xf32>,
            %swap3A_143 = arith.index_cast %add3A_135 : i32 to index
            %swap3A_144 = arith.constant 16 : index
            %swap3A_145 = tpu.vector_load %arg14[%swap3A_143, %swap3A_144] {strides = array<i32>} : memref<64x128xf32, #tpu.memory_space<vmem>>, vector<16xf32>,
            tpu.vector_store %arg14[%swap3A_143, %swap3A_144], %gather3A_142 {strides = array<i32>} : memref<64x128xf32, #tpu.memory_space<vmem>>, vector<16xf32>,
            %gather3A_146 = tpu.vector_load_idx %arg12[%add3A_11, %add3A_139] : memref<32x256xf32, #tpu.memory_space<vmem>>[vector<16xi32>, vector<16xi32>], vector<16xf32>,
            %swap3A_147 = arith.index_cast %add3A_135 : i32 to index
            %swap3A_148 = arith.constant 32 : index
            %swap3A_149 = tpu.vector_load %arg14[%swap3A_147, %swap3A_148] {strides = array<i32>} : memref<64x128xf32, #tpu.memory_space<vmem>>, vector<16xf32>,
            tpu.vector_store %arg14[%swap3A_147, %swap3A_148], %gather3A_146 {strides = array<i32>} : memref<64x128xf32, #tpu.memory_space<vmem>>, vector<16xf32>,
            %gather3A_150 = tpu.vector_load_idx %arg12[%add3A_14, %add3A_139] : memref<32x256xf32, #tpu.memory_space<vmem>>[vector<16xi32>, vector<16xi32>], vector<16xf32>,
            %swap3A_151 = arith.index_cast %add3A_135 : i32 to index
            %swap3A_152 = arith.constant 48 : index
            %swap3A_153 = tpu.vector_load %arg14[%swap3A_151, %swap3A_152] {strides = array<i32>} : memref<64x128xf32, #tpu.memory_space<vmem>>, vector<16xf32>,
            tpu.vector_store %arg14[%swap3A_151, %swap3A_152], %gather3A_150 {strides = array<i32>} : memref<64x128xf32, #tpu.memory_space<vmem>>, vector<16xf32>,
            %gather3A_154 = tpu.vector_load_idx %arg12[%add3A_17, %add3A_139] : memref<32x256xf32, #tpu.memory_space<vmem>>[vector<16xi32>, vector<16xi32>], vector<16xf32>,
            %swap3A_155 = arith.index_cast %add3A_135 : i32 to index
            %swap3A_156 = arith.constant 64 : index
            %swap3A_157 = tpu.vector_load %arg14[%swap3A_155, %swap3A_156] {strides = array<i32>} : memref<64x128xf32, #tpu.memory_space<vmem>>, vector<16xf32>,
            tpu.vector_store %arg14[%swap3A_155, %swap3A_156], %gather3A_154 {strides = array<i32>} : memref<64x128xf32, #tpu.memory_space<vmem>>, vector<16xf32>,
            %gather3A_158 = tpu.vector_load_idx %arg12[%add3A_20, %add3A_139] : memref<32x256xf32, #tpu.memory_space<vmem>>[vector<16xi32>, vector<16xi32>], vector<16xf32>,
            %swap3A_159 = arith.index_cast %add3A_135 : i32 to index
            %swap3A_160 = arith.constant 80 : index
            %swap3A_161 = tpu.vector_load %arg14[%swap3A_159, %swap3A_160] {strides = array<i32>} : memref<64x128xf32, #tpu.memory_space<vmem>>, vector<16xf32>,
            tpu.vector_store %arg14[%swap3A_159, %swap3A_160], %gather3A_158 {strides = array<i32>} : memref<64x128xf32, #tpu.memory_space<vmem>>, vector<16xf32>,
            %gather3A_162 = tpu.vector_load_idx %arg12[%add3A_23, %add3A_139] : memref<32x256xf32, #tpu.memory_space<vmem>>[vector<16xi32>, vector<16xi32>], vector<16xf32>,
            %swap3A_163 = arith.index_cast %add3A_135 : i32 to index
            %swap3A_164 = arith.constant 96 : index
            %swap3A_165 = tpu.vector_load %arg14[%swap3A_163, %swap3A_164] {strides = array<i32>} : memref<64x128xf32, #tpu.memory_space<vmem>>, vector<16xf32>,
            tpu.vector_store %arg14[%swap3A_163, %swap3A_164], %gather3A_162 {strides = array<i32>} : memref<64x128xf32, #tpu.memory_space<vmem>>, vector<16xf32>,
            %gather3A_166 = tpu.vector_load_idx %arg12[%add3A_26, %add3A_139] : memref<32x256xf32, #tpu.memory_space<vmem>>[vector<16xi32>, vector<16xi32>], vector<16xf32>,
            %swap3A_167 = arith.index_cast %add3A_135 : i32 to index
            %swap3A_168 = arith.constant 112 : index
            %swap3A_169 = tpu.vector_load %arg14[%swap3A_167, %swap3A_168] {strides = array<i32>} : memref<64x128xf32, #tpu.memory_space<vmem>>, vector<16xf32>,
            tpu.vector_store %arg14[%swap3A_167, %swap3A_168], %gather3A_166 {strides = array<i32>} : memref<64x128xf32, #tpu.memory_space<vmem>>, vector<16xf32>,
            %mul3A_170 = arith.constant 4 : i32
            %mul3A_171 = arith.muli %scan3A_131, %mul3A_170 : i32
            %add3A_172 = arith.constant 1 : i32
            %add3A_173 = arith.addi %mul3A_171, %add3A_172 : i32
            %mul3A_174 = arith.constant 4 : i32
            %mul3A_175 = arith.muli %mul3A_174, %add3A_173 : i32
            %add3A_176 = vector.broadcast %mul3A_175 : i32 to vector<16xi32>
            %add3A_177 = arith.addi %rem3A_3, %add3A_176 : vector<16xi32>
            %gather3A_178 = tpu.vector_load_idx %arg12[%add3A_5, %add3A_177] : memref<32x256xf32, #tpu.memory_space<vmem>>[vector<16xi32>, vector<16xi32>], vector<16xf32>,
            %swap3A_179 = arith.index_cast %add3A_173 : i32 to index
            %swap3A_180 = arith.constant 0 : index
            %swap3A_181 = tpu.vector_load %arg14[%swap3A_179, %swap3A_180] {strides = array<i32>} : memref<64x128xf32, #tpu.memory_space<vmem>>, vector<16xf32>,
            tpu.vector_store %arg14[%swap3A_179, %swap3A_180], %gather3A_178 {strides = array<i32>} : memref<64x128xf32, #tpu.memory_space<vmem>>, vector<16xf32>,
            %gather3A_182 = tpu.vector_load_idx %arg12[%add3A_8, %add3A_177] : memref<32x256xf32, #tpu.memory_space<vmem>>[vector<16xi32>, vector<16xi32>], vector<16xf32>,
            %swap3A_183 = arith.index_cast %add3A_173 : i32 to index
            %swap3A_184 = arith.constant 16 : index
            %swap3A_185 = tpu.vector_load %arg14[%swap3A_183, %swap3A_184] {strides = array<i32>} : memref<64x128xf32, #tpu.memory_space<vmem>>, vector<16xf32>,
            tpu.vector_store %arg14[%swap3A_183, %swap3A_184], %gather3A_182 {strides = array<i32>} : memref<64x128xf32, #tpu.memory_space<vmem>>, vector<16xf32>,
            %gather3A_186 = tpu.vector_load_idx %arg12[%add3A_11, %add3A_177] : memref<32x256xf32, #tpu.memory_space<vmem>>[vector<16xi32>, vector<16xi32>], vector<16xf32>,
            %swap3A_187 = arith.index_cast %add3A_173 : i32 to index
            %swap3A_188 = arith.constant 32 : index
            %swap3A_189 = tpu.vector_load %arg14[%swap3A_187, %swap3A_188] {strides = array<i32>} : memref<64x128xf32, #tpu.memory_space<vmem>>, vector<16xf32>,
            tpu.vector_store %arg14[%swap3A_187, %swap3A_188], %gather3A_186 {strides = array<i32>} : memref<64x128xf32, #tpu.memory_space<vmem>>, vector<16xf32>,
            %gather3A_190 = tpu.vector_load_idx %arg12[%add3A_14, %add3A_177] : memref<32x256xf32, #tpu.memory_space<vmem>>[vector<16xi32>, vector<16xi32>], vector<16xf32>,
            %swap3A_191 = arith.index_cast %add3A_173 : i32 to index
            %swap3A_192 = arith.constant 48 : index
            %swap3A_193 = tpu.vector_load %arg14[%swap3A_191, %swap3A_192] {strides = array<i32>} : memref<64x128xf32, #tpu.memory_space<vmem>>, vector<16xf32>,
            tpu.vector_store %arg14[%swap3A_191, %swap3A_192], %gather3A_190 {strides = array<i32>} : memref<64x128xf32, #tpu.memory_space<vmem>>, vector<16xf32>,
            %gather3A_194 = tpu.vector_load_idx %arg12[%add3A_17, %add3A_177] : memref<32x256xf32, #tpu.memory_space<vmem>>[vector<16xi32>, vector<16xi32>], vector<16xf32>,
            %swap3A_195 = arith.index_cast %add3A_173 : i32 to index
            %swap3A_196 = arith.constant 64 : index
            %swap3A_197 = tpu.vector_load %arg14[%swap3A_195, %swap3A_196] {strides = array<i32>} : memref<64x128xf32, #tpu.memory_space<vmem>>, vector<16xf32>,
            tpu.vector_store %arg14[%swap3A_195, %swap3A_196], %gather3A_194 {strides = array<i32>} : memref<64x128xf32, #tpu.memory_space<vmem>>, vector<16xf32>,
            %gather3A_198 = tpu.vector_load_idx %arg12[%add3A_20, %add3A_177] : memref<32x256xf32, #tpu.memory_space<vmem>>[vector<16xi32>, vector<16xi32>], vector<16xf32>,
            %swap3A_199 = arith.index_cast %add3A_173 : i32 to index
            %swap3A_200 = arith.constant 80 : index
            %swap3A_201 = tpu.vector_load %arg14[%swap3A_199, %swap3A_200] {strides = array<i32>} : memref<64x128xf32, #tpu.memory_space<vmem>>, vector<16xf32>,
            tpu.vector_store %arg14[%swap3A_199, %swap3A_200], %gather3A_198 {strides = array<i32>} : memref<64x128xf32, #tpu.memory_space<vmem>>, vector<16xf32>,
            %gather3A_202 = tpu.vector_load_idx %arg12[%add3A_23, %add3A_177] : memref<32x256xf32, #tpu.memory_space<vmem>>[vector<16xi32>, vector<16xi32>], vector<16xf32>,
            %swap3A_203 = arith.index_cast %add3A_173 : i32 to index
            %swap3A_204 = arith.constant 96 : index
            %swap3A_205 = tpu.vector_load %arg14[%swap3A_203, %swap3A_204] {strides = array<i32>} : memref<64x128xf32, #tpu.memory_space<vmem>>, vector<16xf32>,
            tpu.vector_store %arg14[%swap3A_203, %swap3A_204], %gather3A_202 {strides = array<i32>} : memref<64x128xf32, #tpu.memory_space<vmem>>, vector<16xf32>,
            %gather3A_206 = tpu.vector_load_idx %arg12[%add3A_26, %add3A_177] : memref<32x256xf32, #tpu.memory_space<vmem>>[vector<16xi32>, vector<16xi32>], vector<16xf32>,
            %swap3A_207 = arith.index_cast %add3A_173 : i32 to index
            %swap3A_208 = arith.constant 112 : index
            %swap3A_209 = tpu.vector_load %arg14[%swap3A_207, %swap3A_208] {strides = array<i32>} : memref<64x128xf32, #tpu.memory_space<vmem>>, vector<16xf32>,
            tpu.vector_store %arg14[%swap3A_207, %swap3A_208], %gather3A_206 {strides = array<i32>} : memref<64x128xf32, #tpu.memory_space<vmem>>, vector<16xf32>,
            %mul3A_210 = arith.constant 4 : i32
            %mul3A_211 = arith.muli %scan3A_131, %mul3A_210 : i32
            %add3A_212 = arith.constant 2 : i32
            %add3A_213 = arith.addi %mul3A_211, %add3A_212 : i32
            %mul3A_214 = arith.constant 4 : i32
            %mul3A_215 = arith.muli %mul3A_214, %add3A_213 : i32
            %add3A_216 = vector.broadcast %mul3A_215 : i32 to vector<16xi32>
            %add3A_217 = arith.addi %rem3A_3, %add3A_216 : vector<16xi32>
            %gather3A_218 = tpu.vector_load_idx %arg12[%add3A_5, %add3A_217] : memref<32x256xf32, #tpu.memory_space<vmem>>[vector<16xi32>, vector<16xi32>], vector<16xf32>,
            %swap3A_219 = arith.index_cast %add3A_213 : i32 to index
            %swap3A_220 = arith.constant 0 : index
            %swap3A_221 = tpu.vector_load %arg14[%swap3A_219, %swap3A_220] {strides = array<i32>} : memref<64x128xf32, #tpu.memory_space<vmem>>, vector<16xf32>,
            tpu.vector_store %arg14[%swap3A_219, %swap3A_220], %gather3A_218 {strides = array<i32>} : memref<64x128xf32, #tpu.memory_space<vmem>>, vector<16xf32>,
            %gather3A_222 = tpu.vector_load_idx %arg12[%add3A_8, %add3A_217] : memref<32x256xf32, #tpu.memory_space<vmem>>[vector<16xi32>, vector<16xi32>], vector<16xf32>,
            %swap3A_223 = arith.index_cast %add3A_213 : i32 to index
            %swap3A_224 = arith.constant 16 : index
            %swap3A_225 = tpu.vector_load %arg14[%swap3A_223, %swap3A_224] {strides = array<i32>} : memref<64x128xf32, #tpu.memory_space<vmem>>, vector<16xf32>,
            tpu.vector_store %arg14[%swap3A_223, %swap3A_224], %gather3A_222 {strides = array<i32>} : memref<64x128xf32, #tpu.memory_space<vmem>>, vector<16xf32>,
            %gather3A_226 = tpu.vector_load_idx %arg12[%add3A_11, %add3A_217] : memref<32x256xf32, #tpu.memory_space<vmem>>[vector<16xi32>, vector<16xi32>], vector<16xf32>,
            %swap3A_227 = arith.index_cast %add3A_213 : i32 to index
            %swap3A_228 = arith.constant 32 : index
            %swap3A_229 = tpu.vector_load %arg14[%swap3A_227, %swap3A_228] {strides = array<i32>} : memref<64x128xf32, #tpu.memory_space<vmem>>, vector<16xf32>,
            tpu.vector_store %arg14[%swap3A_227, %swap3A_228], %gather3A_226 {strides = array<i32>} : memref<64x128xf32, #tpu.memory_space<vmem>>, vector<16xf32>,
            %gather3A_230 = tpu.vector_load_idx %arg12[%add3A_14, %add3A_217] : memref<32x256xf32, #tpu.memory_space<vmem>>[vector<16xi32>, vector<16xi32>], vector<16xf32>,
            %swap3A_231 = arith.index_cast %add3A_213 : i32 to index
            %swap3A_232 = arith.constant 48 : index
            %swap3A_233 = tpu.vector_load %arg14[%swap3A_231, %swap3A_232] {strides = array<i32>} : memref<64x128xf32, #tpu.memory_space<vmem>>, vector<16xf32>,
            tpu.vector_store %arg14[%swap3A_231, %swap3A_232], %gather3A_230 {strides = array<i32>} : memref<64x128xf32, #tpu.memory_space<vmem>>, vector<16xf32>,
            %gather3A_234 = tpu.vector_load_idx %arg12[%add3A_17, %add3A_217] : memref<32x256xf32, #tpu.memory_space<vmem>>[vector<16xi32>, vector<16xi32>], vector<16xf32>,
            %swap3A_235 = arith.index_cast %add3A_213 : i32 to index
            %swap3A_236 = arith.constant 64 : index
            %swap3A_237 = tpu.vector_load %arg14[%swap3A_235, %swap3A_236] {strides = array<i32>} : memref<64x128xf32, #tpu.memory_space<vmem>>, vector<16xf32>,
            tpu.vector_store %arg14[%swap3A_235, %swap3A_236], %gather3A_234 {strides = array<i32>} : memref<64x128xf32, #tpu.memory_space<vmem>>, vector<16xf32>,
            %gather3A_238 = tpu.vector_load_idx %arg12[%add3A_20, %add3A_217] : memref<32x256xf32, #tpu.memory_space<vmem>>[vector<16xi32>, vector<16xi32>], vector<16xf32>,
            %swap3A_239 = arith.index_cast %add3A_213 : i32 to index
            %swap3A_240 = arith.constant 80 : index
            %swap3A_241 = tpu.vector_load %arg14[%swap3A_239, %swap3A_240] {strides = array<i32>} : memref<64x128xf32, #tpu.memory_space<vmem>>, vector<16xf32>,
            tpu.vector_store %arg14[%swap3A_239, %swap3A_240], %gather3A_238 {strides = array<i32>} : memref<64x128xf32, #tpu.memory_space<vmem>>, vector<16xf32>,
            %gather3A_242 = tpu.vector_load_idx %arg12[%add3A_23, %add3A_217] : memref<32x256xf32, #tpu.memory_space<vmem>>[vector<16xi32>, vector<16xi32>], vector<16xf32>,
            %swap3A_243 = arith.index_cast %add3A_213 : i32 to index
            %swap3A_244 = arith.constant 96 : index
            %swap3A_245 = tpu.vector_load %arg14[%swap3A_243, %swap3A_244] {strides = array<i32>} : memref<64x128xf32, #tpu.memory_space<vmem>>, vector<16xf32>,
            tpu.vector_store %arg14[%swap3A_243, %swap3A_244], %gather3A_242 {strides = array<i32>} : memref<64x128xf32, #tpu.memory_space<vmem>>, vector<16xf32>,
            %gather3A_246 = tpu.vector_load_idx %arg12[%add3A_26, %add3A_217] : memref<32x256xf32, #tpu.memory_space<vmem>>[vector<16xi32>, vector<16xi32>], vector<16xf32>,
            %swap3A_247 = arith.index_cast %add3A_213 : i32 to index
            %swap3A_248 = arith.constant 112 : index
            %swap3A_249 = tpu.vector_load %arg14[%swap3A_247, %swap3A_248] {strides = array<i32>} : memref<64x128xf32, #tpu.memory_space<vmem>>, vector<16xf32>,
            tpu.vector_store %arg14[%swap3A_247, %swap3A_248], %gather3A_246 {strides = array<i32>} : memref<64x128xf32, #tpu.memory_space<vmem>>, vector<16xf32>,
            %mul3A_250 = arith.constant 4 : i32
            %mul3A_251 = arith.muli %scan3A_131, %mul3A_250 : i32
            %add3A_252 = arith.constant 3 : i32
            %add3A_253 = arith.addi %mul3A_251, %add3A_252 : i32
            %mul3A_254 = arith.constant 4 : i32
            %mul3A_255 = arith.muli %mul3A_254, %add3A_253 : i32
            %add3A_256 = vector.broadcast %mul3A_255 : i32 to vector<16xi32>
            %add3A_257 = arith.addi %rem3A_3, %add3A_256 : vector<16xi32>
            %gather3A_258 = tpu.vector_load_idx %arg12[%add3A_5, %add3A_257] : memref<32x256xf32, #tpu.memory_space<vmem>>[vector<16xi32>, vector<16xi32>], vector<16xf32>,
            %swap3A_259 = arith.index_cast %add3A_253 : i32 to index
            %swap3A_260 = arith.constant 0 : index
            %swap3A_261 = tpu.vector_load %arg14[%swap3A_259, %swap3A_260] {strides = array<i32>} : memref<64x128xf32, #tpu.memory_space<vmem>>, vector<16xf32>,
            tpu.vector_store %arg14[%swap3A_259, %swap3A_260], %gather3A_258 {strides = array<i32>} : memref<64x128xf32, #tpu.memory_space<vmem>>, vector<16xf32>,
            %gather3A_262 = tpu.vector_load_idx %arg12[%add3A_8, %add3A_257] : memref<32x256xf32, #tpu.memory_space<vmem>>[vector<16xi32>, vector<16xi32>], vector<16xf32>,
            %swap3A_263 = arith.index_cast %add3A_253 : i32 to index
            %swap3A_264 = arith.constant 16 : index
            %swap3A_265 = tpu.vector_load %arg14[%swap3A_263, %swap3A_264] {strides = array<i32>} : memref<64x128xf32, #tpu.memory_space<vmem>>, vector<16xf32>,
            tpu.vector_store %arg14[%swap3A_263, %swap3A_264], %gather3A_262 {strides = array<i32>} : memref<64x128xf32, #tpu.memory_space<vmem>>, vector<16xf32>,
            %gather3A_266 = tpu.vector_load_idx %arg12[%add3A_11, %add3A_257] : memref<32x256xf32, #tpu.memory_space<vmem>>[vector<16xi32>, vector<16xi32>], vector<16xf32>,
            %swap3A_267 = arith.index_cast %add3A_253 : i32 to index
            %swap3A_268 = arith.constant 32 : index
            %swap3A_269 = tpu.vector_load %arg14[%swap3A_267, %swap3A_268] {strides = array<i32>} : memref<64x128xf32, #tpu.memory_space<vmem>>, vector<16xf32>,
            tpu.vector_store %arg14[%swap3A_267, %swap3A_268], %gather3A_266 {strides = array<i32>} : memref<64x128xf32, #tpu.memory_space<vmem>>, vector<16xf32>,
            %gather3A_270 = tpu.vector_load_idx %arg12[%add3A_14, %add3A_257] : memref<32x256xf32, #tpu.memory_space<vmem>>[vector<16xi32>, vector<16xi32>], vector<16xf32>,
            %swap3A_271 = arith.index_cast %add3A_253 : i32 to index
            %swap3A_272 = arith.constant 48 : index
            %swap3A_273 = tpu.vector_load %arg14[%swap3A_271, %swap3A_272] {strides = array<i32>} : memref<64x128xf32, #tpu.memory_space<vmem>>, vector<16xf32>,
            tpu.vector_store %arg14[%swap3A_271, %swap3A_272], %gather3A_270 {strides = array<i32>} : memref<64x128xf32, #tpu.memory_space<vmem>>, vector<16xf32>,
            %gather3A_274 = tpu.vector_load_idx %arg12[%add3A_17, %add3A_257] : memref<32x256xf32, #tpu.memory_space<vmem>>[vector<16xi32>, vector<16xi32>], vector<16xf32>,
            %swap3A_275 = arith.index_cast %add3A_253 : i32 to index
            %swap3A_276 = arith.constant 64 : index
            %swap3A_277 = tpu.vector_load %arg14[%swap3A_275, %swap3A_276] {strides = array<i32>} : memref<64x128xf32, #tpu.memory_space<vmem>>, vector<16xf32>,
            tpu.vector_store %arg14[%swap3A_275, %swap3A_276], %gather3A_274 {strides = array<i32>} : memref<64x128xf32, #tpu.memory_space<vmem>>, vector<16xf32>,
            %gather3A_278 = tpu.vector_load_idx %arg12[%add3A_20, %add3A_257] : memref<32x256xf32, #tpu.memory_space<vmem>>[vector<16xi32>, vector<16xi32>], vector<16xf32>,
            %swap3A_279 = arith.index_cast %add3A_253 : i32 to index
            %swap3A_280 = arith.constant 80 : index
            %swap3A_281 = tpu.vector_load %arg14[%swap3A_279, %swap3A_280] {strides = array<i32>} : memref<64x128xf32, #tpu.memory_space<vmem>>, vector<16xf32>,
            tpu.vector_store %arg14[%swap3A_279, %swap3A_280], %gather3A_278 {strides = array<i32>} : memref<64x128xf32, #tpu.memory_space<vmem>>, vector<16xf32>,
            %gather3A_282 = tpu.vector_load_idx %arg12[%add3A_23, %add3A_257] : memref<32x256xf32, #tpu.memory_space<vmem>>[vector<16xi32>, vector<16xi32>], vector<16xf32>,
            %swap3A_283 = arith.index_cast %add3A_253 : i32 to index
            %swap3A_284 = arith.constant 96 : index
            %swap3A_285 = tpu.vector_load %arg14[%swap3A_283, %swap3A_284] {strides = array<i32>} : memref<64x128xf32, #tpu.memory_space<vmem>>, vector<16xf32>,
            tpu.vector_store %arg14[%swap3A_283, %swap3A_284], %gather3A_282 {strides = array<i32>} : memref<64x128xf32, #tpu.memory_space<vmem>>, vector<16xf32>,
            %gather3A_286 = tpu.vector_load_idx %arg12[%add3A_26, %add3A_257] : memref<32x256xf32, #tpu.memory_space<vmem>>[vector<16xi32>, vector<16xi32>], vector<16xf32>,
            %swap3A_287 = arith.index_cast %add3A_253 : i32 to index
            %swap3A_288 = arith.constant 112 : index
            %swap3A_289 = tpu.vector_load %arg14[%swap3A_287, %swap3A_288] {strides = array<i32>} : memref<64x128xf32, #tpu.memory_space<vmem>>, vector<16xf32>,
            tpu.vector_store %arg14[%swap3A_287, %swap3A_288], %gather3A_286 {strides = array<i32>} : memref<64x128xf32, #tpu.memory_space<vmem>>, vector<16xf32>,
          }
          %scan3A_114 = arith.constant 16 : i32
          %mul3A_115 = arith.constant 16 : i32
          %mul3A_116 = arith.muli %mul3A_115, %add3A_94 : i32
          %add3A_117 = arith.addi %arg1, %mul3A_116 : i32
          %mul3A_118 = arith.constant 64 : i32
          %mul3A_119 = arith.muli %add3A_117, %mul3A_118 : i32
          %multiple_of3A_120 = tpu.assume_multiple %mul3A_119, 64 : i32
          %dma_start3A_121 = arith.constant 0 : i32
          %dma_start3A_122 = tpu.memref_slice %arg9[%multiple_of3A_120, %dma_start3A_121] : memref<250000x128xf32, #tpu.memory_space<hbm>> -> memref<64x128xf32, #tpu.memory_space<hbm>>
          %dma_start3A_123 = arith.constant 0 : i32
          %dma_start3A_124 = tpu.memref_slice %arg9[%multiple_of3A_120, %dma_start3A_123] : memref<250000x128xf32, #tpu.memory_space<hbm>> -> memref<64x128xf32, #tpu.memory_space<hbm>>
          tpu.enqueue_dma source(%arg14 : memref<64x128xf32, #tpu.memory_space<vmem>>) target(%dma_start3A_124 : memref<64x128xf32, #tpu.memory_space<hbm>>) target_semaphore(%arg28 : memref<!tpu.dma_semaphore, #tpu.memory_space<semaphore_mem>>)
          %add3A_125 = arith.constant 2 : i32
          %add3A_126 = arith.addi %add3A_94, %add3A_125 : i32
          %lt3A_127 = arith.cmpi slt, %add3A_126, %select_n3A : i32
          %convert_element_type3A_128 = arith.extui %lt3A_127 : i1 to i32
          %cond3A_129 = arith.constant 0 : i32
          %cond3A_130 = arith.cmpi ne, %convert_element_type3A_128, %cond3A_129 : i32
          scf.if %cond3A_130 {
            %add3A_131 = arith.constant 2 : i32
            %add3A_132 = arith.addi %add3A_94, %add3A_131 : i32
            %mul3A_133 = arith.constant 16 : i32
            %mul3A_134 = arith.muli %mul3A_133, %add3A_132 : i32
            %add3A_135 = arith.addi %arg1, %mul3A_134 : i32
            %mul3A_136 = arith.constant 256 : i32
            %mul3A_137 = arith.muli %add3A_135, %mul3A_136 : i32
            %multiple_of3A_138 = tpu.assume_multiple %mul3A_137, 256 : i32
            %dma_start3A_139 = arith.constant 0 : i32
            %dma_start3A_140 = tpu.memref_slice %arg2[%dma_start3A_139, %multiple_of3A_138] : memref<32x1000000xf32, #tpu.memory_space<hbm>> -> memref<32x256xf32, #tpu.memory_space<hbm>>
            %dma_start3A_141 = arith.constant 0 : i32
            %dma_start3A_142 = tpu.memref_slice %arg2[%dma_start3A_141, %multiple_of3A_138] : memref<32x1000000xf32, #tpu.memory_space<hbm>> -> memref<32x256xf32, #tpu.memory_space<hbm>>
            tpu.enqueue_dma source(%dma_start3A_142 : memref<32x256xf32, #tpu.memory_space<hbm>>) target(%arg12 : memref<32x256xf32, #tpu.memory_space<vmem>>) target_semaphore(%arg26 : memref<!tpu.dma_semaphore, #tpu.memory_space<semaphore_mem>>)
          } else {
          }
        } else {
        }
      }
      %scan3A_65 = arith.constant 123 : i32
      %dma_wait3A = arith.constant 0 : i32
      %dma_wait3A_66 = arith.constant 0 : i32
      %dma_wait3A_67 = tpu.memref_slice %arg9[%dma_wait3A, %dma_wait3A_66] : memref<250000x128xf32, #tpu.memory_space<hbm>> -> memref<64x128xf32, #tpu.memory_space<hbm>>
      %dma_wait3A_68 = arith.constant 0 : i32
      %dma_wait3A_69 = arith.constant 0 : i32
      %dma_wait3A_70 = tpu.memref_slice %arg9[%dma_wait3A_68, %dma_wait3A_69] : memref<250000x128xf32, #tpu.memory_space<hbm>> -> memref<64x128xf32, #tpu.memory_space<hbm>>
      tpu.wait_dma2 semaphore(%arg27 : memref<!tpu.dma_semaphore, #tpu.memory_space<semaphore_mem>>) src(%arg13 : memref<64x128xf32, #tpu.memory_space<vmem>>) dst(%dma_wait3A_70 : memref<64x128xf32, #tpu.memory_space<hbm>>)
      %dma_wait3A_71 = arith.constant 0 : i32
      %dma_wait3A_72 = arith.constant 0 : i32
      %dma_wait3A_73 = tpu.memref_slice %arg9[%dma_wait3A_71, %dma_wait3A_72] : memref<250000x128xf32, #tpu.memory_space<hbm>> -> memref<64x128xf32, #tpu.memory_space<hbm>>
      %dma_wait3A_74 = arith.constant 0 : i32
      %dma_wait3A_75 = arith.constant 0 : i32
      %dma_wait3A_76 = tpu.memref_slice %arg9[%dma_wait3A_74, %dma_wait3A_75] : memref<250000x128xf32, #tpu.memory_space<hbm>> -> memref<64x128xf32, #tpu.memory_space<hbm>>
      tpu.wait_dma2 semaphore(%arg28 : memref<!tpu.dma_semaphore, #tpu.memory_space<semaphore_mem>>) src(%arg14 : memref<64x128xf32, #tpu.memory_space<vmem>>) dst(%dma_wait3A_76 : memref<64x128xf32, #tpu.memory_space<hbm>>)
      %eq3A_77 = arith.constant 15 : i32
      %eq3A_78 = arith.cmpi eq, %arg1, %eq3A_77 : i32
      %convert_element_type3A_79 = arith.extui %eq3A_78 : i1 to i32
      %cond3A_80 = arith.constant 0 : i32
      %cond3A_81 = arith.cmpi ne, %convert_element_type3A_79, %cond3A_80 : i32
      scf.if %cond3A_81 {
        "tpu.region"() ({
          %run_scoped3A = tpu.sem_alloc : memref<!tpu.dma_semaphore, #tpu.memory_space<semaphore_mem>>
          %dma_start3A_82 = arith.constant 0 : i32
          %dma_start3A_83 = arith.constant 0 : i32
          %dma_start3A_84 = tpu.memref_slice %arg13[%dma_start3A_82, %dma_start3A_83] : memref<64x128xf32, #tpu.memory_space<vmem>> -> memref<16x128xf32, #tpu.memory_space<vmem>>
          %dma_start3A_85 = arith.constant 0 : i32
          %dma_start3A_86 = arith.constant 0 : i32
          %dma_start3A_87 = tpu.memref_slice %arg13[%dma_start3A_85, %dma_start3A_86] : memref<64x128xf32, #tpu.memory_space<vmem>> -> memref<16x128xf32, #tpu.memory_space<vmem>>
          tpu.enqueue_dma source(%arg6 : memref<16x128xf32, #tpu.memory_space<hbm>>) target(%dma_start3A_87 : memref<16x128xf32, #tpu.memory_space<vmem>>) target_semaphore(%run_scoped3A : memref<!tpu.dma_semaphore, #tpu.memory_space<semaphore_mem>>)
          %dma_wait3A_88 = arith.constant 0 : i32
          %dma_wait3A_89 = arith.constant 0 : i32
          %dma_wait3A_90 = tpu.memref_slice %arg13[%dma_wait3A_88, %dma_wait3A_89] : memref<64x128xf32, #tpu.memory_space<vmem>> -> memref<16x128xf32, #tpu.memory_space<vmem>>
          %dma_wait3A_91 = arith.constant 0 : i32
          %dma_wait3A_92 = arith.constant 0 : i32
          %dma_wait3A_93 = tpu.memref_slice %arg13[%dma_wait3A_91, %dma_wait3A_92] : memref<64x128xf32, #tpu.memory_space<vmem>> -> memref<16x128xf32, #tpu.memory_space<vmem>>
          tpu.wait_dma2 semaphore(%run_scoped3A : memref<!tpu.dma_semaphore, #tpu.memory_space<semaphore_mem>>) src(%arg6 : memref<16x128xf32, #tpu.memory_space<hbm>>) dst(%dma_wait3A_93 : memref<16x128xf32, #tpu.memory_space<vmem>>)
          tpu.yield
        }) : () -> ()
        "tpu.region"() ({
          %run_scoped3A = tpu.sem_alloc : memref<!tpu.dma_semaphore, #tpu.memory_space<semaphore_mem>>
          %dma_start3A_82 = arith.constant 0 : i32
          %dma_start3A_83 = arith.constant 0 : i32
          %dma_start3A_84 = tpu.memref_slice %arg13[%dma_start3A_82, %dma_start3A_83] : memref<64x128xf32, #tpu.memory_space<vmem>> -> memref<16x128xf32, #tpu.memory_space<vmem>>
          %dma_start3A_85 = arith.constant 249984 : i32
          %dma_start3A_86 = arith.constant 0 : i32
          %dma_start3A_87 = tpu.memref_slice %arg9[%dma_start3A_85, %dma_start3A_86] : memref<250000x128xf32, #tpu.memory_space<hbm>> -> memref<16x128xf32, #tpu.memory_space<hbm>>
          %dma_start3A_88 = arith.constant 249984 : i32
          %dma_start3A_89 = arith.constant 0 : i32
          %dma_start3A_90 = tpu.memref_slice %arg9[%dma_start3A_88, %dma_start3A_89] : memref<250000x128xf32, #tpu.memory_space<hbm>> -> memref<16x128xf32, #tpu.memory_space<hbm>>
          %dma_start3A_91 = arith.constant 0 : i32
          %dma_start3A_92 = arith.constant 0 : i32
          %dma_start3A_93 = tpu.memref_slice %arg13[%dma_start3A_91, %dma_start3A_92] : memref<64x128xf32, #tpu.memory_space<vmem>> -> memref<16x128xf32, #tpu.memory_space<vmem>>
          tpu.enqueue_dma source(%dma_start3A_93 : memref<16x128xf32, #tpu.memory_space<vmem>>) target(%dma_start3A_90 : memref<16x128xf32, #tpu.memory_space<hbm>>) target_semaphore(%run_scoped3A : memref<!tpu.dma_semaphore, #tpu.memory_space<semaphore_mem>>)
          %dma_wait3A_94 = arith.constant 0 : i32
          %dma_wait3A_95 = arith.constant 0 : i32
          %dma_wait3A_96 = tpu.memref_slice %arg13[%dma_wait3A_94, %dma_wait3A_95] : memref<64x128xf32, #tpu.memory_space<vmem>> -> memref<16x128xf32, #tpu.memory_space<vmem>>
          %dma_wait3A_97 = arith.constant 249984 : i32
          %dma_wait3A_98 = arith.constant 0 : i32
          %dma_wait3A_99 = tpu.memref_slice %arg9[%dma_wait3A_97, %dma_wait3A_98] : memref<250000x128xf32, #tpu.memory_space<hbm>> -> memref<16x128xf32, #tpu.memory_space<hbm>>
          %dma_wait3A_100 = arith.constant 249984 : i32
          %dma_wait3A_101 = arith.constant 0 : i32
          %dma_wait3A_102 = tpu.memref_slice %arg9[%dma_wait3A_100, %dma_wait3A_101] : memref<250000x128xf32, #tpu.memory_space<hbm>> -> memref<16x128xf32, #tpu.memory_space<hbm>>
          %dma_wait3A_103 = arith.constant 0 : i32
          %dma_wait3A_104 = arith.constant 0 : i32
          %dma_wait3A_105 = tpu.memref_slice %arg13[%dma_wait3A_103, %dma_wait3A_104] : memref<64x128xf32, #tpu.memory_space<vmem>> -> memref<16x128xf32, #tpu.memory_space<vmem>>
          tpu.wait_dma2 semaphore(%run_scoped3A : memref<!tpu.dma_semaphore, #tpu.memory_space<semaphore_mem>>) src(%dma_wait3A_105 : memref<16x128xf32, #tpu.memory_space<vmem>>) dst(%dma_wait3A_102 : memref<16x128xf32, #tpu.memory_space<hbm>>)
          tpu.yield
        }) : () -> ()
      } else {
      }
    } else {
    }
    %eq3A_29 = arith.constant 1 : i32
    %eq3A_30 = arith.cmpi eq, %arg0, %eq3A_29 : i32
    %convert_element_type3A_31 = arith.extui %eq3A_30 : i1 to i32
    %cond3A_32 = arith.constant 0 : i32
    %cond3A_33 = arith.cmpi ne, %convert_element_type3A_31, %cond3A_32 : i32
    scf.if %cond3A_33 {
      %lt3A = arith.constant 2 : i32
      %lt3A_44 = arith.cmpi slt, %arg1, %lt3A : i32
      %jit3A = arith.constant 245 : i32
      %jit3A_45 = arith.constant 244 : i32
      %select_n3A = arith.select %lt3A_44, %jit3A, %jit3A_45 : i32
      %add3A_46 = arith.constant 0 : i32
      %add3A_47 = arith.addi %arg1, %add3A_46 : i32
      %mul3A = arith.constant 256 : i32
      %mul3A_48 = arith.muli %add3A_47, %mul3A : i32
      %multiple_of3A = tpu.assume_multiple %mul3A_48, 256 : i32
      %dma_start3A = arith.constant 0 : i32
      %dma_start3A_49 = tpu.memref_slice %arg3[%dma_start3A, %multiple_of3A] : memref<32x1000000xf32, #tpu.memory_space<hbm>> -> memref<32x256xf32, #tpu.memory_space<hbm>>
      %dma_start3A_50 = arith.constant 0 : i32
      %dma_start3A_51 = tpu.memref_slice %arg3[%dma_start3A_50, %multiple_of3A] : memref<32x1000000xf32, #tpu.memory_space<hbm>> -> memref<32x256xf32, #tpu.memory_space<hbm>>
      tpu.enqueue_dma source(%dma_start3A_51 : memref<32x256xf32, #tpu.memory_space<hbm>>) target(%arg11 : memref<32x256xf32, #tpu.memory_space<vmem>>) target_semaphore(%arg25 : memref<!tpu.dma_semaphore, #tpu.memory_space<semaphore_mem>>)
      %add3A_52 = arith.constant 16 : i32
      %add3A_53 = arith.addi %arg1, %add3A_52 : i32
      %mul3A_54 = arith.constant 256 : i32
      %mul3A_55 = arith.muli %add3A_53, %mul3A_54 : i32
      %multiple_of3A_56 = tpu.assume_multiple %mul3A_55, 256 : i32
      %dma_start3A_57 = arith.constant 0 : i32
      %dma_start3A_58 = tpu.memref_slice %arg3[%dma_start3A_57, %multiple_of3A_56] : memref<32x1000000xf32, #tpu.memory_space<hbm>> -> memref<32x256xf32, #tpu.memory_space<hbm>>
      %dma_start3A_59 = arith.constant 0 : i32
      %dma_start3A_60 = tpu.memref_slice %arg3[%dma_start3A_59, %multiple_of3A_56] : memref<32x1000000xf32, #tpu.memory_space<hbm>> -> memref<32x256xf32, #tpu.memory_space<hbm>>
      tpu.enqueue_dma source(%dma_start3A_60 : memref<32x256xf32, #tpu.memory_space<hbm>>) target(%arg12 : memref<32x256xf32, #tpu.memory_space<vmem>>) target_semaphore(%arg26 : memref<!tpu.dma_semaphore, #tpu.memory_space<semaphore_mem>>)
      %scan3A = arith.constant 0 : i32
      %scan3A_61 = arith.constant 0 : i32
      %scan3A_62 = arith.constant 123 : i32
      %scan3A_63 = arith.addi %scan3A_61, %scan3A_62 : i32
      %scan3A_64 = arith.constant 1 : i32
      scf.for %scan3A_82 = %scan3A_61 to %scan3A_63 step %scan3A_64  : i32 {
        %mul3A_83 = arith.constant 2 : i32
        %mul3A_84 = arith.muli %mul3A_83, %scan3A_82 : i32
        %add3A_85 = arith.constant 0 : i32
        %add3A_86 = arith.addi %mul3A_84, %add3A_85 : i32
        %lt3A_87 = arith.cmpi slt, %add3A_86, %select_n3A : i32
        %convert_element_type3A_88 = arith.extui %lt3A_87 : i1 to i32
        %cond3A_89 = arith.constant 0 : i32
        %cond3A_90 = arith.cmpi ne, %convert_element_type3A_88, %cond3A_89 : i32
        scf.if %cond3A_90 {
          %dma_wait3A_99 = arith.constant 0 : i32
          %dma_wait3A_100 = arith.constant 0 : i32
          %dma_wait3A_101 = tpu.memref_slice %arg3[%dma_wait3A_99, %dma_wait3A_100] : memref<32x1000000xf32, #tpu.memory_space<hbm>> -> memref<32x256xf32, #tpu.memory_space<hbm>>
          %dma_wait3A_102 = arith.constant 0 : i32
          %dma_wait3A_103 = arith.constant 0 : i32
          %dma_wait3A_104 = tpu.memref_slice %arg3[%dma_wait3A_102, %dma_wait3A_103] : memref<32x1000000xf32, #tpu.memory_space<hbm>> -> memref<32x256xf32, #tpu.memory_space<hbm>>
          tpu.wait_dma2 semaphore(%arg25 : memref<!tpu.dma_semaphore, #tpu.memory_space<semaphore_mem>>) src(%dma_wait3A_104 : memref<32x256xf32, #tpu.memory_space<hbm>>) dst(%arg11 : memref<32x256xf32, #tpu.memory_space<vmem>>)
          %ge3A = arith.constant 2 : i32
          %ge3A_105 = arith.cmpi sge, %add3A_86, %ge3A : i32
          %convert_element_type3A_106 = arith.extui %ge3A_105 : i1 to i32
          %cond3A_107 = arith.constant 0 : i32
          %cond3A_108 = arith.cmpi ne, %convert_element_type3A_106, %cond3A_107 : i32
          scf.if %cond3A_108 {
            %dma_wait3A_131 = arith.constant 0 : i32
            %dma_wait3A_132 = arith.constant 0 : i32
            %dma_wait3A_133 = tpu.memref_slice %arg10[%dma_wait3A_131, %dma_wait3A_132] : memref<250000x128xf32, #tpu.memory_space<hbm>> -> memref<64x128xf32, #tpu.memory_space<hbm>>
            %dma_wait3A_134 = arith.constant 0 : i32
            %dma_wait3A_135 = arith.constant 0 : i32
            %dma_wait3A_136 = tpu.memref_slice %arg10[%dma_wait3A_134, %dma_wait3A_135] : memref<250000x128xf32, #tpu.memory_space<hbm>> -> memref<64x128xf32, #tpu.memory_space<hbm>>
            tpu.wait_dma2 semaphore(%arg27 : memref<!tpu.dma_semaphore, #tpu.memory_space<semaphore_mem>>) src(%arg13 : memref<64x128xf32, #tpu.memory_space<vmem>>) dst(%dma_wait3A_136 : memref<64x128xf32, #tpu.memory_space<hbm>>)
          } else {
          }
          %scan3A_109 = arith.constant 0 : i32
          %scan3A_110 = arith.constant 0 : i32
          %scan3A_111 = arith.constant 16 : i32
          %scan3A_112 = arith.addi %scan3A_110, %scan3A_111 : i32
          %scan3A_113 = arith.constant 1 : i32
          scf.for %scan3A_131 = %scan3A_110 to %scan3A_112 step %scan3A_113  : i32 {
            %mul3A_132 = arith.constant 4 : i32
            %mul3A_133 = arith.muli %scan3A_131, %mul3A_132 : i32
            %add3A_134 = arith.constant 0 : i32
            %add3A_135 = arith.addi %mul3A_133, %add3A_134 : i32
            %mul3A_136 = arith.constant 4 : i32
            %mul3A_137 = arith.muli %mul3A_136, %add3A_135 : i32
            %add3A_138 = vector.broadcast %mul3A_137 : i32 to vector<16xi32>
            %add3A_139 = arith.addi %rem3A_3, %add3A_138 : vector<16xi32>
            %gather3A = tpu.vector_load_idx %arg11[%add3A_5, %add3A_139] : memref<32x256xf32, #tpu.memory_space<vmem>>[vector<16xi32>, vector<16xi32>], vector<16xf32>,
            %swap3A = arith.index_cast %add3A_135 : i32 to index
            %swap3A_140 = arith.constant 0 : index
            %swap3A_141 = tpu.vector_load %arg13[%swap3A, %swap3A_140] {strides = array<i32>} : memref<64x128xf32, #tpu.memory_space<vmem>>, vector<16xf32>,
            tpu.vector_store %arg13[%swap3A, %swap3A_140], %gather3A {strides = array<i32>} : memref<64x128xf32, #tpu.memory_space<vmem>>, vector<16xf32>,
            %gather3A_142 = tpu.vector_load_idx %arg11[%add3A_8, %add3A_139] : memref<32x256xf32, #tpu.memory_space<vmem>>[vector<16xi32>, vector<16xi32>], vector<16xf32>,
            %swap3A_143 = arith.index_cast %add3A_135 : i32 to index
            %swap3A_144 = arith.constant 16 : index
            %swap3A_145 = tpu.vector_load %arg13[%swap3A_143, %swap3A_144] {strides = array<i32>} : memref<64x128xf32, #tpu.memory_space<vmem>>, vector<16xf32>,
            tpu.vector_store %arg13[%swap3A_143, %swap3A_144], %gather3A_142 {strides = array<i32>} : memref<64x128xf32, #tpu.memory_space<vmem>>, vector<16xf32>,
            %gather3A_146 = tpu.vector_load_idx %arg11[%add3A_11, %add3A_139] : memref<32x256xf32, #tpu.memory_space<vmem>>[vector<16xi32>, vector<16xi32>], vector<16xf32>,
            %swap3A_147 = arith.index_cast %add3A_135 : i32 to index
            %swap3A_148 = arith.constant 32 : index
            %swap3A_149 = tpu.vector_load %arg13[%swap3A_147, %swap3A_148] {strides = array<i32>} : memref<64x128xf32, #tpu.memory_space<vmem>>, vector<16xf32>,
            tpu.vector_store %arg13[%swap3A_147, %swap3A_148], %gather3A_146 {strides = array<i32>} : memref<64x128xf32, #tpu.memory_space<vmem>>, vector<16xf32>,
            %gather3A_150 = tpu.vector_load_idx %arg11[%add3A_14, %add3A_139] : memref<32x256xf32, #tpu.memory_space<vmem>>[vector<16xi32>, vector<16xi32>], vector<16xf32>,
            %swap3A_151 = arith.index_cast %add3A_135 : i32 to index
            %swap3A_152 = arith.constant 48 : index
            %swap3A_153 = tpu.vector_load %arg13[%swap3A_151, %swap3A_152] {strides = array<i32>} : memref<64x128xf32, #tpu.memory_space<vmem>>, vector<16xf32>,
            tpu.vector_store %arg13[%swap3A_151, %swap3A_152], %gather3A_150 {strides = array<i32>} : memref<64x128xf32, #tpu.memory_space<vmem>>, vector<16xf32>,
            %gather3A_154 = tpu.vector_load_idx %arg11[%add3A_17, %add3A_139] : memref<32x256xf32, #tpu.memory_space<vmem>>[vector<16xi32>, vector<16xi32>], vector<16xf32>,
            %swap3A_155 = arith.index_cast %add3A_135 : i32 to index
            %swap3A_156 = arith.constant 64 : index
            %swap3A_157 = tpu.vector_load %arg13[%swap3A_155, %swap3A_156] {strides = array<i32>} : memref<64x128xf32, #tpu.memory_space<vmem>>, vector<16xf32>,
            tpu.vector_store %arg13[%swap3A_155, %swap3A_156], %gather3A_154 {strides = array<i32>} : memref<64x128xf32, #tpu.memory_space<vmem>>, vector<16xf32>,
            %gather3A_158 = tpu.vector_load_idx %arg11[%add3A_20, %add3A_139] : memref<32x256xf32, #tpu.memory_space<vmem>>[vector<16xi32>, vector<16xi32>], vector<16xf32>,
            %swap3A_159 = arith.index_cast %add3A_135 : i32 to index
            %swap3A_160 = arith.constant 80 : index
            %swap3A_161 = tpu.vector_load %arg13[%swap3A_159, %swap3A_160] {strides = array<i32>} : memref<64x128xf32, #tpu.memory_space<vmem>>, vector<16xf32>,
            tpu.vector_store %arg13[%swap3A_159, %swap3A_160], %gather3A_158 {strides = array<i32>} : memref<64x128xf32, #tpu.memory_space<vmem>>, vector<16xf32>,
            %gather3A_162 = tpu.vector_load_idx %arg11[%add3A_23, %add3A_139] : memref<32x256xf32, #tpu.memory_space<vmem>>[vector<16xi32>, vector<16xi32>], vector<16xf32>,
            %swap3A_163 = arith.index_cast %add3A_135 : i32 to index
            %swap3A_164 = arith.constant 96 : index
            %swap3A_165 = tpu.vector_load %arg13[%swap3A_163, %swap3A_164] {strides = array<i32>} : memref<64x128xf32, #tpu.memory_space<vmem>>, vector<16xf32>,
            tpu.vector_store %arg13[%swap3A_163, %swap3A_164], %gather3A_162 {strides = array<i32>} : memref<64x128xf32, #tpu.memory_space<vmem>>, vector<16xf32>,
            %gather3A_166 = tpu.vector_load_idx %arg11[%add3A_26, %add3A_139] : memref<32x256xf32, #tpu.memory_space<vmem>>[vector<16xi32>, vector<16xi32>], vector<16xf32>,
            %swap3A_167 = arith.index_cast %add3A_135 : i32 to index
            %swap3A_168 = arith.constant 112 : index
            %swap3A_169 = tpu.vector_load %arg13[%swap3A_167, %swap3A_168] {strides = array<i32>} : memref<64x128xf32, #tpu.memory_space<vmem>>, vector<16xf32>,
            tpu.vector_store %arg13[%swap3A_167, %swap3A_168], %gather3A_166 {strides = array<i32>} : memref<64x128xf32, #tpu.memory_space<vmem>>, vector<16xf32>,
            %mul3A_170 = arith.constant 4 : i32
            %mul3A_171 = arith.muli %scan3A_131, %mul3A_170 : i32
            %add3A_172 = arith.constant 1 : i32
            %add3A_173 = arith.addi %mul3A_171, %add3A_172 : i32
            %mul3A_174 = arith.constant 4 : i32
            %mul3A_175 = arith.muli %mul3A_174, %add3A_173 : i32
            %add3A_176 = vector.broadcast %mul3A_175 : i32 to vector<16xi32>
            %add3A_177 = arith.addi %rem3A_3, %add3A_176 : vector<16xi32>
            %gather3A_178 = tpu.vector_load_idx %arg11[%add3A_5, %add3A_177] : memref<32x256xf32, #tpu.memory_space<vmem>>[vector<16xi32>, vector<16xi32>], vector<16xf32>,
            %swap3A_179 = arith.index_cast %add3A_173 : i32 to index
            %swap3A_180 = arith.constant 0 : index
            %swap3A_181 = tpu.vector_load %arg13[%swap3A_179, %swap3A_180] {strides = array<i32>} : memref<64x128xf32, #tpu.memory_space<vmem>>, vector<16xf32>,
            tpu.vector_store %arg13[%swap3A_179, %swap3A_180], %gather3A_178 {strides = array<i32>} : memref<64x128xf32, #tpu.memory_space<vmem>>, vector<16xf32>,
            %gather3A_182 = tpu.vector_load_idx %arg11[%add3A_8, %add3A_177] : memref<32x256xf32, #tpu.memory_space<vmem>>[vector<16xi32>, vector<16xi32>], vector<16xf32>,
            %swap3A_183 = arith.index_cast %add3A_173 : i32 to index
            %swap3A_184 = arith.constant 16 : index
            %swap3A_185 = tpu.vector_load %arg13[%swap3A_183, %swap3A_184] {strides = array<i32>} : memref<64x128xf32, #tpu.memory_space<vmem>>, vector<16xf32>,
            tpu.vector_store %arg13[%swap3A_183, %swap3A_184], %gather3A_182 {strides = array<i32>} : memref<64x128xf32, #tpu.memory_space<vmem>>, vector<16xf32>,
            %gather3A_186 = tpu.vector_load_idx %arg11[%add3A_11, %add3A_177] : memref<32x256xf32, #tpu.memory_space<vmem>>[vector<16xi32>, vector<16xi32>], vector<16xf32>,
            %swap3A_187 = arith.index_cast %add3A_173 : i32 to index
            %swap3A_188 = arith.constant 32 : index
            %swap3A_189 = tpu.vector_load %arg13[%swap3A_187, %swap3A_188] {strides = array<i32>} : memref<64x128xf32, #tpu.memory_space<vmem>>, vector<16xf32>,
            tpu.vector_store %arg13[%swap3A_187, %swap3A_188], %gather3A_186 {strides = array<i32>} : memref<64x128xf32, #tpu.memory_space<vmem>>, vector<16xf32>,
            %gather3A_190 = tpu.vector_load_idx %arg11[%add3A_14, %add3A_177] : memref<32x256xf32, #tpu.memory_space<vmem>>[vector<16xi32>, vector<16xi32>], vector<16xf32>,
            %swap3A_191 = arith.index_cast %add3A_173 : i32 to index
            %swap3A_192 = arith.constant 48 : index
            %swap3A_193 = tpu.vector_load %arg13[%swap3A_191, %swap3A_192] {strides = array<i32>} : memref<64x128xf32, #tpu.memory_space<vmem>>, vector<16xf32>,
            tpu.vector_store %arg13[%swap3A_191, %swap3A_192], %gather3A_190 {strides = array<i32>} : memref<64x128xf32, #tpu.memory_space<vmem>>, vector<16xf32>,
            %gather3A_194 = tpu.vector_load_idx %arg11[%add3A_17, %add3A_177] : memref<32x256xf32, #tpu.memory_space<vmem>>[vector<16xi32>, vector<16xi32>], vector<16xf32>,
            %swap3A_195 = arith.index_cast %add3A_173 : i32 to index
            %swap3A_196 = arith.constant 64 : index
            %swap3A_197 = tpu.vector_load %arg13[%swap3A_195, %swap3A_196] {strides = array<i32>} : memref<64x128xf32, #tpu.memory_space<vmem>>, vector<16xf32>,
            tpu.vector_store %arg13[%swap3A_195, %swap3A_196], %gather3A_194 {strides = array<i32>} : memref<64x128xf32, #tpu.memory_space<vmem>>, vector<16xf32>,
            %gather3A_198 = tpu.vector_load_idx %arg11[%add3A_20, %add3A_177] : memref<32x256xf32, #tpu.memory_space<vmem>>[vector<16xi32>, vector<16xi32>], vector<16xf32>,
            %swap3A_199 = arith.index_cast %add3A_173 : i32 to index
            %swap3A_200 = arith.constant 80 : index
            %swap3A_201 = tpu.vector_load %arg13[%swap3A_199, %swap3A_200] {strides = array<i32>} : memref<64x128xf32, #tpu.memory_space<vmem>>, vector<16xf32>,
            tpu.vector_store %arg13[%swap3A_199, %swap3A_200], %gather3A_198 {strides = array<i32>} : memref<64x128xf32, #tpu.memory_space<vmem>>, vector<16xf32>,
            %gather3A_202 = tpu.vector_load_idx %arg11[%add3A_23, %add3A_177] : memref<32x256xf32, #tpu.memory_space<vmem>>[vector<16xi32>, vector<16xi32>], vector<16xf32>,
            %swap3A_203 = arith.index_cast %add3A_173 : i32 to index
            %swap3A_204 = arith.constant 96 : index
            %swap3A_205 = tpu.vector_load %arg13[%swap3A_203, %swap3A_204] {strides = array<i32>} : memref<64x128xf32, #tpu.memory_space<vmem>>, vector<16xf32>,
            tpu.vector_store %arg13[%swap3A_203, %swap3A_204], %gather3A_202 {strides = array<i32>} : memref<64x128xf32, #tpu.memory_space<vmem>>, vector<16xf32>,
            %gather3A_206 = tpu.vector_load_idx %arg11[%add3A_26, %add3A_177] : memref<32x256xf32, #tpu.memory_space<vmem>>[vector<16xi32>, vector<16xi32>], vector<16xf32>,
            %swap3A_207 = arith.index_cast %add3A_173 : i32 to index
            %swap3A_208 = arith.constant 112 : index
            %swap3A_209 = tpu.vector_load %arg13[%swap3A_207, %swap3A_208] {strides = array<i32>} : memref<64x128xf32, #tpu.memory_space<vmem>>, vector<16xf32>,
            tpu.vector_store %arg13[%swap3A_207, %swap3A_208], %gather3A_206 {strides = array<i32>} : memref<64x128xf32, #tpu.memory_space<vmem>>, vector<16xf32>,
            %mul3A_210 = arith.constant 4 : i32
            %mul3A_211 = arith.muli %scan3A_131, %mul3A_210 : i32
            %add3A_212 = arith.constant 2 : i32
            %add3A_213 = arith.addi %mul3A_211, %add3A_212 : i32
            %mul3A_214 = arith.constant 4 : i32
            %mul3A_215 = arith.muli %mul3A_214, %add3A_213 : i32
            %add3A_216 = vector.broadcast %mul3A_215 : i32 to vector<16xi32>
            %add3A_217 = arith.addi %rem3A_3, %add3A_216 : vector<16xi32>
            %gather3A_218 = tpu.vector_load_idx %arg11[%add3A_5, %add3A_217] : memref<32x256xf32, #tpu.memory_space<vmem>>[vector<16xi32>, vector<16xi32>], vector<16xf32>,
            %swap3A_219 = arith.index_cast %add3A_213 : i32 to index
            %swap3A_220 = arith.constant 0 : index
            %swap3A_221 = tpu.vector_load %arg13[%swap3A_219, %swap3A_220] {strides = array<i32>} : memref<64x128xf32, #tpu.memory_space<vmem>>, vector<16xf32>,
            tpu.vector_store %arg13[%swap3A_219, %swap3A_220], %gather3A_218 {strides = array<i32>} : memref<64x128xf32, #tpu.memory_space<vmem>>, vector<16xf32>,
            %gather3A_222 = tpu.vector_load_idx %arg11[%add3A_8, %add3A_217] : memref<32x256xf32, #tpu.memory_space<vmem>>[vector<16xi32>, vector<16xi32>], vector<16xf32>,
            %swap3A_223 = arith.index_cast %add3A_213 : i32 to index
            %swap3A_224 = arith.constant 16 : index
            %swap3A_225 = tpu.vector_load %arg13[%swap3A_223, %swap3A_224] {strides = array<i32>} : memref<64x128xf32, #tpu.memory_space<vmem>>, vector<16xf32>,
            tpu.vector_store %arg13[%swap3A_223, %swap3A_224], %gather3A_222 {strides = array<i32>} : memref<64x128xf32, #tpu.memory_space<vmem>>, vector<16xf32>,
            %gather3A_226 = tpu.vector_load_idx %arg11[%add3A_11, %add3A_217] : memref<32x256xf32, #tpu.memory_space<vmem>>[vector<16xi32>, vector<16xi32>], vector<16xf32>,
            %swap3A_227 = arith.index_cast %add3A_213 : i32 to index
            %swap3A_228 = arith.constant 32 : index
            %swap3A_229 = tpu.vector_load %arg13[%swap3A_227, %swap3A_228] {strides = array<i32>} : memref<64x128xf32, #tpu.memory_space<vmem>>, vector<16xf32>,
            tpu.vector_store %arg13[%swap3A_227, %swap3A_228], %gather3A_226 {strides = array<i32>} : memref<64x128xf32, #tpu.memory_space<vmem>>, vector<16xf32>,
            %gather3A_230 = tpu.vector_load_idx %arg11[%add3A_14, %add3A_217] : memref<32x256xf32, #tpu.memory_space<vmem>>[vector<16xi32>, vector<16xi32>], vector<16xf32>,
            %swap3A_231 = arith.index_cast %add3A_213 : i32 to index
            %swap3A_232 = arith.constant 48 : index
            %swap3A_233 = tpu.vector_load %arg13[%swap3A_231, %swap3A_232] {strides = array<i32>} : memref<64x128xf32, #tpu.memory_space<vmem>>, vector<16xf32>,
            tpu.vector_store %arg13[%swap3A_231, %swap3A_232], %gather3A_230 {strides = array<i32>} : memref<64x128xf32, #tpu.memory_space<vmem>>, vector<16xf32>,
            %gather3A_234 = tpu.vector_load_idx %arg11[%add3A_17, %add3A_217] : memref<32x256xf32, #tpu.memory_space<vmem>>[vector<16xi32>, vector<16xi32>], vector<16xf32>,
            %swap3A_235 = arith.index_cast %add3A_213 : i32 to index
            %swap3A_236 = arith.constant 64 : index
            %swap3A_237 = tpu.vector_load %arg13[%swap3A_235, %swap3A_236] {strides = array<i32>} : memref<64x128xf32, #tpu.memory_space<vmem>>, vector<16xf32>,
            tpu.vector_store %arg13[%swap3A_235, %swap3A_236], %gather3A_234 {strides = array<i32>} : memref<64x128xf32, #tpu.memory_space<vmem>>, vector<16xf32>,
            %gather3A_238 = tpu.vector_load_idx %arg11[%add3A_20, %add3A_217] : memref<32x256xf32, #tpu.memory_space<vmem>>[vector<16xi32>, vector<16xi32>], vector<16xf32>,
            %swap3A_239 = arith.index_cast %add3A_213 : i32 to index
            %swap3A_240 = arith.constant 80 : index
            %swap3A_241 = tpu.vector_load %arg13[%swap3A_239, %swap3A_240] {strides = array<i32>} : memref<64x128xf32, #tpu.memory_space<vmem>>, vector<16xf32>,
            tpu.vector_store %arg13[%swap3A_239, %swap3A_240], %gather3A_238 {strides = array<i32>} : memref<64x128xf32, #tpu.memory_space<vmem>>, vector<16xf32>,
            %gather3A_242 = tpu.vector_load_idx %arg11[%add3A_23, %add3A_217] : memref<32x256xf32, #tpu.memory_space<vmem>>[vector<16xi32>, vector<16xi32>], vector<16xf32>,
            %swap3A_243 = arith.index_cast %add3A_213 : i32 to index
            %swap3A_244 = arith.constant 96 : index
            %swap3A_245 = tpu.vector_load %arg13[%swap3A_243, %swap3A_244] {strides = array<i32>} : memref<64x128xf32, #tpu.memory_space<vmem>>, vector<16xf32>,
            tpu.vector_store %arg13[%swap3A_243, %swap3A_244], %gather3A_242 {strides = array<i32>} : memref<64x128xf32, #tpu.memory_space<vmem>>, vector<16xf32>,
            %gather3A_246 = tpu.vector_load_idx %arg11[%add3A_26, %add3A_217] : memref<32x256xf32, #tpu.memory_space<vmem>>[vector<16xi32>, vector<16xi32>], vector<16xf32>,
            %swap3A_247 = arith.index_cast %add3A_213 : i32 to index
            %swap3A_248 = arith.constant 112 : index
            %swap3A_249 = tpu.vector_load %arg13[%swap3A_247, %swap3A_248] {strides = array<i32>} : memref<64x128xf32, #tpu.memory_space<vmem>>, vector<16xf32>,
            tpu.vector_store %arg13[%swap3A_247, %swap3A_248], %gather3A_246 {strides = array<i32>} : memref<64x128xf32, #tpu.memory_space<vmem>>, vector<16xf32>,
            %mul3A_250 = arith.constant 4 : i32
            %mul3A_251 = arith.muli %scan3A_131, %mul3A_250 : i32
            %add3A_252 = arith.constant 3 : i32
            %add3A_253 = arith.addi %mul3A_251, %add3A_252 : i32
            %mul3A_254 = arith.constant 4 : i32
            %mul3A_255 = arith.muli %mul3A_254, %add3A_253 : i32
            %add3A_256 = vector.broadcast %mul3A_255 : i32 to vector<16xi32>
            %add3A_257 = arith.addi %rem3A_3, %add3A_256 : vector<16xi32>
            %gather3A_258 = tpu.vector_load_idx %arg11[%add3A_5, %add3A_257] : memref<32x256xf32, #tpu.memory_space<vmem>>[vector<16xi32>, vector<16xi32>], vector<16xf32>,
            %swap3A_259 = arith.index_cast %add3A_253 : i32 to index
            %swap3A_260 = arith.constant 0 : index
            %swap3A_261 = tpu.vector_load %arg13[%swap3A_259, %swap3A_260] {strides = array<i32>} : memref<64x128xf32, #tpu.memory_space<vmem>>, vector<16xf32>,
            tpu.vector_store %arg13[%swap3A_259, %swap3A_260], %gather3A_258 {strides = array<i32>} : memref<64x128xf32, #tpu.memory_space<vmem>>, vector<16xf32>,
            %gather3A_262 = tpu.vector_load_idx %arg11[%add3A_8, %add3A_257] : memref<32x256xf32, #tpu.memory_space<vmem>>[vector<16xi32>, vector<16xi32>], vector<16xf32>,
            %swap3A_263 = arith.index_cast %add3A_253 : i32 to index
            %swap3A_264 = arith.constant 16 : index
            %swap3A_265 = tpu.vector_load %arg13[%swap3A_263, %swap3A_264] {strides = array<i32>} : memref<64x128xf32, #tpu.memory_space<vmem>>, vector<16xf32>,
            tpu.vector_store %arg13[%swap3A_263, %swap3A_264], %gather3A_262 {strides = array<i32>} : memref<64x128xf32, #tpu.memory_space<vmem>>, vector<16xf32>,
            %gather3A_266 = tpu.vector_load_idx %arg11[%add3A_11, %add3A_257] : memref<32x256xf32, #tpu.memory_space<vmem>>[vector<16xi32>, vector<16xi32>], vector<16xf32>,
            %swap3A_267 = arith.index_cast %add3A_253 : i32 to index
            %swap3A_268 = arith.constant 32 : index
            %swap3A_269 = tpu.vector_load %arg13[%swap3A_267, %swap3A_268] {strides = array<i32>} : memref<64x128xf32, #tpu.memory_space<vmem>>, vector<16xf32>,
            tpu.vector_store %arg13[%swap3A_267, %swap3A_268], %gather3A_266 {strides = array<i32>} : memref<64x128xf32, #tpu.memory_space<vmem>>, vector<16xf32>,
            %gather3A_270 = tpu.vector_load_idx %arg11[%add3A_14, %add3A_257] : memref<32x256xf32, #tpu.memory_space<vmem>>[vector<16xi32>, vector<16xi32>], vector<16xf32>,
            %swap3A_271 = arith.index_cast %add3A_253 : i32 to index
            %swap3A_272 = arith.constant 48 : index
            %swap3A_273 = tpu.vector_load %arg13[%swap3A_271, %swap3A_272] {strides = array<i32>} : memref<64x128xf32, #tpu.memory_space<vmem>>, vector<16xf32>,
            tpu.vector_store %arg13[%swap3A_271, %swap3A_272], %gather3A_270 {strides = array<i32>} : memref<64x128xf32, #tpu.memory_space<vmem>>, vector<16xf32>,
            %gather3A_274 = tpu.vector_load_idx %arg11[%add3A_17, %add3A_257] : memref<32x256xf32, #tpu.memory_space<vmem>>[vector<16xi32>, vector<16xi32>], vector<16xf32>,
            %swap3A_275 = arith.index_cast %add3A_253 : i32 to index
            %swap3A_276 = arith.constant 64 : index
            %swap3A_277 = tpu.vector_load %arg13[%swap3A_275, %swap3A_276] {strides = array<i32>} : memref<64x128xf32, #tpu.memory_space<vmem>>, vector<16xf32>,
            tpu.vector_store %arg13[%swap3A_275, %swap3A_276], %gather3A_274 {strides = array<i32>} : memref<64x128xf32, #tpu.memory_space<vmem>>, vector<16xf32>,
            %gather3A_278 = tpu.vector_load_idx %arg11[%add3A_20, %add3A_257] : memref<32x256xf32, #tpu.memory_space<vmem>>[vector<16xi32>, vector<16xi32>], vector<16xf32>,
            %swap3A_279 = arith.index_cast %add3A_253 : i32 to index
            %swap3A_280 = arith.constant 80 : index
            %swap3A_281 = tpu.vector_load %arg13[%swap3A_279, %swap3A_280] {strides = array<i32>} : memref<64x128xf32, #tpu.memory_space<vmem>>, vector<16xf32>,
            tpu.vector_store %arg13[%swap3A_279, %swap3A_280], %gather3A_278 {strides = array<i32>} : memref<64x128xf32, #tpu.memory_space<vmem>>, vector<16xf32>,
            %gather3A_282 = tpu.vector_load_idx %arg11[%add3A_23, %add3A_257] : memref<32x256xf32, #tpu.memory_space<vmem>>[vector<16xi32>, vector<16xi32>], vector<16xf32>,
            %swap3A_283 = arith.index_cast %add3A_253 : i32 to index
            %swap3A_284 = arith.constant 96 : index
            %swap3A_285 = tpu.vector_load %arg13[%swap3A_283, %swap3A_284] {strides = array<i32>} : memref<64x128xf32, #tpu.memory_space<vmem>>, vector<16xf32>,
            tpu.vector_store %arg13[%swap3A_283, %swap3A_284], %gather3A_282 {strides = array<i32>} : memref<64x128xf32, #tpu.memory_space<vmem>>, vector<16xf32>,
            %gather3A_286 = tpu.vector_load_idx %arg11[%add3A_26, %add3A_257] : memref<32x256xf32, #tpu.memory_space<vmem>>[vector<16xi32>, vector<16xi32>], vector<16xf32>,
            %swap3A_287 = arith.index_cast %add3A_253 : i32 to index
            %swap3A_288 = arith.constant 112 : index
            %swap3A_289 = tpu.vector_load %arg13[%swap3A_287, %swap3A_288] {strides = array<i32>} : memref<64x128xf32, #tpu.memory_space<vmem>>, vector<16xf32>,
            tpu.vector_store %arg13[%swap3A_287, %swap3A_288], %gather3A_286 {strides = array<i32>} : memref<64x128xf32, #tpu.memory_space<vmem>>, vector<16xf32>,
          }
          %scan3A_114 = arith.constant 16 : i32
          %mul3A_115 = arith.constant 16 : i32
          %mul3A_116 = arith.muli %mul3A_115, %add3A_86 : i32
          %add3A_117 = arith.addi %arg1, %mul3A_116 : i32
          %mul3A_118 = arith.constant 64 : i32
          %mul3A_119 = arith.muli %add3A_117, %mul3A_118 : i32
          %multiple_of3A_120 = tpu.assume_multiple %mul3A_119, 64 : i32
          %dma_start3A_121 = arith.constant 0 : i32
          %dma_start3A_122 = tpu.memref_slice %arg10[%multiple_of3A_120, %dma_start3A_121] : memref<250000x128xf32, #tpu.memory_space<hbm>> -> memref<64x128xf32, #tpu.memory_space<hbm>>
          %dma_start3A_123 = arith.constant 0 : i32
          %dma_start3A_124 = tpu.memref_slice %arg10[%multiple_of3A_120, %dma_start3A_123] : memref<250000x128xf32, #tpu.memory_space<hbm>> -> memref<64x128xf32, #tpu.memory_space<hbm>>
          tpu.enqueue_dma source(%arg13 : memref<64x128xf32, #tpu.memory_space<vmem>>) target(%dma_start3A_124 : memref<64x128xf32, #tpu.memory_space<hbm>>) target_semaphore(%arg27 : memref<!tpu.dma_semaphore, #tpu.memory_space<semaphore_mem>>)
          %add3A_125 = arith.constant 2 : i32
          %add3A_126 = arith.addi %add3A_86, %add3A_125 : i32
          %lt3A_127 = arith.cmpi slt, %add3A_126, %select_n3A : i32
          %convert_element_type3A_128 = arith.extui %lt3A_127 : i1 to i32
          %cond3A_129 = arith.constant 0 : i32
          %cond3A_130 = arith.cmpi ne, %convert_element_type3A_128, %cond3A_129 : i32
          scf.if %cond3A_130 {
            %add3A_131 = arith.constant 2 : i32
            %add3A_132 = arith.addi %add3A_86, %add3A_131 : i32
            %mul3A_133 = arith.constant 16 : i32
            %mul3A_134 = arith.muli %mul3A_133, %add3A_132 : i32
            %add3A_135 = arith.addi %arg1, %mul3A_134 : i32
            %mul3A_136 = arith.constant 256 : i32
            %mul3A_137 = arith.muli %add3A_135, %mul3A_136 : i32
            %multiple_of3A_138 = tpu.assume_multiple %mul3A_137, 256 : i32
            %dma_start3A_139 = arith.constant 0 : i32
            %dma_start3A_140 = tpu.memref_slice %arg3[%dma_start3A_139, %multiple_of3A_138] : memref<32x1000000xf32, #tpu.memory_space<hbm>> -> memref<32x256xf32, #tpu.memory_space<hbm>>
            %dma_start3A_141 = arith.constant 0 : i32
            %dma_start3A_142 = tpu.memref_slice %arg3[%dma_start3A_141, %multiple_of3A_138] : memref<32x1000000xf32, #tpu.memory_space<hbm>> -> memref<32x256xf32, #tpu.memory_space<hbm>>
            tpu.enqueue_dma source(%dma_start3A_142 : memref<32x256xf32, #tpu.memory_space<hbm>>) target(%arg11 : memref<32x256xf32, #tpu.memory_space<vmem>>) target_semaphore(%arg25 : memref<!tpu.dma_semaphore, #tpu.memory_space<semaphore_mem>>)
          } else {
          }
        } else {
        }
        %mul3A_91 = arith.constant 2 : i32
        %mul3A_92 = arith.muli %mul3A_91, %scan3A_82 : i32
        %add3A_93 = arith.constant 1 : i32
        %add3A_94 = arith.addi %mul3A_92, %add3A_93 : i32
        %lt3A_95 = arith.cmpi slt, %add3A_94, %select_n3A : i32
        %convert_element_type3A_96 = arith.extui %lt3A_95 : i1 to i32
        %cond3A_97 = arith.constant 0 : i32
        %cond3A_98 = arith.cmpi ne, %convert_element_type3A_96, %cond3A_97 : i32
        scf.if %cond3A_98 {
          %dma_wait3A_99 = arith.constant 0 : i32
          %dma_wait3A_100 = arith.constant 0 : i32
          %dma_wait3A_101 = tpu.memref_slice %arg3[%dma_wait3A_99, %dma_wait3A_100] : memref<32x1000000xf32, #tpu.memory_space<hbm>> -> memref<32x256xf32, #tpu.memory_space<hbm>>
          %dma_wait3A_102 = arith.constant 0 : i32
          %dma_wait3A_103 = arith.constant 0 : i32
          %dma_wait3A_104 = tpu.memref_slice %arg3[%dma_wait3A_102, %dma_wait3A_103] : memref<32x1000000xf32, #tpu.memory_space<hbm>> -> memref<32x256xf32, #tpu.memory_space<hbm>>
          tpu.wait_dma2 semaphore(%arg26 : memref<!tpu.dma_semaphore, #tpu.memory_space<semaphore_mem>>) src(%dma_wait3A_104 : memref<32x256xf32, #tpu.memory_space<hbm>>) dst(%arg12 : memref<32x256xf32, #tpu.memory_space<vmem>>)
          %ge3A = arith.constant 2 : i32
          %ge3A_105 = arith.cmpi sge, %add3A_94, %ge3A : i32
          %convert_element_type3A_106 = arith.extui %ge3A_105 : i1 to i32
          %cond3A_107 = arith.constant 0 : i32
          %cond3A_108 = arith.cmpi ne, %convert_element_type3A_106, %cond3A_107 : i32
          scf.if %cond3A_108 {
            %dma_wait3A_131 = arith.constant 0 : i32
            %dma_wait3A_132 = arith.constant 0 : i32
            %dma_wait3A_133 = tpu.memref_slice %arg10[%dma_wait3A_131, %dma_wait3A_132] : memref<250000x128xf32, #tpu.memory_space<hbm>> -> memref<64x128xf32, #tpu.memory_space<hbm>>
            %dma_wait3A_134 = arith.constant 0 : i32
            %dma_wait3A_135 = arith.constant 0 : i32
            %dma_wait3A_136 = tpu.memref_slice %arg10[%dma_wait3A_134, %dma_wait3A_135] : memref<250000x128xf32, #tpu.memory_space<hbm>> -> memref<64x128xf32, #tpu.memory_space<hbm>>
            tpu.wait_dma2 semaphore(%arg28 : memref<!tpu.dma_semaphore, #tpu.memory_space<semaphore_mem>>) src(%arg14 : memref<64x128xf32, #tpu.memory_space<vmem>>) dst(%dma_wait3A_136 : memref<64x128xf32, #tpu.memory_space<hbm>>)
          } else {
          }
          %scan3A_109 = arith.constant 0 : i32
          %scan3A_110 = arith.constant 0 : i32
          %scan3A_111 = arith.constant 16 : i32
          %scan3A_112 = arith.addi %scan3A_110, %scan3A_111 : i32
          %scan3A_113 = arith.constant 1 : i32
          scf.for %scan3A_131 = %scan3A_110 to %scan3A_112 step %scan3A_113  : i32 {
            %mul3A_132 = arith.constant 4 : i32
            %mul3A_133 = arith.muli %scan3A_131, %mul3A_132 : i32
            %add3A_134 = arith.constant 0 : i32
            %add3A_135 = arith.addi %mul3A_133, %add3A_134 : i32
            %mul3A_136 = arith.constant 4 : i32
            %mul3A_137 = arith.muli %mul3A_136, %add3A_135 : i32
            %add3A_138 = vector.broadcast %mul3A_137 : i32 to vector<16xi32>
            %add3A_139 = arith.addi %rem3A_3, %add3A_138 : vector<16xi32>
            %gather3A = tpu.vector_load_idx %arg12[%add3A_5, %add3A_139] : memref<32x256xf32, #tpu.memory_space<vmem>>[vector<16xi32>, vector<16xi32>], vector<16xf32>,
            %swap3A = arith.index_cast %add3A_135 : i32 to index
            %swap3A_140 = arith.constant 0 : index
            %swap3A_141 = tpu.vector_load %arg14[%swap3A, %swap3A_140] {strides = array<i32>} : memref<64x128xf32, #tpu.memory_space<vmem>>, vector<16xf32>,
            tpu.vector_store %arg14[%swap3A, %swap3A_140], %gather3A {strides = array<i32>} : memref<64x128xf32, #tpu.memory_space<vmem>>, vector<16xf32>,
            %gather3A_142 = tpu.vector_load_idx %arg12[%add3A_8, %add3A_139] : memref<32x256xf32, #tpu.memory_space<vmem>>[vector<16xi32>, vector<16xi32>], vector<16xf32>,
            %swap3A_143 = arith.index_cast %add3A_135 : i32 to index
            %swap3A_144 = arith.constant 16 : index
            %swap3A_145 = tpu.vector_load %arg14[%swap3A_143, %swap3A_144] {strides = array<i32>} : memref<64x128xf32, #tpu.memory_space<vmem>>, vector<16xf32>,
            tpu.vector_store %arg14[%swap3A_143, %swap3A_144], %gather3A_142 {strides = array<i32>} : memref<64x128xf32, #tpu.memory_space<vmem>>, vector<16xf32>,
            %gather3A_146 = tpu.vector_load_idx %arg12[%add3A_11, %add3A_139] : memref<32x256xf32, #tpu.memory_space<vmem>>[vector<16xi32>, vector<16xi32>], vector<16xf32>,
            %swap3A_147 = arith.index_cast %add3A_135 : i32 to index
            %swap3A_148 = arith.constant 32 : index
            %swap3A_149 = tpu.vector_load %arg14[%swap3A_147, %swap3A_148] {strides = array<i32>} : memref<64x128xf32, #tpu.memory_space<vmem>>, vector<16xf32>,
            tpu.vector_store %arg14[%swap3A_147, %swap3A_148], %gather3A_146 {strides = array<i32>} : memref<64x128xf32, #tpu.memory_space<vmem>>, vector<16xf32>,
            %gather3A_150 = tpu.vector_load_idx %arg12[%add3A_14, %add3A_139] : memref<32x256xf32, #tpu.memory_space<vmem>>[vector<16xi32>, vector<16xi32>], vector<16xf32>,
            %swap3A_151 = arith.index_cast %add3A_135 : i32 to index
            %swap3A_152 = arith.constant 48 : index
            %swap3A_153 = tpu.vector_load %arg14[%swap3A_151, %swap3A_152] {strides = array<i32>} : memref<64x128xf32, #tpu.memory_space<vmem>>, vector<16xf32>,
            tpu.vector_store %arg14[%swap3A_151, %swap3A_152], %gather3A_150 {strides = array<i32>} : memref<64x128xf32, #tpu.memory_space<vmem>>, vector<16xf32>,
            %gather3A_154 = tpu.vector_load_idx %arg12[%add3A_17, %add3A_139] : memref<32x256xf32, #tpu.memory_space<vmem>>[vector<16xi32>, vector<16xi32>], vector<16xf32>,
            %swap3A_155 = arith.index_cast %add3A_135 : i32 to index
            %swap3A_156 = arith.constant 64 : index
            %swap3A_157 = tpu.vector_load %arg14[%swap3A_155, %swap3A_156] {strides = array<i32>} : memref<64x128xf32, #tpu.memory_space<vmem>>, vector<16xf32>,
            tpu.vector_store %arg14[%swap3A_155, %swap3A_156], %gather3A_154 {strides = array<i32>} : memref<64x128xf32, #tpu.memory_space<vmem>>, vector<16xf32>,
            %gather3A_158 = tpu.vector_load_idx %arg12[%add3A_20, %add3A_139] : memref<32x256xf32, #tpu.memory_space<vmem>>[vector<16xi32>, vector<16xi32>], vector<16xf32>,
            %swap3A_159 = arith.index_cast %add3A_135 : i32 to index
            %swap3A_160 = arith.constant 80 : index
            %swap3A_161 = tpu.vector_load %arg14[%swap3A_159, %swap3A_160] {strides = array<i32>} : memref<64x128xf32, #tpu.memory_space<vmem>>, vector<16xf32>,
            tpu.vector_store %arg14[%swap3A_159, %swap3A_160], %gather3A_158 {strides = array<i32>} : memref<64x128xf32, #tpu.memory_space<vmem>>, vector<16xf32>,
            %gather3A_162 = tpu.vector_load_idx %arg12[%add3A_23, %add3A_139] : memref<32x256xf32, #tpu.memory_space<vmem>>[vector<16xi32>, vector<16xi32>], vector<16xf32>,
            %swap3A_163 = arith.index_cast %add3A_135 : i32 to index
            %swap3A_164 = arith.constant 96 : index
            %swap3A_165 = tpu.vector_load %arg14[%swap3A_163, %swap3A_164] {strides = array<i32>} : memref<64x128xf32, #tpu.memory_space<vmem>>, vector<16xf32>,
            tpu.vector_store %arg14[%swap3A_163, %swap3A_164], %gather3A_162 {strides = array<i32>} : memref<64x128xf32, #tpu.memory_space<vmem>>, vector<16xf32>,
            %gather3A_166 = tpu.vector_load_idx %arg12[%add3A_26, %add3A_139] : memref<32x256xf32, #tpu.memory_space<vmem>>[vector<16xi32>, vector<16xi32>], vector<16xf32>,
            %swap3A_167 = arith.index_cast %add3A_135 : i32 to index
            %swap3A_168 = arith.constant 112 : index
            %swap3A_169 = tpu.vector_load %arg14[%swap3A_167, %swap3A_168] {strides = array<i32>} : memref<64x128xf32, #tpu.memory_space<vmem>>, vector<16xf32>,
            tpu.vector_store %arg14[%swap3A_167, %swap3A_168], %gather3A_166 {strides = array<i32>} : memref<64x128xf32, #tpu.memory_space<vmem>>, vector<16xf32>,
            %mul3A_170 = arith.constant 4 : i32
            %mul3A_171 = arith.muli %scan3A_131, %mul3A_170 : i32
            %add3A_172 = arith.constant 1 : i32
            %add3A_173 = arith.addi %mul3A_171, %add3A_172 : i32
            %mul3A_174 = arith.constant 4 : i32
            %mul3A_175 = arith.muli %mul3A_174, %add3A_173 : i32
            %add3A_176 = vector.broadcast %mul3A_175 : i32 to vector<16xi32>
            %add3A_177 = arith.addi %rem3A_3, %add3A_176 : vector<16xi32>
            %gather3A_178 = tpu.vector_load_idx %arg12[%add3A_5, %add3A_177] : memref<32x256xf32, #tpu.memory_space<vmem>>[vector<16xi32>, vector<16xi32>], vector<16xf32>,
            %swap3A_179 = arith.index_cast %add3A_173 : i32 to index
            %swap3A_180 = arith.constant 0 : index
            %swap3A_181 = tpu.vector_load %arg14[%swap3A_179, %swap3A_180] {strides = array<i32>} : memref<64x128xf32, #tpu.memory_space<vmem>>, vector<16xf32>,
            tpu.vector_store %arg14[%swap3A_179, %swap3A_180], %gather3A_178 {strides = array<i32>} : memref<64x128xf32, #tpu.memory_space<vmem>>, vector<16xf32>,
            %gather3A_182 = tpu.vector_load_idx %arg12[%add3A_8, %add3A_177] : memref<32x256xf32, #tpu.memory_space<vmem>>[vector<16xi32>, vector<16xi32>], vector<16xf32>,
            %swap3A_183 = arith.index_cast %add3A_173 : i32 to index
            %swap3A_184 = arith.constant 16 : index
            %swap3A_185 = tpu.vector_load %arg14[%swap3A_183, %swap3A_184] {strides = array<i32>} : memref<64x128xf32, #tpu.memory_space<vmem>>, vector<16xf32>,
            tpu.vector_store %arg14[%swap3A_183, %swap3A_184], %gather3A_182 {strides = array<i32>} : memref<64x128xf32, #tpu.memory_space<vmem>>, vector<16xf32>,
            %gather3A_186 = tpu.vector_load_idx %arg12[%add3A_11, %add3A_177] : memref<32x256xf32, #tpu.memory_space<vmem>>[vector<16xi32>, vector<16xi32>], vector<16xf32>,
            %swap3A_187 = arith.index_cast %add3A_173 : i32 to index
            %swap3A_188 = arith.constant 32 : index
            %swap3A_189 = tpu.vector_load %arg14[%swap3A_187, %swap3A_188] {strides = array<i32>} : memref<64x128xf32, #tpu.memory_space<vmem>>, vector<16xf32>,
            tpu.vector_store %arg14[%swap3A_187, %swap3A_188], %gather3A_186 {strides = array<i32>} : memref<64x128xf32, #tpu.memory_space<vmem>>, vector<16xf32>,
            %gather3A_190 = tpu.vector_load_idx %arg12[%add3A_14, %add3A_177] : memref<32x256xf32, #tpu.memory_space<vmem>>[vector<16xi32>, vector<16xi32>], vector<16xf32>,
            %swap3A_191 = arith.index_cast %add3A_173 : i32 to index
            %swap3A_192 = arith.constant 48 : index
            %swap3A_193 = tpu.vector_load %arg14[%swap3A_191, %swap3A_192] {strides = array<i32>} : memref<64x128xf32, #tpu.memory_space<vmem>>, vector<16xf32>,
            tpu.vector_store %arg14[%swap3A_191, %swap3A_192], %gather3A_190 {strides = array<i32>} : memref<64x128xf32, #tpu.memory_space<vmem>>, vector<16xf32>,
            %gather3A_194 = tpu.vector_load_idx %arg12[%add3A_17, %add3A_177] : memref<32x256xf32, #tpu.memory_space<vmem>>[vector<16xi32>, vector<16xi32>], vector<16xf32>,
            %swap3A_195 = arith.index_cast %add3A_173 : i32 to index
            %swap3A_196 = arith.constant 64 : index
            %swap3A_197 = tpu.vector_load %arg14[%swap3A_195, %swap3A_196] {strides = array<i32>} : memref<64x128xf32, #tpu.memory_space<vmem>>, vector<16xf32>,
            tpu.vector_store %arg14[%swap3A_195, %swap3A_196], %gather3A_194 {strides = array<i32>} : memref<64x128xf32, #tpu.memory_space<vmem>>, vector<16xf32>,
            %gather3A_198 = tpu.vector_load_idx %arg12[%add3A_20, %add3A_177] : memref<32x256xf32, #tpu.memory_space<vmem>>[vector<16xi32>, vector<16xi32>], vector<16xf32>,
            %swap3A_199 = arith.index_cast %add3A_173 : i32 to index
            %swap3A_200 = arith.constant 80 : index
            %swap3A_201 = tpu.vector_load %arg14[%swap3A_199, %swap3A_200] {strides = array<i32>} : memref<64x128xf32, #tpu.memory_space<vmem>>, vector<16xf32>,
            tpu.vector_store %arg14[%swap3A_199, %swap3A_200], %gather3A_198 {strides = array<i32>} : memref<64x128xf32, #tpu.memory_space<vmem>>, vector<16xf32>,
            %gather3A_202 = tpu.vector_load_idx %arg12[%add3A_23, %add3A_177] : memref<32x256xf32, #tpu.memory_space<vmem>>[vector<16xi32>, vector<16xi32>], vector<16xf32>,
            %swap3A_203 = arith.index_cast %add3A_173 : i32 to index
            %swap3A_204 = arith.constant 96 : index
            %swap3A_205 = tpu.vector_load %arg14[%swap3A_203, %swap3A_204] {strides = array<i32>} : memref<64x128xf32, #tpu.memory_space<vmem>>, vector<16xf32>,
            tpu.vector_store %arg14[%swap3A_203, %swap3A_204], %gather3A_202 {strides = array<i32>} : memref<64x128xf32, #tpu.memory_space<vmem>>, vector<16xf32>,
            %gather3A_206 = tpu.vector_load_idx %arg12[%add3A_26, %add3A_177] : memref<32x256xf32, #tpu.memory_space<vmem>>[vector<16xi32>, vector<16xi32>], vector<16xf32>,
            %swap3A_207 = arith.index_cast %add3A_173 : i32 to index
            %swap3A_208 = arith.constant 112 : index
            %swap3A_209 = tpu.vector_load %arg14[%swap3A_207, %swap3A_208] {strides = array<i32>} : memref<64x128xf32, #tpu.memory_space<vmem>>, vector<16xf32>,
            tpu.vector_store %arg14[%swap3A_207, %swap3A_208], %gather3A_206 {strides = array<i32>} : memref<64x128xf32, #tpu.memory_space<vmem>>, vector<16xf32>,
            %mul3A_210 = arith.constant 4 : i32
            %mul3A_211 = arith.muli %scan3A_131, %mul3A_210 : i32
            %add3A_212 = arith.constant 2 : i32
            %add3A_213 = arith.addi %mul3A_211, %add3A_212 : i32
            %mul3A_214 = arith.constant 4 : i32
            %mul3A_215 = arith.muli %mul3A_214, %add3A_213 : i32
            %add3A_216 = vector.broadcast %mul3A_215 : i32 to vector<16xi32>
            %add3A_217 = arith.addi %rem3A_3, %add3A_216 : vector<16xi32>
            %gather3A_218 = tpu.vector_load_idx %arg12[%add3A_5, %add3A_217] : memref<32x256xf32, #tpu.memory_space<vmem>>[vector<16xi32>, vector<16xi32>], vector<16xf32>,
            %swap3A_219 = arith.index_cast %add3A_213 : i32 to index
            %swap3A_220 = arith.constant 0 : index
            %swap3A_221 = tpu.vector_load %arg14[%swap3A_219, %swap3A_220] {strides = array<i32>} : memref<64x128xf32, #tpu.memory_space<vmem>>, vector<16xf32>,
            tpu.vector_store %arg14[%swap3A_219, %swap3A_220], %gather3A_218 {strides = array<i32>} : memref<64x128xf32, #tpu.memory_space<vmem>>, vector<16xf32>,
            %gather3A_222 = tpu.vector_load_idx %arg12[%add3A_8, %add3A_217] : memref<32x256xf32, #tpu.memory_space<vmem>>[vector<16xi32>, vector<16xi32>], vector<16xf32>,
            %swap3A_223 = arith.index_cast %add3A_213 : i32 to index
            %swap3A_224 = arith.constant 16 : index
            %swap3A_225 = tpu.vector_load %arg14[%swap3A_223, %swap3A_224] {strides = array<i32>} : memref<64x128xf32, #tpu.memory_space<vmem>>, vector<16xf32>,
            tpu.vector_store %arg14[%swap3A_223, %swap3A_224], %gather3A_222 {strides = array<i32>} : memref<64x128xf32, #tpu.memory_space<vmem>>, vector<16xf32>,
            %gather3A_226 = tpu.vector_load_idx %arg12[%add3A_11, %add3A_217] : memref<32x256xf32, #tpu.memory_space<vmem>>[vector<16xi32>, vector<16xi32>], vector<16xf32>,
            %swap3A_227 = arith.index_cast %add3A_213 : i32 to index
            %swap3A_228 = arith.constant 32 : index
            %swap3A_229 = tpu.vector_load %arg14[%swap3A_227, %swap3A_228] {strides = array<i32>} : memref<64x128xf32, #tpu.memory_space<vmem>>, vector<16xf32>,
            tpu.vector_store %arg14[%swap3A_227, %swap3A_228], %gather3A_226 {strides = array<i32>} : memref<64x128xf32, #tpu.memory_space<vmem>>, vector<16xf32>,
            %gather3A_230 = tpu.vector_load_idx %arg12[%add3A_14, %add3A_217] : memref<32x256xf32, #tpu.memory_space<vmem>>[vector<16xi32>, vector<16xi32>], vector<16xf32>,
            %swap3A_231 = arith.index_cast %add3A_213 : i32 to index
            %swap3A_232 = arith.constant 48 : index
            %swap3A_233 = tpu.vector_load %arg14[%swap3A_231, %swap3A_232] {strides = array<i32>} : memref<64x128xf32, #tpu.memory_space<vmem>>, vector<16xf32>,
            tpu.vector_store %arg14[%swap3A_231, %swap3A_232], %gather3A_230 {strides = array<i32>} : memref<64x128xf32, #tpu.memory_space<vmem>>, vector<16xf32>,
            %gather3A_234 = tpu.vector_load_idx %arg12[%add3A_17, %add3A_217] : memref<32x256xf32, #tpu.memory_space<vmem>>[vector<16xi32>, vector<16xi32>], vector<16xf32>,
            %swap3A_235 = arith.index_cast %add3A_213 : i32 to index
            %swap3A_236 = arith.constant 64 : index
            %swap3A_237 = tpu.vector_load %arg14[%swap3A_235, %swap3A_236] {strides = array<i32>} : memref<64x128xf32, #tpu.memory_space<vmem>>, vector<16xf32>,
            tpu.vector_store %arg14[%swap3A_235, %swap3A_236], %gather3A_234 {strides = array<i32>} : memref<64x128xf32, #tpu.memory_space<vmem>>, vector<16xf32>,
            %gather3A_238 = tpu.vector_load_idx %arg12[%add3A_20, %add3A_217] : memref<32x256xf32, #tpu.memory_space<vmem>>[vector<16xi32>, vector<16xi32>], vector<16xf32>,
            %swap3A_239 = arith.index_cast %add3A_213 : i32 to index
            %swap3A_240 = arith.constant 80 : index
            %swap3A_241 = tpu.vector_load %arg14[%swap3A_239, %swap3A_240] {strides = array<i32>} : memref<64x128xf32, #tpu.memory_space<vmem>>, vector<16xf32>,
            tpu.vector_store %arg14[%swap3A_239, %swap3A_240], %gather3A_238 {strides = array<i32>} : memref<64x128xf32, #tpu.memory_space<vmem>>, vector<16xf32>,
            %gather3A_242 = tpu.vector_load_idx %arg12[%add3A_23, %add3A_217] : memref<32x256xf32, #tpu.memory_space<vmem>>[vector<16xi32>, vector<16xi32>], vector<16xf32>,
            %swap3A_243 = arith.index_cast %add3A_213 : i32 to index
            %swap3A_244 = arith.constant 96 : index
            %swap3A_245 = tpu.vector_load %arg14[%swap3A_243, %swap3A_244] {strides = array<i32>} : memref<64x128xf32, #tpu.memory_space<vmem>>, vector<16xf32>,
            tpu.vector_store %arg14[%swap3A_243, %swap3A_244], %gather3A_242 {strides = array<i32>} : memref<64x128xf32, #tpu.memory_space<vmem>>, vector<16xf32>,
            %gather3A_246 = tpu.vector_load_idx %arg12[%add3A_26, %add3A_217] : memref<32x256xf32, #tpu.memory_space<vmem>>[vector<16xi32>, vector<16xi32>], vector<16xf32>,
            %swap3A_247 = arith.index_cast %add3A_213 : i32 to index
            %swap3A_248 = arith.constant 112 : index
            %swap3A_249 = tpu.vector_load %arg14[%swap3A_247, %swap3A_248] {strides = array<i32>} : memref<64x128xf32, #tpu.memory_space<vmem>>, vector<16xf32>,
            tpu.vector_store %arg14[%swap3A_247, %swap3A_248], %gather3A_246 {strides = array<i32>} : memref<64x128xf32, #tpu.memory_space<vmem>>, vector<16xf32>,
            %mul3A_250 = arith.constant 4 : i32
            %mul3A_251 = arith.muli %scan3A_131, %mul3A_250 : i32
            %add3A_252 = arith.constant 3 : i32
            %add3A_253 = arith.addi %mul3A_251, %add3A_252 : i32
            %mul3A_254 = arith.constant 4 : i32
            %mul3A_255 = arith.muli %mul3A_254, %add3A_253 : i32
            %add3A_256 = vector.broadcast %mul3A_255 : i32 to vector<16xi32>
            %add3A_257 = arith.addi %rem3A_3, %add3A_256 : vector<16xi32>
            %gather3A_258 = tpu.vector_load_idx %arg12[%add3A_5, %add3A_257] : memref<32x256xf32, #tpu.memory_space<vmem>>[vector<16xi32>, vector<16xi32>], vector<16xf32>,
            %swap3A_259 = arith.index_cast %add3A_253 : i32 to index
            %swap3A_260 = arith.constant 0 : index
            %swap3A_261 = tpu.vector_load %arg14[%swap3A_259, %swap3A_260] {strides = array<i32>} : memref<64x128xf32, #tpu.memory_space<vmem>>, vector<16xf32>,
            tpu.vector_store %arg14[%swap3A_259, %swap3A_260], %gather3A_258 {strides = array<i32>} : memref<64x128xf32, #tpu.memory_space<vmem>>, vector<16xf32>,
            %gather3A_262 = tpu.vector_load_idx %arg12[%add3A_8, %add3A_257] : memref<32x256xf32, #tpu.memory_space<vmem>>[vector<16xi32>, vector<16xi32>], vector<16xf32>,
            %swap3A_263 = arith.index_cast %add3A_253 : i32 to index
            %swap3A_264 = arith.constant 16 : index
            %swap3A_265 = tpu.vector_load %arg14[%swap3A_263, %swap3A_264] {strides = array<i32>} : memref<64x128xf32, #tpu.memory_space<vmem>>, vector<16xf32>,
            tpu.vector_store %arg14[%swap3A_263, %swap3A_264], %gather3A_262 {strides = array<i32>} : memref<64x128xf32, #tpu.memory_space<vmem>>, vector<16xf32>,
            %gather3A_266 = tpu.vector_load_idx %arg12[%add3A_11, %add3A_257] : memref<32x256xf32, #tpu.memory_space<vmem>>[vector<16xi32>, vector<16xi32>], vector<16xf32>,
            %swap3A_267 = arith.index_cast %add3A_253 : i32 to index
            %swap3A_268 = arith.constant 32 : index
            %swap3A_269 = tpu.vector_load %arg14[%swap3A_267, %swap3A_268] {strides = array<i32>} : memref<64x128xf32, #tpu.memory_space<vmem>>, vector<16xf32>,
            tpu.vector_store %arg14[%swap3A_267, %swap3A_268], %gather3A_266 {strides = array<i32>} : memref<64x128xf32, #tpu.memory_space<vmem>>, vector<16xf32>,
            %gather3A_270 = tpu.vector_load_idx %arg12[%add3A_14, %add3A_257] : memref<32x256xf32, #tpu.memory_space<vmem>>[vector<16xi32>, vector<16xi32>], vector<16xf32>,
            %swap3A_271 = arith.index_cast %add3A_253 : i32 to index
            %swap3A_272 = arith.constant 48 : index
            %swap3A_273 = tpu.vector_load %arg14[%swap3A_271, %swap3A_272] {strides = array<i32>} : memref<64x128xf32, #tpu.memory_space<vmem>>, vector<16xf32>,
            tpu.vector_store %arg14[%swap3A_271, %swap3A_272], %gather3A_270 {strides = array<i32>} : memref<64x128xf32, #tpu.memory_space<vmem>>, vector<16xf32>,
            %gather3A_274 = tpu.vector_load_idx %arg12[%add3A_17, %add3A_257] : memref<32x256xf32, #tpu.memory_space<vmem>>[vector<16xi32>, vector<16xi32>], vector<16xf32>,
            %swap3A_275 = arith.index_cast %add3A_253 : i32 to index
            %swap3A_276 = arith.constant 64 : index
            %swap3A_277 = tpu.vector_load %arg14[%swap3A_275, %swap3A_276] {strides = array<i32>} : memref<64x128xf32, #tpu.memory_space<vmem>>, vector<16xf32>,
            tpu.vector_store %arg14[%swap3A_275, %swap3A_276], %gather3A_274 {strides = array<i32>} : memref<64x128xf32, #tpu.memory_space<vmem>>, vector<16xf32>,
            %gather3A_278 = tpu.vector_load_idx %arg12[%add3A_20, %add3A_257] : memref<32x256xf32, #tpu.memory_space<vmem>>[vector<16xi32>, vector<16xi32>], vector<16xf32>,
            %swap3A_279 = arith.index_cast %add3A_253 : i32 to index
            %swap3A_280 = arith.constant 80 : index
            %swap3A_281 = tpu.vector_load %arg14[%swap3A_279, %swap3A_280] {strides = array<i32>} : memref<64x128xf32, #tpu.memory_space<vmem>>, vector<16xf32>,
            tpu.vector_store %arg14[%swap3A_279, %swap3A_280], %gather3A_278 {strides = array<i32>} : memref<64x128xf32, #tpu.memory_space<vmem>>, vector<16xf32>,
            %gather3A_282 = tpu.vector_load_idx %arg12[%add3A_23, %add3A_257] : memref<32x256xf32, #tpu.memory_space<vmem>>[vector<16xi32>, vector<16xi32>], vector<16xf32>,
            %swap3A_283 = arith.index_cast %add3A_253 : i32 to index
            %swap3A_284 = arith.constant 96 : index
            %swap3A_285 = tpu.vector_load %arg14[%swap3A_283, %swap3A_284] {strides = array<i32>} : memref<64x128xf32, #tpu.memory_space<vmem>>, vector<16xf32>,
            tpu.vector_store %arg14[%swap3A_283, %swap3A_284], %gather3A_282 {strides = array<i32>} : memref<64x128xf32, #tpu.memory_space<vmem>>, vector<16xf32>,
            %gather3A_286 = tpu.vector_load_idx %arg12[%add3A_26, %add3A_257] : memref<32x256xf32, #tpu.memory_space<vmem>>[vector<16xi32>, vector<16xi32>], vector<16xf32>,
            %swap3A_287 = arith.index_cast %add3A_253 : i32 to index
            %swap3A_288 = arith.constant 112 : index
            %swap3A_289 = tpu.vector_load %arg14[%swap3A_287, %swap3A_288] {strides = array<i32>} : memref<64x128xf32, #tpu.memory_space<vmem>>, vector<16xf32>,
            tpu.vector_store %arg14[%swap3A_287, %swap3A_288], %gather3A_286 {strides = array<i32>} : memref<64x128xf32, #tpu.memory_space<vmem>>, vector<16xf32>,
          }
          %scan3A_114 = arith.constant 16 : i32
          %mul3A_115 = arith.constant 16 : i32
          %mul3A_116 = arith.muli %mul3A_115, %add3A_94 : i32
          %add3A_117 = arith.addi %arg1, %mul3A_116 : i32
          %mul3A_118 = arith.constant 64 : i32
          %mul3A_119 = arith.muli %add3A_117, %mul3A_118 : i32
          %multiple_of3A_120 = tpu.assume_multiple %mul3A_119, 64 : i32
          %dma_start3A_121 = arith.constant 0 : i32
          %dma_start3A_122 = tpu.memref_slice %arg10[%multiple_of3A_120, %dma_start3A_121] : memref<250000x128xf32, #tpu.memory_space<hbm>> -> memref<64x128xf32, #tpu.memory_space<hbm>>
          %dma_start3A_123 = arith.constant 0 : i32
          %dma_start3A_124 = tpu.memref_slice %arg10[%multiple_of3A_120, %dma_start3A_123] : memref<250000x128xf32, #tpu.memory_space<hbm>> -> memref<64x128xf32, #tpu.memory_space<hbm>>
          tpu.enqueue_dma source(%arg14 : memref<64x128xf32, #tpu.memory_space<vmem>>) target(%dma_start3A_124 : memref<64x128xf32, #tpu.memory_space<hbm>>) target_semaphore(%arg28 : memref<!tpu.dma_semaphore, #tpu.memory_space<semaphore_mem>>)
          %add3A_125 = arith.constant 2 : i32
          %add3A_126 = arith.addi %add3A_94, %add3A_125 : i32
          %lt3A_127 = arith.cmpi slt, %add3A_126, %select_n3A : i32
          %convert_element_type3A_128 = arith.extui %lt3A_127 : i1 to i32
          %cond3A_129 = arith.constant 0 : i32
          %cond3A_130 = arith.cmpi ne, %convert_element_type3A_128, %cond3A_129 : i32
          scf.if %cond3A_130 {
            %add3A_131 = arith.constant 2 : i32
            %add3A_132 = arith.addi %add3A_94, %add3A_131 : i32
            %mul3A_133 = arith.constant 16 : i32
            %mul3A_134 = arith.muli %mul3A_133, %add3A_132 : i32
            %add3A_135 = arith.addi %arg1, %mul3A_134 : i32
            %mul3A_136 = arith.constant 256 : i32
            %mul3A_137 = arith.muli %add3A_135, %mul3A_136 : i32
            %multiple_of3A_138 = tpu.assume_multiple %mul3A_137, 256 : i32
            %dma_start3A_139 = arith.constant 0 : i32
            %dma_start3A_140 = tpu.memref_slice %arg3[%dma_start3A_139, %multiple_of3A_138] : memref<32x1000000xf32, #tpu.memory_space<hbm>> -> memref<32x256xf32, #tpu.memory_space<hbm>>
            %dma_start3A_141 = arith.constant 0 : i32
            %dma_start3A_142 = tpu.memref_slice %arg3[%dma_start3A_141, %multiple_of3A_138] : memref<32x1000000xf32, #tpu.memory_space<hbm>> -> memref<32x256xf32, #tpu.memory_space<hbm>>
            tpu.enqueue_dma source(%dma_start3A_142 : memref<32x256xf32, #tpu.memory_space<hbm>>) target(%arg12 : memref<32x256xf32, #tpu.memory_space<vmem>>) target_semaphore(%arg26 : memref<!tpu.dma_semaphore, #tpu.memory_space<semaphore_mem>>)
          } else {
          }
        } else {
        }
      }
      %scan3A_65 = arith.constant 123 : i32
      %dma_wait3A = arith.constant 0 : i32
      %dma_wait3A_66 = arith.constant 0 : i32
      %dma_wait3A_67 = tpu.memref_slice %arg10[%dma_wait3A, %dma_wait3A_66] : memref<250000x128xf32, #tpu.memory_space<hbm>> -> memref<64x128xf32, #tpu.memory_space<hbm>>
      %dma_wait3A_68 = arith.constant 0 : i32
      %dma_wait3A_69 = arith.constant 0 : i32
      %dma_wait3A_70 = tpu.memref_slice %arg10[%dma_wait3A_68, %dma_wait3A_69] : memref<250000x128xf32, #tpu.memory_space<hbm>> -> memref<64x128xf32, #tpu.memory_space<hbm>>
      tpu.wait_dma2 semaphore(%arg27 : memref<!tpu.dma_semaphore, #tpu.memory_space<semaphore_mem>>) src(%arg13 : memref<64x128xf32, #tpu.memory_space<vmem>>) dst(%dma_wait3A_70 : memref<64x128xf32, #tpu.memory_space<hbm>>)
      %dma_wait3A_71 = arith.constant 0 : i32
      %dma_wait3A_72 = arith.constant 0 : i32
      %dma_wait3A_73 = tpu.memref_slice %arg10[%dma_wait3A_71, %dma_wait3A_72] : memref<250000x128xf32, #tpu.memory_space<hbm>> -> memref<64x128xf32, #tpu.memory_space<hbm>>
      %dma_wait3A_74 = arith.constant 0 : i32
      %dma_wait3A_75 = arith.constant 0 : i32
      %dma_wait3A_76 = tpu.memref_slice %arg10[%dma_wait3A_74, %dma_wait3A_75] : memref<250000x128xf32, #tpu.memory_space<hbm>> -> memref<64x128xf32, #tpu.memory_space<hbm>>
      tpu.wait_dma2 semaphore(%arg28 : memref<!tpu.dma_semaphore, #tpu.memory_space<semaphore_mem>>) src(%arg14 : memref<64x128xf32, #tpu.memory_space<vmem>>) dst(%dma_wait3A_76 : memref<64x128xf32, #tpu.memory_space<hbm>>)
      %eq3A_77 = arith.constant 15 : i32
      %eq3A_78 = arith.cmpi eq, %arg1, %eq3A_77 : i32
      %convert_element_type3A_79 = arith.extui %eq3A_78 : i1 to i32
      %cond3A_80 = arith.constant 0 : i32
      %cond3A_81 = arith.cmpi ne, %convert_element_type3A_79, %cond3A_80 : i32
      scf.if %cond3A_81 {
        "tpu.region"() ({
          %run_scoped3A = tpu.sem_alloc : memref<!tpu.dma_semaphore, #tpu.memory_space<semaphore_mem>>
          %dma_start3A_82 = arith.constant 0 : i32
          %dma_start3A_83 = arith.constant 0 : i32
          %dma_start3A_84 = tpu.memref_slice %arg13[%dma_start3A_82, %dma_start3A_83] : memref<64x128xf32, #tpu.memory_space<vmem>> -> memref<16x128xf32, #tpu.memory_space<vmem>>
          %dma_start3A_85 = arith.constant 0 : i32
          %dma_start3A_86 = arith.constant 0 : i32
          %dma_start3A_87 = tpu.memref_slice %arg13[%dma_start3A_85, %dma_start3A_86] : memref<64x128xf32, #tpu.memory_space<vmem>> -> memref<16x128xf32, #tpu.memory_space<vmem>>
          tpu.enqueue_dma source(%arg7 : memref<16x128xf32, #tpu.memory_space<hbm>>) target(%dma_start3A_87 : memref<16x128xf32, #tpu.memory_space<vmem>>) target_semaphore(%run_scoped3A : memref<!tpu.dma_semaphore, #tpu.memory_space<semaphore_mem>>)
          %dma_wait3A_88 = arith.constant 0 : i32
          %dma_wait3A_89 = arith.constant 0 : i32
          %dma_wait3A_90 = tpu.memref_slice %arg13[%dma_wait3A_88, %dma_wait3A_89] : memref<64x128xf32, #tpu.memory_space<vmem>> -> memref<16x128xf32, #tpu.memory_space<vmem>>
          %dma_wait3A_91 = arith.constant 0 : i32
          %dma_wait3A_92 = arith.constant 0 : i32
          %dma_wait3A_93 = tpu.memref_slice %arg13[%dma_wait3A_91, %dma_wait3A_92] : memref<64x128xf32, #tpu.memory_space<vmem>> -> memref<16x128xf32, #tpu.memory_space<vmem>>
          tpu.wait_dma2 semaphore(%run_scoped3A : memref<!tpu.dma_semaphore, #tpu.memory_space<semaphore_mem>>) src(%arg7 : memref<16x128xf32, #tpu.memory_space<hbm>>) dst(%dma_wait3A_93 : memref<16x128xf32, #tpu.memory_space<vmem>>)
          tpu.yield
        }) : () -> ()
        "tpu.region"() ({
          %run_scoped3A = tpu.sem_alloc : memref<!tpu.dma_semaphore, #tpu.memory_space<semaphore_mem>>
          %dma_start3A_82 = arith.constant 0 : i32
          %dma_start3A_83 = arith.constant 0 : i32
          %dma_start3A_84 = tpu.memref_slice %arg13[%dma_start3A_82, %dma_start3A_83] : memref<64x128xf32, #tpu.memory_space<vmem>> -> memref<16x128xf32, #tpu.memory_space<vmem>>
          %dma_start3A_85 = arith.constant 249984 : i32
          %dma_start3A_86 = arith.constant 0 : i32
          %dma_start3A_87 = tpu.memref_slice %arg10[%dma_start3A_85, %dma_start3A_86] : memref<250000x128xf32, #tpu.memory_space<hbm>> -> memref<16x128xf32, #tpu.memory_space<hbm>>
          %dma_start3A_88 = arith.constant 249984 : i32
          %dma_start3A_89 = arith.constant 0 : i32
          %dma_start3A_90 = tpu.memref_slice %arg10[%dma_start3A_88, %dma_start3A_89] : memref<250000x128xf32, #tpu.memory_space<hbm>> -> memref<16x128xf32, #tpu.memory_space<hbm>>
          %dma_start3A_91 = arith.constant 0 : i32
          %dma_start3A_92 = arith.constant 0 : i32
          %dma_start3A_93 = tpu.memref_slice %arg13[%dma_start3A_91, %dma_start3A_92] : memref<64x128xf32, #tpu.memory_space<vmem>> -> memref<16x128xf32, #tpu.memory_space<vmem>>
          tpu.enqueue_dma source(%dma_start3A_93 : memref<16x128xf32, #tpu.memory_space<vmem>>) target(%dma_start3A_90 : memref<16x128xf32, #tpu.memory_space<hbm>>) target_semaphore(%run_scoped3A : memref<!tpu.dma_semaphore, #tpu.memory_space<semaphore_mem>>)
          %dma_wait3A_94 = arith.constant 0 : i32
          %dma_wait3A_95 = arith.constant 0 : i32
          %dma_wait3A_96 = tpu.memref_slice %arg13[%dma_wait3A_94, %dma_wait3A_95] : memref<64x128xf32, #tpu.memory_space<vmem>> -> memref<16x128xf32, #tpu.memory_space<vmem>>
          %dma_wait3A_97 = arith.constant 249984 : i32
          %dma_wait3A_98 = arith.constant 0 : i32
          %dma_wait3A_99 = tpu.memref_slice %arg10[%dma_wait3A_97, %dma_wait3A_98] : memref<250000x128xf32, #tpu.memory_space<hbm>> -> memref<16x128xf32, #tpu.memory_space<hbm>>
          %dma_wait3A_100 = arith.constant 249984 : i32
          %dma_wait3A_101 = arith.constant 0 : i32
          %dma_wait3A_102 = tpu.memref_slice %arg10[%dma_wait3A_100, %dma_wait3A_101] : memref<250000x128xf32, #tpu.memory_space<hbm>> -> memref<16x128xf32, #tpu.memory_space<hbm>>
          %dma_wait3A_103 = arith.constant 0 : i32
          %dma_wait3A_104 = arith.constant 0 : i32
          %dma_wait3A_105 = tpu.memref_slice %arg13[%dma_wait3A_103, %dma_wait3A_104] : memref<64x128xf32, #tpu.memory_space<vmem>> -> memref<16x128xf32, #tpu.memory_space<vmem>>
          tpu.wait_dma2 semaphore(%run_scoped3A : memref<!tpu.dma_semaphore, #tpu.memory_space<semaphore_mem>>) src(%dma_wait3A_105 : memref<16x128xf32, #tpu.memory_space<vmem>>) dst(%dma_wait3A_102 : memref<16x128xf32, #tpu.memory_space<hbm>>)
          tpu.yield
        }) : () -> ()
      } else {
      }
    } else {
    }
    %barrier3A = arith.constant 0 : index
    tpu.barrier barrier_id(%barrier3A)
    %eq3A_34 = arith.constant 0 : i32
    %eq3A_35 = arith.cmpi eq, %arg0, %eq3A_34 : i32
    %convert_element_type3A_36 = arith.extui %eq3A_35 : i1 to i32
    %cond3A_37 = arith.constant 0 : i32
    %cond3A_38 = arith.cmpi ne, %convert_element_type3A_36, %cond3A_37 : i32
    scf.if %cond3A_38 {
      %mul3A = arith.constant 32768 : i32
      %mul3A_44 = arith.muli %arg1, %mul3A : i32
      %add3A_45 = arith.constant 0 : i32
      %add3A_46 = arith.addi %mul3A_44, %add3A_45 : i32
      %multiple_of3A = tpu.assume_multiple %add3A_46, 256 : i32
      %dma_start3A = tpu.memref_slice %arg4[%multiple_of3A] : memref<524288xi32, #tpu.memory_space<hbm>> -> memref<256xi32, #tpu.memory_space<hbm>>
      %dma_start3A_47 = tpu.memref_slice %arg4[%multiple_of3A] : memref<524288xi32, #tpu.memory_space<hbm>> -> memref<256xi32, #tpu.memory_space<hbm>>
      tpu.enqueue_dma source(%dma_start3A_47 : memref<256xi32, #tpu.memory_space<hbm>>) target(%arg15 : memref<256xi32, #tpu.memory_space<vmem>>) target_semaphore(%arg33 : memref<!tpu.dma_semaphore, #tpu.memory_space<semaphore_mem>>)
      %dma_wait3A = arith.constant 0 : i32
      %dma_wait3A_48 = tpu.memref_slice %arg4[%dma_wait3A] : memref<524288xi32, #tpu.memory_space<hbm>> -> memref<256xi32, #tpu.memory_space<hbm>>
      %dma_wait3A_49 = arith.constant 0 : i32
      %dma_wait3A_50 = tpu.memref_slice %arg4[%dma_wait3A_49] : memref<524288xi32, #tpu.memory_space<hbm>> -> memref<256xi32, #tpu.memory_space<hbm>>
      tpu.wait_dma2 semaphore(%arg33 : memref<!tpu.dma_semaphore, #tpu.memory_space<semaphore_mem>>) src(%dma_wait3A_50 : memref<256xi32, #tpu.memory_space<hbm>>) dst(%arg15 : memref<256xi32, #tpu.memory_space<vmem>>)
      %scan3A = arith.constant 0 : i32
      %scan3A_51 = arith.constant 0 : i32
      %scan3A_52 = arith.constant 16 : i32
      %scan3A_53 = arith.addi %scan3A_51, %scan3A_52 : i32
      %scan3A_54 = arith.constant 1 : i32
      scf.for %scan3A_82 = %scan3A_51 to %scan3A_53 step %scan3A_54  : i32 {
        %mul3A_83 = arith.constant 16 : i32
        %mul3A_84 = arith.muli %scan3A_82, %mul3A_83 : i32
        %get3A = arith.index_cast %mul3A_84 : i32 to index
        %get3A_85 = tpu.vector_load %arg15[%get3A] {strides = array<i32>} : memref<256xi32, #tpu.memory_space<vmem>>, vector<16xi32>,
        %shift_right_logical3A_86 = arith.constant 2 : i32
        %shift_right_logical3A_87 = vector.broadcast %shift_right_logical3A_86 : i32 to vector<16xi32>
        %shift_right_logical3A_88 = arith.shrui %get3A_85, %shift_right_logical3A_87 : vector<16xi32>
        %mul3A_89 = arith.constant 16 : i32
        %mul3A_90 = arith.muli %scan3A_82, %mul3A_89 : i32
        %swap3A = arith.index_cast %mul3A_90 : i32 to index
        %swap3A_91 = tpu.vector_load %arg17[%swap3A] {strides = array<i32>} : memref<256xi32, #tpu.memory_space<vmem>>, vector<16xi32>,
        tpu.vector_store %arg17[%swap3A], %shift_right_logical3A_88 {strides = array<i32>} : memref<256xi32, #tpu.memory_space<vmem>>, vector<16xi32>,
        %rem3A_92 = arith.constant 4 : i32
        %rem3A_93 = vector.broadcast %rem3A_92 : i32 to vector<16xi32>
        %rem3A_94 = arith.remsi %get3A_85, %rem3A_93 : vector<16xi32>
        %mul3A_95 = arith.constant 16 : i32
        %mul3A_96 = arith.muli %scan3A_82, %mul3A_95 : i32
        %swap3A_97 = arith.index_cast %mul3A_96 : i32 to index
        %swap3A_98 = tpu.vector_load %arg19[%swap3A_97] {strides = array<i32>} : memref<256xi32, #tpu.memory_space<vmem>>, vector<16xi32>,
        tpu.vector_store %arg19[%swap3A_97], %rem3A_94 {strides = array<i32>} : memref<256xi32, #tpu.memory_space<vmem>>, vector<16xi32>,
      }
      %scan3A_55 = arith.constant 16 : i32
      %dma_start3A_56 = arith.constant 0 : i32
      %dma_start3A_57 = arith.constant 0 : i32
      %dma_start3A_58 = tpu.memref_slice %arg9[%dma_start3A_56, %dma_start3A_57] : memref<250000x128xf32, #tpu.memory_space<hbm>> -> memref<250000x128xf32, #tpu.memory_space<hbm>>
      tpu.enqueue_indirect_dma source(%dma_start3A_58 : memref<250000x128xf32, #tpu.memory_space<hbm>>) target(%arg21 : memref<256x128xf32, #tpu.memory_space<vmem>>) offsets(%arg17 : memref<256xi32, #tpu.memory_space<vmem>>) semaphore(%arg29 : memref<!tpu.dma_semaphore, #tpu.memory_space<semaphore_mem>>)
      %add3A_59 = arith.constant 256 : i32
      %add3A_60 = arith.addi %mul3A_44, %add3A_59 : i32
      %multiple_of3A_61 = tpu.assume_multiple %add3A_60, 256 : i32
      %dma_start3A_62 = tpu.memref_slice %arg4[%multiple_of3A_61] : memref<524288xi32, #tpu.memory_space<hbm>> -> memref<256xi32, #tpu.memory_space<hbm>>
      %dma_start3A_63 = tpu.memref_slice %arg4[%multiple_of3A_61] : memref<524288xi32, #tpu.memory_space<hbm>> -> memref<256xi32, #tpu.memory_space<hbm>>
      tpu.enqueue_dma source(%dma_start3A_63 : memref<256xi32, #tpu.memory_space<hbm>>) target(%arg16 : memref<256xi32, #tpu.memory_space<vmem>>) target_semaphore(%arg34 : memref<!tpu.dma_semaphore, #tpu.memory_space<semaphore_mem>>)
      %scan3A_64 = arith.constant 0 : i32
      %scan3A_65 = arith.constant 0 : i32
      %scan3A_66 = arith.constant 64 : i32
      %scan3A_67 = arith.addi %scan3A_65, %scan3A_66 : i32
      %scan3A_68 = arith.constant 1 : i32
      scf.for %scan3A_82 = %scan3A_65 to %scan3A_67 step %scan3A_68  : i32 {
        %mul3A_83 = arith.constant 2 : i32
        %mul3A_84 = arith.muli %mul3A_83, %scan3A_82 : i32
        %add3A_85 = arith.constant 0 : i32
        %add3A_86 = arith.addi %mul3A_84, %add3A_85 : i32
        %add3A_87 = arith.constant 1 : i32
        %add3A_88 = arith.addi %add3A_86, %add3A_87 : i32
        %lt3A = arith.constant 128 : i32
        %lt3A_89 = arith.cmpi slt, %add3A_88, %lt3A : i32
        %convert_element_type3A_90 = arith.extui %lt3A_89 : i1 to i32
        %cond3A_91 = arith.constant 0 : i32
        %cond3A_92 = arith.cmpi ne, %convert_element_type3A_90, %cond3A_91 : i32
        scf.if %cond3A_92 {
          %dma_wait3A_165 = arith.constant 0 : i32
          %dma_wait3A_166 = tpu.memref_slice %arg4[%dma_wait3A_165] : memref<524288xi32, #tpu.memory_space<hbm>> -> memref<256xi32, #tpu.memory_space<hbm>>
          %dma_wait3A_167 = arith.constant 0 : i32
          %dma_wait3A_168 = tpu.memref_slice %arg4[%dma_wait3A_167] : memref<524288xi32, #tpu.memory_space<hbm>> -> memref<256xi32, #tpu.memory_space<hbm>>
          tpu.wait_dma2 semaphore(%arg34 : memref<!tpu.dma_semaphore, #tpu.memory_space<semaphore_mem>>) src(%dma_wait3A_168 : memref<256xi32, #tpu.memory_space<hbm>>) dst(%arg16 : memref<256xi32, #tpu.memory_space<vmem>>)
          %scan3A_169 = arith.constant 0 : i32
          %scan3A_170 = arith.constant 0 : i32
          %scan3A_171 = arith.constant 16 : i32
          %scan3A_172 = arith.addi %scan3A_170, %scan3A_171 : i32
          %scan3A_173 = arith.constant 1 : i32
          scf.for %scan3A_178 = %scan3A_170 to %scan3A_172 step %scan3A_173  : i32 {
            %mul3A_179 = arith.constant 16 : i32
            %mul3A_180 = arith.muli %scan3A_178, %mul3A_179 : i32
            %get3A = arith.index_cast %mul3A_180 : i32 to index
            %get3A_181 = tpu.vector_load %arg16[%get3A] {strides = array<i32>} : memref<256xi32, #tpu.memory_space<vmem>>, vector<16xi32>,
            %shift_right_logical3A_182 = arith.constant 2 : i32
            %shift_right_logical3A_183 = vector.broadcast %shift_right_logical3A_182 : i32 to vector<16xi32>
            %shift_right_logical3A_184 = arith.shrui %get3A_181, %shift_right_logical3A_183 : vector<16xi32>
            %mul3A_185 = arith.constant 16 : i32
            %mul3A_186 = arith.muli %scan3A_178, %mul3A_185 : i32
            %swap3A = arith.index_cast %mul3A_186 : i32 to index
            %swap3A_187 = tpu.vector_load %arg18[%swap3A] {strides = array<i32>} : memref<256xi32, #tpu.memory_space<vmem>>, vector<16xi32>,
            tpu.vector_store %arg18[%swap3A], %shift_right_logical3A_184 {strides = array<i32>} : memref<256xi32, #tpu.memory_space<vmem>>, vector<16xi32>,
            %rem3A_188 = arith.constant 4 : i32
            %rem3A_189 = vector.broadcast %rem3A_188 : i32 to vector<16xi32>
            %rem3A_190 = arith.remsi %get3A_181, %rem3A_189 : vector<16xi32>
            %mul3A_191 = arith.constant 16 : i32
            %mul3A_192 = arith.muli %scan3A_178, %mul3A_191 : i32
            %swap3A_193 = arith.index_cast %mul3A_192 : i32 to index
            %swap3A_194 = tpu.vector_load %arg20[%swap3A_193] {strides = array<i32>} : memref<256xi32, #tpu.memory_space<vmem>>, vector<16xi32>,
            tpu.vector_store %arg20[%swap3A_193], %rem3A_190 {strides = array<i32>} : memref<256xi32, #tpu.memory_space<vmem>>, vector<16xi32>,
          }
          %scan3A_174 = arith.constant 16 : i32
          %dma_start3A_175 = arith.constant 0 : i32
          %dma_start3A_176 = arith.constant 0 : i32
          %dma_start3A_177 = tpu.memref_slice %arg9[%dma_start3A_175, %dma_start3A_176] : memref<250000x128xf32, #tpu.memory_space<hbm>> -> memref<250000x128xf32, #tpu.memory_space<hbm>>
          tpu.enqueue_indirect_dma source(%dma_start3A_177 : memref<250000x128xf32, #tpu.memory_space<hbm>>) target(%arg22 : memref<256x128xf32, #tpu.memory_space<vmem>>) offsets(%arg18 : memref<256xi32, #tpu.memory_space<vmem>>) semaphore(%arg30 : memref<!tpu.dma_semaphore, #tpu.memory_space<semaphore_mem>>)
        } else {
        }
        %add3A_93 = arith.constant 2 : i32
        %add3A_94 = arith.addi %add3A_86, %add3A_93 : i32
        %lt3A_95 = arith.constant 128 : i32
        %lt3A_96 = arith.cmpi slt, %add3A_94, %lt3A_95 : i32
        %convert_element_type3A_97 = arith.extui %lt3A_96 : i1 to i32
        %cond3A_98 = arith.constant 0 : i32
        %cond3A_99 = arith.cmpi ne, %convert_element_type3A_97, %cond3A_98 : i32
        scf.if %cond3A_99 {
          %add3A_165 = arith.constant 2 : i32
          %add3A_166 = arith.addi %add3A_86, %add3A_165 : i32
          %mul3A_167 = arith.constant 256 : i32
          %mul3A_168 = arith.muli %add3A_166, %mul3A_167 : i32
          %add3A_169 = arith.addi %mul3A_44, %mul3A_168 : i32
          %multiple_of3A_170 = tpu.assume_multiple %add3A_169, 256 : i32
          %dma_start3A_171 = tpu.memref_slice %arg4[%multiple_of3A_170] : memref<524288xi32, #tpu.memory_space<hbm>> -> memref<256xi32, #tpu.memory_space<hbm>>
          %dma_start3A_172 = tpu.memref_slice %arg4[%multiple_of3A_170] : memref<524288xi32, #tpu.memory_space<hbm>> -> memref<256xi32, #tpu.memory_space<hbm>>
          tpu.enqueue_dma source(%dma_start3A_172 : memref<256xi32, #tpu.memory_space<hbm>>) target(%arg15 : memref<256xi32, #tpu.memory_space<vmem>>) target_semaphore(%arg33 : memref<!tpu.dma_semaphore, #tpu.memory_space<semaphore_mem>>)
        } else {
        }
        %dma_wait3A_100 = arith.constant 0 : i32
        %dma_wait3A_101 = arith.constant 0 : i32
        %dma_wait3A_102 = tpu.memref_slice %arg9[%dma_wait3A_100, %dma_wait3A_101] : memref<250000x128xf32, #tpu.memory_space<hbm>> -> memref<250000x128xf32, #tpu.memory_space<hbm>>
        tpu.wait_indirect_dma semaphore(%arg29 : memref<!tpu.dma_semaphore, #tpu.memory_space<semaphore_mem>>) src(%dma_wait3A_102 : memref<250000x128xf32, #tpu.memory_space<hbm>>) dst(%arg21 : memref<256x128xf32, #tpu.memory_space<vmem>>)
        %ge3A = arith.constant 2 : i32
        %ge3A_103 = arith.cmpi sge, %add3A_86, %ge3A : i32
        %convert_element_type3A_104 = arith.extui %ge3A_103 : i1 to i32
        %cond3A_105 = arith.constant 0 : i32
        %cond3A_106 = arith.cmpi ne, %convert_element_type3A_104, %cond3A_105 : i32
        scf.if %cond3A_106 {
          %dma_wait3A_165 = arith.constant 0 : i32
          %dma_wait3A_166 = arith.constant 0 : i32
          %dma_wait3A_167 = tpu.memref_slice %arg8[%dma_wait3A_165, %dma_wait3A_166] : memref<32x1048576xf32, #tpu.memory_space<hbm>> -> memref<32x256xf32, #tpu.memory_space<hbm>>
          %dma_wait3A_168 = arith.constant 0 : i32
          %dma_wait3A_169 = arith.constant 0 : i32
          %dma_wait3A_170 = tpu.memref_slice %arg8[%dma_wait3A_168, %dma_wait3A_169] : memref<32x1048576xf32, #tpu.memory_space<hbm>> -> memref<32x256xf32, #tpu.memory_space<hbm>>
          tpu.wait_dma2 semaphore(%arg31 : memref<!tpu.dma_semaphore, #tpu.memory_space<semaphore_mem>>) src(%arg23 : memref<32x256xf32, #tpu.memory_space<vmem>>) dst(%dma_wait3A_170 : memref<32x256xf32, #tpu.memory_space<hbm>>)
        } else {
        }
        %scan3A_107 = arith.constant 0 : i32
        %scan3A_108 = arith.constant 0 : i32
        %scan3A_109 = arith.constant 16 : i32
        %scan3A_110 = arith.addi %scan3A_108, %scan3A_109 : i32
        %scan3A_111 = arith.constant 1 : i32
        scf.for %scan3A_165 = %scan3A_108 to %scan3A_110 step %scan3A_111  : i32 {
          %mul3A_166 = arith.constant 16 : i32
          %mul3A_167 = arith.muli %scan3A_165, %mul3A_166 : i32
          %add3A_168 = vector.broadcast %mul3A_167 : i32 to vector<16xi32>
          %add3A_169 = arith.addi %iota3A, %add3A_168 : vector<16xi32>
          %get3A = arith.index_cast %mul3A_167 : i32 to index
          %get3A_170 = tpu.vector_load %arg19[%get3A] {strides = array<i32>} : memref<256xi32, #tpu.memory_space<vmem>>, vector<16xi32>,
          %add3A_171 = arith.constant 0 : i32
          %add3A_172 = vector.broadcast %add3A_171 : i32 to vector<16xi32>
          %add3A_173 = arith.addi %get3A_170, %add3A_172 : vector<16xi32>
          %gather3A = tpu.vector_load_idx %arg21[%add3A_169, %add3A_173] : memref<256x128xf32, #tpu.memory_space<vmem>>[vector<16xi32>, vector<16xi32>], vector<16xf32>,
          %swap3A = arith.constant 0 : i32
          %swap3A_174 = arith.index_cast %swap3A : i32 to index
          %swap3A_175 = arith.index_cast %mul3A_167 : i32 to index
          %swap3A_176 = tpu.vector_load %arg23[%swap3A_174, %swap3A_175] {strides = array<i32>} : memref<32x256xf32, #tpu.memory_space<vmem>>, vector<16xf32>,
          tpu.vector_store %arg23[%swap3A_174, %swap3A_175], %gather3A {strides = array<i32>} : memref<32x256xf32, #tpu.memory_space<vmem>>, vector<16xf32>,
          %add3A_177 = arith.constant 4 : i32
          %add3A_178 = vector.broadcast %add3A_177 : i32 to vector<16xi32>
          %add3A_179 = arith.addi %get3A_170, %add3A_178 : vector<16xi32>
          %gather3A_180 = tpu.vector_load_idx %arg21[%add3A_169, %add3A_179] : memref<256x128xf32, #tpu.memory_space<vmem>>[vector<16xi32>, vector<16xi32>], vector<16xf32>,
          %swap3A_181 = arith.constant 1 : i32
          %swap3A_182 = arith.index_cast %swap3A_181 : i32 to index
          %swap3A_183 = arith.index_cast %mul3A_167 : i32 to index
          %swap3A_184 = tpu.vector_load %arg23[%swap3A_182, %swap3A_183] {strides = array<i32>} : memref<32x256xf32, #tpu.memory_space<vmem>>, vector<16xf32>,
          tpu.vector_store %arg23[%swap3A_182, %swap3A_183], %gather3A_180 {strides = array<i32>} : memref<32x256xf32, #tpu.memory_space<vmem>>, vector<16xf32>,
          %add3A_185 = arith.constant 8 : i32
          %add3A_186 = vector.broadcast %add3A_185 : i32 to vector<16xi32>
          %add3A_187 = arith.addi %get3A_170, %add3A_186 : vector<16xi32>
          %gather3A_188 = tpu.vector_load_idx %arg21[%add3A_169, %add3A_187] : memref<256x128xf32, #tpu.memory_space<vmem>>[vector<16xi32>, vector<16xi32>], vector<16xf32>,
          %swap3A_189 = arith.constant 2 : i32
          %swap3A_190 = arith.index_cast %swap3A_189 : i32 to index
          %swap3A_191 = arith.index_cast %mul3A_167 : i32 to index
          %swap3A_192 = tpu.vector_load %arg23[%swap3A_190, %swap3A_191] {strides = array<i32>} : memref<32x256xf32, #tpu.memory_space<vmem>>, vector<16xf32>,
          tpu.vector_store %arg23[%swap3A_190, %swap3A_191], %gather3A_188 {strides = array<i32>} : memref<32x256xf32, #tpu.memory_space<vmem>>, vector<16xf32>,
          %add3A_193 = arith.constant 12 : i32
          %add3A_194 = vector.broadcast %add3A_193 : i32 to vector<16xi32>
          %add3A_195 = arith.addi %get3A_170, %add3A_194 : vector<16xi32>
          %gather3A_196 = tpu.vector_load_idx %arg21[%add3A_169, %add3A_195] : memref<256x128xf32, #tpu.memory_space<vmem>>[vector<16xi32>, vector<16xi32>], vector<16xf32>,
          %swap3A_197 = arith.constant 3 : i32
          %swap3A_198 = arith.index_cast %swap3A_197 : i32 to index
          %swap3A_199 = arith.index_cast %mul3A_167 : i32 to index
          %swap3A_200 = tpu.vector_load %arg23[%swap3A_198, %swap3A_199] {strides = array<i32>} : memref<32x256xf32, #tpu.memory_space<vmem>>, vector<16xf32>,
          tpu.vector_store %arg23[%swap3A_198, %swap3A_199], %gather3A_196 {strides = array<i32>} : memref<32x256xf32, #tpu.memory_space<vmem>>, vector<16xf32>,
          %add3A_201 = arith.constant 16 : i32
          %add3A_202 = vector.broadcast %add3A_201 : i32 to vector<16xi32>
          %add3A_203 = arith.addi %get3A_170, %add3A_202 : vector<16xi32>
          %gather3A_204 = tpu.vector_load_idx %arg21[%add3A_169, %add3A_203] : memref<256x128xf32, #tpu.memory_space<vmem>>[vector<16xi32>, vector<16xi32>], vector<16xf32>,
          %swap3A_205 = arith.constant 4 : i32
          %swap3A_206 = arith.index_cast %swap3A_205 : i32 to index
          %swap3A_207 = arith.index_cast %mul3A_167 : i32 to index
          %swap3A_208 = tpu.vector_load %arg23[%swap3A_206, %swap3A_207] {strides = array<i32>} : memref<32x256xf32, #tpu.memory_space<vmem>>, vector<16xf32>,
          tpu.vector_store %arg23[%swap3A_206, %swap3A_207], %gather3A_204 {strides = array<i32>} : memref<32x256xf32, #tpu.memory_space<vmem>>, vector<16xf32>,
          %add3A_209 = arith.constant 20 : i32
          %add3A_210 = vector.broadcast %add3A_209 : i32 to vector<16xi32>
          %add3A_211 = arith.addi %get3A_170, %add3A_210 : vector<16xi32>
          %gather3A_212 = tpu.vector_load_idx %arg21[%add3A_169, %add3A_211] : memref<256x128xf32, #tpu.memory_space<vmem>>[vector<16xi32>, vector<16xi32>], vector<16xf32>,
          %swap3A_213 = arith.constant 5 : i32
          %swap3A_214 = arith.index_cast %swap3A_213 : i32 to index
          %swap3A_215 = arith.index_cast %mul3A_167 : i32 to index
          %swap3A_216 = tpu.vector_load %arg23[%swap3A_214, %swap3A_215] {strides = array<i32>} : memref<32x256xf32, #tpu.memory_space<vmem>>, vector<16xf32>,
          tpu.vector_store %arg23[%swap3A_214, %swap3A_215], %gather3A_212 {strides = array<i32>} : memref<32x256xf32, #tpu.memory_space<vmem>>, vector<16xf32>,
          %add3A_217 = arith.constant 24 : i32
          %add3A_218 = vector.broadcast %add3A_217 : i32 to vector<16xi32>
          %add3A_219 = arith.addi %get3A_170, %add3A_218 : vector<16xi32>
          %gather3A_220 = tpu.vector_load_idx %arg21[%add3A_169, %add3A_219] : memref<256x128xf32, #tpu.memory_space<vmem>>[vector<16xi32>, vector<16xi32>], vector<16xf32>,
          %swap3A_221 = arith.constant 6 : i32
          %swap3A_222 = arith.index_cast %swap3A_221 : i32 to index
          %swap3A_223 = arith.index_cast %mul3A_167 : i32 to index
          %swap3A_224 = tpu.vector_load %arg23[%swap3A_222, %swap3A_223] {strides = array<i32>} : memref<32x256xf32, #tpu.memory_space<vmem>>, vector<16xf32>,
          tpu.vector_store %arg23[%swap3A_222, %swap3A_223], %gather3A_220 {strides = array<i32>} : memref<32x256xf32, #tpu.memory_space<vmem>>, vector<16xf32>,
          %add3A_225 = arith.constant 28 : i32
          %add3A_226 = vector.broadcast %add3A_225 : i32 to vector<16xi32>
          %add3A_227 = arith.addi %get3A_170, %add3A_226 : vector<16xi32>
          %gather3A_228 = tpu.vector_load_idx %arg21[%add3A_169, %add3A_227] : memref<256x128xf32, #tpu.memory_space<vmem>>[vector<16xi32>, vector<16xi32>], vector<16xf32>,
          %swap3A_229 = arith.constant 7 : i32
          %swap3A_230 = arith.index_cast %swap3A_229 : i32 to index
          %swap3A_231 = arith.index_cast %mul3A_167 : i32 to index
          %swap3A_232 = tpu.vector_load %arg23[%swap3A_230, %swap3A_231] {strides = array<i32>} : memref<32x256xf32, #tpu.memory_space<vmem>>, vector<16xf32>,
          tpu.vector_store %arg23[%swap3A_230, %swap3A_231], %gather3A_228 {strides = array<i32>} : memref<32x256xf32, #tpu.memory_space<vmem>>, vector<16xf32>,
          %add3A_233 = arith.constant 32 : i32
          %add3A_234 = vector.broadcast %add3A_233 : i32 to vector<16xi32>
          %add3A_235 = arith.addi %get3A_170, %add3A_234 : vector<16xi32>
          %gather3A_236 = tpu.vector_load_idx %arg21[%add3A_169, %add3A_235] : memref<256x128xf32, #tpu.memory_space<vmem>>[vector<16xi32>, vector<16xi32>], vector<16xf32>,
          %swap3A_237 = arith.constant 8 : i32
          %swap3A_238 = arith.index_cast %swap3A_237 : i32 to index
          %swap3A_239 = arith.index_cast %mul3A_167 : i32 to index
          %swap3A_240 = tpu.vector_load %arg23[%swap3A_238, %swap3A_239] {strides = array<i32>} : memref<32x256xf32, #tpu.memory_space<vmem>>, vector<16xf32>,
          tpu.vector_store %arg23[%swap3A_238, %swap3A_239], %gather3A_236 {strides = array<i32>} : memref<32x256xf32, #tpu.memory_space<vmem>>, vector<16xf32>,
          %add3A_241 = arith.constant 36 : i32
          %add3A_242 = vector.broadcast %add3A_241 : i32 to vector<16xi32>
          %add3A_243 = arith.addi %get3A_170, %add3A_242 : vector<16xi32>
          %gather3A_244 = tpu.vector_load_idx %arg21[%add3A_169, %add3A_243] : memref<256x128xf32, #tpu.memory_space<vmem>>[vector<16xi32>, vector<16xi32>], vector<16xf32>,
          %swap3A_245 = arith.constant 9 : i32
          %swap3A_246 = arith.index_cast %swap3A_245 : i32 to index
          %swap3A_247 = arith.index_cast %mul3A_167 : i32 to index
          %swap3A_248 = tpu.vector_load %arg23[%swap3A_246, %swap3A_247] {strides = array<i32>} : memref<32x256xf32, #tpu.memory_space<vmem>>, vector<16xf32>,
          tpu.vector_store %arg23[%swap3A_246, %swap3A_247], %gather3A_244 {strides = array<i32>} : memref<32x256xf32, #tpu.memory_space<vmem>>, vector<16xf32>,
          %add3A_249 = arith.constant 40 : i32
          %add3A_250 = vector.broadcast %add3A_249 : i32 to vector<16xi32>
          %add3A_251 = arith.addi %get3A_170, %add3A_250 : vector<16xi32>
          %gather3A_252 = tpu.vector_load_idx %arg21[%add3A_169, %add3A_251] : memref<256x128xf32, #tpu.memory_space<vmem>>[vector<16xi32>, vector<16xi32>], vector<16xf32>,
          %swap3A_253 = arith.constant 10 : i32
          %swap3A_254 = arith.index_cast %swap3A_253 : i32 to index
          %swap3A_255 = arith.index_cast %mul3A_167 : i32 to index
          %swap3A_256 = tpu.vector_load %arg23[%swap3A_254, %swap3A_255] {strides = array<i32>} : memref<32x256xf32, #tpu.memory_space<vmem>>, vector<16xf32>,
          tpu.vector_store %arg23[%swap3A_254, %swap3A_255], %gather3A_252 {strides = array<i32>} : memref<32x256xf32, #tpu.memory_space<vmem>>, vector<16xf32>,
          %add3A_257 = arith.constant 44 : i32
          %add3A_258 = vector.broadcast %add3A_257 : i32 to vector<16xi32>
          %add3A_259 = arith.addi %get3A_170, %add3A_258 : vector<16xi32>
          %gather3A_260 = tpu.vector_load_idx %arg21[%add3A_169, %add3A_259] : memref<256x128xf32, #tpu.memory_space<vmem>>[vector<16xi32>, vector<16xi32>], vector<16xf32>,
          %swap3A_261 = arith.constant 11 : i32
          %swap3A_262 = arith.index_cast %swap3A_261 : i32 to index
          %swap3A_263 = arith.index_cast %mul3A_167 : i32 to index
          %swap3A_264 = tpu.vector_load %arg23[%swap3A_262, %swap3A_263] {strides = array<i32>} : memref<32x256xf32, #tpu.memory_space<vmem>>, vector<16xf32>,
          tpu.vector_store %arg23[%swap3A_262, %swap3A_263], %gather3A_260 {strides = array<i32>} : memref<32x256xf32, #tpu.memory_space<vmem>>, vector<16xf32>,
          %add3A_265 = arith.constant 48 : i32
          %add3A_266 = vector.broadcast %add3A_265 : i32 to vector<16xi32>
          %add3A_267 = arith.addi %get3A_170, %add3A_266 : vector<16xi32>
          %gather3A_268 = tpu.vector_load_idx %arg21[%add3A_169, %add3A_267] : memref<256x128xf32, #tpu.memory_space<vmem>>[vector<16xi32>, vector<16xi32>], vector<16xf32>,
          %swap3A_269 = arith.constant 12 : i32
          %swap3A_270 = arith.index_cast %swap3A_269 : i32 to index
          %swap3A_271 = arith.index_cast %mul3A_167 : i32 to index
          %swap3A_272 = tpu.vector_load %arg23[%swap3A_270, %swap3A_271] {strides = array<i32>} : memref<32x256xf32, #tpu.memory_space<vmem>>, vector<16xf32>,
          tpu.vector_store %arg23[%swap3A_270, %swap3A_271], %gather3A_268 {strides = array<i32>} : memref<32x256xf32, #tpu.memory_space<vmem>>, vector<16xf32>,
          %add3A_273 = arith.constant 52 : i32
          %add3A_274 = vector.broadcast %add3A_273 : i32 to vector<16xi32>
          %add3A_275 = arith.addi %get3A_170, %add3A_274 : vector<16xi32>
          %gather3A_276 = tpu.vector_load_idx %arg21[%add3A_169, %add3A_275] : memref<256x128xf32, #tpu.memory_space<vmem>>[vector<16xi32>, vector<16xi32>], vector<16xf32>,
          %swap3A_277 = arith.constant 13 : i32
          %swap3A_278 = arith.index_cast %swap3A_277 : i32 to index
          %swap3A_279 = arith.index_cast %mul3A_167 : i32 to index
          %swap3A_280 = tpu.vector_load %arg23[%swap3A_278, %swap3A_279] {strides = array<i32>} : memref<32x256xf32, #tpu.memory_space<vmem>>, vector<16xf32>,
          tpu.vector_store %arg23[%swap3A_278, %swap3A_279], %gather3A_276 {strides = array<i32>} : memref<32x256xf32, #tpu.memory_space<vmem>>, vector<16xf32>,
          %add3A_281 = arith.constant 56 : i32
          %add3A_282 = vector.broadcast %add3A_281 : i32 to vector<16xi32>
          %add3A_283 = arith.addi %get3A_170, %add3A_282 : vector<16xi32>
          %gather3A_284 = tpu.vector_load_idx %arg21[%add3A_169, %add3A_283] : memref<256x128xf32, #tpu.memory_space<vmem>>[vector<16xi32>, vector<16xi32>], vector<16xf32>,
          %swap3A_285 = arith.constant 14 : i32
          %swap3A_286 = arith.index_cast %swap3A_285 : i32 to index
          %swap3A_287 = arith.index_cast %mul3A_167 : i32 to index
          %swap3A_288 = tpu.vector_load %arg23[%swap3A_286, %swap3A_287] {strides = array<i32>} : memref<32x256xf32, #tpu.memory_space<vmem>>, vector<16xf32>,
          tpu.vector_store %arg23[%swap3A_286, %swap3A_287], %gather3A_284 {strides = array<i32>} : memref<32x256xf32, #tpu.memory_space<vmem>>, vector<16xf32>,
          %add3A_289 = arith.constant 60 : i32
          %add3A_290 = vector.broadcast %add3A_289 : i32 to vector<16xi32>
          %add3A_291 = arith.addi %get3A_170, %add3A_290 : vector<16xi32>
          %gather3A_292 = tpu.vector_load_idx %arg21[%add3A_169, %add3A_291] : memref<256x128xf32, #tpu.memory_space<vmem>>[vector<16xi32>, vector<16xi32>], vector<16xf32>,
          %swap3A_293 = arith.constant 15 : i32
          %swap3A_294 = arith.index_cast %swap3A_293 : i32 to index
          %swap3A_295 = arith.index_cast %mul3A_167 : i32 to index
          %swap3A_296 = tpu.vector_load %arg23[%swap3A_294, %swap3A_295] {strides = array<i32>} : memref<32x256xf32, #tpu.memory_space<vmem>>, vector<16xf32>,
          tpu.vector_store %arg23[%swap3A_294, %swap3A_295], %gather3A_292 {strides = array<i32>} : memref<32x256xf32, #tpu.memory_space<vmem>>, vector<16xf32>,
          %add3A_297 = arith.constant 64 : i32
          %add3A_298 = vector.broadcast %add3A_297 : i32 to vector<16xi32>
          %add3A_299 = arith.addi %get3A_170, %add3A_298 : vector<16xi32>
          %gather3A_300 = tpu.vector_load_idx %arg21[%add3A_169, %add3A_299] : memref<256x128xf32, #tpu.memory_space<vmem>>[vector<16xi32>, vector<16xi32>], vector<16xf32>,
          %swap3A_301 = arith.constant 16 : i32
          %swap3A_302 = arith.index_cast %swap3A_301 : i32 to index
          %swap3A_303 = arith.index_cast %mul3A_167 : i32 to index
          %swap3A_304 = tpu.vector_load %arg23[%swap3A_302, %swap3A_303] {strides = array<i32>} : memref<32x256xf32, #tpu.memory_space<vmem>>, vector<16xf32>,
          tpu.vector_store %arg23[%swap3A_302, %swap3A_303], %gather3A_300 {strides = array<i32>} : memref<32x256xf32, #tpu.memory_space<vmem>>, vector<16xf32>,
          %add3A_305 = arith.constant 68 : i32
          %add3A_306 = vector.broadcast %add3A_305 : i32 to vector<16xi32>
          %add3A_307 = arith.addi %get3A_170, %add3A_306 : vector<16xi32>
          %gather3A_308 = tpu.vector_load_idx %arg21[%add3A_169, %add3A_307] : memref<256x128xf32, #tpu.memory_space<vmem>>[vector<16xi32>, vector<16xi32>], vector<16xf32>,
          %swap3A_309 = arith.constant 17 : i32
          %swap3A_310 = arith.index_cast %swap3A_309 : i32 to index
          %swap3A_311 = arith.index_cast %mul3A_167 : i32 to index
          %swap3A_312 = tpu.vector_load %arg23[%swap3A_310, %swap3A_311] {strides = array<i32>} : memref<32x256xf32, #tpu.memory_space<vmem>>, vector<16xf32>,
          tpu.vector_store %arg23[%swap3A_310, %swap3A_311], %gather3A_308 {strides = array<i32>} : memref<32x256xf32, #tpu.memory_space<vmem>>, vector<16xf32>,
          %add3A_313 = arith.constant 72 : i32
          %add3A_314 = vector.broadcast %add3A_313 : i32 to vector<16xi32>
          %add3A_315 = arith.addi %get3A_170, %add3A_314 : vector<16xi32>
          %gather3A_316 = tpu.vector_load_idx %arg21[%add3A_169, %add3A_315] : memref<256x128xf32, #tpu.memory_space<vmem>>[vector<16xi32>, vector<16xi32>], vector<16xf32>,
          %swap3A_317 = arith.constant 18 : i32
          %swap3A_318 = arith.index_cast %swap3A_317 : i32 to index
          %swap3A_319 = arith.index_cast %mul3A_167 : i32 to index
          %swap3A_320 = tpu.vector_load %arg23[%swap3A_318, %swap3A_319] {strides = array<i32>} : memref<32x256xf32, #tpu.memory_space<vmem>>, vector<16xf32>,
          tpu.vector_store %arg23[%swap3A_318, %swap3A_319], %gather3A_316 {strides = array<i32>} : memref<32x256xf32, #tpu.memory_space<vmem>>, vector<16xf32>,
          %add3A_321 = arith.constant 76 : i32
          %add3A_322 = vector.broadcast %add3A_321 : i32 to vector<16xi32>
          %add3A_323 = arith.addi %get3A_170, %add3A_322 : vector<16xi32>
          %gather3A_324 = tpu.vector_load_idx %arg21[%add3A_169, %add3A_323] : memref<256x128xf32, #tpu.memory_space<vmem>>[vector<16xi32>, vector<16xi32>], vector<16xf32>,
          %swap3A_325 = arith.constant 19 : i32
          %swap3A_326 = arith.index_cast %swap3A_325 : i32 to index
          %swap3A_327 = arith.index_cast %mul3A_167 : i32 to index
          %swap3A_328 = tpu.vector_load %arg23[%swap3A_326, %swap3A_327] {strides = array<i32>} : memref<32x256xf32, #tpu.memory_space<vmem>>, vector<16xf32>,
          tpu.vector_store %arg23[%swap3A_326, %swap3A_327], %gather3A_324 {strides = array<i32>} : memref<32x256xf32, #tpu.memory_space<vmem>>, vector<16xf32>,
          %add3A_329 = arith.constant 80 : i32
          %add3A_330 = vector.broadcast %add3A_329 : i32 to vector<16xi32>
          %add3A_331 = arith.addi %get3A_170, %add3A_330 : vector<16xi32>
          %gather3A_332 = tpu.vector_load_idx %arg21[%add3A_169, %add3A_331] : memref<256x128xf32, #tpu.memory_space<vmem>>[vector<16xi32>, vector<16xi32>], vector<16xf32>,
          %swap3A_333 = arith.constant 20 : i32
          %swap3A_334 = arith.index_cast %swap3A_333 : i32 to index
          %swap3A_335 = arith.index_cast %mul3A_167 : i32 to index
          %swap3A_336 = tpu.vector_load %arg23[%swap3A_334, %swap3A_335] {strides = array<i32>} : memref<32x256xf32, #tpu.memory_space<vmem>>, vector<16xf32>,
          tpu.vector_store %arg23[%swap3A_334, %swap3A_335], %gather3A_332 {strides = array<i32>} : memref<32x256xf32, #tpu.memory_space<vmem>>, vector<16xf32>,
          %add3A_337 = arith.constant 84 : i32
          %add3A_338 = vector.broadcast %add3A_337 : i32 to vector<16xi32>
          %add3A_339 = arith.addi %get3A_170, %add3A_338 : vector<16xi32>
          %gather3A_340 = tpu.vector_load_idx %arg21[%add3A_169, %add3A_339] : memref<256x128xf32, #tpu.memory_space<vmem>>[vector<16xi32>, vector<16xi32>], vector<16xf32>,
          %swap3A_341 = arith.constant 21 : i32
          %swap3A_342 = arith.index_cast %swap3A_341 : i32 to index
          %swap3A_343 = arith.index_cast %mul3A_167 : i32 to index
          %swap3A_344 = tpu.vector_load %arg23[%swap3A_342, %swap3A_343] {strides = array<i32>} : memref<32x256xf32, #tpu.memory_space<vmem>>, vector<16xf32>,
          tpu.vector_store %arg23[%swap3A_342, %swap3A_343], %gather3A_340 {strides = array<i32>} : memref<32x256xf32, #tpu.memory_space<vmem>>, vector<16xf32>,
          %add3A_345 = arith.constant 88 : i32
          %add3A_346 = vector.broadcast %add3A_345 : i32 to vector<16xi32>
          %add3A_347 = arith.addi %get3A_170, %add3A_346 : vector<16xi32>
          %gather3A_348 = tpu.vector_load_idx %arg21[%add3A_169, %add3A_347] : memref<256x128xf32, #tpu.memory_space<vmem>>[vector<16xi32>, vector<16xi32>], vector<16xf32>,
          %swap3A_349 = arith.constant 22 : i32
          %swap3A_350 = arith.index_cast %swap3A_349 : i32 to index
          %swap3A_351 = arith.index_cast %mul3A_167 : i32 to index
          %swap3A_352 = tpu.vector_load %arg23[%swap3A_350, %swap3A_351] {strides = array<i32>} : memref<32x256xf32, #tpu.memory_space<vmem>>, vector<16xf32>,
          tpu.vector_store %arg23[%swap3A_350, %swap3A_351], %gather3A_348 {strides = array<i32>} : memref<32x256xf32, #tpu.memory_space<vmem>>, vector<16xf32>,
          %add3A_353 = arith.constant 92 : i32
          %add3A_354 = vector.broadcast %add3A_353 : i32 to vector<16xi32>
          %add3A_355 = arith.addi %get3A_170, %add3A_354 : vector<16xi32>
          %gather3A_356 = tpu.vector_load_idx %arg21[%add3A_169, %add3A_355] : memref<256x128xf32, #tpu.memory_space<vmem>>[vector<16xi32>, vector<16xi32>], vector<16xf32>,
          %swap3A_357 = arith.constant 23 : i32
          %swap3A_358 = arith.index_cast %swap3A_357 : i32 to index
          %swap3A_359 = arith.index_cast %mul3A_167 : i32 to index
          %swap3A_360 = tpu.vector_load %arg23[%swap3A_358, %swap3A_359] {strides = array<i32>} : memref<32x256xf32, #tpu.memory_space<vmem>>, vector<16xf32>,
          tpu.vector_store %arg23[%swap3A_358, %swap3A_359], %gather3A_356 {strides = array<i32>} : memref<32x256xf32, #tpu.memory_space<vmem>>, vector<16xf32>,
          %add3A_361 = arith.constant 96 : i32
          %add3A_362 = vector.broadcast %add3A_361 : i32 to vector<16xi32>
          %add3A_363 = arith.addi %get3A_170, %add3A_362 : vector<16xi32>
          %gather3A_364 = tpu.vector_load_idx %arg21[%add3A_169, %add3A_363] : memref<256x128xf32, #tpu.memory_space<vmem>>[vector<16xi32>, vector<16xi32>], vector<16xf32>,
          %swap3A_365 = arith.constant 24 : i32
          %swap3A_366 = arith.index_cast %swap3A_365 : i32 to index
          %swap3A_367 = arith.index_cast %mul3A_167 : i32 to index
          %swap3A_368 = tpu.vector_load %arg23[%swap3A_366, %swap3A_367] {strides = array<i32>} : memref<32x256xf32, #tpu.memory_space<vmem>>, vector<16xf32>,
          tpu.vector_store %arg23[%swap3A_366, %swap3A_367], %gather3A_364 {strides = array<i32>} : memref<32x256xf32, #tpu.memory_space<vmem>>, vector<16xf32>,
          %add3A_369 = arith.constant 100 : i32
          %add3A_370 = vector.broadcast %add3A_369 : i32 to vector<16xi32>
          %add3A_371 = arith.addi %get3A_170, %add3A_370 : vector<16xi32>
          %gather3A_372 = tpu.vector_load_idx %arg21[%add3A_169, %add3A_371] : memref<256x128xf32, #tpu.memory_space<vmem>>[vector<16xi32>, vector<16xi32>], vector<16xf32>,
          %swap3A_373 = arith.constant 25 : i32
          %swap3A_374 = arith.index_cast %swap3A_373 : i32 to index
          %swap3A_375 = arith.index_cast %mul3A_167 : i32 to index
          %swap3A_376 = tpu.vector_load %arg23[%swap3A_374, %swap3A_375] {strides = array<i32>} : memref<32x256xf32, #tpu.memory_space<vmem>>, vector<16xf32>,
          tpu.vector_store %arg23[%swap3A_374, %swap3A_375], %gather3A_372 {strides = array<i32>} : memref<32x256xf32, #tpu.memory_space<vmem>>, vector<16xf32>,
          %add3A_377 = arith.constant 104 : i32
          %add3A_378 = vector.broadcast %add3A_377 : i32 to vector<16xi32>
          %add3A_379 = arith.addi %get3A_170, %add3A_378 : vector<16xi32>
          %gather3A_380 = tpu.vector_load_idx %arg21[%add3A_169, %add3A_379] : memref<256x128xf32, #tpu.memory_space<vmem>>[vector<16xi32>, vector<16xi32>], vector<16xf32>,
          %swap3A_381 = arith.constant 26 : i32
          %swap3A_382 = arith.index_cast %swap3A_381 : i32 to index
          %swap3A_383 = arith.index_cast %mul3A_167 : i32 to index
          %swap3A_384 = tpu.vector_load %arg23[%swap3A_382, %swap3A_383] {strides = array<i32>} : memref<32x256xf32, #tpu.memory_space<vmem>>, vector<16xf32>,
          tpu.vector_store %arg23[%swap3A_382, %swap3A_383], %gather3A_380 {strides = array<i32>} : memref<32x256xf32, #tpu.memory_space<vmem>>, vector<16xf32>,
          %add3A_385 = arith.constant 108 : i32
          %add3A_386 = vector.broadcast %add3A_385 : i32 to vector<16xi32>
          %add3A_387 = arith.addi %get3A_170, %add3A_386 : vector<16xi32>
          %gather3A_388 = tpu.vector_load_idx %arg21[%add3A_169, %add3A_387] : memref<256x128xf32, #tpu.memory_space<vmem>>[vector<16xi32>, vector<16xi32>], vector<16xf32>,
          %swap3A_389 = arith.constant 27 : i32
          %swap3A_390 = arith.index_cast %swap3A_389 : i32 to index
          %swap3A_391 = arith.index_cast %mul3A_167 : i32 to index
          %swap3A_392 = tpu.vector_load %arg23[%swap3A_390, %swap3A_391] {strides = array<i32>} : memref<32x256xf32, #tpu.memory_space<vmem>>, vector<16xf32>,
          tpu.vector_store %arg23[%swap3A_390, %swap3A_391], %gather3A_388 {strides = array<i32>} : memref<32x256xf32, #tpu.memory_space<vmem>>, vector<16xf32>,
          %add3A_393 = arith.constant 112 : i32
          %add3A_394 = vector.broadcast %add3A_393 : i32 to vector<16xi32>
          %add3A_395 = arith.addi %get3A_170, %add3A_394 : vector<16xi32>
          %gather3A_396 = tpu.vector_load_idx %arg21[%add3A_169, %add3A_395] : memref<256x128xf32, #tpu.memory_space<vmem>>[vector<16xi32>, vector<16xi32>], vector<16xf32>,
          %swap3A_397 = arith.constant 28 : i32
          %swap3A_398 = arith.index_cast %swap3A_397 : i32 to index
          %swap3A_399 = arith.index_cast %mul3A_167 : i32 to index
          %swap3A_400 = tpu.vector_load %arg23[%swap3A_398, %swap3A_399] {strides = array<i32>} : memref<32x256xf32, #tpu.memory_space<vmem>>, vector<16xf32>,
          tpu.vector_store %arg23[%swap3A_398, %swap3A_399], %gather3A_396 {strides = array<i32>} : memref<32x256xf32, #tpu.memory_space<vmem>>, vector<16xf32>,
          %add3A_401 = arith.constant 116 : i32
          %add3A_402 = vector.broadcast %add3A_401 : i32 to vector<16xi32>
          %add3A_403 = arith.addi %get3A_170, %add3A_402 : vector<16xi32>
          %gather3A_404 = tpu.vector_load_idx %arg21[%add3A_169, %add3A_403] : memref<256x128xf32, #tpu.memory_space<vmem>>[vector<16xi32>, vector<16xi32>], vector<16xf32>,
          %swap3A_405 = arith.constant 29 : i32
          %swap3A_406 = arith.index_cast %swap3A_405 : i32 to index
          %swap3A_407 = arith.index_cast %mul3A_167 : i32 to index
          %swap3A_408 = tpu.vector_load %arg23[%swap3A_406, %swap3A_407] {strides = array<i32>} : memref<32x256xf32, #tpu.memory_space<vmem>>, vector<16xf32>,
          tpu.vector_store %arg23[%swap3A_406, %swap3A_407], %gather3A_404 {strides = array<i32>} : memref<32x256xf32, #tpu.memory_space<vmem>>, vector<16xf32>,
          %add3A_409 = arith.constant 120 : i32
          %add3A_410 = vector.broadcast %add3A_409 : i32 to vector<16xi32>
          %add3A_411 = arith.addi %get3A_170, %add3A_410 : vector<16xi32>
          %gather3A_412 = tpu.vector_load_idx %arg21[%add3A_169, %add3A_411] : memref<256x128xf32, #tpu.memory_space<vmem>>[vector<16xi32>, vector<16xi32>], vector<16xf32>,
          %swap3A_413 = arith.constant 30 : i32
          %swap3A_414 = arith.index_cast %swap3A_413 : i32 to index
          %swap3A_415 = arith.index_cast %mul3A_167 : i32 to index
          %swap3A_416 = tpu.vector_load %arg23[%swap3A_414, %swap3A_415] {strides = array<i32>} : memref<32x256xf32, #tpu.memory_space<vmem>>, vector<16xf32>,
          tpu.vector_store %arg23[%swap3A_414, %swap3A_415], %gather3A_412 {strides = array<i32>} : memref<32x256xf32, #tpu.memory_space<vmem>>, vector<16xf32>,
          %add3A_417 = arith.constant 124 : i32
          %add3A_418 = vector.broadcast %add3A_417 : i32 to vector<16xi32>
          %add3A_419 = arith.addi %get3A_170, %add3A_418 : vector<16xi32>
          %gather3A_420 = tpu.vector_load_idx %arg21[%add3A_169, %add3A_419] : memref<256x128xf32, #tpu.memory_space<vmem>>[vector<16xi32>, vector<16xi32>], vector<16xf32>,
          %swap3A_421 = arith.constant 31 : i32
          %swap3A_422 = arith.index_cast %swap3A_421 : i32 to index
          %swap3A_423 = arith.index_cast %mul3A_167 : i32 to index
          %swap3A_424 = tpu.vector_load %arg23[%swap3A_422, %swap3A_423] {strides = array<i32>} : memref<32x256xf32, #tpu.memory_space<vmem>>, vector<16xf32>,
          tpu.vector_store %arg23[%swap3A_422, %swap3A_423], %gather3A_420 {strides = array<i32>} : memref<32x256xf32, #tpu.memory_space<vmem>>, vector<16xf32>,
        }
        %scan3A_112 = arith.constant 16 : i32
        %add3A_113 = arith.constant 0 : i32
        %add3A_114 = arith.addi %add3A_113, %mul3A_44 : i32
        %mul3A_115 = arith.constant 256 : i32
        %mul3A_116 = arith.muli %add3A_86, %mul3A_115 : i32
        %add3A_117 = arith.addi %add3A_114, %mul3A_116 : i32
        %multiple_of3A_118 = tpu.assume_multiple %add3A_117, 256 : i32
        %dma_start3A_119 = arith.constant 0 : i32
        %dma_start3A_120 = tpu.memref_slice %arg8[%dma_start3A_119, %multiple_of3A_118] : memref<32x1048576xf32, #tpu.memory_space<hbm>> -> memref<32x256xf32, #tpu.memory_space<hbm>>
        %dma_start3A_121 = arith.constant 0 : i32
        %dma_start3A_122 = tpu.memref_slice %arg8[%dma_start3A_121, %multiple_of3A_118] : memref<32x1048576xf32, #tpu.memory_space<hbm>> -> memref<32x256xf32, #tpu.memory_space<hbm>>
        tpu.enqueue_dma source(%arg23 : memref<32x256xf32, #tpu.memory_space<vmem>>) target(%dma_start3A_122 : memref<32x256xf32, #tpu.memory_space<hbm>>) target_semaphore(%arg31 : memref<!tpu.dma_semaphore, #tpu.memory_space<semaphore_mem>>)
        %mul3A_123 = arith.constant 2 : i32
        %mul3A_124 = arith.muli %mul3A_123, %scan3A_82 : i32
        %add3A_125 = arith.constant 1 : i32
        %add3A_126 = arith.addi %mul3A_124, %add3A_125 : i32
        %add3A_127 = arith.constant 1 : i32
        %add3A_128 = arith.addi %add3A_126, %add3A_127 : i32
        %lt3A_129 = arith.constant 128 : i32
        %lt3A_130 = arith.cmpi slt, %add3A_128, %lt3A_129 : i32
        %convert_element_type3A_131 = arith.extui %lt3A_130 : i1 to i32
        %cond3A_132 = arith.constant 0 : i32
        %cond3A_133 = arith.cmpi ne, %convert_element_type3A_131, %cond3A_132 : i32
        scf.if %cond3A_133 {
          %dma_wait3A_165 = arith.constant 0 : i32
          %dma_wait3A_166 = tpu.memref_slice %arg4[%dma_wait3A_165] : memref<524288xi32, #tpu.memory_space<hbm>> -> memref<256xi32, #tpu.memory_space<hbm>>
          %dma_wait3A_167 = arith.constant 0 : i32
          %dma_wait3A_168 = tpu.memref_slice %arg4[%dma_wait3A_167] : memref<524288xi32, #tpu.memory_space<hbm>> -> memref<256xi32, #tpu.memory_space<hbm>>
          tpu.wait_dma2 semaphore(%arg33 : memref<!tpu.dma_semaphore, #tpu.memory_space<semaphore_mem>>) src(%dma_wait3A_168 : memref<256xi32, #tpu.memory_space<hbm>>) dst(%arg15 : memref<256xi32, #tpu.memory_space<vmem>>)
          %scan3A_169 = arith.constant 0 : i32
          %scan3A_170 = arith.constant 0 : i32
          %scan3A_171 = arith.constant 16 : i32
          %scan3A_172 = arith.addi %scan3A_170, %scan3A_171 : i32
          %scan3A_173 = arith.constant 1 : i32
          scf.for %scan3A_178 = %scan3A_170 to %scan3A_172 step %scan3A_173  : i32 {
            %mul3A_179 = arith.constant 16 : i32
            %mul3A_180 = arith.muli %scan3A_178, %mul3A_179 : i32
            %get3A = arith.index_cast %mul3A_180 : i32 to index
            %get3A_181 = tpu.vector_load %arg15[%get3A] {strides = array<i32>} : memref<256xi32, #tpu.memory_space<vmem>>, vector<16xi32>,
            %shift_right_logical3A_182 = arith.constant 2 : i32
            %shift_right_logical3A_183 = vector.broadcast %shift_right_logical3A_182 : i32 to vector<16xi32>
            %shift_right_logical3A_184 = arith.shrui %get3A_181, %shift_right_logical3A_183 : vector<16xi32>
            %mul3A_185 = arith.constant 16 : i32
            %mul3A_186 = arith.muli %scan3A_178, %mul3A_185 : i32
            %swap3A = arith.index_cast %mul3A_186 : i32 to index
            %swap3A_187 = tpu.vector_load %arg17[%swap3A] {strides = array<i32>} : memref<256xi32, #tpu.memory_space<vmem>>, vector<16xi32>,
            tpu.vector_store %arg17[%swap3A], %shift_right_logical3A_184 {strides = array<i32>} : memref<256xi32, #tpu.memory_space<vmem>>, vector<16xi32>,
            %rem3A_188 = arith.constant 4 : i32
            %rem3A_189 = vector.broadcast %rem3A_188 : i32 to vector<16xi32>
            %rem3A_190 = arith.remsi %get3A_181, %rem3A_189 : vector<16xi32>
            %mul3A_191 = arith.constant 16 : i32
            %mul3A_192 = arith.muli %scan3A_178, %mul3A_191 : i32
            %swap3A_193 = arith.index_cast %mul3A_192 : i32 to index
            %swap3A_194 = tpu.vector_load %arg19[%swap3A_193] {strides = array<i32>} : memref<256xi32, #tpu.memory_space<vmem>>, vector<16xi32>,
            tpu.vector_store %arg19[%swap3A_193], %rem3A_190 {strides = array<i32>} : memref<256xi32, #tpu.memory_space<vmem>>, vector<16xi32>,
          }
          %scan3A_174 = arith.constant 16 : i32
          %dma_start3A_175 = arith.constant 0 : i32
          %dma_start3A_176 = arith.constant 0 : i32
          %dma_start3A_177 = tpu.memref_slice %arg9[%dma_start3A_175, %dma_start3A_176] : memref<250000x128xf32, #tpu.memory_space<hbm>> -> memref<250000x128xf32, #tpu.memory_space<hbm>>
          tpu.enqueue_indirect_dma source(%dma_start3A_177 : memref<250000x128xf32, #tpu.memory_space<hbm>>) target(%arg21 : memref<256x128xf32, #tpu.memory_space<vmem>>) offsets(%arg17 : memref<256xi32, #tpu.memory_space<vmem>>) semaphore(%arg29 : memref<!tpu.dma_semaphore, #tpu.memory_space<semaphore_mem>>)
        } else {
        }
        %add3A_134 = arith.constant 2 : i32
        %add3A_135 = arith.addi %add3A_126, %add3A_134 : i32
        %lt3A_136 = arith.constant 128 : i32
        %lt3A_137 = arith.cmpi slt, %add3A_135, %lt3A_136 : i32
        %convert_element_type3A_138 = arith.extui %lt3A_137 : i1 to i32
        %cond3A_139 = arith.constant 0 : i32
        %cond3A_140 = arith.cmpi ne, %convert_element_type3A_138, %cond3A_139 : i32
        scf.if %cond3A_140 {
          %add3A_165 = arith.constant 2 : i32
          %add3A_166 = arith.addi %add3A_126, %add3A_165 : i32
          %mul3A_167 = arith.constant 256 : i32
          %mul3A_168 = arith.muli %add3A_166, %mul3A_167 : i32
          %add3A_169 = arith.addi %mul3A_44, %mul3A_168 : i32
          %multiple_of3A_170 = tpu.assume_multiple %add3A_169, 256 : i32
          %dma_start3A_171 = tpu.memref_slice %arg4[%multiple_of3A_170] : memref<524288xi32, #tpu.memory_space<hbm>> -> memref<256xi32, #tpu.memory_space<hbm>>
          %dma_start3A_172 = tpu.memref_slice %arg4[%multiple_of3A_170] : memref<524288xi32, #tpu.memory_space<hbm>> -> memref<256xi32, #tpu.memory_space<hbm>>
          tpu.enqueue_dma source(%dma_start3A_172 : memref<256xi32, #tpu.memory_space<hbm>>) target(%arg16 : memref<256xi32, #tpu.memory_space<vmem>>) target_semaphore(%arg34 : memref<!tpu.dma_semaphore, #tpu.memory_space<semaphore_mem>>)
        } else {
        }
        %dma_wait3A_141 = arith.constant 0 : i32
        %dma_wait3A_142 = arith.constant 0 : i32
        %dma_wait3A_143 = tpu.memref_slice %arg9[%dma_wait3A_141, %dma_wait3A_142] : memref<250000x128xf32, #tpu.memory_space<hbm>> -> memref<250000x128xf32, #tpu.memory_space<hbm>>
        tpu.wait_indirect_dma semaphore(%arg30 : memref<!tpu.dma_semaphore, #tpu.memory_space<semaphore_mem>>) src(%dma_wait3A_143 : memref<250000x128xf32, #tpu.memory_space<hbm>>) dst(%arg22 : memref<256x128xf32, #tpu.memory_space<vmem>>)
        %ge3A_144 = arith.constant 2 : i32
        %ge3A_145 = arith.cmpi sge, %add3A_126, %ge3A_144 : i32
        %convert_element_type3A_146 = arith.extui %ge3A_145 : i1 to i32
        %cond3A_147 = arith.constant 0 : i32
        %cond3A_148 = arith.cmpi ne, %convert_element_type3A_146, %cond3A_147 : i32
        scf.if %cond3A_148 {
          %dma_wait3A_165 = arith.constant 0 : i32
          %dma_wait3A_166 = arith.constant 0 : i32
          %dma_wait3A_167 = tpu.memref_slice %arg8[%dma_wait3A_165, %dma_wait3A_166] : memref<32x1048576xf32, #tpu.memory_space<hbm>> -> memref<32x256xf32, #tpu.memory_space<hbm>>
          %dma_wait3A_168 = arith.constant 0 : i32
          %dma_wait3A_169 = arith.constant 0 : i32
          %dma_wait3A_170 = tpu.memref_slice %arg8[%dma_wait3A_168, %dma_wait3A_169] : memref<32x1048576xf32, #tpu.memory_space<hbm>> -> memref<32x256xf32, #tpu.memory_space<hbm>>
          tpu.wait_dma2 semaphore(%arg32 : memref<!tpu.dma_semaphore, #tpu.memory_space<semaphore_mem>>) src(%arg24 : memref<32x256xf32, #tpu.memory_space<vmem>>) dst(%dma_wait3A_170 : memref<32x256xf32, #tpu.memory_space<hbm>>)
        } else {
        }
        %scan3A_149 = arith.constant 0 : i32
        %scan3A_150 = arith.constant 0 : i32
        %scan3A_151 = arith.constant 16 : i32
        %scan3A_152 = arith.addi %scan3A_150, %scan3A_151 : i32
        %scan3A_153 = arith.constant 1 : i32
        scf.for %scan3A_165 = %scan3A_150 to %scan3A_152 step %scan3A_153  : i32 {
          %mul3A_166 = arith.constant 16 : i32
          %mul3A_167 = arith.muli %scan3A_165, %mul3A_166 : i32
          %add3A_168 = vector.broadcast %mul3A_167 : i32 to vector<16xi32>
          %add3A_169 = arith.addi %iota3A, %add3A_168 : vector<16xi32>
          %get3A = arith.index_cast %mul3A_167 : i32 to index
          %get3A_170 = tpu.vector_load %arg20[%get3A] {strides = array<i32>} : memref<256xi32, #tpu.memory_space<vmem>>, vector<16xi32>,
          %add3A_171 = arith.constant 0 : i32
          %add3A_172 = vector.broadcast %add3A_171 : i32 to vector<16xi32>
          %add3A_173 = arith.addi %get3A_170, %add3A_172 : vector<16xi32>
          %gather3A = tpu.vector_load_idx %arg22[%add3A_169, %add3A_173] : memref<256x128xf32, #tpu.memory_space<vmem>>[vector<16xi32>, vector<16xi32>], vector<16xf32>,
          %swap3A = arith.constant 0 : i32
          %swap3A_174 = arith.index_cast %swap3A : i32 to index
          %swap3A_175 = arith.index_cast %mul3A_167 : i32 to index
          %swap3A_176 = tpu.vector_load %arg24[%swap3A_174, %swap3A_175] {strides = array<i32>} : memref<32x256xf32, #tpu.memory_space<vmem>>, vector<16xf32>,
          tpu.vector_store %arg24[%swap3A_174, %swap3A_175], %gather3A {strides = array<i32>} : memref<32x256xf32, #tpu.memory_space<vmem>>, vector<16xf32>,
          %add3A_177 = arith.constant 4 : i32
          %add3A_178 = vector.broadcast %add3A_177 : i32 to vector<16xi32>
          %add3A_179 = arith.addi %get3A_170, %add3A_178 : vector<16xi32>
          %gather3A_180 = tpu.vector_load_idx %arg22[%add3A_169, %add3A_179] : memref<256x128xf32, #tpu.memory_space<vmem>>[vector<16xi32>, vector<16xi32>], vector<16xf32>,
          %swap3A_181 = arith.constant 1 : i32
          %swap3A_182 = arith.index_cast %swap3A_181 : i32 to index
          %swap3A_183 = arith.index_cast %mul3A_167 : i32 to index
          %swap3A_184 = tpu.vector_load %arg24[%swap3A_182, %swap3A_183] {strides = array<i32>} : memref<32x256xf32, #tpu.memory_space<vmem>>, vector<16xf32>,
          tpu.vector_store %arg24[%swap3A_182, %swap3A_183], %gather3A_180 {strides = array<i32>} : memref<32x256xf32, #tpu.memory_space<vmem>>, vector<16xf32>,
          %add3A_185 = arith.constant 8 : i32
          %add3A_186 = vector.broadcast %add3A_185 : i32 to vector<16xi32>
          %add3A_187 = arith.addi %get3A_170, %add3A_186 : vector<16xi32>
          %gather3A_188 = tpu.vector_load_idx %arg22[%add3A_169, %add3A_187] : memref<256x128xf32, #tpu.memory_space<vmem>>[vector<16xi32>, vector<16xi32>], vector<16xf32>,
          %swap3A_189 = arith.constant 2 : i32
          %swap3A_190 = arith.index_cast %swap3A_189 : i32 to index
          %swap3A_191 = arith.index_cast %mul3A_167 : i32 to index
          %swap3A_192 = tpu.vector_load %arg24[%swap3A_190, %swap3A_191] {strides = array<i32>} : memref<32x256xf32, #tpu.memory_space<vmem>>, vector<16xf32>,
          tpu.vector_store %arg24[%swap3A_190, %swap3A_191], %gather3A_188 {strides = array<i32>} : memref<32x256xf32, #tpu.memory_space<vmem>>, vector<16xf32>,
          %add3A_193 = arith.constant 12 : i32
          %add3A_194 = vector.broadcast %add3A_193 : i32 to vector<16xi32>
          %add3A_195 = arith.addi %get3A_170, %add3A_194 : vector<16xi32>
          %gather3A_196 = tpu.vector_load_idx %arg22[%add3A_169, %add3A_195] : memref<256x128xf32, #tpu.memory_space<vmem>>[vector<16xi32>, vector<16xi32>], vector<16xf32>,
          %swap3A_197 = arith.constant 3 : i32
          %swap3A_198 = arith.index_cast %swap3A_197 : i32 to index
          %swap3A_199 = arith.index_cast %mul3A_167 : i32 to index
          %swap3A_200 = tpu.vector_load %arg24[%swap3A_198, %swap3A_199] {strides = array<i32>} : memref<32x256xf32, #tpu.memory_space<vmem>>, vector<16xf32>,
          tpu.vector_store %arg24[%swap3A_198, %swap3A_199], %gather3A_196 {strides = array<i32>} : memref<32x256xf32, #tpu.memory_space<vmem>>, vector<16xf32>,
          %add3A_201 = arith.constant 16 : i32
          %add3A_202 = vector.broadcast %add3A_201 : i32 to vector<16xi32>
          %add3A_203 = arith.addi %get3A_170, %add3A_202 : vector<16xi32>
          %gather3A_204 = tpu.vector_load_idx %arg22[%add3A_169, %add3A_203] : memref<256x128xf32, #tpu.memory_space<vmem>>[vector<16xi32>, vector<16xi32>], vector<16xf32>,
          %swap3A_205 = arith.constant 4 : i32
          %swap3A_206 = arith.index_cast %swap3A_205 : i32 to index
          %swap3A_207 = arith.index_cast %mul3A_167 : i32 to index
          %swap3A_208 = tpu.vector_load %arg24[%swap3A_206, %swap3A_207] {strides = array<i32>} : memref<32x256xf32, #tpu.memory_space<vmem>>, vector<16xf32>,
          tpu.vector_store %arg24[%swap3A_206, %swap3A_207], %gather3A_204 {strides = array<i32>} : memref<32x256xf32, #tpu.memory_space<vmem>>, vector<16xf32>,
          %add3A_209 = arith.constant 20 : i32
          %add3A_210 = vector.broadcast %add3A_209 : i32 to vector<16xi32>
          %add3A_211 = arith.addi %get3A_170, %add3A_210 : vector<16xi32>
          %gather3A_212 = tpu.vector_load_idx %arg22[%add3A_169, %add3A_211] : memref<256x128xf32, #tpu.memory_space<vmem>>[vector<16xi32>, vector<16xi32>], vector<16xf32>,
          %swap3A_213 = arith.constant 5 : i32
          %swap3A_214 = arith.index_cast %swap3A_213 : i32 to index
          %swap3A_215 = arith.index_cast %mul3A_167 : i32 to index
          %swap3A_216 = tpu.vector_load %arg24[%swap3A_214, %swap3A_215] {strides = array<i32>} : memref<32x256xf32, #tpu.memory_space<vmem>>, vector<16xf32>,
          tpu.vector_store %arg24[%swap3A_214, %swap3A_215], %gather3A_212 {strides = array<i32>} : memref<32x256xf32, #tpu.memory_space<vmem>>, vector<16xf32>,
          %add3A_217 = arith.constant 24 : i32
          %add3A_218 = vector.broadcast %add3A_217 : i32 to vector<16xi32>
          %add3A_219 = arith.addi %get3A_170, %add3A_218 : vector<16xi32>
          %gather3A_220 = tpu.vector_load_idx %arg22[%add3A_169, %add3A_219] : memref<256x128xf32, #tpu.memory_space<vmem>>[vector<16xi32>, vector<16xi32>], vector<16xf32>,
          %swap3A_221 = arith.constant 6 : i32
          %swap3A_222 = arith.index_cast %swap3A_221 : i32 to index
          %swap3A_223 = arith.index_cast %mul3A_167 : i32 to index
          %swap3A_224 = tpu.vector_load %arg24[%swap3A_222, %swap3A_223] {strides = array<i32>} : memref<32x256xf32, #tpu.memory_space<vmem>>, vector<16xf32>,
          tpu.vector_store %arg24[%swap3A_222, %swap3A_223], %gather3A_220 {strides = array<i32>} : memref<32x256xf32, #tpu.memory_space<vmem>>, vector<16xf32>,
          %add3A_225 = arith.constant 28 : i32
          %add3A_226 = vector.broadcast %add3A_225 : i32 to vector<16xi32>
          %add3A_227 = arith.addi %get3A_170, %add3A_226 : vector<16xi32>
          %gather3A_228 = tpu.vector_load_idx %arg22[%add3A_169, %add3A_227] : memref<256x128xf32, #tpu.memory_space<vmem>>[vector<16xi32>, vector<16xi32>], vector<16xf32>,
          %swap3A_229 = arith.constant 7 : i32
          %swap3A_230 = arith.index_cast %swap3A_229 : i32 to index
          %swap3A_231 = arith.index_cast %mul3A_167 : i32 to index
          %swap3A_232 = tpu.vector_load %arg24[%swap3A_230, %swap3A_231] {strides = array<i32>} : memref<32x256xf32, #tpu.memory_space<vmem>>, vector<16xf32>,
          tpu.vector_store %arg24[%swap3A_230, %swap3A_231], %gather3A_228 {strides = array<i32>} : memref<32x256xf32, #tpu.memory_space<vmem>>, vector<16xf32>,
          %add3A_233 = arith.constant 32 : i32
          %add3A_234 = vector.broadcast %add3A_233 : i32 to vector<16xi32>
          %add3A_235 = arith.addi %get3A_170, %add3A_234 : vector<16xi32>
          %gather3A_236 = tpu.vector_load_idx %arg22[%add3A_169, %add3A_235] : memref<256x128xf32, #tpu.memory_space<vmem>>[vector<16xi32>, vector<16xi32>], vector<16xf32>,
          %swap3A_237 = arith.constant 8 : i32
          %swap3A_238 = arith.index_cast %swap3A_237 : i32 to index
          %swap3A_239 = arith.index_cast %mul3A_167 : i32 to index
          %swap3A_240 = tpu.vector_load %arg24[%swap3A_238, %swap3A_239] {strides = array<i32>} : memref<32x256xf32, #tpu.memory_space<vmem>>, vector<16xf32>,
          tpu.vector_store %arg24[%swap3A_238, %swap3A_239], %gather3A_236 {strides = array<i32>} : memref<32x256xf32, #tpu.memory_space<vmem>>, vector<16xf32>,
          %add3A_241 = arith.constant 36 : i32
          %add3A_242 = vector.broadcast %add3A_241 : i32 to vector<16xi32>
          %add3A_243 = arith.addi %get3A_170, %add3A_242 : vector<16xi32>
          %gather3A_244 = tpu.vector_load_idx %arg22[%add3A_169, %add3A_243] : memref<256x128xf32, #tpu.memory_space<vmem>>[vector<16xi32>, vector<16xi32>], vector<16xf32>,
          %swap3A_245 = arith.constant 9 : i32
          %swap3A_246 = arith.index_cast %swap3A_245 : i32 to index
          %swap3A_247 = arith.index_cast %mul3A_167 : i32 to index
          %swap3A_248 = tpu.vector_load %arg24[%swap3A_246, %swap3A_247] {strides = array<i32>} : memref<32x256xf32, #tpu.memory_space<vmem>>, vector<16xf32>,
          tpu.vector_store %arg24[%swap3A_246, %swap3A_247], %gather3A_244 {strides = array<i32>} : memref<32x256xf32, #tpu.memory_space<vmem>>, vector<16xf32>,
          %add3A_249 = arith.constant 40 : i32
          %add3A_250 = vector.broadcast %add3A_249 : i32 to vector<16xi32>
          %add3A_251 = arith.addi %get3A_170, %add3A_250 : vector<16xi32>
          %gather3A_252 = tpu.vector_load_idx %arg22[%add3A_169, %add3A_251] : memref<256x128xf32, #tpu.memory_space<vmem>>[vector<16xi32>, vector<16xi32>], vector<16xf32>,
          %swap3A_253 = arith.constant 10 : i32
          %swap3A_254 = arith.index_cast %swap3A_253 : i32 to index
          %swap3A_255 = arith.index_cast %mul3A_167 : i32 to index
          %swap3A_256 = tpu.vector_load %arg24[%swap3A_254, %swap3A_255] {strides = array<i32>} : memref<32x256xf32, #tpu.memory_space<vmem>>, vector<16xf32>,
          tpu.vector_store %arg24[%swap3A_254, %swap3A_255], %gather3A_252 {strides = array<i32>} : memref<32x256xf32, #tpu.memory_space<vmem>>, vector<16xf32>,
          %add3A_257 = arith.constant 44 : i32
          %add3A_258 = vector.broadcast %add3A_257 : i32 to vector<16xi32>
          %add3A_259 = arith.addi %get3A_170, %add3A_258 : vector<16xi32>
          %gather3A_260 = tpu.vector_load_idx %arg22[%add3A_169, %add3A_259] : memref<256x128xf32, #tpu.memory_space<vmem>>[vector<16xi32>, vector<16xi32>], vector<16xf32>,
          %swap3A_261 = arith.constant 11 : i32
          %swap3A_262 = arith.index_cast %swap3A_261 : i32 to index
          %swap3A_263 = arith.index_cast %mul3A_167 : i32 to index
          %swap3A_264 = tpu.vector_load %arg24[%swap3A_262, %swap3A_263] {strides = array<i32>} : memref<32x256xf32, #tpu.memory_space<vmem>>, vector<16xf32>,
          tpu.vector_store %arg24[%swap3A_262, %swap3A_263], %gather3A_260 {strides = array<i32>} : memref<32x256xf32, #tpu.memory_space<vmem>>, vector<16xf32>,
          %add3A_265 = arith.constant 48 : i32
          %add3A_266 = vector.broadcast %add3A_265 : i32 to vector<16xi32>
          %add3A_267 = arith.addi %get3A_170, %add3A_266 : vector<16xi32>
          %gather3A_268 = tpu.vector_load_idx %arg22[%add3A_169, %add3A_267] : memref<256x128xf32, #tpu.memory_space<vmem>>[vector<16xi32>, vector<16xi32>], vector<16xf32>,
          %swap3A_269 = arith.constant 12 : i32
          %swap3A_270 = arith.index_cast %swap3A_269 : i32 to index
          %swap3A_271 = arith.index_cast %mul3A_167 : i32 to index
          %swap3A_272 = tpu.vector_load %arg24[%swap3A_270, %swap3A_271] {strides = array<i32>} : memref<32x256xf32, #tpu.memory_space<vmem>>, vector<16xf32>,
          tpu.vector_store %arg24[%swap3A_270, %swap3A_271], %gather3A_268 {strides = array<i32>} : memref<32x256xf32, #tpu.memory_space<vmem>>, vector<16xf32>,
          %add3A_273 = arith.constant 52 : i32
          %add3A_274 = vector.broadcast %add3A_273 : i32 to vector<16xi32>
          %add3A_275 = arith.addi %get3A_170, %add3A_274 : vector<16xi32>
          %gather3A_276 = tpu.vector_load_idx %arg22[%add3A_169, %add3A_275] : memref<256x128xf32, #tpu.memory_space<vmem>>[vector<16xi32>, vector<16xi32>], vector<16xf32>,
          %swap3A_277 = arith.constant 13 : i32
          %swap3A_278 = arith.index_cast %swap3A_277 : i32 to index
          %swap3A_279 = arith.index_cast %mul3A_167 : i32 to index
          %swap3A_280 = tpu.vector_load %arg24[%swap3A_278, %swap3A_279] {strides = array<i32>} : memref<32x256xf32, #tpu.memory_space<vmem>>, vector<16xf32>,
          tpu.vector_store %arg24[%swap3A_278, %swap3A_279], %gather3A_276 {strides = array<i32>} : memref<32x256xf32, #tpu.memory_space<vmem>>, vector<16xf32>,
          %add3A_281 = arith.constant 56 : i32
          %add3A_282 = vector.broadcast %add3A_281 : i32 to vector<16xi32>
          %add3A_283 = arith.addi %get3A_170, %add3A_282 : vector<16xi32>
          %gather3A_284 = tpu.vector_load_idx %arg22[%add3A_169, %add3A_283] : memref<256x128xf32, #tpu.memory_space<vmem>>[vector<16xi32>, vector<16xi32>], vector<16xf32>,
          %swap3A_285 = arith.constant 14 : i32
          %swap3A_286 = arith.index_cast %swap3A_285 : i32 to index
          %swap3A_287 = arith.index_cast %mul3A_167 : i32 to index
          %swap3A_288 = tpu.vector_load %arg24[%swap3A_286, %swap3A_287] {strides = array<i32>} : memref<32x256xf32, #tpu.memory_space<vmem>>, vector<16xf32>,
          tpu.vector_store %arg24[%swap3A_286, %swap3A_287], %gather3A_284 {strides = array<i32>} : memref<32x256xf32, #tpu.memory_space<vmem>>, vector<16xf32>,
          %add3A_289 = arith.constant 60 : i32
          %add3A_290 = vector.broadcast %add3A_289 : i32 to vector<16xi32>
          %add3A_291 = arith.addi %get3A_170, %add3A_290 : vector<16xi32>
          %gather3A_292 = tpu.vector_load_idx %arg22[%add3A_169, %add3A_291] : memref<256x128xf32, #tpu.memory_space<vmem>>[vector<16xi32>, vector<16xi32>], vector<16xf32>,
          %swap3A_293 = arith.constant 15 : i32
          %swap3A_294 = arith.index_cast %swap3A_293 : i32 to index
          %swap3A_295 = arith.index_cast %mul3A_167 : i32 to index
          %swap3A_296 = tpu.vector_load %arg24[%swap3A_294, %swap3A_295] {strides = array<i32>} : memref<32x256xf32, #tpu.memory_space<vmem>>, vector<16xf32>,
          tpu.vector_store %arg24[%swap3A_294, %swap3A_295], %gather3A_292 {strides = array<i32>} : memref<32x256xf32, #tpu.memory_space<vmem>>, vector<16xf32>,
          %add3A_297 = arith.constant 64 : i32
          %add3A_298 = vector.broadcast %add3A_297 : i32 to vector<16xi32>
          %add3A_299 = arith.addi %get3A_170, %add3A_298 : vector<16xi32>
          %gather3A_300 = tpu.vector_load_idx %arg22[%add3A_169, %add3A_299] : memref<256x128xf32, #tpu.memory_space<vmem>>[vector<16xi32>, vector<16xi32>], vector<16xf32>,
          %swap3A_301 = arith.constant 16 : i32
          %swap3A_302 = arith.index_cast %swap3A_301 : i32 to index
          %swap3A_303 = arith.index_cast %mul3A_167 : i32 to index
          %swap3A_304 = tpu.vector_load %arg24[%swap3A_302, %swap3A_303] {strides = array<i32>} : memref<32x256xf32, #tpu.memory_space<vmem>>, vector<16xf32>,
          tpu.vector_store %arg24[%swap3A_302, %swap3A_303], %gather3A_300 {strides = array<i32>} : memref<32x256xf32, #tpu.memory_space<vmem>>, vector<16xf32>,
          %add3A_305 = arith.constant 68 : i32
          %add3A_306 = vector.broadcast %add3A_305 : i32 to vector<16xi32>
          %add3A_307 = arith.addi %get3A_170, %add3A_306 : vector<16xi32>
          %gather3A_308 = tpu.vector_load_idx %arg22[%add3A_169, %add3A_307] : memref<256x128xf32, #tpu.memory_space<vmem>>[vector<16xi32>, vector<16xi32>], vector<16xf32>,
          %swap3A_309 = arith.constant 17 : i32
          %swap3A_310 = arith.index_cast %swap3A_309 : i32 to index
          %swap3A_311 = arith.index_cast %mul3A_167 : i32 to index
          %swap3A_312 = tpu.vector_load %arg24[%swap3A_310, %swap3A_311] {strides = array<i32>} : memref<32x256xf32, #tpu.memory_space<vmem>>, vector<16xf32>,
          tpu.vector_store %arg24[%swap3A_310, %swap3A_311], %gather3A_308 {strides = array<i32>} : memref<32x256xf32, #tpu.memory_space<vmem>>, vector<16xf32>,
          %add3A_313 = arith.constant 72 : i32
          %add3A_314 = vector.broadcast %add3A_313 : i32 to vector<16xi32>
          %add3A_315 = arith.addi %get3A_170, %add3A_314 : vector<16xi32>
          %gather3A_316 = tpu.vector_load_idx %arg22[%add3A_169, %add3A_315] : memref<256x128xf32, #tpu.memory_space<vmem>>[vector<16xi32>, vector<16xi32>], vector<16xf32>,
          %swap3A_317 = arith.constant 18 : i32
          %swap3A_318 = arith.index_cast %swap3A_317 : i32 to index
          %swap3A_319 = arith.index_cast %mul3A_167 : i32 to index
          %swap3A_320 = tpu.vector_load %arg24[%swap3A_318, %swap3A_319] {strides = array<i32>} : memref<32x256xf32, #tpu.memory_space<vmem>>, vector<16xf32>,
          tpu.vector_store %arg24[%swap3A_318, %swap3A_319], %gather3A_316 {strides = array<i32>} : memref<32x256xf32, #tpu.memory_space<vmem>>, vector<16xf32>,
          %add3A_321 = arith.constant 76 : i32
          %add3A_322 = vector.broadcast %add3A_321 : i32 to vector<16xi32>
          %add3A_323 = arith.addi %get3A_170, %add3A_322 : vector<16xi32>
          %gather3A_324 = tpu.vector_load_idx %arg22[%add3A_169, %add3A_323] : memref<256x128xf32, #tpu.memory_space<vmem>>[vector<16xi32>, vector<16xi32>], vector<16xf32>,
          %swap3A_325 = arith.constant 19 : i32
          %swap3A_326 = arith.index_cast %swap3A_325 : i32 to index
          %swap3A_327 = arith.index_cast %mul3A_167 : i32 to index
          %swap3A_328 = tpu.vector_load %arg24[%swap3A_326, %swap3A_327] {strides = array<i32>} : memref<32x256xf32, #tpu.memory_space<vmem>>, vector<16xf32>,
          tpu.vector_store %arg24[%swap3A_326, %swap3A_327], %gather3A_324 {strides = array<i32>} : memref<32x256xf32, #tpu.memory_space<vmem>>, vector<16xf32>,
          %add3A_329 = arith.constant 80 : i32
          %add3A_330 = vector.broadcast %add3A_329 : i32 to vector<16xi32>
          %add3A_331 = arith.addi %get3A_170, %add3A_330 : vector<16xi32>
          %gather3A_332 = tpu.vector_load_idx %arg22[%add3A_169, %add3A_331] : memref<256x128xf32, #tpu.memory_space<vmem>>[vector<16xi32>, vector<16xi32>], vector<16xf32>,
          %swap3A_333 = arith.constant 20 : i32
          %swap3A_334 = arith.index_cast %swap3A_333 : i32 to index
          %swap3A_335 = arith.index_cast %mul3A_167 : i32 to index
          %swap3A_336 = tpu.vector_load %arg24[%swap3A_334, %swap3A_335] {strides = array<i32>} : memref<32x256xf32, #tpu.memory_space<vmem>>, vector<16xf32>,
          tpu.vector_store %arg24[%swap3A_334, %swap3A_335], %gather3A_332 {strides = array<i32>} : memref<32x256xf32, #tpu.memory_space<vmem>>, vector<16xf32>,
          %add3A_337 = arith.constant 84 : i32
          %add3A_338 = vector.broadcast %add3A_337 : i32 to vector<16xi32>
          %add3A_339 = arith.addi %get3A_170, %add3A_338 : vector<16xi32>
          %gather3A_340 = tpu.vector_load_idx %arg22[%add3A_169, %add3A_339] : memref<256x128xf32, #tpu.memory_space<vmem>>[vector<16xi32>, vector<16xi32>], vector<16xf32>,
          %swap3A_341 = arith.constant 21 : i32
          %swap3A_342 = arith.index_cast %swap3A_341 : i32 to index
          %swap3A_343 = arith.index_cast %mul3A_167 : i32 to index
          %swap3A_344 = tpu.vector_load %arg24[%swap3A_342, %swap3A_343] {strides = array<i32>} : memref<32x256xf32, #tpu.memory_space<vmem>>, vector<16xf32>,
          tpu.vector_store %arg24[%swap3A_342, %swap3A_343], %gather3A_340 {strides = array<i32>} : memref<32x256xf32, #tpu.memory_space<vmem>>, vector<16xf32>,
          %add3A_345 = arith.constant 88 : i32
          %add3A_346 = vector.broadcast %add3A_345 : i32 to vector<16xi32>
          %add3A_347 = arith.addi %get3A_170, %add3A_346 : vector<16xi32>
          %gather3A_348 = tpu.vector_load_idx %arg22[%add3A_169, %add3A_347] : memref<256x128xf32, #tpu.memory_space<vmem>>[vector<16xi32>, vector<16xi32>], vector<16xf32>,
          %swap3A_349 = arith.constant 22 : i32
          %swap3A_350 = arith.index_cast %swap3A_349 : i32 to index
          %swap3A_351 = arith.index_cast %mul3A_167 : i32 to index
          %swap3A_352 = tpu.vector_load %arg24[%swap3A_350, %swap3A_351] {strides = array<i32>} : memref<32x256xf32, #tpu.memory_space<vmem>>, vector<16xf32>,
          tpu.vector_store %arg24[%swap3A_350, %swap3A_351], %gather3A_348 {strides = array<i32>} : memref<32x256xf32, #tpu.memory_space<vmem>>, vector<16xf32>,
          %add3A_353 = arith.constant 92 : i32
          %add3A_354 = vector.broadcast %add3A_353 : i32 to vector<16xi32>
          %add3A_355 = arith.addi %get3A_170, %add3A_354 : vector<16xi32>
          %gather3A_356 = tpu.vector_load_idx %arg22[%add3A_169, %add3A_355] : memref<256x128xf32, #tpu.memory_space<vmem>>[vector<16xi32>, vector<16xi32>], vector<16xf32>,
          %swap3A_357 = arith.constant 23 : i32
          %swap3A_358 = arith.index_cast %swap3A_357 : i32 to index
          %swap3A_359 = arith.index_cast %mul3A_167 : i32 to index
          %swap3A_360 = tpu.vector_load %arg24[%swap3A_358, %swap3A_359] {strides = array<i32>} : memref<32x256xf32, #tpu.memory_space<vmem>>, vector<16xf32>,
          tpu.vector_store %arg24[%swap3A_358, %swap3A_359], %gather3A_356 {strides = array<i32>} : memref<32x256xf32, #tpu.memory_space<vmem>>, vector<16xf32>,
          %add3A_361 = arith.constant 96 : i32
          %add3A_362 = vector.broadcast %add3A_361 : i32 to vector<16xi32>
          %add3A_363 = arith.addi %get3A_170, %add3A_362 : vector<16xi32>
          %gather3A_364 = tpu.vector_load_idx %arg22[%add3A_169, %add3A_363] : memref<256x128xf32, #tpu.memory_space<vmem>>[vector<16xi32>, vector<16xi32>], vector<16xf32>,
          %swap3A_365 = arith.constant 24 : i32
          %swap3A_366 = arith.index_cast %swap3A_365 : i32 to index
          %swap3A_367 = arith.index_cast %mul3A_167 : i32 to index
          %swap3A_368 = tpu.vector_load %arg24[%swap3A_366, %swap3A_367] {strides = array<i32>} : memref<32x256xf32, #tpu.memory_space<vmem>>, vector<16xf32>,
          tpu.vector_store %arg24[%swap3A_366, %swap3A_367], %gather3A_364 {strides = array<i32>} : memref<32x256xf32, #tpu.memory_space<vmem>>, vector<16xf32>,
          %add3A_369 = arith.constant 100 : i32
          %add3A_370 = vector.broadcast %add3A_369 : i32 to vector<16xi32>
          %add3A_371 = arith.addi %get3A_170, %add3A_370 : vector<16xi32>
          %gather3A_372 = tpu.vector_load_idx %arg22[%add3A_169, %add3A_371] : memref<256x128xf32, #tpu.memory_space<vmem>>[vector<16xi32>, vector<16xi32>], vector<16xf32>,
          %swap3A_373 = arith.constant 25 : i32
          %swap3A_374 = arith.index_cast %swap3A_373 : i32 to index
          %swap3A_375 = arith.index_cast %mul3A_167 : i32 to index
          %swap3A_376 = tpu.vector_load %arg24[%swap3A_374, %swap3A_375] {strides = array<i32>} : memref<32x256xf32, #tpu.memory_space<vmem>>, vector<16xf32>,
          tpu.vector_store %arg24[%swap3A_374, %swap3A_375], %gather3A_372 {strides = array<i32>} : memref<32x256xf32, #tpu.memory_space<vmem>>, vector<16xf32>,
          %add3A_377 = arith.constant 104 : i32
          %add3A_378 = vector.broadcast %add3A_377 : i32 to vector<16xi32>
          %add3A_379 = arith.addi %get3A_170, %add3A_378 : vector<16xi32>
          %gather3A_380 = tpu.vector_load_idx %arg22[%add3A_169, %add3A_379] : memref<256x128xf32, #tpu.memory_space<vmem>>[vector<16xi32>, vector<16xi32>], vector<16xf32>,
          %swap3A_381 = arith.constant 26 : i32
          %swap3A_382 = arith.index_cast %swap3A_381 : i32 to index
          %swap3A_383 = arith.index_cast %mul3A_167 : i32 to index
          %swap3A_384 = tpu.vector_load %arg24[%swap3A_382, %swap3A_383] {strides = array<i32>} : memref<32x256xf32, #tpu.memory_space<vmem>>, vector<16xf32>,
          tpu.vector_store %arg24[%swap3A_382, %swap3A_383], %gather3A_380 {strides = array<i32>} : memref<32x256xf32, #tpu.memory_space<vmem>>, vector<16xf32>,
          %add3A_385 = arith.constant 108 : i32
          %add3A_386 = vector.broadcast %add3A_385 : i32 to vector<16xi32>
          %add3A_387 = arith.addi %get3A_170, %add3A_386 : vector<16xi32>
          %gather3A_388 = tpu.vector_load_idx %arg22[%add3A_169, %add3A_387] : memref<256x128xf32, #tpu.memory_space<vmem>>[vector<16xi32>, vector<16xi32>], vector<16xf32>,
          %swap3A_389 = arith.constant 27 : i32
          %swap3A_390 = arith.index_cast %swap3A_389 : i32 to index
          %swap3A_391 = arith.index_cast %mul3A_167 : i32 to index
          %swap3A_392 = tpu.vector_load %arg24[%swap3A_390, %swap3A_391] {strides = array<i32>} : memref<32x256xf32, #tpu.memory_space<vmem>>, vector<16xf32>,
          tpu.vector_store %arg24[%swap3A_390, %swap3A_391], %gather3A_388 {strides = array<i32>} : memref<32x256xf32, #tpu.memory_space<vmem>>, vector<16xf32>,
          %add3A_393 = arith.constant 112 : i32
          %add3A_394 = vector.broadcast %add3A_393 : i32 to vector<16xi32>
          %add3A_395 = arith.addi %get3A_170, %add3A_394 : vector<16xi32>
          %gather3A_396 = tpu.vector_load_idx %arg22[%add3A_169, %add3A_395] : memref<256x128xf32, #tpu.memory_space<vmem>>[vector<16xi32>, vector<16xi32>], vector<16xf32>,
          %swap3A_397 = arith.constant 28 : i32
          %swap3A_398 = arith.index_cast %swap3A_397 : i32 to index
          %swap3A_399 = arith.index_cast %mul3A_167 : i32 to index
          %swap3A_400 = tpu.vector_load %arg24[%swap3A_398, %swap3A_399] {strides = array<i32>} : memref<32x256xf32, #tpu.memory_space<vmem>>, vector<16xf32>,
          tpu.vector_store %arg24[%swap3A_398, %swap3A_399], %gather3A_396 {strides = array<i32>} : memref<32x256xf32, #tpu.memory_space<vmem>>, vector<16xf32>,
          %add3A_401 = arith.constant 116 : i32
          %add3A_402 = vector.broadcast %add3A_401 : i32 to vector<16xi32>
          %add3A_403 = arith.addi %get3A_170, %add3A_402 : vector<16xi32>
          %gather3A_404 = tpu.vector_load_idx %arg22[%add3A_169, %add3A_403] : memref<256x128xf32, #tpu.memory_space<vmem>>[vector<16xi32>, vector<16xi32>], vector<16xf32>,
          %swap3A_405 = arith.constant 29 : i32
          %swap3A_406 = arith.index_cast %swap3A_405 : i32 to index
          %swap3A_407 = arith.index_cast %mul3A_167 : i32 to index
          %swap3A_408 = tpu.vector_load %arg24[%swap3A_406, %swap3A_407] {strides = array<i32>} : memref<32x256xf32, #tpu.memory_space<vmem>>, vector<16xf32>,
          tpu.vector_store %arg24[%swap3A_406, %swap3A_407], %gather3A_404 {strides = array<i32>} : memref<32x256xf32, #tpu.memory_space<vmem>>, vector<16xf32>,
          %add3A_409 = arith.constant 120 : i32
          %add3A_410 = vector.broadcast %add3A_409 : i32 to vector<16xi32>
          %add3A_411 = arith.addi %get3A_170, %add3A_410 : vector<16xi32>
          %gather3A_412 = tpu.vector_load_idx %arg22[%add3A_169, %add3A_411] : memref<256x128xf32, #tpu.memory_space<vmem>>[vector<16xi32>, vector<16xi32>], vector<16xf32>,
          %swap3A_413 = arith.constant 30 : i32
          %swap3A_414 = arith.index_cast %swap3A_413 : i32 to index
          %swap3A_415 = arith.index_cast %mul3A_167 : i32 to index
          %swap3A_416 = tpu.vector_load %arg24[%swap3A_414, %swap3A_415] {strides = array<i32>} : memref<32x256xf32, #tpu.memory_space<vmem>>, vector<16xf32>,
          tpu.vector_store %arg24[%swap3A_414, %swap3A_415], %gather3A_412 {strides = array<i32>} : memref<32x256xf32, #tpu.memory_space<vmem>>, vector<16xf32>,
          %add3A_417 = arith.constant 124 : i32
          %add3A_418 = vector.broadcast %add3A_417 : i32 to vector<16xi32>
          %add3A_419 = arith.addi %get3A_170, %add3A_418 : vector<16xi32>
          %gather3A_420 = tpu.vector_load_idx %arg22[%add3A_169, %add3A_419] : memref<256x128xf32, #tpu.memory_space<vmem>>[vector<16xi32>, vector<16xi32>], vector<16xf32>,
          %swap3A_421 = arith.constant 31 : i32
          %swap3A_422 = arith.index_cast %swap3A_421 : i32 to index
          %swap3A_423 = arith.index_cast %mul3A_167 : i32 to index
          %swap3A_424 = tpu.vector_load %arg24[%swap3A_422, %swap3A_423] {strides = array<i32>} : memref<32x256xf32, #tpu.memory_space<vmem>>, vector<16xf32>,
          tpu.vector_store %arg24[%swap3A_422, %swap3A_423], %gather3A_420 {strides = array<i32>} : memref<32x256xf32, #tpu.memory_space<vmem>>, vector<16xf32>,
        }
        %scan3A_154 = arith.constant 16 : i32
        %add3A_155 = arith.constant 0 : i32
        %add3A_156 = arith.addi %add3A_155, %mul3A_44 : i32
        %mul3A_157 = arith.constant 256 : i32
        %mul3A_158 = arith.muli %add3A_126, %mul3A_157 : i32
        %add3A_159 = arith.addi %add3A_156, %mul3A_158 : i32
        %multiple_of3A_160 = tpu.assume_multiple %add3A_159, 256 : i32
        %dma_start3A_161 = arith.constant 0 : i32
        %dma_start3A_162 = tpu.memref_slice %arg8[%dma_start3A_161, %multiple_of3A_160] : memref<32x1048576xf32, #tpu.memory_space<hbm>> -> memref<32x256xf32, #tpu.memory_space<hbm>>
        %dma_start3A_163 = arith.constant 0 : i32
        %dma_start3A_164 = tpu.memref_slice %arg8[%dma_start3A_163, %multiple_of3A_160] : memref<32x1048576xf32, #tpu.memory_space<hbm>> -> memref<32x256xf32, #tpu.memory_space<hbm>>
        tpu.enqueue_dma source(%arg24 : memref<32x256xf32, #tpu.memory_space<vmem>>) target(%dma_start3A_164 : memref<32x256xf32, #tpu.memory_space<hbm>>) target_semaphore(%arg32 : memref<!tpu.dma_semaphore, #tpu.memory_space<semaphore_mem>>)
      }
      %scan3A_69 = arith.constant 64 : i32
      %dma_wait3A_70 = arith.constant 0 : i32
      %dma_wait3A_71 = arith.constant 0 : i32
      %dma_wait3A_72 = tpu.memref_slice %arg8[%dma_wait3A_70, %dma_wait3A_71] : memref<32x1048576xf32, #tpu.memory_space<hbm>> -> memref<32x256xf32, #tpu.memory_space<hbm>>
      %dma_wait3A_73 = arith.constant 0 : i32
      %dma_wait3A_74 = arith.constant 0 : i32
      %dma_wait3A_75 = tpu.memref_slice %arg8[%dma_wait3A_73, %dma_wait3A_74] : memref<32x1048576xf32, #tpu.memory_space<hbm>> -> memref<32x256xf32, #tpu.memory_space<hbm>>
      tpu.wait_dma2 semaphore(%arg31 : memref<!tpu.dma_semaphore, #tpu.memory_space<semaphore_mem>>) src(%arg23 : memref<32x256xf32, #tpu.memory_space<vmem>>) dst(%dma_wait3A_75 : memref<32x256xf32, #tpu.memory_space<hbm>>)
      %dma_wait3A_76 = arith.constant 0 : i32
      %dma_wait3A_77 = arith.constant 0 : i32
      %dma_wait3A_78 = tpu.memref_slice %arg8[%dma_wait3A_76, %dma_wait3A_77] : memref<32x1048576xf32, #tpu.memory_space<hbm>> -> memref<32x256xf32, #tpu.memory_space<hbm>>
      %dma_wait3A_79 = arith.constant 0 : i32
      %dma_wait3A_80 = arith.constant 0 : i32
      %dma_wait3A_81 = tpu.memref_slice %arg8[%dma_wait3A_79, %dma_wait3A_80] : memref<32x1048576xf32, #tpu.memory_space<hbm>> -> memref<32x256xf32, #tpu.memory_space<hbm>>
      tpu.wait_dma2 semaphore(%arg32 : memref<!tpu.dma_semaphore, #tpu.memory_space<semaphore_mem>>) src(%arg24 : memref<32x256xf32, #tpu.memory_space<vmem>>) dst(%dma_wait3A_81 : memref<32x256xf32, #tpu.memory_space<hbm>>)
    } else {
    }
    %eq3A_39 = arith.constant 1 : i32
    %eq3A_40 = arith.cmpi eq, %arg0, %eq3A_39 : i32
    %convert_element_type3A_41 = arith.extui %eq3A_40 : i1 to i32
    %cond3A_42 = arith.constant 0 : i32
    %cond3A_43 = arith.cmpi ne, %convert_element_type3A_41, %cond3A_42 : i32
    scf.if %cond3A_43 {
      %mul3A = arith.constant 32768 : i32
      %mul3A_44 = arith.muli %arg1, %mul3A : i32
      %add3A_45 = arith.constant 0 : i32
      %add3A_46 = arith.addi %mul3A_44, %add3A_45 : i32
      %multiple_of3A = tpu.assume_multiple %add3A_46, 256 : i32
      %dma_start3A = tpu.memref_slice %arg5[%multiple_of3A] : memref<524288xi32, #tpu.memory_space<hbm>> -> memref<256xi32, #tpu.memory_space<hbm>>
      %dma_start3A_47 = tpu.memref_slice %arg5[%multiple_of3A] : memref<524288xi32, #tpu.memory_space<hbm>> -> memref<256xi32, #tpu.memory_space<hbm>>
      tpu.enqueue_dma source(%dma_start3A_47 : memref<256xi32, #tpu.memory_space<hbm>>) target(%arg15 : memref<256xi32, #tpu.memory_space<vmem>>) target_semaphore(%arg33 : memref<!tpu.dma_semaphore, #tpu.memory_space<semaphore_mem>>)
      %dma_wait3A = arith.constant 0 : i32
      %dma_wait3A_48 = tpu.memref_slice %arg5[%dma_wait3A] : memref<524288xi32, #tpu.memory_space<hbm>> -> memref<256xi32, #tpu.memory_space<hbm>>
      %dma_wait3A_49 = arith.constant 0 : i32
      %dma_wait3A_50 = tpu.memref_slice %arg5[%dma_wait3A_49] : memref<524288xi32, #tpu.memory_space<hbm>> -> memref<256xi32, #tpu.memory_space<hbm>>
      tpu.wait_dma2 semaphore(%arg33 : memref<!tpu.dma_semaphore, #tpu.memory_space<semaphore_mem>>) src(%dma_wait3A_50 : memref<256xi32, #tpu.memory_space<hbm>>) dst(%arg15 : memref<256xi32, #tpu.memory_space<vmem>>)
      %scan3A = arith.constant 0 : i32
      %scan3A_51 = arith.constant 0 : i32
      %scan3A_52 = arith.constant 16 : i32
      %scan3A_53 = arith.addi %scan3A_51, %scan3A_52 : i32
      %scan3A_54 = arith.constant 1 : i32
      scf.for %scan3A_82 = %scan3A_51 to %scan3A_53 step %scan3A_54  : i32 {
        %mul3A_83 = arith.constant 16 : i32
        %mul3A_84 = arith.muli %scan3A_82, %mul3A_83 : i32
        %get3A = arith.index_cast %mul3A_84 : i32 to index
        %get3A_85 = tpu.vector_load %arg15[%get3A] {strides = array<i32>} : memref<256xi32, #tpu.memory_space<vmem>>, vector<16xi32>,
        %shift_right_logical3A_86 = arith.constant 2 : i32
        %shift_right_logical3A_87 = vector.broadcast %shift_right_logical3A_86 : i32 to vector<16xi32>
        %shift_right_logical3A_88 = arith.shrui %get3A_85, %shift_right_logical3A_87 : vector<16xi32>
        %mul3A_89 = arith.constant 16 : i32
        %mul3A_90 = arith.muli %scan3A_82, %mul3A_89 : i32
        %swap3A = arith.index_cast %mul3A_90 : i32 to index
        %swap3A_91 = tpu.vector_load %arg17[%swap3A] {strides = array<i32>} : memref<256xi32, #tpu.memory_space<vmem>>, vector<16xi32>,
        tpu.vector_store %arg17[%swap3A], %shift_right_logical3A_88 {strides = array<i32>} : memref<256xi32, #tpu.memory_space<vmem>>, vector<16xi32>,
        %rem3A_92 = arith.constant 4 : i32
        %rem3A_93 = vector.broadcast %rem3A_92 : i32 to vector<16xi32>
        %rem3A_94 = arith.remsi %get3A_85, %rem3A_93 : vector<16xi32>
        %mul3A_95 = arith.constant 16 : i32
        %mul3A_96 = arith.muli %scan3A_82, %mul3A_95 : i32
        %swap3A_97 = arith.index_cast %mul3A_96 : i32 to index
        %swap3A_98 = tpu.vector_load %arg19[%swap3A_97] {strides = array<i32>} : memref<256xi32, #tpu.memory_space<vmem>>, vector<16xi32>,
        tpu.vector_store %arg19[%swap3A_97], %rem3A_94 {strides = array<i32>} : memref<256xi32, #tpu.memory_space<vmem>>, vector<16xi32>,
      }
      %scan3A_55 = arith.constant 16 : i32
      %dma_start3A_56 = arith.constant 0 : i32
      %dma_start3A_57 = arith.constant 0 : i32
      %dma_start3A_58 = tpu.memref_slice %arg10[%dma_start3A_56, %dma_start3A_57] : memref<250000x128xf32, #tpu.memory_space<hbm>> -> memref<250000x128xf32, #tpu.memory_space<hbm>>
      tpu.enqueue_indirect_dma source(%dma_start3A_58 : memref<250000x128xf32, #tpu.memory_space<hbm>>) target(%arg21 : memref<256x128xf32, #tpu.memory_space<vmem>>) offsets(%arg17 : memref<256xi32, #tpu.memory_space<vmem>>) semaphore(%arg29 : memref<!tpu.dma_semaphore, #tpu.memory_space<semaphore_mem>>)
      %add3A_59 = arith.constant 256 : i32
      %add3A_60 = arith.addi %mul3A_44, %add3A_59 : i32
      %multiple_of3A_61 = tpu.assume_multiple %add3A_60, 256 : i32
      %dma_start3A_62 = tpu.memref_slice %arg5[%multiple_of3A_61] : memref<524288xi32, #tpu.memory_space<hbm>> -> memref<256xi32, #tpu.memory_space<hbm>>
      %dma_start3A_63 = tpu.memref_slice %arg5[%multiple_of3A_61] : memref<524288xi32, #tpu.memory_space<hbm>> -> memref<256xi32, #tpu.memory_space<hbm>>
      tpu.enqueue_dma source(%dma_start3A_63 : memref<256xi32, #tpu.memory_space<hbm>>) target(%arg16 : memref<256xi32, #tpu.memory_space<vmem>>) target_semaphore(%arg34 : memref<!tpu.dma_semaphore, #tpu.memory_space<semaphore_mem>>)
      %scan3A_64 = arith.constant 0 : i32
      %scan3A_65 = arith.constant 0 : i32
      %scan3A_66 = arith.constant 64 : i32
      %scan3A_67 = arith.addi %scan3A_65, %scan3A_66 : i32
      %scan3A_68 = arith.constant 1 : i32
      scf.for %scan3A_82 = %scan3A_65 to %scan3A_67 step %scan3A_68  : i32 {
        %mul3A_83 = arith.constant 2 : i32
        %mul3A_84 = arith.muli %mul3A_83, %scan3A_82 : i32
        %add3A_85 = arith.constant 0 : i32
        %add3A_86 = arith.addi %mul3A_84, %add3A_85 : i32
        %add3A_87 = arith.constant 1 : i32
        %add3A_88 = arith.addi %add3A_86, %add3A_87 : i32
        %lt3A = arith.constant 128 : i32
        %lt3A_89 = arith.cmpi slt, %add3A_88, %lt3A : i32
        %convert_element_type3A_90 = arith.extui %lt3A_89 : i1 to i32
        %cond3A_91 = arith.constant 0 : i32
        %cond3A_92 = arith.cmpi ne, %convert_element_type3A_90, %cond3A_91 : i32
        scf.if %cond3A_92 {
          %dma_wait3A_165 = arith.constant 0 : i32
          %dma_wait3A_166 = tpu.memref_slice %arg5[%dma_wait3A_165] : memref<524288xi32, #tpu.memory_space<hbm>> -> memref<256xi32, #tpu.memory_space<hbm>>
          %dma_wait3A_167 = arith.constant 0 : i32
          %dma_wait3A_168 = tpu.memref_slice %arg5[%dma_wait3A_167] : memref<524288xi32, #tpu.memory_space<hbm>> -> memref<256xi32, #tpu.memory_space<hbm>>
          tpu.wait_dma2 semaphore(%arg34 : memref<!tpu.dma_semaphore, #tpu.memory_space<semaphore_mem>>) src(%dma_wait3A_168 : memref<256xi32, #tpu.memory_space<hbm>>) dst(%arg16 : memref<256xi32, #tpu.memory_space<vmem>>)
          %scan3A_169 = arith.constant 0 : i32
          %scan3A_170 = arith.constant 0 : i32
          %scan3A_171 = arith.constant 16 : i32
          %scan3A_172 = arith.addi %scan3A_170, %scan3A_171 : i32
          %scan3A_173 = arith.constant 1 : i32
          scf.for %scan3A_178 = %scan3A_170 to %scan3A_172 step %scan3A_173  : i32 {
            %mul3A_179 = arith.constant 16 : i32
            %mul3A_180 = arith.muli %scan3A_178, %mul3A_179 : i32
            %get3A = arith.index_cast %mul3A_180 : i32 to index
            %get3A_181 = tpu.vector_load %arg16[%get3A] {strides = array<i32>} : memref<256xi32, #tpu.memory_space<vmem>>, vector<16xi32>,
            %shift_right_logical3A_182 = arith.constant 2 : i32
            %shift_right_logical3A_183 = vector.broadcast %shift_right_logical3A_182 : i32 to vector<16xi32>
            %shift_right_logical3A_184 = arith.shrui %get3A_181, %shift_right_logical3A_183 : vector<16xi32>
            %mul3A_185 = arith.constant 16 : i32
            %mul3A_186 = arith.muli %scan3A_178, %mul3A_185 : i32
            %swap3A = arith.index_cast %mul3A_186 : i32 to index
            %swap3A_187 = tpu.vector_load %arg18[%swap3A] {strides = array<i32>} : memref<256xi32, #tpu.memory_space<vmem>>, vector<16xi32>,
            tpu.vector_store %arg18[%swap3A], %shift_right_logical3A_184 {strides = array<i32>} : memref<256xi32, #tpu.memory_space<vmem>>, vector<16xi32>,
            %rem3A_188 = arith.constant 4 : i32
            %rem3A_189 = vector.broadcast %rem3A_188 : i32 to vector<16xi32>
            %rem3A_190 = arith.remsi %get3A_181, %rem3A_189 : vector<16xi32>
            %mul3A_191 = arith.constant 16 : i32
            %mul3A_192 = arith.muli %scan3A_178, %mul3A_191 : i32
            %swap3A_193 = arith.index_cast %mul3A_192 : i32 to index
            %swap3A_194 = tpu.vector_load %arg20[%swap3A_193] {strides = array<i32>} : memref<256xi32, #tpu.memory_space<vmem>>, vector<16xi32>,
            tpu.vector_store %arg20[%swap3A_193], %rem3A_190 {strides = array<i32>} : memref<256xi32, #tpu.memory_space<vmem>>, vector<16xi32>,
          }
          %scan3A_174 = arith.constant 16 : i32
          %dma_start3A_175 = arith.constant 0 : i32
          %dma_start3A_176 = arith.constant 0 : i32
          %dma_start3A_177 = tpu.memref_slice %arg10[%dma_start3A_175, %dma_start3A_176] : memref<250000x128xf32, #tpu.memory_space<hbm>> -> memref<250000x128xf32, #tpu.memory_space<hbm>>
          tpu.enqueue_indirect_dma source(%dma_start3A_177 : memref<250000x128xf32, #tpu.memory_space<hbm>>) target(%arg22 : memref<256x128xf32, #tpu.memory_space<vmem>>) offsets(%arg18 : memref<256xi32, #tpu.memory_space<vmem>>) semaphore(%arg30 : memref<!tpu.dma_semaphore, #tpu.memory_space<semaphore_mem>>)
        } else {
        }
        %add3A_93 = arith.constant 2 : i32
        %add3A_94 = arith.addi %add3A_86, %add3A_93 : i32
        %lt3A_95 = arith.constant 128 : i32
        %lt3A_96 = arith.cmpi slt, %add3A_94, %lt3A_95 : i32
        %convert_element_type3A_97 = arith.extui %lt3A_96 : i1 to i32
        %cond3A_98 = arith.constant 0 : i32
        %cond3A_99 = arith.cmpi ne, %convert_element_type3A_97, %cond3A_98 : i32
        scf.if %cond3A_99 {
          %add3A_165 = arith.constant 2 : i32
          %add3A_166 = arith.addi %add3A_86, %add3A_165 : i32
          %mul3A_167 = arith.constant 256 : i32
          %mul3A_168 = arith.muli %add3A_166, %mul3A_167 : i32
          %add3A_169 = arith.addi %mul3A_44, %mul3A_168 : i32
          %multiple_of3A_170 = tpu.assume_multiple %add3A_169, 256 : i32
          %dma_start3A_171 = tpu.memref_slice %arg5[%multiple_of3A_170] : memref<524288xi32, #tpu.memory_space<hbm>> -> memref<256xi32, #tpu.memory_space<hbm>>
          %dma_start3A_172 = tpu.memref_slice %arg5[%multiple_of3A_170] : memref<524288xi32, #tpu.memory_space<hbm>> -> memref<256xi32, #tpu.memory_space<hbm>>
          tpu.enqueue_dma source(%dma_start3A_172 : memref<256xi32, #tpu.memory_space<hbm>>) target(%arg15 : memref<256xi32, #tpu.memory_space<vmem>>) target_semaphore(%arg33 : memref<!tpu.dma_semaphore, #tpu.memory_space<semaphore_mem>>)
        } else {
        }
        %dma_wait3A_100 = arith.constant 0 : i32
        %dma_wait3A_101 = arith.constant 0 : i32
        %dma_wait3A_102 = tpu.memref_slice %arg10[%dma_wait3A_100, %dma_wait3A_101] : memref<250000x128xf32, #tpu.memory_space<hbm>> -> memref<250000x128xf32, #tpu.memory_space<hbm>>
        tpu.wait_indirect_dma semaphore(%arg29 : memref<!tpu.dma_semaphore, #tpu.memory_space<semaphore_mem>>) src(%dma_wait3A_102 : memref<250000x128xf32, #tpu.memory_space<hbm>>) dst(%arg21 : memref<256x128xf32, #tpu.memory_space<vmem>>)
        %ge3A = arith.constant 2 : i32
        %ge3A_103 = arith.cmpi sge, %add3A_86, %ge3A : i32
        %convert_element_type3A_104 = arith.extui %ge3A_103 : i1 to i32
        %cond3A_105 = arith.constant 0 : i32
        %cond3A_106 = arith.cmpi ne, %convert_element_type3A_104, %cond3A_105 : i32
        scf.if %cond3A_106 {
          %dma_wait3A_165 = arith.constant 0 : i32
          %dma_wait3A_166 = arith.constant 524288 : i32
          %dma_wait3A_167 = tpu.memref_slice %arg8[%dma_wait3A_165, %dma_wait3A_166] : memref<32x1048576xf32, #tpu.memory_space<hbm>> -> memref<32x256xf32, #tpu.memory_space<hbm>>
          %dma_wait3A_168 = arith.constant 0 : i32
          %dma_wait3A_169 = arith.constant 524288 : i32
          %dma_wait3A_170 = tpu.memref_slice %arg8[%dma_wait3A_168, %dma_wait3A_169] : memref<32x1048576xf32, #tpu.memory_space<hbm>> -> memref<32x256xf32, #tpu.memory_space<hbm>>
          tpu.wait_dma2 semaphore(%arg31 : memref<!tpu.dma_semaphore, #tpu.memory_space<semaphore_mem>>) src(%arg23 : memref<32x256xf32, #tpu.memory_space<vmem>>) dst(%dma_wait3A_170 : memref<32x256xf32, #tpu.memory_space<hbm>>)
        } else {
        }
        %scan3A_107 = arith.constant 0 : i32
        %scan3A_108 = arith.constant 0 : i32
        %scan3A_109 = arith.constant 16 : i32
        %scan3A_110 = arith.addi %scan3A_108, %scan3A_109 : i32
        %scan3A_111 = arith.constant 1 : i32
        scf.for %scan3A_165 = %scan3A_108 to %scan3A_110 step %scan3A_111  : i32 {
          %mul3A_166 = arith.constant 16 : i32
          %mul3A_167 = arith.muli %scan3A_165, %mul3A_166 : i32
          %add3A_168 = vector.broadcast %mul3A_167 : i32 to vector<16xi32>
          %add3A_169 = arith.addi %iota3A, %add3A_168 : vector<16xi32>
          %get3A = arith.index_cast %mul3A_167 : i32 to index
          %get3A_170 = tpu.vector_load %arg19[%get3A] {strides = array<i32>} : memref<256xi32, #tpu.memory_space<vmem>>, vector<16xi32>,
          %add3A_171 = arith.constant 0 : i32
          %add3A_172 = vector.broadcast %add3A_171 : i32 to vector<16xi32>
          %add3A_173 = arith.addi %get3A_170, %add3A_172 : vector<16xi32>
          %gather3A = tpu.vector_load_idx %arg21[%add3A_169, %add3A_173] : memref<256x128xf32, #tpu.memory_space<vmem>>[vector<16xi32>, vector<16xi32>], vector<16xf32>,
          %swap3A = arith.constant 0 : i32
          %swap3A_174 = arith.index_cast %swap3A : i32 to index
          %swap3A_175 = arith.index_cast %mul3A_167 : i32 to index
          %swap3A_176 = tpu.vector_load %arg23[%swap3A_174, %swap3A_175] {strides = array<i32>} : memref<32x256xf32, #tpu.memory_space<vmem>>, vector<16xf32>,
          tpu.vector_store %arg23[%swap3A_174, %swap3A_175], %gather3A {strides = array<i32>} : memref<32x256xf32, #tpu.memory_space<vmem>>, vector<16xf32>,
          %add3A_177 = arith.constant 4 : i32
          %add3A_178 = vector.broadcast %add3A_177 : i32 to vector<16xi32>
          %add3A_179 = arith.addi %get3A_170, %add3A_178 : vector<16xi32>
          %gather3A_180 = tpu.vector_load_idx %arg21[%add3A_169, %add3A_179] : memref<256x128xf32, #tpu.memory_space<vmem>>[vector<16xi32>, vector<16xi32>], vector<16xf32>,
          %swap3A_181 = arith.constant 1 : i32
          %swap3A_182 = arith.index_cast %swap3A_181 : i32 to index
          %swap3A_183 = arith.index_cast %mul3A_167 : i32 to index
          %swap3A_184 = tpu.vector_load %arg23[%swap3A_182, %swap3A_183] {strides = array<i32>} : memref<32x256xf32, #tpu.memory_space<vmem>>, vector<16xf32>,
          tpu.vector_store %arg23[%swap3A_182, %swap3A_183], %gather3A_180 {strides = array<i32>} : memref<32x256xf32, #tpu.memory_space<vmem>>, vector<16xf32>,
          %add3A_185 = arith.constant 8 : i32
          %add3A_186 = vector.broadcast %add3A_185 : i32 to vector<16xi32>
          %add3A_187 = arith.addi %get3A_170, %add3A_186 : vector<16xi32>
          %gather3A_188 = tpu.vector_load_idx %arg21[%add3A_169, %add3A_187] : memref<256x128xf32, #tpu.memory_space<vmem>>[vector<16xi32>, vector<16xi32>], vector<16xf32>,
          %swap3A_189 = arith.constant 2 : i32
          %swap3A_190 = arith.index_cast %swap3A_189 : i32 to index
          %swap3A_191 = arith.index_cast %mul3A_167 : i32 to index
          %swap3A_192 = tpu.vector_load %arg23[%swap3A_190, %swap3A_191] {strides = array<i32>} : memref<32x256xf32, #tpu.memory_space<vmem>>, vector<16xf32>,
          tpu.vector_store %arg23[%swap3A_190, %swap3A_191], %gather3A_188 {strides = array<i32>} : memref<32x256xf32, #tpu.memory_space<vmem>>, vector<16xf32>,
          %add3A_193 = arith.constant 12 : i32
          %add3A_194 = vector.broadcast %add3A_193 : i32 to vector<16xi32>
          %add3A_195 = arith.addi %get3A_170, %add3A_194 : vector<16xi32>
          %gather3A_196 = tpu.vector_load_idx %arg21[%add3A_169, %add3A_195] : memref<256x128xf32, #tpu.memory_space<vmem>>[vector<16xi32>, vector<16xi32>], vector<16xf32>,
          %swap3A_197 = arith.constant 3 : i32
          %swap3A_198 = arith.index_cast %swap3A_197 : i32 to index
          %swap3A_199 = arith.index_cast %mul3A_167 : i32 to index
          %swap3A_200 = tpu.vector_load %arg23[%swap3A_198, %swap3A_199] {strides = array<i32>} : memref<32x256xf32, #tpu.memory_space<vmem>>, vector<16xf32>,
          tpu.vector_store %arg23[%swap3A_198, %swap3A_199], %gather3A_196 {strides = array<i32>} : memref<32x256xf32, #tpu.memory_space<vmem>>, vector<16xf32>,
          %add3A_201 = arith.constant 16 : i32
          %add3A_202 = vector.broadcast %add3A_201 : i32 to vector<16xi32>
          %add3A_203 = arith.addi %get3A_170, %add3A_202 : vector<16xi32>
          %gather3A_204 = tpu.vector_load_idx %arg21[%add3A_169, %add3A_203] : memref<256x128xf32, #tpu.memory_space<vmem>>[vector<16xi32>, vector<16xi32>], vector<16xf32>,
          %swap3A_205 = arith.constant 4 : i32
          %swap3A_206 = arith.index_cast %swap3A_205 : i32 to index
          %swap3A_207 = arith.index_cast %mul3A_167 : i32 to index
          %swap3A_208 = tpu.vector_load %arg23[%swap3A_206, %swap3A_207] {strides = array<i32>} : memref<32x256xf32, #tpu.memory_space<vmem>>, vector<16xf32>,
          tpu.vector_store %arg23[%swap3A_206, %swap3A_207], %gather3A_204 {strides = array<i32>} : memref<32x256xf32, #tpu.memory_space<vmem>>, vector<16xf32>,
          %add3A_209 = arith.constant 20 : i32
          %add3A_210 = vector.broadcast %add3A_209 : i32 to vector<16xi32>
          %add3A_211 = arith.addi %get3A_170, %add3A_210 : vector<16xi32>
          %gather3A_212 = tpu.vector_load_idx %arg21[%add3A_169, %add3A_211] : memref<256x128xf32, #tpu.memory_space<vmem>>[vector<16xi32>, vector<16xi32>], vector<16xf32>,
          %swap3A_213 = arith.constant 5 : i32
          %swap3A_214 = arith.index_cast %swap3A_213 : i32 to index
          %swap3A_215 = arith.index_cast %mul3A_167 : i32 to index
          %swap3A_216 = tpu.vector_load %arg23[%swap3A_214, %swap3A_215] {strides = array<i32>} : memref<32x256xf32, #tpu.memory_space<vmem>>, vector<16xf32>,
          tpu.vector_store %arg23[%swap3A_214, %swap3A_215], %gather3A_212 {strides = array<i32>} : memref<32x256xf32, #tpu.memory_space<vmem>>, vector<16xf32>,
          %add3A_217 = arith.constant 24 : i32
          %add3A_218 = vector.broadcast %add3A_217 : i32 to vector<16xi32>
          %add3A_219 = arith.addi %get3A_170, %add3A_218 : vector<16xi32>
          %gather3A_220 = tpu.vector_load_idx %arg21[%add3A_169, %add3A_219] : memref<256x128xf32, #tpu.memory_space<vmem>>[vector<16xi32>, vector<16xi32>], vector<16xf32>,
          %swap3A_221 = arith.constant 6 : i32
          %swap3A_222 = arith.index_cast %swap3A_221 : i32 to index
          %swap3A_223 = arith.index_cast %mul3A_167 : i32 to index
          %swap3A_224 = tpu.vector_load %arg23[%swap3A_222, %swap3A_223] {strides = array<i32>} : memref<32x256xf32, #tpu.memory_space<vmem>>, vector<16xf32>,
          tpu.vector_store %arg23[%swap3A_222, %swap3A_223], %gather3A_220 {strides = array<i32>} : memref<32x256xf32, #tpu.memory_space<vmem>>, vector<16xf32>,
          %add3A_225 = arith.constant 28 : i32
          %add3A_226 = vector.broadcast %add3A_225 : i32 to vector<16xi32>
          %add3A_227 = arith.addi %get3A_170, %add3A_226 : vector<16xi32>
          %gather3A_228 = tpu.vector_load_idx %arg21[%add3A_169, %add3A_227] : memref<256x128xf32, #tpu.memory_space<vmem>>[vector<16xi32>, vector<16xi32>], vector<16xf32>,
          %swap3A_229 = arith.constant 7 : i32
          %swap3A_230 = arith.index_cast %swap3A_229 : i32 to index
          %swap3A_231 = arith.index_cast %mul3A_167 : i32 to index
          %swap3A_232 = tpu.vector_load %arg23[%swap3A_230, %swap3A_231] {strides = array<i32>} : memref<32x256xf32, #tpu.memory_space<vmem>>, vector<16xf32>,
          tpu.vector_store %arg23[%swap3A_230, %swap3A_231], %gather3A_228 {strides = array<i32>} : memref<32x256xf32, #tpu.memory_space<vmem>>, vector<16xf32>,
          %add3A_233 = arith.constant 32 : i32
          %add3A_234 = vector.broadcast %add3A_233 : i32 to vector<16xi32>
          %add3A_235 = arith.addi %get3A_170, %add3A_234 : vector<16xi32>
          %gather3A_236 = tpu.vector_load_idx %arg21[%add3A_169, %add3A_235] : memref<256x128xf32, #tpu.memory_space<vmem>>[vector<16xi32>, vector<16xi32>], vector<16xf32>,
          %swap3A_237 = arith.constant 8 : i32
          %swap3A_238 = arith.index_cast %swap3A_237 : i32 to index
          %swap3A_239 = arith.index_cast %mul3A_167 : i32 to index
          %swap3A_240 = tpu.vector_load %arg23[%swap3A_238, %swap3A_239] {strides = array<i32>} : memref<32x256xf32, #tpu.memory_space<vmem>>, vector<16xf32>,
          tpu.vector_store %arg23[%swap3A_238, %swap3A_239], %gather3A_236 {strides = array<i32>} : memref<32x256xf32, #tpu.memory_space<vmem>>, vector<16xf32>,
          %add3A_241 = arith.constant 36 : i32
          %add3A_242 = vector.broadcast %add3A_241 : i32 to vector<16xi32>
          %add3A_243 = arith.addi %get3A_170, %add3A_242 : vector<16xi32>
          %gather3A_244 = tpu.vector_load_idx %arg21[%add3A_169, %add3A_243] : memref<256x128xf32, #tpu.memory_space<vmem>>[vector<16xi32>, vector<16xi32>], vector<16xf32>,
          %swap3A_245 = arith.constant 9 : i32
          %swap3A_246 = arith.index_cast %swap3A_245 : i32 to index
          %swap3A_247 = arith.index_cast %mul3A_167 : i32 to index
          %swap3A_248 = tpu.vector_load %arg23[%swap3A_246, %swap3A_247] {strides = array<i32>} : memref<32x256xf32, #tpu.memory_space<vmem>>, vector<16xf32>,
          tpu.vector_store %arg23[%swap3A_246, %swap3A_247], %gather3A_244 {strides = array<i32>} : memref<32x256xf32, #tpu.memory_space<vmem>>, vector<16xf32>,
          %add3A_249 = arith.constant 40 : i32
          %add3A_250 = vector.broadcast %add3A_249 : i32 to vector<16xi32>
          %add3A_251 = arith.addi %get3A_170, %add3A_250 : vector<16xi32>
          %gather3A_252 = tpu.vector_load_idx %arg21[%add3A_169, %add3A_251] : memref<256x128xf32, #tpu.memory_space<vmem>>[vector<16xi32>, vector<16xi32>], vector<16xf32>,
          %swap3A_253 = arith.constant 10 : i32
          %swap3A_254 = arith.index_cast %swap3A_253 : i32 to index
          %swap3A_255 = arith.index_cast %mul3A_167 : i32 to index
          %swap3A_256 = tpu.vector_load %arg23[%swap3A_254, %swap3A_255] {strides = array<i32>} : memref<32x256xf32, #tpu.memory_space<vmem>>, vector<16xf32>,
          tpu.vector_store %arg23[%swap3A_254, %swap3A_255], %gather3A_252 {strides = array<i32>} : memref<32x256xf32, #tpu.memory_space<vmem>>, vector<16xf32>,
          %add3A_257 = arith.constant 44 : i32
          %add3A_258 = vector.broadcast %add3A_257 : i32 to vector<16xi32>
          %add3A_259 = arith.addi %get3A_170, %add3A_258 : vector<16xi32>
          %gather3A_260 = tpu.vector_load_idx %arg21[%add3A_169, %add3A_259] : memref<256x128xf32, #tpu.memory_space<vmem>>[vector<16xi32>, vector<16xi32>], vector<16xf32>,
          %swap3A_261 = arith.constant 11 : i32
          %swap3A_262 = arith.index_cast %swap3A_261 : i32 to index
          %swap3A_263 = arith.index_cast %mul3A_167 : i32 to index
          %swap3A_264 = tpu.vector_load %arg23[%swap3A_262, %swap3A_263] {strides = array<i32>} : memref<32x256xf32, #tpu.memory_space<vmem>>, vector<16xf32>,
          tpu.vector_store %arg23[%swap3A_262, %swap3A_263], %gather3A_260 {strides = array<i32>} : memref<32x256xf32, #tpu.memory_space<vmem>>, vector<16xf32>,
          %add3A_265 = arith.constant 48 : i32
          %add3A_266 = vector.broadcast %add3A_265 : i32 to vector<16xi32>
          %add3A_267 = arith.addi %get3A_170, %add3A_266 : vector<16xi32>
          %gather3A_268 = tpu.vector_load_idx %arg21[%add3A_169, %add3A_267] : memref<256x128xf32, #tpu.memory_space<vmem>>[vector<16xi32>, vector<16xi32>], vector<16xf32>,
          %swap3A_269 = arith.constant 12 : i32
          %swap3A_270 = arith.index_cast %swap3A_269 : i32 to index
          %swap3A_271 = arith.index_cast %mul3A_167 : i32 to index
          %swap3A_272 = tpu.vector_load %arg23[%swap3A_270, %swap3A_271] {strides = array<i32>} : memref<32x256xf32, #tpu.memory_space<vmem>>, vector<16xf32>,
          tpu.vector_store %arg23[%swap3A_270, %swap3A_271], %gather3A_268 {strides = array<i32>} : memref<32x256xf32, #tpu.memory_space<vmem>>, vector<16xf32>,
          %add3A_273 = arith.constant 52 : i32
          %add3A_274 = vector.broadcast %add3A_273 : i32 to vector<16xi32>
          %add3A_275 = arith.addi %get3A_170, %add3A_274 : vector<16xi32>
          %gather3A_276 = tpu.vector_load_idx %arg21[%add3A_169, %add3A_275] : memref<256x128xf32, #tpu.memory_space<vmem>>[vector<16xi32>, vector<16xi32>], vector<16xf32>,
          %swap3A_277 = arith.constant 13 : i32
          %swap3A_278 = arith.index_cast %swap3A_277 : i32 to index
          %swap3A_279 = arith.index_cast %mul3A_167 : i32 to index
          %swap3A_280 = tpu.vector_load %arg23[%swap3A_278, %swap3A_279] {strides = array<i32>} : memref<32x256xf32, #tpu.memory_space<vmem>>, vector<16xf32>,
          tpu.vector_store %arg23[%swap3A_278, %swap3A_279], %gather3A_276 {strides = array<i32>} : memref<32x256xf32, #tpu.memory_space<vmem>>, vector<16xf32>,
          %add3A_281 = arith.constant 56 : i32
          %add3A_282 = vector.broadcast %add3A_281 : i32 to vector<16xi32>
          %add3A_283 = arith.addi %get3A_170, %add3A_282 : vector<16xi32>
          %gather3A_284 = tpu.vector_load_idx %arg21[%add3A_169, %add3A_283] : memref<256x128xf32, #tpu.memory_space<vmem>>[vector<16xi32>, vector<16xi32>], vector<16xf32>,
          %swap3A_285 = arith.constant 14 : i32
          %swap3A_286 = arith.index_cast %swap3A_285 : i32 to index
          %swap3A_287 = arith.index_cast %mul3A_167 : i32 to index
          %swap3A_288 = tpu.vector_load %arg23[%swap3A_286, %swap3A_287] {strides = array<i32>} : memref<32x256xf32, #tpu.memory_space<vmem>>, vector<16xf32>,
          tpu.vector_store %arg23[%swap3A_286, %swap3A_287], %gather3A_284 {strides = array<i32>} : memref<32x256xf32, #tpu.memory_space<vmem>>, vector<16xf32>,
          %add3A_289 = arith.constant 60 : i32
          %add3A_290 = vector.broadcast %add3A_289 : i32 to vector<16xi32>
          %add3A_291 = arith.addi %get3A_170, %add3A_290 : vector<16xi32>
          %gather3A_292 = tpu.vector_load_idx %arg21[%add3A_169, %add3A_291] : memref<256x128xf32, #tpu.memory_space<vmem>>[vector<16xi32>, vector<16xi32>], vector<16xf32>,
          %swap3A_293 = arith.constant 15 : i32
          %swap3A_294 = arith.index_cast %swap3A_293 : i32 to index
          %swap3A_295 = arith.index_cast %mul3A_167 : i32 to index
          %swap3A_296 = tpu.vector_load %arg23[%swap3A_294, %swap3A_295] {strides = array<i32>} : memref<32x256xf32, #tpu.memory_space<vmem>>, vector<16xf32>,
          tpu.vector_store %arg23[%swap3A_294, %swap3A_295], %gather3A_292 {strides = array<i32>} : memref<32x256xf32, #tpu.memory_space<vmem>>, vector<16xf32>,
          %add3A_297 = arith.constant 64 : i32
          %add3A_298 = vector.broadcast %add3A_297 : i32 to vector<16xi32>
          %add3A_299 = arith.addi %get3A_170, %add3A_298 : vector<16xi32>
          %gather3A_300 = tpu.vector_load_idx %arg21[%add3A_169, %add3A_299] : memref<256x128xf32, #tpu.memory_space<vmem>>[vector<16xi32>, vector<16xi32>], vector<16xf32>,
          %swap3A_301 = arith.constant 16 : i32
          %swap3A_302 = arith.index_cast %swap3A_301 : i32 to index
          %swap3A_303 = arith.index_cast %mul3A_167 : i32 to index
          %swap3A_304 = tpu.vector_load %arg23[%swap3A_302, %swap3A_303] {strides = array<i32>} : memref<32x256xf32, #tpu.memory_space<vmem>>, vector<16xf32>,
          tpu.vector_store %arg23[%swap3A_302, %swap3A_303], %gather3A_300 {strides = array<i32>} : memref<32x256xf32, #tpu.memory_space<vmem>>, vector<16xf32>,
          %add3A_305 = arith.constant 68 : i32
          %add3A_306 = vector.broadcast %add3A_305 : i32 to vector<16xi32>
          %add3A_307 = arith.addi %get3A_170, %add3A_306 : vector<16xi32>
          %gather3A_308 = tpu.vector_load_idx %arg21[%add3A_169, %add3A_307] : memref<256x128xf32, #tpu.memory_space<vmem>>[vector<16xi32>, vector<16xi32>], vector<16xf32>,
          %swap3A_309 = arith.constant 17 : i32
          %swap3A_310 = arith.index_cast %swap3A_309 : i32 to index
          %swap3A_311 = arith.index_cast %mul3A_167 : i32 to index
          %swap3A_312 = tpu.vector_load %arg23[%swap3A_310, %swap3A_311] {strides = array<i32>} : memref<32x256xf32, #tpu.memory_space<vmem>>, vector<16xf32>,
          tpu.vector_store %arg23[%swap3A_310, %swap3A_311], %gather3A_308 {strides = array<i32>} : memref<32x256xf32, #tpu.memory_space<vmem>>, vector<16xf32>,
          %add3A_313 = arith.constant 72 : i32
          %add3A_314 = vector.broadcast %add3A_313 : i32 to vector<16xi32>
          %add3A_315 = arith.addi %get3A_170, %add3A_314 : vector<16xi32>
          %gather3A_316 = tpu.vector_load_idx %arg21[%add3A_169, %add3A_315] : memref<256x128xf32, #tpu.memory_space<vmem>>[vector<16xi32>, vector<16xi32>], vector<16xf32>,
          %swap3A_317 = arith.constant 18 : i32
          %swap3A_318 = arith.index_cast %swap3A_317 : i32 to index
          %swap3A_319 = arith.index_cast %mul3A_167 : i32 to index
          %swap3A_320 = tpu.vector_load %arg23[%swap3A_318, %swap3A_319] {strides = array<i32>} : memref<32x256xf32, #tpu.memory_space<vmem>>, vector<16xf32>,
          tpu.vector_store %arg23[%swap3A_318, %swap3A_319], %gather3A_316 {strides = array<i32>} : memref<32x256xf32, #tpu.memory_space<vmem>>, vector<16xf32>,
          %add3A_321 = arith.constant 76 : i32
          %add3A_322 = vector.broadcast %add3A_321 : i32 to vector<16xi32>
          %add3A_323 = arith.addi %get3A_170, %add3A_322 : vector<16xi32>
          %gather3A_324 = tpu.vector_load_idx %arg21[%add3A_169, %add3A_323] : memref<256x128xf32, #tpu.memory_space<vmem>>[vector<16xi32>, vector<16xi32>], vector<16xf32>,
          %swap3A_325 = arith.constant 19 : i32
          %swap3A_326 = arith.index_cast %swap3A_325 : i32 to index
          %swap3A_327 = arith.index_cast %mul3A_167 : i32 to index
          %swap3A_328 = tpu.vector_load %arg23[%swap3A_326, %swap3A_327] {strides = array<i32>} : memref<32x256xf32, #tpu.memory_space<vmem>>, vector<16xf32>,
          tpu.vector_store %arg23[%swap3A_326, %swap3A_327], %gather3A_324 {strides = array<i32>} : memref<32x256xf32, #tpu.memory_space<vmem>>, vector<16xf32>,
          %add3A_329 = arith.constant 80 : i32
          %add3A_330 = vector.broadcast %add3A_329 : i32 to vector<16xi32>
          %add3A_331 = arith.addi %get3A_170, %add3A_330 : vector<16xi32>
          %gather3A_332 = tpu.vector_load_idx %arg21[%add3A_169, %add3A_331] : memref<256x128xf32, #tpu.memory_space<vmem>>[vector<16xi32>, vector<16xi32>], vector<16xf32>,
          %swap3A_333 = arith.constant 20 : i32
          %swap3A_334 = arith.index_cast %swap3A_333 : i32 to index
          %swap3A_335 = arith.index_cast %mul3A_167 : i32 to index
          %swap3A_336 = tpu.vector_load %arg23[%swap3A_334, %swap3A_335] {strides = array<i32>} : memref<32x256xf32, #tpu.memory_space<vmem>>, vector<16xf32>,
          tpu.vector_store %arg23[%swap3A_334, %swap3A_335], %gather3A_332 {strides = array<i32>} : memref<32x256xf32, #tpu.memory_space<vmem>>, vector<16xf32>,
          %add3A_337 = arith.constant 84 : i32
          %add3A_338 = vector.broadcast %add3A_337 : i32 to vector<16xi32>
          %add3A_339 = arith.addi %get3A_170, %add3A_338 : vector<16xi32>
          %gather3A_340 = tpu.vector_load_idx %arg21[%add3A_169, %add3A_339] : memref<256x128xf32, #tpu.memory_space<vmem>>[vector<16xi32>, vector<16xi32>], vector<16xf32>,
          %swap3A_341 = arith.constant 21 : i32
          %swap3A_342 = arith.index_cast %swap3A_341 : i32 to index
          %swap3A_343 = arith.index_cast %mul3A_167 : i32 to index
          %swap3A_344 = tpu.vector_load %arg23[%swap3A_342, %swap3A_343] {strides = array<i32>} : memref<32x256xf32, #tpu.memory_space<vmem>>, vector<16xf32>,
          tpu.vector_store %arg23[%swap3A_342, %swap3A_343], %gather3A_340 {strides = array<i32>} : memref<32x256xf32, #tpu.memory_space<vmem>>, vector<16xf32>,
          %add3A_345 = arith.constant 88 : i32
          %add3A_346 = vector.broadcast %add3A_345 : i32 to vector<16xi32>
          %add3A_347 = arith.addi %get3A_170, %add3A_346 : vector<16xi32>
          %gather3A_348 = tpu.vector_load_idx %arg21[%add3A_169, %add3A_347] : memref<256x128xf32, #tpu.memory_space<vmem>>[vector<16xi32>, vector<16xi32>], vector<16xf32>,
          %swap3A_349 = arith.constant 22 : i32
          %swap3A_350 = arith.index_cast %swap3A_349 : i32 to index
          %swap3A_351 = arith.index_cast %mul3A_167 : i32 to index
          %swap3A_352 = tpu.vector_load %arg23[%swap3A_350, %swap3A_351] {strides = array<i32>} : memref<32x256xf32, #tpu.memory_space<vmem>>, vector<16xf32>,
          tpu.vector_store %arg23[%swap3A_350, %swap3A_351], %gather3A_348 {strides = array<i32>} : memref<32x256xf32, #tpu.memory_space<vmem>>, vector<16xf32>,
          %add3A_353 = arith.constant 92 : i32
          %add3A_354 = vector.broadcast %add3A_353 : i32 to vector<16xi32>
          %add3A_355 = arith.addi %get3A_170, %add3A_354 : vector<16xi32>
          %gather3A_356 = tpu.vector_load_idx %arg21[%add3A_169, %add3A_355] : memref<256x128xf32, #tpu.memory_space<vmem>>[vector<16xi32>, vector<16xi32>], vector<16xf32>,
          %swap3A_357 = arith.constant 23 : i32
          %swap3A_358 = arith.index_cast %swap3A_357 : i32 to index
          %swap3A_359 = arith.index_cast %mul3A_167 : i32 to index
          %swap3A_360 = tpu.vector_load %arg23[%swap3A_358, %swap3A_359] {strides = array<i32>} : memref<32x256xf32, #tpu.memory_space<vmem>>, vector<16xf32>,
          tpu.vector_store %arg23[%swap3A_358, %swap3A_359], %gather3A_356 {strides = array<i32>} : memref<32x256xf32, #tpu.memory_space<vmem>>, vector<16xf32>,
          %add3A_361 = arith.constant 96 : i32
          %add3A_362 = vector.broadcast %add3A_361 : i32 to vector<16xi32>
          %add3A_363 = arith.addi %get3A_170, %add3A_362 : vector<16xi32>
          %gather3A_364 = tpu.vector_load_idx %arg21[%add3A_169, %add3A_363] : memref<256x128xf32, #tpu.memory_space<vmem>>[vector<16xi32>, vector<16xi32>], vector<16xf32>,
          %swap3A_365 = arith.constant 24 : i32
          %swap3A_366 = arith.index_cast %swap3A_365 : i32 to index
          %swap3A_367 = arith.index_cast %mul3A_167 : i32 to index
          %swap3A_368 = tpu.vector_load %arg23[%swap3A_366, %swap3A_367] {strides = array<i32>} : memref<32x256xf32, #tpu.memory_space<vmem>>, vector<16xf32>,
          tpu.vector_store %arg23[%swap3A_366, %swap3A_367], %gather3A_364 {strides = array<i32>} : memref<32x256xf32, #tpu.memory_space<vmem>>, vector<16xf32>,
          %add3A_369 = arith.constant 100 : i32
          %add3A_370 = vector.broadcast %add3A_369 : i32 to vector<16xi32>
          %add3A_371 = arith.addi %get3A_170, %add3A_370 : vector<16xi32>
          %gather3A_372 = tpu.vector_load_idx %arg21[%add3A_169, %add3A_371] : memref<256x128xf32, #tpu.memory_space<vmem>>[vector<16xi32>, vector<16xi32>], vector<16xf32>,
          %swap3A_373 = arith.constant 25 : i32
          %swap3A_374 = arith.index_cast %swap3A_373 : i32 to index
          %swap3A_375 = arith.index_cast %mul3A_167 : i32 to index
          %swap3A_376 = tpu.vector_load %arg23[%swap3A_374, %swap3A_375] {strides = array<i32>} : memref<32x256xf32, #tpu.memory_space<vmem>>, vector<16xf32>,
          tpu.vector_store %arg23[%swap3A_374, %swap3A_375], %gather3A_372 {strides = array<i32>} : memref<32x256xf32, #tpu.memory_space<vmem>>, vector<16xf32>,
          %add3A_377 = arith.constant 104 : i32
          %add3A_378 = vector.broadcast %add3A_377 : i32 to vector<16xi32>
          %add3A_379 = arith.addi %get3A_170, %add3A_378 : vector<16xi32>
          %gather3A_380 = tpu.vector_load_idx %arg21[%add3A_169, %add3A_379] : memref<256x128xf32, #tpu.memory_space<vmem>>[vector<16xi32>, vector<16xi32>], vector<16xf32>,
          %swap3A_381 = arith.constant 26 : i32
          %swap3A_382 = arith.index_cast %swap3A_381 : i32 to index
          %swap3A_383 = arith.index_cast %mul3A_167 : i32 to index
          %swap3A_384 = tpu.vector_load %arg23[%swap3A_382, %swap3A_383] {strides = array<i32>} : memref<32x256xf32, #tpu.memory_space<vmem>>, vector<16xf32>,
          tpu.vector_store %arg23[%swap3A_382, %swap3A_383], %gather3A_380 {strides = array<i32>} : memref<32x256xf32, #tpu.memory_space<vmem>>, vector<16xf32>,
          %add3A_385 = arith.constant 108 : i32
          %add3A_386 = vector.broadcast %add3A_385 : i32 to vector<16xi32>
          %add3A_387 = arith.addi %get3A_170, %add3A_386 : vector<16xi32>
          %gather3A_388 = tpu.vector_load_idx %arg21[%add3A_169, %add3A_387] : memref<256x128xf32, #tpu.memory_space<vmem>>[vector<16xi32>, vector<16xi32>], vector<16xf32>,
          %swap3A_389 = arith.constant 27 : i32
          %swap3A_390 = arith.index_cast %swap3A_389 : i32 to index
          %swap3A_391 = arith.index_cast %mul3A_167 : i32 to index
          %swap3A_392 = tpu.vector_load %arg23[%swap3A_390, %swap3A_391] {strides = array<i32>} : memref<32x256xf32, #tpu.memory_space<vmem>>, vector<16xf32>,
          tpu.vector_store %arg23[%swap3A_390, %swap3A_391], %gather3A_388 {strides = array<i32>} : memref<32x256xf32, #tpu.memory_space<vmem>>, vector<16xf32>,
          %add3A_393 = arith.constant 112 : i32
          %add3A_394 = vector.broadcast %add3A_393 : i32 to vector<16xi32>
          %add3A_395 = arith.addi %get3A_170, %add3A_394 : vector<16xi32>
          %gather3A_396 = tpu.vector_load_idx %arg21[%add3A_169, %add3A_395] : memref<256x128xf32, #tpu.memory_space<vmem>>[vector<16xi32>, vector<16xi32>], vector<16xf32>,
          %swap3A_397 = arith.constant 28 : i32
          %swap3A_398 = arith.index_cast %swap3A_397 : i32 to index
          %swap3A_399 = arith.index_cast %mul3A_167 : i32 to index
          %swap3A_400 = tpu.vector_load %arg23[%swap3A_398, %swap3A_399] {strides = array<i32>} : memref<32x256xf32, #tpu.memory_space<vmem>>, vector<16xf32>,
          tpu.vector_store %arg23[%swap3A_398, %swap3A_399], %gather3A_396 {strides = array<i32>} : memref<32x256xf32, #tpu.memory_space<vmem>>, vector<16xf32>,
          %add3A_401 = arith.constant 116 : i32
          %add3A_402 = vector.broadcast %add3A_401 : i32 to vector<16xi32>
          %add3A_403 = arith.addi %get3A_170, %add3A_402 : vector<16xi32>
          %gather3A_404 = tpu.vector_load_idx %arg21[%add3A_169, %add3A_403] : memref<256x128xf32, #tpu.memory_space<vmem>>[vector<16xi32>, vector<16xi32>], vector<16xf32>,
          %swap3A_405 = arith.constant 29 : i32
          %swap3A_406 = arith.index_cast %swap3A_405 : i32 to index
          %swap3A_407 = arith.index_cast %mul3A_167 : i32 to index
          %swap3A_408 = tpu.vector_load %arg23[%swap3A_406, %swap3A_407] {strides = array<i32>} : memref<32x256xf32, #tpu.memory_space<vmem>>, vector<16xf32>,
          tpu.vector_store %arg23[%swap3A_406, %swap3A_407], %gather3A_404 {strides = array<i32>} : memref<32x256xf32, #tpu.memory_space<vmem>>, vector<16xf32>,
          %add3A_409 = arith.constant 120 : i32
          %add3A_410 = vector.broadcast %add3A_409 : i32 to vector<16xi32>
          %add3A_411 = arith.addi %get3A_170, %add3A_410 : vector<16xi32>
          %gather3A_412 = tpu.vector_load_idx %arg21[%add3A_169, %add3A_411] : memref<256x128xf32, #tpu.memory_space<vmem>>[vector<16xi32>, vector<16xi32>], vector<16xf32>,
          %swap3A_413 = arith.constant 30 : i32
          %swap3A_414 = arith.index_cast %swap3A_413 : i32 to index
          %swap3A_415 = arith.index_cast %mul3A_167 : i32 to index
          %swap3A_416 = tpu.vector_load %arg23[%swap3A_414, %swap3A_415] {strides = array<i32>} : memref<32x256xf32, #tpu.memory_space<vmem>>, vector<16xf32>,
          tpu.vector_store %arg23[%swap3A_414, %swap3A_415], %gather3A_412 {strides = array<i32>} : memref<32x256xf32, #tpu.memory_space<vmem>>, vector<16xf32>,
          %add3A_417 = arith.constant 124 : i32
          %add3A_418 = vector.broadcast %add3A_417 : i32 to vector<16xi32>
          %add3A_419 = arith.addi %get3A_170, %add3A_418 : vector<16xi32>
          %gather3A_420 = tpu.vector_load_idx %arg21[%add3A_169, %add3A_419] : memref<256x128xf32, #tpu.memory_space<vmem>>[vector<16xi32>, vector<16xi32>], vector<16xf32>,
          %swap3A_421 = arith.constant 31 : i32
          %swap3A_422 = arith.index_cast %swap3A_421 : i32 to index
          %swap3A_423 = arith.index_cast %mul3A_167 : i32 to index
          %swap3A_424 = tpu.vector_load %arg23[%swap3A_422, %swap3A_423] {strides = array<i32>} : memref<32x256xf32, #tpu.memory_space<vmem>>, vector<16xf32>,
          tpu.vector_store %arg23[%swap3A_422, %swap3A_423], %gather3A_420 {strides = array<i32>} : memref<32x256xf32, #tpu.memory_space<vmem>>, vector<16xf32>,
        }
        %scan3A_112 = arith.constant 16 : i32
        %add3A_113 = arith.constant 524288 : i32
        %add3A_114 = arith.addi %add3A_113, %mul3A_44 : i32
        %mul3A_115 = arith.constant 256 : i32
        %mul3A_116 = arith.muli %add3A_86, %mul3A_115 : i32
        %add3A_117 = arith.addi %add3A_114, %mul3A_116 : i32
        %multiple_of3A_118 = tpu.assume_multiple %add3A_117, 256 : i32
        %dma_start3A_119 = arith.constant 0 : i32
        %dma_start3A_120 = tpu.memref_slice %arg8[%dma_start3A_119, %multiple_of3A_118] : memref<32x1048576xf32, #tpu.memory_space<hbm>> -> memref<32x256xf32, #tpu.memory_space<hbm>>
        %dma_start3A_121 = arith.constant 0 : i32
        %dma_start3A_122 = tpu.memref_slice %arg8[%dma_start3A_121, %multiple_of3A_118] : memref<32x1048576xf32, #tpu.memory_space<hbm>> -> memref<32x256xf32, #tpu.memory_space<hbm>>
        tpu.enqueue_dma source(%arg23 : memref<32x256xf32, #tpu.memory_space<vmem>>) target(%dma_start3A_122 : memref<32x256xf32, #tpu.memory_space<hbm>>) target_semaphore(%arg31 : memref<!tpu.dma_semaphore, #tpu.memory_space<semaphore_mem>>)
        %mul3A_123 = arith.constant 2 : i32
        %mul3A_124 = arith.muli %mul3A_123, %scan3A_82 : i32
        %add3A_125 = arith.constant 1 : i32
        %add3A_126 = arith.addi %mul3A_124, %add3A_125 : i32
        %add3A_127 = arith.constant 1 : i32
        %add3A_128 = arith.addi %add3A_126, %add3A_127 : i32
        %lt3A_129 = arith.constant 128 : i32
        %lt3A_130 = arith.cmpi slt, %add3A_128, %lt3A_129 : i32
        %convert_element_type3A_131 = arith.extui %lt3A_130 : i1 to i32
        %cond3A_132 = arith.constant 0 : i32
        %cond3A_133 = arith.cmpi ne, %convert_element_type3A_131, %cond3A_132 : i32
        scf.if %cond3A_133 {
          %dma_wait3A_165 = arith.constant 0 : i32
          %dma_wait3A_166 = tpu.memref_slice %arg5[%dma_wait3A_165] : memref<524288xi32, #tpu.memory_space<hbm>> -> memref<256xi32, #tpu.memory_space<hbm>>
          %dma_wait3A_167 = arith.constant 0 : i32
          %dma_wait3A_168 = tpu.memref_slice %arg5[%dma_wait3A_167] : memref<524288xi32, #tpu.memory_space<hbm>> -> memref<256xi32, #tpu.memory_space<hbm>>
          tpu.wait_dma2 semaphore(%arg33 : memref<!tpu.dma_semaphore, #tpu.memory_space<semaphore_mem>>) src(%dma_wait3A_168 : memref<256xi32, #tpu.memory_space<hbm>>) dst(%arg15 : memref<256xi32, #tpu.memory_space<vmem>>)
          %scan3A_169 = arith.constant 0 : i32
          %scan3A_170 = arith.constant 0 : i32
          %scan3A_171 = arith.constant 16 : i32
          %scan3A_172 = arith.addi %scan3A_170, %scan3A_171 : i32
          %scan3A_173 = arith.constant 1 : i32
          scf.for %scan3A_178 = %scan3A_170 to %scan3A_172 step %scan3A_173  : i32 {
            %mul3A_179 = arith.constant 16 : i32
            %mul3A_180 = arith.muli %scan3A_178, %mul3A_179 : i32
            %get3A = arith.index_cast %mul3A_180 : i32 to index
            %get3A_181 = tpu.vector_load %arg15[%get3A] {strides = array<i32>} : memref<256xi32, #tpu.memory_space<vmem>>, vector<16xi32>,
            %shift_right_logical3A_182 = arith.constant 2 : i32
            %shift_right_logical3A_183 = vector.broadcast %shift_right_logical3A_182 : i32 to vector<16xi32>
            %shift_right_logical3A_184 = arith.shrui %get3A_181, %shift_right_logical3A_183 : vector<16xi32>
            %mul3A_185 = arith.constant 16 : i32
            %mul3A_186 = arith.muli %scan3A_178, %mul3A_185 : i32
            %swap3A = arith.index_cast %mul3A_186 : i32 to index
            %swap3A_187 = tpu.vector_load %arg17[%swap3A] {strides = array<i32>} : memref<256xi32, #tpu.memory_space<vmem>>, vector<16xi32>,
            tpu.vector_store %arg17[%swap3A], %shift_right_logical3A_184 {strides = array<i32>} : memref<256xi32, #tpu.memory_space<vmem>>, vector<16xi32>,
            %rem3A_188 = arith.constant 4 : i32
            %rem3A_189 = vector.broadcast %rem3A_188 : i32 to vector<16xi32>
            %rem3A_190 = arith.remsi %get3A_181, %rem3A_189 : vector<16xi32>
            %mul3A_191 = arith.constant 16 : i32
            %mul3A_192 = arith.muli %scan3A_178, %mul3A_191 : i32
            %swap3A_193 = arith.index_cast %mul3A_192 : i32 to index
            %swap3A_194 = tpu.vector_load %arg19[%swap3A_193] {strides = array<i32>} : memref<256xi32, #tpu.memory_space<vmem>>, vector<16xi32>,
            tpu.vector_store %arg19[%swap3A_193], %rem3A_190 {strides = array<i32>} : memref<256xi32, #tpu.memory_space<vmem>>, vector<16xi32>,
          }
          %scan3A_174 = arith.constant 16 : i32
          %dma_start3A_175 = arith.constant 0 : i32
          %dma_start3A_176 = arith.constant 0 : i32
          %dma_start3A_177 = tpu.memref_slice %arg10[%dma_start3A_175, %dma_start3A_176] : memref<250000x128xf32, #tpu.memory_space<hbm>> -> memref<250000x128xf32, #tpu.memory_space<hbm>>
          tpu.enqueue_indirect_dma source(%dma_start3A_177 : memref<250000x128xf32, #tpu.memory_space<hbm>>) target(%arg21 : memref<256x128xf32, #tpu.memory_space<vmem>>) offsets(%arg17 : memref<256xi32, #tpu.memory_space<vmem>>) semaphore(%arg29 : memref<!tpu.dma_semaphore, #tpu.memory_space<semaphore_mem>>)
        } else {
        }
        %add3A_134 = arith.constant 2 : i32
        %add3A_135 = arith.addi %add3A_126, %add3A_134 : i32
        %lt3A_136 = arith.constant 128 : i32
        %lt3A_137 = arith.cmpi slt, %add3A_135, %lt3A_136 : i32
        %convert_element_type3A_138 = arith.extui %lt3A_137 : i1 to i32
        %cond3A_139 = arith.constant 0 : i32
        %cond3A_140 = arith.cmpi ne, %convert_element_type3A_138, %cond3A_139 : i32
        scf.if %cond3A_140 {
          %add3A_165 = arith.constant 2 : i32
          %add3A_166 = arith.addi %add3A_126, %add3A_165 : i32
          %mul3A_167 = arith.constant 256 : i32
          %mul3A_168 = arith.muli %add3A_166, %mul3A_167 : i32
          %add3A_169 = arith.addi %mul3A_44, %mul3A_168 : i32
          %multiple_of3A_170 = tpu.assume_multiple %add3A_169, 256 : i32
          %dma_start3A_171 = tpu.memref_slice %arg5[%multiple_of3A_170] : memref<524288xi32, #tpu.memory_space<hbm>> -> memref<256xi32, #tpu.memory_space<hbm>>
          %dma_start3A_172 = tpu.memref_slice %arg5[%multiple_of3A_170] : memref<524288xi32, #tpu.memory_space<hbm>> -> memref<256xi32, #tpu.memory_space<hbm>>
          tpu.enqueue_dma source(%dma_start3A_172 : memref<256xi32, #tpu.memory_space<hbm>>) target(%arg16 : memref<256xi32, #tpu.memory_space<vmem>>) target_semaphore(%arg34 : memref<!tpu.dma_semaphore, #tpu.memory_space<semaphore_mem>>)
        } else {
        }
        %dma_wait3A_141 = arith.constant 0 : i32
        %dma_wait3A_142 = arith.constant 0 : i32
        %dma_wait3A_143 = tpu.memref_slice %arg10[%dma_wait3A_141, %dma_wait3A_142] : memref<250000x128xf32, #tpu.memory_space<hbm>> -> memref<250000x128xf32, #tpu.memory_space<hbm>>
        tpu.wait_indirect_dma semaphore(%arg30 : memref<!tpu.dma_semaphore, #tpu.memory_space<semaphore_mem>>) src(%dma_wait3A_143 : memref<250000x128xf32, #tpu.memory_space<hbm>>) dst(%arg22 : memref<256x128xf32, #tpu.memory_space<vmem>>)
        %ge3A_144 = arith.constant 2 : i32
        %ge3A_145 = arith.cmpi sge, %add3A_126, %ge3A_144 : i32
        %convert_element_type3A_146 = arith.extui %ge3A_145 : i1 to i32
        %cond3A_147 = arith.constant 0 : i32
        %cond3A_148 = arith.cmpi ne, %convert_element_type3A_146, %cond3A_147 : i32
        scf.if %cond3A_148 {
          %dma_wait3A_165 = arith.constant 0 : i32
          %dma_wait3A_166 = arith.constant 524288 : i32
          %dma_wait3A_167 = tpu.memref_slice %arg8[%dma_wait3A_165, %dma_wait3A_166] : memref<32x1048576xf32, #tpu.memory_space<hbm>> -> memref<32x256xf32, #tpu.memory_space<hbm>>
          %dma_wait3A_168 = arith.constant 0 : i32
          %dma_wait3A_169 = arith.constant 524288 : i32
          %dma_wait3A_170 = tpu.memref_slice %arg8[%dma_wait3A_168, %dma_wait3A_169] : memref<32x1048576xf32, #tpu.memory_space<hbm>> -> memref<32x256xf32, #tpu.memory_space<hbm>>
          tpu.wait_dma2 semaphore(%arg32 : memref<!tpu.dma_semaphore, #tpu.memory_space<semaphore_mem>>) src(%arg24 : memref<32x256xf32, #tpu.memory_space<vmem>>) dst(%dma_wait3A_170 : memref<32x256xf32, #tpu.memory_space<hbm>>)
        } else {
        }
        %scan3A_149 = arith.constant 0 : i32
        %scan3A_150 = arith.constant 0 : i32
        %scan3A_151 = arith.constant 16 : i32
        %scan3A_152 = arith.addi %scan3A_150, %scan3A_151 : i32
        %scan3A_153 = arith.constant 1 : i32
        scf.for %scan3A_165 = %scan3A_150 to %scan3A_152 step %scan3A_153  : i32 {
          %mul3A_166 = arith.constant 16 : i32
          %mul3A_167 = arith.muli %scan3A_165, %mul3A_166 : i32
          %add3A_168 = vector.broadcast %mul3A_167 : i32 to vector<16xi32>
          %add3A_169 = arith.addi %iota3A, %add3A_168 : vector<16xi32>
          %get3A = arith.index_cast %mul3A_167 : i32 to index
          %get3A_170 = tpu.vector_load %arg20[%get3A] {strides = array<i32>} : memref<256xi32, #tpu.memory_space<vmem>>, vector<16xi32>,
          %add3A_171 = arith.constant 0 : i32
          %add3A_172 = vector.broadcast %add3A_171 : i32 to vector<16xi32>
          %add3A_173 = arith.addi %get3A_170, %add3A_172 : vector<16xi32>
          %gather3A = tpu.vector_load_idx %arg22[%add3A_169, %add3A_173] : memref<256x128xf32, #tpu.memory_space<vmem>>[vector<16xi32>, vector<16xi32>], vector<16xf32>,
          %swap3A = arith.constant 0 : i32
          %swap3A_174 = arith.index_cast %swap3A : i32 to index
          %swap3A_175 = arith.index_cast %mul3A_167 : i32 to index
          %swap3A_176 = tpu.vector_load %arg24[%swap3A_174, %swap3A_175] {strides = array<i32>} : memref<32x256xf32, #tpu.memory_space<vmem>>, vector<16xf32>,
          tpu.vector_store %arg24[%swap3A_174, %swap3A_175], %gather3A {strides = array<i32>} : memref<32x256xf32, #tpu.memory_space<vmem>>, vector<16xf32>,
          %add3A_177 = arith.constant 4 : i32
          %add3A_178 = vector.broadcast %add3A_177 : i32 to vector<16xi32>
          %add3A_179 = arith.addi %get3A_170, %add3A_178 : vector<16xi32>
          %gather3A_180 = tpu.vector_load_idx %arg22[%add3A_169, %add3A_179] : memref<256x128xf32, #tpu.memory_space<vmem>>[vector<16xi32>, vector<16xi32>], vector<16xf32>,
          %swap3A_181 = arith.constant 1 : i32
          %swap3A_182 = arith.index_cast %swap3A_181 : i32 to index
          %swap3A_183 = arith.index_cast %mul3A_167 : i32 to index
          %swap3A_184 = tpu.vector_load %arg24[%swap3A_182, %swap3A_183] {strides = array<i32>} : memref<32x256xf32, #tpu.memory_space<vmem>>, vector<16xf32>,
          tpu.vector_store %arg24[%swap3A_182, %swap3A_183], %gather3A_180 {strides = array<i32>} : memref<32x256xf32, #tpu.memory_space<vmem>>, vector<16xf32>,
          %add3A_185 = arith.constant 8 : i32
          %add3A_186 = vector.broadcast %add3A_185 : i32 to vector<16xi32>
          %add3A_187 = arith.addi %get3A_170, %add3A_186 : vector<16xi32>
          %gather3A_188 = tpu.vector_load_idx %arg22[%add3A_169, %add3A_187] : memref<256x128xf32, #tpu.memory_space<vmem>>[vector<16xi32>, vector<16xi32>], vector<16xf32>,
          %swap3A_189 = arith.constant 2 : i32
          %swap3A_190 = arith.index_cast %swap3A_189 : i32 to index
          %swap3A_191 = arith.index_cast %mul3A_167 : i32 to index
          %swap3A_192 = tpu.vector_load %arg24[%swap3A_190, %swap3A_191] {strides = array<i32>} : memref<32x256xf32, #tpu.memory_space<vmem>>, vector<16xf32>,
          tpu.vector_store %arg24[%swap3A_190, %swap3A_191], %gather3A_188 {strides = array<i32>} : memref<32x256xf32, #tpu.memory_space<vmem>>, vector<16xf32>,
          %add3A_193 = arith.constant 12 : i32
          %add3A_194 = vector.broadcast %add3A_193 : i32 to vector<16xi32>
          %add3A_195 = arith.addi %get3A_170, %add3A_194 : vector<16xi32>
          %gather3A_196 = tpu.vector_load_idx %arg22[%add3A_169, %add3A_195] : memref<256x128xf32, #tpu.memory_space<vmem>>[vector<16xi32>, vector<16xi32>], vector<16xf32>,
          %swap3A_197 = arith.constant 3 : i32
          %swap3A_198 = arith.index_cast %swap3A_197 : i32 to index
          %swap3A_199 = arith.index_cast %mul3A_167 : i32 to index
          %swap3A_200 = tpu.vector_load %arg24[%swap3A_198, %swap3A_199] {strides = array<i32>} : memref<32x256xf32, #tpu.memory_space<vmem>>, vector<16xf32>,
          tpu.vector_store %arg24[%swap3A_198, %swap3A_199], %gather3A_196 {strides = array<i32>} : memref<32x256xf32, #tpu.memory_space<vmem>>, vector<16xf32>,
          %add3A_201 = arith.constant 16 : i32
          %add3A_202 = vector.broadcast %add3A_201 : i32 to vector<16xi32>
          %add3A_203 = arith.addi %get3A_170, %add3A_202 : vector<16xi32>
          %gather3A_204 = tpu.vector_load_idx %arg22[%add3A_169, %add3A_203] : memref<256x128xf32, #tpu.memory_space<vmem>>[vector<16xi32>, vector<16xi32>], vector<16xf32>,
          %swap3A_205 = arith.constant 4 : i32
          %swap3A_206 = arith.index_cast %swap3A_205 : i32 to index
          %swap3A_207 = arith.index_cast %mul3A_167 : i32 to index
          %swap3A_208 = tpu.vector_load %arg24[%swap3A_206, %swap3A_207] {strides = array<i32>} : memref<32x256xf32, #tpu.memory_space<vmem>>, vector<16xf32>,
          tpu.vector_store %arg24[%swap3A_206, %swap3A_207], %gather3A_204 {strides = array<i32>} : memref<32x256xf32, #tpu.memory_space<vmem>>, vector<16xf32>,
          %add3A_209 = arith.constant 20 : i32
          %add3A_210 = vector.broadcast %add3A_209 : i32 to vector<16xi32>
          %add3A_211 = arith.addi %get3A_170, %add3A_210 : vector<16xi32>
          %gather3A_212 = tpu.vector_load_idx %arg22[%add3A_169, %add3A_211] : memref<256x128xf32, #tpu.memory_space<vmem>>[vector<16xi32>, vector<16xi32>], vector<16xf32>,
          %swap3A_213 = arith.constant 5 : i32
          %swap3A_214 = arith.index_cast %swap3A_213 : i32 to index
          %swap3A_215 = arith.index_cast %mul3A_167 : i32 to index
          %swap3A_216 = tpu.vector_load %arg24[%swap3A_214, %swap3A_215] {strides = array<i32>} : memref<32x256xf32, #tpu.memory_space<vmem>>, vector<16xf32>,
          tpu.vector_store %arg24[%swap3A_214, %swap3A_215], %gather3A_212 {strides = array<i32>} : memref<32x256xf32, #tpu.memory_space<vmem>>, vector<16xf32>,
          %add3A_217 = arith.constant 24 : i32
          %add3A_218 = vector.broadcast %add3A_217 : i32 to vector<16xi32>
          %add3A_219 = arith.addi %get3A_170, %add3A_218 : vector<16xi32>
          %gather3A_220 = tpu.vector_load_idx %arg22[%add3A_169, %add3A_219] : memref<256x128xf32, #tpu.memory_space<vmem>>[vector<16xi32>, vector<16xi32>], vector<16xf32>,
          %swap3A_221 = arith.constant 6 : i32
          %swap3A_222 = arith.index_cast %swap3A_221 : i32 to index
          %swap3A_223 = arith.index_cast %mul3A_167 : i32 to index
          %swap3A_224 = tpu.vector_load %arg24[%swap3A_222, %swap3A_223] {strides = array<i32>} : memref<32x256xf32, #tpu.memory_space<vmem>>, vector<16xf32>,
          tpu.vector_store %arg24[%swap3A_222, %swap3A_223], %gather3A_220 {strides = array<i32>} : memref<32x256xf32, #tpu.memory_space<vmem>>, vector<16xf32>,
          %add3A_225 = arith.constant 28 : i32
          %add3A_226 = vector.broadcast %add3A_225 : i32 to vector<16xi32>
          %add3A_227 = arith.addi %get3A_170, %add3A_226 : vector<16xi32>
          %gather3A_228 = tpu.vector_load_idx %arg22[%add3A_169, %add3A_227] : memref<256x128xf32, #tpu.memory_space<vmem>>[vector<16xi32>, vector<16xi32>], vector<16xf32>,
          %swap3A_229 = arith.constant 7 : i32
          %swap3A_230 = arith.index_cast %swap3A_229 : i32 to index
          %swap3A_231 = arith.index_cast %mul3A_167 : i32 to index
          %swap3A_232 = tpu.vector_load %arg24[%swap3A_230, %swap3A_231] {strides = array<i32>} : memref<32x256xf32, #tpu.memory_space<vmem>>, vector<16xf32>,
          tpu.vector_store %arg24[%swap3A_230, %swap3A_231], %gather3A_228 {strides = array<i32>} : memref<32x256xf32, #tpu.memory_space<vmem>>, vector<16xf32>,
          %add3A_233 = arith.constant 32 : i32
          %add3A_234 = vector.broadcast %add3A_233 : i32 to vector<16xi32>
          %add3A_235 = arith.addi %get3A_170, %add3A_234 : vector<16xi32>
          %gather3A_236 = tpu.vector_load_idx %arg22[%add3A_169, %add3A_235] : memref<256x128xf32, #tpu.memory_space<vmem>>[vector<16xi32>, vector<16xi32>], vector<16xf32>,
          %swap3A_237 = arith.constant 8 : i32
          %swap3A_238 = arith.index_cast %swap3A_237 : i32 to index
          %swap3A_239 = arith.index_cast %mul3A_167 : i32 to index
          %swap3A_240 = tpu.vector_load %arg24[%swap3A_238, %swap3A_239] {strides = array<i32>} : memref<32x256xf32, #tpu.memory_space<vmem>>, vector<16xf32>,
          tpu.vector_store %arg24[%swap3A_238, %swap3A_239], %gather3A_236 {strides = array<i32>} : memref<32x256xf32, #tpu.memory_space<vmem>>, vector<16xf32>,
          %add3A_241 = arith.constant 36 : i32
          %add3A_242 = vector.broadcast %add3A_241 : i32 to vector<16xi32>
          %add3A_243 = arith.addi %get3A_170, %add3A_242 : vector<16xi32>
          %gather3A_244 = tpu.vector_load_idx %arg22[%add3A_169, %add3A_243] : memref<256x128xf32, #tpu.memory_space<vmem>>[vector<16xi32>, vector<16xi32>], vector<16xf32>,
          %swap3A_245 = arith.constant 9 : i32
          %swap3A_246 = arith.index_cast %swap3A_245 : i32 to index
          %swap3A_247 = arith.index_cast %mul3A_167 : i32 to index
          %swap3A_248 = tpu.vector_load %arg24[%swap3A_246, %swap3A_247] {strides = array<i32>} : memref<32x256xf32, #tpu.memory_space<vmem>>, vector<16xf32>,
          tpu.vector_store %arg24[%swap3A_246, %swap3A_247], %gather3A_244 {strides = array<i32>} : memref<32x256xf32, #tpu.memory_space<vmem>>, vector<16xf32>,
          %add3A_249 = arith.constant 40 : i32
          %add3A_250 = vector.broadcast %add3A_249 : i32 to vector<16xi32>
          %add3A_251 = arith.addi %get3A_170, %add3A_250 : vector<16xi32>
          %gather3A_252 = tpu.vector_load_idx %arg22[%add3A_169, %add3A_251] : memref<256x128xf32, #tpu.memory_space<vmem>>[vector<16xi32>, vector<16xi32>], vector<16xf32>,
          %swap3A_253 = arith.constant 10 : i32
          %swap3A_254 = arith.index_cast %swap3A_253 : i32 to index
          %swap3A_255 = arith.index_cast %mul3A_167 : i32 to index
          %swap3A_256 = tpu.vector_load %arg24[%swap3A_254, %swap3A_255] {strides = array<i32>} : memref<32x256xf32, #tpu.memory_space<vmem>>, vector<16xf32>,
          tpu.vector_store %arg24[%swap3A_254, %swap3A_255], %gather3A_252 {strides = array<i32>} : memref<32x256xf32, #tpu.memory_space<vmem>>, vector<16xf32>,
          %add3A_257 = arith.constant 44 : i32
          %add3A_258 = vector.broadcast %add3A_257 : i32 to vector<16xi32>
          %add3A_259 = arith.addi %get3A_170, %add3A_258 : vector<16xi32>
          %gather3A_260 = tpu.vector_load_idx %arg22[%add3A_169, %add3A_259] : memref<256x128xf32, #tpu.memory_space<vmem>>[vector<16xi32>, vector<16xi32>], vector<16xf32>,
          %swap3A_261 = arith.constant 11 : i32
          %swap3A_262 = arith.index_cast %swap3A_261 : i32 to index
          %swap3A_263 = arith.index_cast %mul3A_167 : i32 to index
          %swap3A_264 = tpu.vector_load %arg24[%swap3A_262, %swap3A_263] {strides = array<i32>} : memref<32x256xf32, #tpu.memory_space<vmem>>, vector<16xf32>,
          tpu.vector_store %arg24[%swap3A_262, %swap3A_263], %gather3A_260 {strides = array<i32>} : memref<32x256xf32, #tpu.memory_space<vmem>>, vector<16xf32>,
          %add3A_265 = arith.constant 48 : i32
          %add3A_266 = vector.broadcast %add3A_265 : i32 to vector<16xi32>
          %add3A_267 = arith.addi %get3A_170, %add3A_266 : vector<16xi32>
          %gather3A_268 = tpu.vector_load_idx %arg22[%add3A_169, %add3A_267] : memref<256x128xf32, #tpu.memory_space<vmem>>[vector<16xi32>, vector<16xi32>], vector<16xf32>,
          %swap3A_269 = arith.constant 12 : i32
          %swap3A_270 = arith.index_cast %swap3A_269 : i32 to index
          %swap3A_271 = arith.index_cast %mul3A_167 : i32 to index
          %swap3A_272 = tpu.vector_load %arg24[%swap3A_270, %swap3A_271] {strides = array<i32>} : memref<32x256xf32, #tpu.memory_space<vmem>>, vector<16xf32>,
          tpu.vector_store %arg24[%swap3A_270, %swap3A_271], %gather3A_268 {strides = array<i32>} : memref<32x256xf32, #tpu.memory_space<vmem>>, vector<16xf32>,
          %add3A_273 = arith.constant 52 : i32
          %add3A_274 = vector.broadcast %add3A_273 : i32 to vector<16xi32>
          %add3A_275 = arith.addi %get3A_170, %add3A_274 : vector<16xi32>
          %gather3A_276 = tpu.vector_load_idx %arg22[%add3A_169, %add3A_275] : memref<256x128xf32, #tpu.memory_space<vmem>>[vector<16xi32>, vector<16xi32>], vector<16xf32>,
          %swap3A_277 = arith.constant 13 : i32
          %swap3A_278 = arith.index_cast %swap3A_277 : i32 to index
          %swap3A_279 = arith.index_cast %mul3A_167 : i32 to index
          %swap3A_280 = tpu.vector_load %arg24[%swap3A_278, %swap3A_279] {strides = array<i32>} : memref<32x256xf32, #tpu.memory_space<vmem>>, vector<16xf32>,
          tpu.vector_store %arg24[%swap3A_278, %swap3A_279], %gather3A_276 {strides = array<i32>} : memref<32x256xf32, #tpu.memory_space<vmem>>, vector<16xf32>,
          %add3A_281 = arith.constant 56 : i32
          %add3A_282 = vector.broadcast %add3A_281 : i32 to vector<16xi32>
          %add3A_283 = arith.addi %get3A_170, %add3A_282 : vector<16xi32>
          %gather3A_284 = tpu.vector_load_idx %arg22[%add3A_169, %add3A_283] : memref<256x128xf32, #tpu.memory_space<vmem>>[vector<16xi32>, vector<16xi32>], vector<16xf32>,
          %swap3A_285 = arith.constant 14 : i32
          %swap3A_286 = arith.index_cast %swap3A_285 : i32 to index
          %swap3A_287 = arith.index_cast %mul3A_167 : i32 to index
          %swap3A_288 = tpu.vector_load %arg24[%swap3A_286, %swap3A_287] {strides = array<i32>} : memref<32x256xf32, #tpu.memory_space<vmem>>, vector<16xf32>,
          tpu.vector_store %arg24[%swap3A_286, %swap3A_287], %gather3A_284 {strides = array<i32>} : memref<32x256xf32, #tpu.memory_space<vmem>>, vector<16xf32>,
          %add3A_289 = arith.constant 60 : i32
          %add3A_290 = vector.broadcast %add3A_289 : i32 to vector<16xi32>
          %add3A_291 = arith.addi %get3A_170, %add3A_290 : vector<16xi32>
          %gather3A_292 = tpu.vector_load_idx %arg22[%add3A_169, %add3A_291] : memref<256x128xf32, #tpu.memory_space<vmem>>[vector<16xi32>, vector<16xi32>], vector<16xf32>,
          %swap3A_293 = arith.constant 15 : i32
          %swap3A_294 = arith.index_cast %swap3A_293 : i32 to index
          %swap3A_295 = arith.index_cast %mul3A_167 : i32 to index
          %swap3A_296 = tpu.vector_load %arg24[%swap3A_294, %swap3A_295] {strides = array<i32>} : memref<32x256xf32, #tpu.memory_space<vmem>>, vector<16xf32>,
          tpu.vector_store %arg24[%swap3A_294, %swap3A_295], %gather3A_292 {strides = array<i32>} : memref<32x256xf32, #tpu.memory_space<vmem>>, vector<16xf32>,
          %add3A_297 = arith.constant 64 : i32
          %add3A_298 = vector.broadcast %add3A_297 : i32 to vector<16xi32>
          %add3A_299 = arith.addi %get3A_170, %add3A_298 : vector<16xi32>
          %gather3A_300 = tpu.vector_load_idx %arg22[%add3A_169, %add3A_299] : memref<256x128xf32, #tpu.memory_space<vmem>>[vector<16xi32>, vector<16xi32>], vector<16xf32>,
          %swap3A_301 = arith.constant 16 : i32
          %swap3A_302 = arith.index_cast %swap3A_301 : i32 to index
          %swap3A_303 = arith.index_cast %mul3A_167 : i32 to index
          %swap3A_304 = tpu.vector_load %arg24[%swap3A_302, %swap3A_303] {strides = array<i32>} : memref<32x256xf32, #tpu.memory_space<vmem>>, vector<16xf32>,
          tpu.vector_store %arg24[%swap3A_302, %swap3A_303], %gather3A_300 {strides = array<i32>} : memref<32x256xf32, #tpu.memory_space<vmem>>, vector<16xf32>,
          %add3A_305 = arith.constant 68 : i32
          %add3A_306 = vector.broadcast %add3A_305 : i32 to vector<16xi32>
          %add3A_307 = arith.addi %get3A_170, %add3A_306 : vector<16xi32>
          %gather3A_308 = tpu.vector_load_idx %arg22[%add3A_169, %add3A_307] : memref<256x128xf32, #tpu.memory_space<vmem>>[vector<16xi32>, vector<16xi32>], vector<16xf32>,
          %swap3A_309 = arith.constant 17 : i32
          %swap3A_310 = arith.index_cast %swap3A_309 : i32 to index
          %swap3A_311 = arith.index_cast %mul3A_167 : i32 to index
          %swap3A_312 = tpu.vector_load %arg24[%swap3A_310, %swap3A_311] {strides = array<i32>} : memref<32x256xf32, #tpu.memory_space<vmem>>, vector<16xf32>,
          tpu.vector_store %arg24[%swap3A_310, %swap3A_311], %gather3A_308 {strides = array<i32>} : memref<32x256xf32, #tpu.memory_space<vmem>>, vector<16xf32>,
          %add3A_313 = arith.constant 72 : i32
          %add3A_314 = vector.broadcast %add3A_313 : i32 to vector<16xi32>
          %add3A_315 = arith.addi %get3A_170, %add3A_314 : vector<16xi32>
          %gather3A_316 = tpu.vector_load_idx %arg22[%add3A_169, %add3A_315] : memref<256x128xf32, #tpu.memory_space<vmem>>[vector<16xi32>, vector<16xi32>], vector<16xf32>,
          %swap3A_317 = arith.constant 18 : i32
          %swap3A_318 = arith.index_cast %swap3A_317 : i32 to index
          %swap3A_319 = arith.index_cast %mul3A_167 : i32 to index
          %swap3A_320 = tpu.vector_load %arg24[%swap3A_318, %swap3A_319] {strides = array<i32>} : memref<32x256xf32, #tpu.memory_space<vmem>>, vector<16xf32>,
          tpu.vector_store %arg24[%swap3A_318, %swap3A_319], %gather3A_316 {strides = array<i32>} : memref<32x256xf32, #tpu.memory_space<vmem>>, vector<16xf32>,
          %add3A_321 = arith.constant 76 : i32
          %add3A_322 = vector.broadcast %add3A_321 : i32 to vector<16xi32>
          %add3A_323 = arith.addi %get3A_170, %add3A_322 : vector<16xi32>
          %gather3A_324 = tpu.vector_load_idx %arg22[%add3A_169, %add3A_323] : memref<256x128xf32, #tpu.memory_space<vmem>>[vector<16xi32>, vector<16xi32>], vector<16xf32>,
          %swap3A_325 = arith.constant 19 : i32
          %swap3A_326 = arith.index_cast %swap3A_325 : i32 to index
          %swap3A_327 = arith.index_cast %mul3A_167 : i32 to index
          %swap3A_328 = tpu.vector_load %arg24[%swap3A_326, %swap3A_327] {strides = array<i32>} : memref<32x256xf32, #tpu.memory_space<vmem>>, vector<16xf32>,
          tpu.vector_store %arg24[%swap3A_326, %swap3A_327], %gather3A_324 {strides = array<i32>} : memref<32x256xf32, #tpu.memory_space<vmem>>, vector<16xf32>,
          %add3A_329 = arith.constant 80 : i32
          %add3A_330 = vector.broadcast %add3A_329 : i32 to vector<16xi32>
          %add3A_331 = arith.addi %get3A_170, %add3A_330 : vector<16xi32>
          %gather3A_332 = tpu.vector_load_idx %arg22[%add3A_169, %add3A_331] : memref<256x128xf32, #tpu.memory_space<vmem>>[vector<16xi32>, vector<16xi32>], vector<16xf32>,
          %swap3A_333 = arith.constant 20 : i32
          %swap3A_334 = arith.index_cast %swap3A_333 : i32 to index
          %swap3A_335 = arith.index_cast %mul3A_167 : i32 to index
          %swap3A_336 = tpu.vector_load %arg24[%swap3A_334, %swap3A_335] {strides = array<i32>} : memref<32x256xf32, #tpu.memory_space<vmem>>, vector<16xf32>,
          tpu.vector_store %arg24[%swap3A_334, %swap3A_335], %gather3A_332 {strides = array<i32>} : memref<32x256xf32, #tpu.memory_space<vmem>>, vector<16xf32>,
          %add3A_337 = arith.constant 84 : i32
          %add3A_338 = vector.broadcast %add3A_337 : i32 to vector<16xi32>
          %add3A_339 = arith.addi %get3A_170, %add3A_338 : vector<16xi32>
          %gather3A_340 = tpu.vector_load_idx %arg22[%add3A_169, %add3A_339] : memref<256x128xf32, #tpu.memory_space<vmem>>[vector<16xi32>, vector<16xi32>], vector<16xf32>,
          %swap3A_341 = arith.constant 21 : i32
          %swap3A_342 = arith.index_cast %swap3A_341 : i32 to index
          %swap3A_343 = arith.index_cast %mul3A_167 : i32 to index
          %swap3A_344 = tpu.vector_load %arg24[%swap3A_342, %swap3A_343] {strides = array<i32>} : memref<32x256xf32, #tpu.memory_space<vmem>>, vector<16xf32>,
          tpu.vector_store %arg24[%swap3A_342, %swap3A_343], %gather3A_340 {strides = array<i32>} : memref<32x256xf32, #tpu.memory_space<vmem>>, vector<16xf32>,
          %add3A_345 = arith.constant 88 : i32
          %add3A_346 = vector.broadcast %add3A_345 : i32 to vector<16xi32>
          %add3A_347 = arith.addi %get3A_170, %add3A_346 : vector<16xi32>
          %gather3A_348 = tpu.vector_load_idx %arg22[%add3A_169, %add3A_347] : memref<256x128xf32, #tpu.memory_space<vmem>>[vector<16xi32>, vector<16xi32>], vector<16xf32>,
          %swap3A_349 = arith.constant 22 : i32
          %swap3A_350 = arith.index_cast %swap3A_349 : i32 to index
          %swap3A_351 = arith.index_cast %mul3A_167 : i32 to index
          %swap3A_352 = tpu.vector_load %arg24[%swap3A_350, %swap3A_351] {strides = array<i32>} : memref<32x256xf32, #tpu.memory_space<vmem>>, vector<16xf32>,
          tpu.vector_store %arg24[%swap3A_350, %swap3A_351], %gather3A_348 {strides = array<i32>} : memref<32x256xf32, #tpu.memory_space<vmem>>, vector<16xf32>,
          %add3A_353 = arith.constant 92 : i32
          %add3A_354 = vector.broadcast %add3A_353 : i32 to vector<16xi32>
          %add3A_355 = arith.addi %get3A_170, %add3A_354 : vector<16xi32>
          %gather3A_356 = tpu.vector_load_idx %arg22[%add3A_169, %add3A_355] : memref<256x128xf32, #tpu.memory_space<vmem>>[vector<16xi32>, vector<16xi32>], vector<16xf32>,
          %swap3A_357 = arith.constant 23 : i32
          %swap3A_358 = arith.index_cast %swap3A_357 : i32 to index
          %swap3A_359 = arith.index_cast %mul3A_167 : i32 to index
          %swap3A_360 = tpu.vector_load %arg24[%swap3A_358, %swap3A_359] {strides = array<i32>} : memref<32x256xf32, #tpu.memory_space<vmem>>, vector<16xf32>,
          tpu.vector_store %arg24[%swap3A_358, %swap3A_359], %gather3A_356 {strides = array<i32>} : memref<32x256xf32, #tpu.memory_space<vmem>>, vector<16xf32>,
          %add3A_361 = arith.constant 96 : i32
          %add3A_362 = vector.broadcast %add3A_361 : i32 to vector<16xi32>
          %add3A_363 = arith.addi %get3A_170, %add3A_362 : vector<16xi32>
          %gather3A_364 = tpu.vector_load_idx %arg22[%add3A_169, %add3A_363] : memref<256x128xf32, #tpu.memory_space<vmem>>[vector<16xi32>, vector<16xi32>], vector<16xf32>,
          %swap3A_365 = arith.constant 24 : i32
          %swap3A_366 = arith.index_cast %swap3A_365 : i32 to index
          %swap3A_367 = arith.index_cast %mul3A_167 : i32 to index
          %swap3A_368 = tpu.vector_load %arg24[%swap3A_366, %swap3A_367] {strides = array<i32>} : memref<32x256xf32, #tpu.memory_space<vmem>>, vector<16xf32>,
          tpu.vector_store %arg24[%swap3A_366, %swap3A_367], %gather3A_364 {strides = array<i32>} : memref<32x256xf32, #tpu.memory_space<vmem>>, vector<16xf32>,
          %add3A_369 = arith.constant 100 : i32
          %add3A_370 = vector.broadcast %add3A_369 : i32 to vector<16xi32>
          %add3A_371 = arith.addi %get3A_170, %add3A_370 : vector<16xi32>
          %gather3A_372 = tpu.vector_load_idx %arg22[%add3A_169, %add3A_371] : memref<256x128xf32, #tpu.memory_space<vmem>>[vector<16xi32>, vector<16xi32>], vector<16xf32>,
          %swap3A_373 = arith.constant 25 : i32
          %swap3A_374 = arith.index_cast %swap3A_373 : i32 to index
          %swap3A_375 = arith.index_cast %mul3A_167 : i32 to index
          %swap3A_376 = tpu.vector_load %arg24[%swap3A_374, %swap3A_375] {strides = array<i32>} : memref<32x256xf32, #tpu.memory_space<vmem>>, vector<16xf32>,
          tpu.vector_store %arg24[%swap3A_374, %swap3A_375], %gather3A_372 {strides = array<i32>} : memref<32x256xf32, #tpu.memory_space<vmem>>, vector<16xf32>,
          %add3A_377 = arith.constant 104 : i32
          %add3A_378 = vector.broadcast %add3A_377 : i32 to vector<16xi32>
          %add3A_379 = arith.addi %get3A_170, %add3A_378 : vector<16xi32>
          %gather3A_380 = tpu.vector_load_idx %arg22[%add3A_169, %add3A_379] : memref<256x128xf32, #tpu.memory_space<vmem>>[vector<16xi32>, vector<16xi32>], vector<16xf32>,
          %swap3A_381 = arith.constant 26 : i32
          %swap3A_382 = arith.index_cast %swap3A_381 : i32 to index
          %swap3A_383 = arith.index_cast %mul3A_167 : i32 to index
          %swap3A_384 = tpu.vector_load %arg24[%swap3A_382, %swap3A_383] {strides = array<i32>} : memref<32x256xf32, #tpu.memory_space<vmem>>, vector<16xf32>,
          tpu.vector_store %arg24[%swap3A_382, %swap3A_383], %gather3A_380 {strides = array<i32>} : memref<32x256xf32, #tpu.memory_space<vmem>>, vector<16xf32>,
          %add3A_385 = arith.constant 108 : i32
          %add3A_386 = vector.broadcast %add3A_385 : i32 to vector<16xi32>
          %add3A_387 = arith.addi %get3A_170, %add3A_386 : vector<16xi32>
          %gather3A_388 = tpu.vector_load_idx %arg22[%add3A_169, %add3A_387] : memref<256x128xf32, #tpu.memory_space<vmem>>[vector<16xi32>, vector<16xi32>], vector<16xf32>,
          %swap3A_389 = arith.constant 27 : i32
          %swap3A_390 = arith.index_cast %swap3A_389 : i32 to index
          %swap3A_391 = arith.index_cast %mul3A_167 : i32 to index
          %swap3A_392 = tpu.vector_load %arg24[%swap3A_390, %swap3A_391] {strides = array<i32>} : memref<32x256xf32, #tpu.memory_space<vmem>>, vector<16xf32>,
          tpu.vector_store %arg24[%swap3A_390, %swap3A_391], %gather3A_388 {strides = array<i32>} : memref<32x256xf32, #tpu.memory_space<vmem>>, vector<16xf32>,
          %add3A_393 = arith.constant 112 : i32
          %add3A_394 = vector.broadcast %add3A_393 : i32 to vector<16xi32>
          %add3A_395 = arith.addi %get3A_170, %add3A_394 : vector<16xi32>
          %gather3A_396 = tpu.vector_load_idx %arg22[%add3A_169, %add3A_395] : memref<256x128xf32, #tpu.memory_space<vmem>>[vector<16xi32>, vector<16xi32>], vector<16xf32>,
          %swap3A_397 = arith.constant 28 : i32
          %swap3A_398 = arith.index_cast %swap3A_397 : i32 to index
          %swap3A_399 = arith.index_cast %mul3A_167 : i32 to index
          %swap3A_400 = tpu.vector_load %arg24[%swap3A_398, %swap3A_399] {strides = array<i32>} : memref<32x256xf32, #tpu.memory_space<vmem>>, vector<16xf32>,
          tpu.vector_store %arg24[%swap3A_398, %swap3A_399], %gather3A_396 {strides = array<i32>} : memref<32x256xf32, #tpu.memory_space<vmem>>, vector<16xf32>,
          %add3A_401 = arith.constant 116 : i32
          %add3A_402 = vector.broadcast %add3A_401 : i32 to vector<16xi32>
          %add3A_403 = arith.addi %get3A_170, %add3A_402 : vector<16xi32>
          %gather3A_404 = tpu.vector_load_idx %arg22[%add3A_169, %add3A_403] : memref<256x128xf32, #tpu.memory_space<vmem>>[vector<16xi32>, vector<16xi32>], vector<16xf32>,
          %swap3A_405 = arith.constant 29 : i32
          %swap3A_406 = arith.index_cast %swap3A_405 : i32 to index
          %swap3A_407 = arith.index_cast %mul3A_167 : i32 to index
          %swap3A_408 = tpu.vector_load %arg24[%swap3A_406, %swap3A_407] {strides = array<i32>} : memref<32x256xf32, #tpu.memory_space<vmem>>, vector<16xf32>,
          tpu.vector_store %arg24[%swap3A_406, %swap3A_407], %gather3A_404 {strides = array<i32>} : memref<32x256xf32, #tpu.memory_space<vmem>>, vector<16xf32>,
          %add3A_409 = arith.constant 120 : i32
          %add3A_410 = vector.broadcast %add3A_409 : i32 to vector<16xi32>
          %add3A_411 = arith.addi %get3A_170, %add3A_410 : vector<16xi32>
          %gather3A_412 = tpu.vector_load_idx %arg22[%add3A_169, %add3A_411] : memref<256x128xf32, #tpu.memory_space<vmem>>[vector<16xi32>, vector<16xi32>], vector<16xf32>,
          %swap3A_413 = arith.constant 30 : i32
          %swap3A_414 = arith.index_cast %swap3A_413 : i32 to index
          %swap3A_415 = arith.index_cast %mul3A_167 : i32 to index
          %swap3A_416 = tpu.vector_load %arg24[%swap3A_414, %swap3A_415] {strides = array<i32>} : memref<32x256xf32, #tpu.memory_space<vmem>>, vector<16xf32>,
          tpu.vector_store %arg24[%swap3A_414, %swap3A_415], %gather3A_412 {strides = array<i32>} : memref<32x256xf32, #tpu.memory_space<vmem>>, vector<16xf32>,
          %add3A_417 = arith.constant 124 : i32
          %add3A_418 = vector.broadcast %add3A_417 : i32 to vector<16xi32>
          %add3A_419 = arith.addi %get3A_170, %add3A_418 : vector<16xi32>
          %gather3A_420 = tpu.vector_load_idx %arg22[%add3A_169, %add3A_419] : memref<256x128xf32, #tpu.memory_space<vmem>>[vector<16xi32>, vector<16xi32>], vector<16xf32>,
          %swap3A_421 = arith.constant 31 : i32
          %swap3A_422 = arith.index_cast %swap3A_421 : i32 to index
          %swap3A_423 = arith.index_cast %mul3A_167 : i32 to index
          %swap3A_424 = tpu.vector_load %arg24[%swap3A_422, %swap3A_423] {strides = array<i32>} : memref<32x256xf32, #tpu.memory_space<vmem>>, vector<16xf32>,
          tpu.vector_store %arg24[%swap3A_422, %swap3A_423], %gather3A_420 {strides = array<i32>} : memref<32x256xf32, #tpu.memory_space<vmem>>, vector<16xf32>,
        }
        %scan3A_154 = arith.constant 16 : i32
        %add3A_155 = arith.constant 524288 : i32
        %add3A_156 = arith.addi %add3A_155, %mul3A_44 : i32
        %mul3A_157 = arith.constant 256 : i32
        %mul3A_158 = arith.muli %add3A_126, %mul3A_157 : i32
        %add3A_159 = arith.addi %add3A_156, %mul3A_158 : i32
        %multiple_of3A_160 = tpu.assume_multiple %add3A_159, 256 : i32
        %dma_start3A_161 = arith.constant 0 : i32
        %dma_start3A_162 = tpu.memref_slice %arg8[%dma_start3A_161, %multiple_of3A_160] : memref<32x1048576xf32, #tpu.memory_space<hbm>> -> memref<32x256xf32, #tpu.memory_space<hbm>>
        %dma_start3A_163 = arith.constant 0 : i32
        %dma_start3A_164 = tpu.memref_slice %arg8[%dma_start3A_163, %multiple_of3A_160] : memref<32x1048576xf32, #tpu.memory_space<hbm>> -> memref<32x256xf32, #tpu.memory_space<hbm>>
        tpu.enqueue_dma source(%arg24 : memref<32x256xf32, #tpu.memory_space<vmem>>) target(%dma_start3A_164 : memref<32x256xf32, #tpu.memory_space<hbm>>) target_semaphore(%arg32 : memref<!tpu.dma_semaphore, #tpu.memory_space<semaphore_mem>>)
      }
      %scan3A_69 = arith.constant 64 : i32
      %dma_wait3A_70 = arith.constant 0 : i32
      %dma_wait3A_71 = arith.constant 524288 : i32
      %dma_wait3A_72 = tpu.memref_slice %arg8[%dma_wait3A_70, %dma_wait3A_71] : memref<32x1048576xf32, #tpu.memory_space<hbm>> -> memref<32x256xf32, #tpu.memory_space<hbm>>
      %dma_wait3A_73 = arith.constant 0 : i32
      %dma_wait3A_74 = arith.constant 524288 : i32
      %dma_wait3A_75 = tpu.memref_slice %arg8[%dma_wait3A_73, %dma_wait3A_74] : memref<32x1048576xf32, #tpu.memory_space<hbm>> -> memref<32x256xf32, #tpu.memory_space<hbm>>
      tpu.wait_dma2 semaphore(%arg31 : memref<!tpu.dma_semaphore, #tpu.memory_space<semaphore_mem>>) src(%arg23 : memref<32x256xf32, #tpu.memory_space<vmem>>) dst(%dma_wait3A_75 : memref<32x256xf32, #tpu.memory_space<hbm>>)
      %dma_wait3A_76 = arith.constant 0 : i32
      %dma_wait3A_77 = arith.constant 524288 : i32
      %dma_wait3A_78 = tpu.memref_slice %arg8[%dma_wait3A_76, %dma_wait3A_77] : memref<32x1048576xf32, #tpu.memory_space<hbm>> -> memref<32x256xf32, #tpu.memory_space<hbm>>
      %dma_wait3A_79 = arith.constant 0 : i32
      %dma_wait3A_80 = arith.constant 524288 : i32
      %dma_wait3A_81 = tpu.memref_slice %arg8[%dma_wait3A_79, %dma_wait3A_80] : memref<32x1048576xf32, #tpu.memory_space<hbm>> -> memref<32x256xf32, #tpu.memory_space<hbm>>
      tpu.wait_dma2 semaphore(%arg32 : memref<!tpu.dma_semaphore, #tpu.memory_space<semaphore_mem>>) src(%arg24 : memref<32x256xf32, #tpu.memory_space<vmem>>) dst(%dma_wait3A_81 : memref<32x256xf32, #tpu.memory_space<hbm>>)
    } else {
    }
    return
  }
}

</mosaic_0001>

<sc_bundles>
// kernel: kernel.3.cloned.1.call-start
scs
__scs_entry_jumppad:
0x0: {  	(pc) =	sbr.rel $0x88, $3  }
0x1: {  	(tag) =	ssettag $0x0;
	lr =	simm.s32 $0x1  }
0x2: {  	[smem:$0x3F9D] =	sst lr;
	_ =	strace $0xD0000000  }
0x3: {  	_ = 	snop  }
0x4: {  	_ = 	snop  }
0x5: {  	_ = 	snop  }
0x6: {  	_ = 	snop  }
0x7: {  	_ = 	snop  }
__scs_overlays_trampoline_lowered:
0x8: {  	[smem:$0x3FAC] =	sst s0  }
0x9: {  	[smem:$0x3FAD] =	sst s1  }
0xa: {  	[smem:$0x3FAE] =	sst s2  }
0xb: {  	[smem:$0x3FAF] =	sst s3  }
0xc: {  	[smem:$0x3FB0] =	sst s4  }
0xd: {  	[smem:$0x3FB1] =	sst s5  }
0xe: {  	[smem:$0x3FB2] =	sst s6  }
0xf: {  	[smem:$0x3FB3] =	sst s7  }
0x10: {  	[smem:$0x3FB4] =	sst s8  }
0x11: {  	[smem:$0x3FB5] =	sst s9;
	s0 =	simm.s32 @!p0 $0x0  }
0x12: {  	s1 =	sld [smem:$0x3F9B];
	s0 =	simm.s32 @p0 $0x1  }
0x13: {  	[smem:$0x3FB6] =	sst s0;
	s0 =	simm.s32 @!p1 $0x0  }
0x14: {  	s2 =	sld [smem:$0x3F9A];
	s0 =	simm.s32 @p1 $0x1  }
0x15: {  	[smem:$0x3FB7] =	sst s0;
	s0 =	simm.s32 @!p2 $0x0  }
0x16: {  	s3 =	sld [smem:$0x3FDB];
	s0 =	simm.s32 @p2 $0x1  }
0x17: {  	s4 =	simm.s32 $0x1BF5;
	[smem:$0x3FB9] =	sst s0  }
0x18: {  	s0 =	sld [smem:$0x3F9C];
	_ =	swait.ge [sflag:s4], $0x0  }
0x19: {  	s7 =	sld [smem:$0x3F9D]  }
0x1a: {  	s8 =	sadd.s32 $0xFFFFE003, lr  }
0x1b: {  	s9 =	sadd.s32 $0xFFFFFEF7, lr;
	s5 =	simm.s32 $0xFFFFFFFF;
	p2 =	slt.u32 s8, $0xFFFFF086  }
0x1c: {  	p1 =	slt.u32 s9, $0xF7A;
	s5 =	simm.s32 @!p2 $0x0  }
0x1d: {  	s5 =	simm.s32 @p1 $0x1;
	p0 =	seq.s32 s7, s2  }
0x1e: {  	s7 =	smul.u32 @!p0 $0xF7A, s2;
	p2 =	seq.s32 @!p0 s5, $0x0  }
0x1f: {  	s9 =	smul.u32 $0xF7A, s1;
	s8 =	simm.s32 @!p0 $0x1BF5;
	p2 =	por !p2, p0  }
0x20: {  	[sflag:s8] =	ssyncset.s32 @!p0 $0xFFFFF086;
	s6 =	sadd.s32 @!p0 s3, s7;
	s7 =	simm.s32 @!p0 $0x108  }
0x21: {  	s3 =	sadd.s32 s3, s9;
	s6 =	sadd.s32 @!p0 $0x88, s6;
	s7 =	simm.s32 @p2 $0x1082  }
0x22: {  	[simem:s7], [sflag:s8] =	dma.local @!p0 [hbm:s6], $0xF7A  }
0x23: {  	s9 =	sor.u32 $0xD0000000, s2;
	s6 =	simm.s32 $0x108;
	_ =	swait.ge @!p0 [sflag:s8], $0x0  }
0x24: {  	s3 =	sadd.s32 $0x88, s3;
	s6 =	simm.s32 @!p1 $0x1082;
	[sflag:s4] =	ssyncset.s32 $0xFFFFF086  }
0x25: {  	[simem:s6], [sflag:s4] =	dma.local [hbm:s3], $0xF7A  }
0x26: {  	[smem:$0x3F9D] =	sst s1;
	(tag) =	ssettag s2;
	_ =	strace s9  }
0x27: {  	s1 =	sld [smem:$0x3FAD]  }
0x28: {  	s2 =	sld [smem:$0x3FAE]  }
0x29: {  	s4 =	sld [smem:$0x3FB0]  }
0x2a: {  	p0 =	seq.s32 s5, $0x0;
	s5 =	sld [smem:$0x3FB1]  }
0x2b: {  	s6 =	sld [smem:$0x3FB2]  }
0x2c: {  	s7 =	sld [smem:$0x3FB3]  }
0x2d: {  	s3 =	simm.s32 $0x108;
	s8 =	sld [smem:$0x3FB4]  }
0x2e: {  	s3 =	simm.s32 @!p0 $0x1082;
	s9 =	sld [smem:$0x3FB5]  }
0x2f: {  	lr =	sadd.s32 s0, s3;
	s0 =	sld [smem:$0x3FAC]  }
0x30: {  	s3 =	sld [smem:$0x3FAF]  }
0x31: {  	[smem:$0x3FB8] =	sst s10  }
0x32: {  	s10 =	sld [smem:$0x3FB6];
	_ =	sdelay $0x3  }
0x33: {  	p0 =	seq.s32 s10, $0x1;
	s10 =	sld [smem:$0x3FB8];
	_ =	sdelay $0x3  }
0x34: {  	[smem:$0x3FB8] =	sst s10  }
0x35: {  	s10 =	sld [smem:$0x3FB7];
	_ =	sdelay $0x3  }
0x36: {  	p1 =	seq.s32 s10, $0x1;
	s10 =	sld [smem:$0x3FB8];
	_ =	sdelay $0x3  }
0x37: {  	[smem:$0x3FB8] =	sst s10  }
0x38: {  	s10 =	sld [smem:$0x3FB9]  }
0x39: {  	_ = 	snop;
	(pc) =	sbr.ind lr, $3  }
0x3a: {  	_ = 	snop  }
0x3b: {  	_ = 	snop  }
0x3c: {  	p2 =	seq.s32 s10, $0x1;
	s10 =	sld [smem:$0x3FB8]  }
0x3d: {  	_ =	shalt  }
0x3e: {  	_ =	shalt  }
0x3f: {  	_ =	shalt  }
0x40: {  	_ =	shalt  }
0x41: {  	_ =	shalt  }
0x42: {  	_ =	shalt  }
0x43: {  	_ =	shalt  }
0x44: {  	_ =	shalt  }
0x45: {  	_ =	shalt  }
0x46: {  	_ =	shalt  }
0x47: {  	_ =	shalt  }
0x48: {  	_ =	shalt  }
0x49: {  	_ =	shalt  }
0x4a: {  	_ =	shalt  }
0x4b: {  	_ =	shalt  }
0x4c: {  	_ =	shalt  }
0x4d: {  	_ =	shalt  }
0x4e: {  	_ =	shalt  }
0x4f: {  	_ =	shalt  }
0x50: {  	_ =	shalt  }
0x51: {  	_ =	shalt  }
0x52: {  	_ =	shalt  }
0x53: {  	_ =	shalt  }
0x54: {  	_ =	shalt  }
0x55: {  	_ =	shalt  }
0x56: {  	_ =	shalt  }
0x57: {  	_ =	shalt  }
0x58: {  	_ =	shalt  }
0x59: {  	_ =	shalt  }
0x5a: {  	_ =	shalt  }
0x5b: {  	_ =	shalt  }
0x5c: {  	_ =	shalt  }
0x5d: {  	_ =	shalt  }
0x5e: {  	_ =	shalt  }
0x5f: {  	_ =	shalt  }
0x60: {  	_ =	shalt  }
0x61: {  	_ =	shalt  }
0x62: {  	_ =	shalt  }
0x63: {  	_ =	shalt  }
0x64: {  	_ =	shalt  }
0x65: {  	_ =	shalt  }
0x66: {  	_ =	shalt  }
0x67: {  	_ =	shalt  }
0x68: {  	_ =	shalt  }
0x69: {  	_ =	shalt  }
0x6a: {  	_ =	shalt  }
0x6b: {  	_ =	shalt  }
0x6c: {  	_ =	shalt  }
0x6d: {  	_ =	shalt  }
0x6e: {  	_ =	shalt  }
0x6f: {  	_ =	shalt  }
0x70: {  	_ =	shalt  }
0x71: {  	_ =	shalt  }
0x72: {  	_ =	shalt  }
0x73: {  	_ =	shalt  }
0x74: {  	_ =	shalt  }
0x75: {  	_ =	shalt  }
0x76: {  	_ =	shalt  }
0x77: {  	_ =	shalt  }
0x78: {  	_ =	shalt  }
0x79: {  	_ =	shalt  }
0x7a: {  	_ =	shalt  }
0x7b: {  	_ =	shalt  }
0x7c: {  	_ =	shalt  }
0x7d: {  	_ =	shalt  }
0x7e: {  	_ =	shalt  }
0x7f: {  	_ =	shalt  }
0x80: {  	_ =	shalt  }
0x81: {  	_ =	shalt  }
0x82: {  	_ =	shalt  }
0x83: {  	_ =	shalt  }
0x84: {  	_ =	shalt  }
0x85: {  	_ =	shalt  }
0x86: {  	_ =	shalt  }
0x87: {  	_ =	shalt  }
.Lfunc_end0:
.L_simem_size_0:
called_computation_lowered:
.L_overlay_start_0:
0x88: {  	s2 =	sld [smem:$0x3FD9]  }
0x89: {  	s3 =	sld [smem:$0x3FFE];
	_ =	sdelay $0x1  }
0x8a: {  	s1 =	srdreg.scid  }
0x8b: {  	s0 =	sand.u32 $0x1, s1  }
0x8c: {  	s17 =	sshll.u32 s0, $0xA;
	s2 =	sadd.s32 s3, s2  }
0x8d: {  	s2 =	sadd.s32 s2, s17  }
0x8e: {  	[smem:$0x3FC4] =	sst s2  }
0x8f: {  	_ = 	snop  }
0x90: {  	s2 =	sld [smem:$0x3FC9]  }
0x91: {  	s18 =	sld [smem:$0x3FC8]  }
0x92: {  	s4 =	sld [smem:$0x3FC7]  }
0x93: {  	s5 =	sld [smem:$0x3FC6]  }
0x94: {  	s6 =	sld [smem:$0x3FD0];
	(tm) =	ssettm $0x1  }
0x95: {  	s7 =	sld [smem:$0x3FFB];
	_ =	sdelay $0x3  }
0x96: {  	_ =	strace s7  }
0x97: {  	s7 =	sld [smem:$0x3FFC];
	_ =	sdelay $0x3  }
0x98: {  	_ =	strace s7  }
0x99: {  	s7 =	sld [smem:$0x3FFD];
	_ =	sdelay $0x3  }
0x9a: {  	_ =	strace s7  }
0x9b: {  	_ =	strace $0x8FFFFFFF  }
0x9c: {  	s19 =	sld [smem:$0x3FDB];
	_ =	sdelay $0x1  }
0x9d: {  	s8 =	simm.s32 $_scs_section_size  }
0x9e: {  	s9 =	simm.s32 $_size__tile_overlayer_lowered;
	s10 =	simm.s32 $_tile_overlayer_lowered  }
0x9f: {  	s22 =	simm.s32 $0x1BFF;
	s21 =	sshll.u32 s10, $0x1;
	s7 =	sadd.s32 s8, s19  }
0xa0: {  	s11 =	simm.s32 $0x0;
	s20 =	sshll.u32 s9, $0x1;
	s9 =	sadd.s32 s21, s7  }
0xa1: {  	[timem:s11], [sflag:s22] =	dma.local [hbm:s9], s20  }
0xa2: {  	_ =	swait.ge [sflag:s22], s20  }
0xa3: {  	s8 =	ssub.s32 $0x0, s20;
	[sflag:s22] =	ssyncset.done $0x0  }
0xa4: {  	[sflag:s22] =	ssyncadd.s32 s8;
	_ =	sdelay $0x1  }
0xa5: {  	s23 =	simm.s32 $0x1B8B  }
0xa6: {  	_ =	swait.ge [sflag:s23], $0x1  }
0xa7: {  	[sflag:s23] =	ssyncset.done $0x0  }
0xa8: {  	s25 =	simm.s32 $0x1B8E;
	s24 =	sld [smem:$0x3FFE];
	[sflag:s23] =	ssyncadd.s32 $0xFFFFFFFF  }
0xa9: {  	s26 =	simm.s32 $execute0_lowered;
	[smem:$0x3FD2] =	sst s25  }
0xaa: {  	s9 =	sshll.u32 s26, $0x1;
	_ =	strace $0x80000046;
	[dreg:$0x1] =	wrdreg $0xFFFFFFFF  }
0xab: {  	s28 =	simm.s32 $_size_execute0_lowered;
	s7 =	sadd.s32 s7, s9;
	[dreg:$0x0] =	wrdreg $0x0  }
0xac: {  	s9 =	sshll.u32 s28, $0x1;
	[dreg:$0x2] =	wrdreg s7  }
0xad: {  	[dreg:$0x3] =	wrdreg s9  }
0xae: {  	[dreg:$0x4] =	wrdreg $0xC0  }
0xaf: {  	_ =	task [dreg:s11], $0x5FFFF  }
0xb0: {  	[dreg:$0x1] =	wrdreg $0xFFFFFFFF  }
0xb1: {  	[dreg:$0x0] =	wrdreg $0x60  }
0xb2: {  	[dreg:$0x2] =	wrdreg s2  }
0xb3: {  	[dreg:$0x3] =	wrdreg s18  }
0xb4: {  	[dreg:$0x4] =	wrdreg s4  }
0xb5: {  	[dreg:$0x5] =	wrdreg s5  }
0xb6: {  	[dreg:$0x6] =	wrdreg s24  }
0xb7: {  	[dreg:$0x7] =	wrdreg s6  }
0xb8: {  	[dreg:$0x8] =	wrdreg $0x9  }
0xb9: {  	_ =	task.clear_ibuf [dreg:s11], $0x9FFFF;
	_ =	strace $0x90000046  }
0xba: {  	s29 =	simm.s32 $0x9;
	_ =	strace $0x80000048  }
0xbb: {  	_ =	swait.ge [sflag:s29], $0x1  }
0xbc: {  	[sflag:s29] =	ssyncadd.s32 $0xFFFFFFFF  }
0xbd: {  	_ =	strace $0x90000048  }
0xbe: {  	_ =	sfence  }
0xbf: {  	s30 =	sld [smem:$0x0];
	_ =	sdelay $0x2  }
0xc0: {  	s31 =	sshll.u32 s1, $0xD;
	s1 =	sshrl.u32 s1, $0x2  }
0xc1: {  	s3 =	sand.u32 $0x4000, s31;
	s1 =	sadd.s32 s1, s30  }
0xc2: {  	s0 =	sor.u32 s3, s0;
	s1 =	sshll.u32 s1, $0x11  }
0xc3: {  	s0 =	sor.u32 s1, s0  }
0xc4: {  	s0 =	sadd.s32 $0x8F2B, s0  }
0xc5: {  	[sflag:s0] =	ssyncadd.remote.s32 $0x1  }
0xc6: {  	_ =	sfence.sel $0xFFFF  }
0xc7: {  	[dreg:$0x0] =	wrdreg $0xFFFFFFFF;
	(pc) =	sbr.abs _section_cstart, $3  }
0xc8: {  	[dreg:$0x1] =	wrdreg $0xFFFFFFFF  }
0xc9: {  	_ =	task.clear_ibuf [dreg:s11], $0x2FFFF;
	_ =	strace $0x9FFFFFFF  }
0xca: {  	(tm) =	ssettm $0x7FFFFFFF  }
0xcb: {  	_ =	shalt  }
tec
execute0_lowered:
.L_overlay_start_1:
0x0: {  	(tag) =	ssettag $0x1  }
0x1: {  	s0 =	rddreg [dreg:$0x0]  }
0x2: {  	s1 =	rddreg [dreg:$0x1]  }
0x3: {  	s7 =	rddreg [dreg:$0x2]  }
0x4: {  	s12 =	rddreg [dreg:$0x3]  }
0x5: {  	s2 =	rddreg [dreg:$0x4]  }
0x6: {  	s13 =	rddreg [dreg:$0x5];
	s4 =	simm.s32 $0x0;
	s3 =	srdreg.scid  }
0x7: {  	s10 =	simm.s32 $0xF5;
	s30 =	simm.s32 $0x800;
	s31 =	simm.s32 $0xA  }
0x8: {  	s28 =	simm.s32 $0x6;
	[smem:$0x7FF] =	sst s4;
	s3 =	sand.u32 $0x1, s3  }
0x9: {  	s5 =	sadd.s32 $0xA00, s2;
	s14 =	sadd.s32 $0x800, s2;
	s8 =	sadd.s32 $0xC00, s2  }
0xa: {  	s9 =	sadd.s32 $0x3D1600, s2;
	_ =	strace $0x80000047;
	[dreg:$0x7] =	wrdreg s5  }
0xb: {  	s20 =	sadd.s32 $0x3D1400, s2;
	[dreg:$0x8] =	wrdreg s14;
	s15 =	ssub.s32 $0x2, s3  }
0xc: {  	s14 =	stileid.u32;
	[dreg:$0xe] =	wrdreg s20;
	s20 =	simm.s32 $0x8600  }
0xd: {  	s6 =	sshrl.u32 s15, $0x1;
	s16 =	sshll.u32 s14, $0x8;
	p0 =	slt.u32 s14, $0x2  }
0xe: {  	s17 =	sshll.u32 s14, $0xA;
	s19 =	sshll.u32 s14, $0xC;
	s21 =	sshll.u32 s14, $0xF  }
0xf: {  	p1 =	sne.s32 s14, $0xF;
	s14 =	simm.s32 $0x10600;
	s5 =	ssub.s32 s15, s6  }
0x10: {  	s11 =	sadd.s32 s1, s16;
	s10 =	simm.s32 @!p0 $0xF4;
	s25 =	sadd.s32 s9, s17  }
0x11: {  	s15 =	sadd.s32 $0x7A1E00, s2;
	s18 =	sadd.s32 s8, s17;
	s23 =	sadd.s32 s7, s19  }
0x12: {  	s22 =	sor.u32 $0x200, s21;
	p0 =	sne.s32 s3, $0x0;
	[dreg:$0xb] =	wrdreg s15  }
0x13: {  	s24 =	sor.u32 $0x300, s21;
	s29 =	sor.u32 $0x80000, s21;
	[dreg:$0xd] =	wrdreg s18  }
0x14: {  	s7 =	simm.s32 $0x2;
	s6 =	simm.s32 $0x800000;
	[dreg:$0xf] =	wrdreg s23  }
0x15: {  	s3 =	simm.s32 $0x0;
	s1 =	sadd.s32 $0x1000, s11;
	[dreg:$0x11] =	wrdreg s24  }
0x16: {  	s15 =	sadd.s32 s0, s16;
	s26 =	smax.u32 s5, $0x1;
	[dreg:$0x15] =	wrdreg s29  }
0x17: {  	v0 =	vlaneseq.u32;
	s5 =	simm.s32 $0x1;
	s18 =	simm.s32 $0x9;
	[dreg:$0xa] =	wrdreg s25  }
0x18: {  	v1 =	vshrl.u32 v0, $0x2;
	v2 =	vand.u32 $0x3, v0;
	v10 =	vmul.u32 $0x80, v0;
	s16 =	simm.s32 $0x5;
	s24 =	simm.s32 $0x8;
	[dreg:$0x9] =	wrdreg s1  }
.Ltmp0:
0x19: {  	v1 =	vmul.u32 $0x80, v1;
	[tilespmem:$0x1FFD0] =	vst v2;
	s0 =	sadd.s32 $0x1000, s15;
	[dreg:$0x13] =	wrdreg s26;
	(pc) =	sbr.rel .LBB2_1-.Ltmp0, $4  }
0x1a: {  	[tilespmem:$0x1FFB0] =	vst v10;
	s1 =	sadd.s32 $0x20, s23;
	s26 =	sadd.s32 $0x100, s13;
	[dreg:$0xc] =	wrdreg s0  }
0x1b: {  	v3 =	vor.u32 $0x200, v1;
	[tilespmem:$0x1FFC0] =	vst v1;
	[dreg:$0x10] =	wrdreg s1;
	s0 =	sadd.s32 s12, s19;
	s12 =	smov.u32 s13  }
0x1c: {  	v4 =	vor.u32 $0x800, v1;
	v5 =	vor.u32 $0xA00, v1;
	v6 =	vor.u32 $0x1000, v1;
	[tilespmem:$0x1FFE0] =	vst v3;
	s1 =	smov.u32 s21;
	[dreg:$0x12] =	wrdreg s0;
	s0 =	sadd.s32 $0x20, s0  }
0x1d: {  	v7 =	vor.u32 $0x1200, v1;
	v8 =	vor.u32 $0x1800, v1;
	v9 =	vor.u32 $0x1A00, v1;
	[tilespmem:$0x1FFF0] =	vst v4;
	s21 =	simm.s32 $0x100;
	[dreg:$0x14] =	wrdreg s0;
	s0 =	simm.s32 $0x2000  }
.LBB2_54:
0x1e: {  	s2 =	simm.s32 $0x7  }
0x1f: {  	_ =	swait.ge [sflag:s2], $0x2000  }
0x20: {  	[sflag:s2] =	ssyncset.done $0x0  }
0x21: {  	[sflag:s2] =	ssyncadd.s32 $0xFFFFE000  }
0x22: {  	_ =	swait.ge [sflag:s24], $0x2000  }
0x23: {  	s3 =	rddreg [dreg:$0x16]  }
0x24: {  	s29 =	rddreg [dreg:$0x13];
	s3 =	sadd.s32 $0x1, s3  }
0x25: {  	p2 =	sne.s32 s3, s29  }
.Ltmp1:
0x26: {  	_ = 	snop;
	(pc) =	sbr.rel @!p2 .LBB2_55-.Ltmp1, $4  }
0x27: {  	v1 =	vld [tilespmem:$0x1FFC0]  }
0x28: {  	v2 =	vld [tilespmem:$0x1FFD0]  }
0x29: {  	[sflag:s24] =	ssyncset.done $0x0;
	v3 =	vld [tilespmem:$0x1FFE0]  }
0x2a: {  	v0 =	vlaneseq.u32;
	s25 =	rddreg [dreg:$0xa];
	v4 =	vld [tilespmem:$0x1FFF0];
	[sflag:s24] =	ssyncadd.s32 $0xFFFFE000  }
.LBB2_1:
.Ltmp2:
0x2b: {  	(pc) =	sbr.rel @p0 .LBB2_23-.Ltmp2, $2  }
0x2c: {  	_ =	sdelay $0x2  }
0x2d: {  	[dreg:$0x16] =	wrdreg s3;
	s2 =	simm.s32 $0x0;
	s13 =	simm.s32 $0x7A1400  }
.Ltmp3:
0x2e: {  	(pc) =	sbr.rel .LBB2_3-.Ltmp3, $4  }
0x2f: {  	[tilespmem:s2], [sflag:$0x1] =	stream.strided.gather [hbm4b:s15+s30], $0x2000, s13, s30, $0x38;
	[tilespmem:$0x1C600] =	vst v63  }
0x30: {  	s3 =	rddreg [dreg:$0xc]  }
0x31: {  	s25 =	rddreg [dreg:$0xd]  }
0x32: {  	[tilespmem:s0], [sflag:$0x2] =	stream.strided.gather [hbm4b:s3+s30], $0x2000, s13, s30, $0x38;
	[tilespmem:$0x1C600] =	vst v63  }
.LBB2_11:
0x33: {  	s2 =	sadd.s32 $0x1, s2  }
0x34: {  	p2 =	sne.s32 s2, $0x7B  }
.Ltmp4:
0x35: {  	_ = 	snop;
	(pc) =	sbr.rel @!p2 .LBB2_12-.Ltmp4, $1  }
0x36: {  	_ =	sdelay $0x3  }
.LBB2_3:
0x37: {  	s3 =	sshll.u32 s2, $0x1  }
0x38: {  	p3 =	sge.u32 s3, s10  }
.Ltmp5:
0x39: {  	_ = 	snop;
	(pc) =	sbr.rel @p3 .LBB2_7-.Ltmp5, $2  }
0x3a: {  	_ =	sdelay $0x2  }
0x3b: {  	p2 =	seq.s32 s2, $0x0  }
0x3c: {  	s13 =	simm.s32 $0x0  }
0x3d: {  	v11 =	vmov s13  }
0x3e: {  	v12 =	vor.u32 s13, v0;
	v11 =	vshll.u32 v11, $0x3  }
0x3f: {  	v12 =	vand.u32 $0x73, v12;
	v11 =	vand.u32 $0x400, v11  }
0x40: {  	_ =	swait.ge [sflag:s5], $0x2000;
	v11 =	vor.u32 v11, v12  }
0x41: {  	[sflag:s5] =	ssyncset.done $0x0;
	v12 =	vor.u32 v1, v11  }
0x42: {  	s13 =	simm.s32 @!p2 $0x3;
	[sflag:s5] =	ssyncadd.s32 $0xFFFFE000  }
0x43: {  	_ =	swait.ge @!p2 [sflag:s13], $0x2000  }
0x44: {  	[sflag:s13] =	ssyncset.done @!p2 $0x0  }
0x45: {  	[sflag:s13] =	ssyncadd.s32 @!p2 $0xFFFFE000  }
0x46: {  	v12 =	vld.idx.msk [tilespmem:v12+s4+$0x0], $0xffff  }
0x47: {  	v13 =	vor.u32 v3, v11;
	_ =	sdelay $0x2  }
0x48: {  	s13 =	simm.s32 $0x4100  }
0x49: {  	[tilespmem:s13+$0xFFFFFF00] =	vst v12  }
0x4a: {  	v12 =	vld.idx.msk [tilespmem:v13+s4+$0x0], $0xffff  }
0x4b: {  	v13 =	vor.u32 v4, v11;
	_ =	sdelay $0x3  }
0x4c: {  	[tilespmem:s13+$0xFFFFFF10] =	vst v12  }
0x4d: {  	v12 =	vld.idx.msk [tilespmem:v13+s4+$0x0], $0xffff  }
0x4e: {  	v13 =	vor.u32 v5, v11;
	_ =	sdelay $0x3  }
0x4f: {  	[tilespmem:s13+$0xFFFFFF20] =	vst v12  }
0x50: {  	v12 =	vld.idx.msk [tilespmem:v13+s4+$0x0], $0xffff  }
0x51: {  	v13 =	vor.u32 v6, v11;
	_ =	sdelay $0x3  }
0x52: {  	[tilespmem:s13+$0xFFFFFF30] =	vst v12  }
0x53: {  	v12 =	vld.idx.msk [tilespmem:v13+s4+$0x0], $0xffff  }
0x54: {  	v13 =	vor.u32 v7, v11;
	_ =	sdelay $0x3  }
0x55: {  	[tilespmem:s13+$0xFFFFFF40] =	vst v12  }
0x56: {  	v12 =	vld.idx.msk [tilespmem:v13+s4+$0x0], $0xffff  }
0x57: {  	v13 =	vor.u32 v8, v11;
	_ =	sdelay $0x3  }
0x58: {  	[tilespmem:s13+$0xFFFFFF50] =	vst v12  }
0x59: {  	v12 =	vld.idx.msk [tilespmem:v13+s4+$0x0], $0xffff  }
0x5a: {  	v11 =	vor.u32 v9, v11  }
0x5b: {  	s17 =	simm.s32 $0x4  }
0x5c: {  	v13 =	vmov s17  }
0x5d: {  	v14 =	vor.u32 s17, v2;
	v13 =	vshll.u32 v13, $0x3  }
0x5e: {  	v13 =	vand.u32 $0x7FFFFC00, v13;
	[tilespmem:s13+$0xFFFFFF60] =	vst v12;
	v12 =	vand.u32 $0x77, v14  }
0x5f: {  	v11 =	vld.idx.msk [tilespmem:v11+s4+$0x0], $0xffff;
	v12 =	vor.u32 v13, v12  }
0x60: {  	v13 =	vor.u32 v1, v12;
	_ =	sdelay $0x3  }
0x61: {  	[tilespmem:s13+$0xFFFFFF70] =	vst v11  }
0x62: {  	v11 =	vld.idx.msk [tilespmem:v13+s4+$0x0], $0xffff  }
0x63: {  	v13 =	vor.u32 v3, v12;
	_ =	sdelay $0x3  }
0x64: {  	[tilespmem:s13+$0xFFFFFF80] =	vst v11  }
0x65: {  	v11 =	vld.idx.msk [tilespmem:v13+s4+$0x0], $0xffff  }
0x66: {  	v13 =	vadd.s32 v4, v12;
	_ =	sdelay $0x3  }
0x67: {  	[tilespmem:s13+$0xFFFFFF90] =	vst v11  }
0x68: {  	v11 =	vld.idx.msk [tilespmem:v13+s4+$0x0], $0xffff  }
0x69: {  	v13 =	vadd.s32 v5, v12;
	_ =	sdelay $0x3  }
0x6a: {  	[tilespmem:s13+$0xFFFFFFA0] =	vst v11  }
0x6b: {  	v11 =	vld.idx.msk [tilespmem:v13+s4+$0x0], $0xffff  }
0x6c: {  	v13 =	vadd.s32 v6, v12;
	_ =	sdelay $0x3  }
0x6d: {  	[tilespmem:s13+$0xFFFFFFB0] =	vst v11  }
0x6e: {  	v11 =	vld.idx.msk [tilespmem:v13+s4+$0x0], $0xffff  }
0x6f: {  	v13 =	vadd.s32 v7, v12;
	_ =	sdelay $0x3  }
0x70: {  	[tilespmem:s13+$0xFFFFFFC0] =	vst v11  }
0x71: {  	v11 =	vld.idx.msk [tilespmem:v13+s4+$0x0], $0xffff  }
0x72: {  	v13 =	vadd.s32 v8, v12;
	_ =	sdelay $0x3  }
0x73: {  	[tilespmem:s13+$0xFFFFFFD0] =	vst v11  }
0x74: {  	v11 =	vld.idx.msk [tilespmem:v13+s4+$0x0], $0xffff  }
0x75: {  	v12 =	vadd.s32 v9, v12  }
0x76: {  	s23 =	simm.s32 $0x8  }
0x77: {  	v13 =	vmov s23  }
0x78: {  	v14 =	vor.u32 s23, v2;
	v13 =	vshll.u32 v13, $0x3  }
0x79: {  	v13 =	vand.u32 $0x7FFFFC00, v13;
	[tilespmem:s13+$0xFFFFFFE0] =	vst v11;
	v11 =	vand.u32 $0x7B, v14  }
0x7a: {  	v12 =	vld.idx.msk [tilespmem:v12+s4+$0x0], $0xffff;
	v11 =	vor.u32 v13, v11  }
0x7b: {  	v13 =	vor.u32 v1, v11;
	_ =	sdelay $0x3  }
0x7c: {  	[tilespmem:s13+$0xFFFFFFF0] =	vst v12  }
0x7d: {  	v12 =	vld.idx.msk [tilespmem:v13+s4+$0x0], $0xffff  }
0x7e: {  	v13 =	vor.u32 v3, v11;
	_ =	sdelay $0x3  }
0x7f: {  	[tilespmem:s13+$0x0] =	vst v12  }
0x80: {  	v12 =	vld.idx.msk [tilespmem:v13+s4+$0x0], $0xffff  }
0x81: {  	v13 =	vadd.s32 v4, v11;
	_ =	sdelay $0x3  }
0x82: {  	[tilespmem:s13+$0x10] =	vst v12  }
0x83: {  	v12 =	vld.idx.msk [tilespmem:v13+s4+$0x0], $0xffff  }
0x84: {  	v13 =	vadd.s32 v5, v11;
	_ =	sdelay $0x3  }
0x85: {  	[tilespmem:s13+$0x20] =	vst v12  }
0x86: {  	v12 =	vld.idx.msk [tilespmem:v13+s4+$0x0], $0xffff  }
0x87: {  	v13 =	vadd.s32 v6, v11;
	_ =	sdelay $0x3  }
0x88: {  	[tilespmem:s13+$0x30] =	vst v12  }
0x89: {  	v12 =	vld.idx.msk [tilespmem:v13+s4+$0x0], $0xffff  }
0x8a: {  	v13 =	vadd.s32 v7, v11;
	_ =	sdelay $0x3  }
0x8b: {  	[tilespmem:s13+$0x40] =	vst v12  }
0x8c: {  	v12 =	vld.idx.msk [tilespmem:v13+s4+$0x0], $0xffff  }
0x8d: {  	v13 =	vadd.s32 v8, v11;
	_ =	sdelay $0x3  }
0x8e: {  	[tilespmem:s13+$0x50] =	vst v12  }
0x8f: {  	v12 =	vld.idx.msk [tilespmem:v13+s4+$0x0], $0xffff  }
0x90: {  	v11 =	vadd.s32 v9, v11  }
0x91: {  	s29 =	simm.s32 $0xC  }
0x92: {  	v13 =	vmov s29  }
0x93: {  	v14 =	vor.u32 s29, v2;
	v13 =	vshll.u32 v13, $0x3  }
0x94: {  	v13 =	vand.u32 $0x7FFFFC00, v13;
	[tilespmem:s13+$0x60] =	vst v12;
	v12 =	vand.u32 $0x7F, v14  }
0x95: {  	v11 =	vld.idx.msk [tilespmem:v11+s4+$0x0], $0xffff;
	v13 =	vor.u32 v13, v12  }
0x96: {  	v12 =	vor.u32 v1, v13;
	_ =	sdelay $0x3  }
0x97: {  	[tilespmem:s13+$0x70] =	vst v11  }
0x98: {  	v11 =	vld.idx.msk [tilespmem:v12+s4+$0x0], $0xffff  }
0x99: {  	v12 =	vor.u32 v3, v13;
	_ =	sdelay $0x3  }
0x9a: {  	[tilespmem:s13+$0x80] =	vst v11  }
0x9b: {  	v11 =	vld.idx.msk [tilespmem:v12+s4+$0x0], $0xffff  }
0x9c: {  	v12 =	vadd.s32 v4, v13;
	_ =	sdelay $0x3  }
0x9d: {  	[tilespmem:s13+$0x90] =	vst v11  }
0x9e: {  	v11 =	vld.idx.msk [tilespmem:v12+s4+$0x0], $0xffff  }
0x9f: {  	v12 =	vadd.s32 v5, v13;
	_ =	sdelay $0x3  }
0xa0: {  	[tilespmem:s13+$0xA0] =	vst v11  }
0xa1: {  	v11 =	vld.idx.msk [tilespmem:v12+s4+$0x0], $0xffff  }
0xa2: {  	v12 =	vadd.s32 v6, v13;
	_ =	sdelay $0x3  }
0xa3: {  	[tilespmem:s13+$0xB0] =	vst v11  }
0xa4: {  	v11 =	vld.idx.msk [tilespmem:v12+s4+$0x0], $0xffff  }
0xa5: {  	v12 =	vadd.s32 v7, v13;
	_ =	sdelay $0x3  }
0xa6: {  	[tilespmem:s13+$0xC0] =	vst v11  }
0xa7: {  	v11 =	vld.idx.msk [tilespmem:v12+s4+$0x0], $0xffff  }
0xa8: {  	v12 =	vadd.s32 v8, v13;
	_ =	sdelay $0x3  }
0xa9: {  	[tilespmem:s13+$0xD0] =	vst v11  }
0xaa: {  	v12 =	vld.idx.msk [tilespmem:v12+s4+$0x0], $0xffff  }
0xab: {  	v11 =	vadd.s32 v9, v13;
	_ =	sdelay $0x1  }
0xac: {  	s17 =	simm.s32 $0x10  }
0xad: {  	s23 =	simm.s32 $0x20;
	v13 =	vmov s17  }
.LBB2_5:
0xae: {  	p3 =	sne.s32 s23, $0xF0;
	v14 =	vor.u32 s17, v0;
	v13 =	vshll.u32 v13, $0x3;
	[tilespmem:s13+$0xE0] =	vst v12  }
0xaf: {  	v12 =	vand.u32 $0x73, v14;
	v13 =	vand.u32 $0x400, v13;
	v11 =	vld.idx.msk [tilespmem:v11+s4+$0x0], $0xffff  }
0xb0: {  	v12 =	vor.u32 v13, v12  }
0xb1: {  	v13 =	vor.u32 v1, v12;
	_ =	sdelay $0x3  }
0xb2: {  	[tilespmem:s13+$0xF0] =	vst v11  }
0xb3: {  	v11 =	vld.idx.msk [tilespmem:v13+s4+$0x0], $0xffff;
	_ =	sdelay $0x1  }
0xb4: {  	v13 =	vor.u32 v3, v12;
	_ =	sdelay $0x2  }
0xb5: {  	s13 =	sadd.s32 $0x200, s13  }
0xb6: {  	[tilespmem:s13+$0xFFFFFF00] =	vst v11  }
0xb7: {  	v11 =	vld.idx.msk [tilespmem:v13+s4+$0x0], $0xffff;
	_ =	sdelay $0x1  }
0xb8: {  	v13 =	vor.u32 v4, v12;
	_ =	sdelay $0x3  }
0xb9: {  	[tilespmem:s13+$0xFFFFFF10] =	vst v11  }
0xba: {  	v11 =	vld.idx.msk [tilespmem:v13+s4+$0x0], $0xffff;
	_ =	sdelay $0x1  }
0xbb: {  	v13 =	vor.u32 v5, v12;
	_ =	sdelay $0x3  }
0xbc: {  	[tilespmem:s13+$0xFFFFFF20] =	vst v11  }
0xbd: {  	v11 =	vld.idx.msk [tilespmem:v13+s4+$0x0], $0xffff;
	_ =	sdelay $0x1  }
0xbe: {  	v13 =	vor.u32 v6, v12;
	_ =	sdelay $0x3  }
0xbf: {  	[tilespmem:s13+$0xFFFFFF30] =	vst v11  }
0xc0: {  	v11 =	vld.idx.msk [tilespmem:v13+s4+$0x0], $0xffff;
	_ =	sdelay $0x1  }
0xc1: {  	v13 =	vor.u32 v7, v12;
	_ =	sdelay $0x3  }
0xc2: {  	[tilespmem:s13+$0xFFFFFF40] =	vst v11  }
0xc3: {  	v11 =	vld.idx.msk [tilespmem:v13+s4+$0x0], $0xffff;
	_ =	sdelay $0x1  }
0xc4: {  	v13 =	vor.u32 v8, v12;
	_ =	sdelay $0x3  }
0xc5: {  	[tilespmem:s13+$0xFFFFFF50] =	vst v11  }
0xc6: {  	v11 =	vld.idx.msk [tilespmem:v13+s4+$0x0], $0xffff;
	_ =	sdelay $0x1  }
0xc7: {  	v12 =	vor.u32 v9, v12;
	_ =	sdelay $0x1  }
0xc8: {  	s19 =	sadd.s32 $0x4, s17  }
0xc9: {  	v13 =	vmov s19  }
0xca: {  	v13 =	vshll.u32 v13, $0x3;
	[tilespmem:s13+$0xFFFFFF60] =	vst v11;
	v11 =	vor.u32 s19, v2  }
0xcb: {  	v13 =	vand.u32 $0x7FFFFC00, v13;
	v12 =	vld.idx.msk [tilespmem:v12+s4+$0x0], $0xffff;
	v11 =	vand.u32 $0x77, v11  }
0xcc: {  	v11 =	vor.u32 v13, v11  }
0xcd: {  	v13 =	vor.u32 v1, v11;
	_ =	sdelay $0x3  }
0xce: {  	[tilespmem:s13+$0xFFFFFF70] =	vst v12  }
0xcf: {  	v12 =	vld.idx.msk [tilespmem:v13+s4+$0x0], $0xffff;
	_ =	sdelay $0x1  }
0xd0: {  	v13 =	vor.u32 v3, v11;
	_ =	sdelay $0x3  }
0xd1: {  	[tilespmem:s13+$0xFFFFFF80] =	vst v12  }
0xd2: {  	v12 =	vld.idx.msk [tilespmem:v13+s4+$0x0], $0xffff;
	_ =	sdelay $0x1  }
0xd3: {  	v13 =	vadd.s32 v4, v11;
	_ =	sdelay $0x3  }
0xd4: {  	[tilespmem:s13+$0xFFFFFF90] =	vst v12  }
0xd5: {  	v12 =	vld.idx.msk [tilespmem:v13+s4+$0x0], $0xffff;
	_ =	sdelay $0x1  }
0xd6: {  	v13 =	vadd.s32 v5, v11;
	_ =	sdelay $0x3  }
0xd7: {  	[tilespmem:s13+$0xFFFFFFA0] =	vst v12  }
0xd8: {  	v12 =	vld.idx.msk [tilespmem:v13+s4+$0x0], $0xffff;
	_ =	sdelay $0x1  }
0xd9: {  	v13 =	vadd.s32 v6, v11;
	_ =	sdelay $0x3  }
0xda: {  	[tilespmem:s13+$0xFFFFFFB0] =	vst v12  }
0xdb: {  	v12 =	vld.idx.msk [tilespmem:v13+s4+$0x0], $0xffff;
	_ =	sdelay $0x1  }
0xdc: {  	v13 =	vadd.s32 v7, v11;
	_ =	sdelay $0x3  }
0xdd: {  	[tilespmem:s13+$0xFFFFFFC0] =	vst v12  }
0xde: {  	v12 =	vld.idx.msk [tilespmem:v13+s4+$0x0], $0xffff;
	_ =	sdelay $0x1  }
0xdf: {  	v13 =	vadd.s32 v8, v11;
	_ =	sdelay $0x3  }
0xe0: {  	[tilespmem:s13+$0xFFFFFFD0] =	vst v12  }
0xe1: {  	v12 =	vld.idx.msk [tilespmem:v13+s4+$0x0], $0xffff;
	_ =	sdelay $0x1  }
0xe2: {  	v11 =	vadd.s32 v9, v11;
	_ =	sdelay $0x1  }
0xe3: {  	s19 =	sadd.s32 $0x8, s17  }
0xe4: {  	v13 =	vmov s19  }
0xe5: {  	v13 =	vshll.u32 v13, $0x3;
	[tilespmem:s13+$0xFFFFFFE0] =	vst v12;
	v12 =	vor.u32 s19, v2  }
0xe6: {  	v13 =	vand.u32 $0x7FFFFC00, v13;
	v11 =	vld.idx.msk [tilespmem:v11+s4+$0x0], $0xffff;
	v12 =	vand.u32 $0x7B, v12  }
0xe7: {  	v12 =	vor.u32 v13, v12  }
0xe8: {  	v13 =	vor.u32 v1, v12;
	_ =	sdelay $0x3  }
0xe9: {  	[tilespmem:s13+$0xFFFFFFF0] =	vst v11  }
0xea: {  	v11 =	vld.idx.msk [tilespmem:v13+s4+$0x0], $0xffff;
	_ =	sdelay $0x1  }
0xeb: {  	v13 =	vor.u32 v3, v12;
	_ =	sdelay $0x3  }
0xec: {  	[tilespmem:s13+$0x0] =	vst v11  }
0xed: {  	v11 =	vld.idx.msk [tilespmem:v13+s4+$0x0], $0xffff;
	_ =	sdelay $0x1  }
0xee: {  	v13 =	vadd.s32 v4, v12;
	_ =	sdelay $0x3  }
0xef: {  	[tilespmem:s13+$0x10] =	vst v11  }
0xf0: {  	v11 =	vld.idx.msk [tilespmem:v13+s4+$0x0], $0xffff;
	_ =	sdelay $0x1  }
0xf1: {  	v13 =	vadd.s32 v5, v12;
	_ =	sdelay $0x3  }
0xf2: {  	[tilespmem:s13+$0x20] =	vst v11  }
0xf3: {  	v11 =	vld.idx.msk [tilespmem:v13+s4+$0x0], $0xffff;
	_ =	sdelay $0x1  }
0xf4: {  	v13 =	vadd.s32 v6, v12;
	_ =	sdelay $0x3  }
0xf5: {  	[tilespmem:s13+$0x30] =	vst v11  }
0xf6: {  	v11 =	vld.idx.msk [tilespmem:v13+s4+$0x0], $0xffff;
	_ =	sdelay $0x1  }
0xf7: {  	v13 =	vadd.s32 v7, v12;
	_ =	sdelay $0x3  }
0xf8: {  	[tilespmem:s13+$0x40] =	vst v11  }
0xf9: {  	v11 =	vld.idx.msk [tilespmem:v13+s4+$0x0], $0xffff;
	_ =	sdelay $0x1  }
0xfa: {  	v13 =	vadd.s32 v8, v12;
	_ =	sdelay $0x3  }
0xfb: {  	[tilespmem:s13+$0x50] =	vst v11  }
0xfc: {  	v11 =	vld.idx.msk [tilespmem:v13+s4+$0x0], $0xffff;
	_ =	sdelay $0x1  }
0xfd: {  	v12 =	vadd.s32 v9, v12;
	_ =	sdelay $0x1  }
0xfe: {  	s19 =	sadd.s32 $0xC, s17;
	s17 =	smov.u32 s23  }
0xff: {  	v13 =	vmov s19  }
0x100: {  	v13 =	vshll.u32 v13, $0x3;
	[tilespmem:s13+$0x60] =	vst v11;
	v11 =	vor.u32 s19, v2  }
0x101: {  	v13 =	vand.u32 $0x7FFFFC00, v13;
	v12 =	vld.idx.msk [tilespmem:v12+s4+$0x0], $0xffff;
	v11 =	vand.u32 $0x7F, v11  }
0x102: {  	v11 =	vor.u32 v13, v11  }
0x103: {  	v13 =	vor.u32 v1, v11;
	_ =	sdelay $0x3  }
0x104: {  	[tilespmem:s13+$0x70] =	vst v12  }
0x105: {  	v12 =	vld.idx.msk [tilespmem:v13+s4+$0x0], $0xffff;
	_ =	sdelay $0x1  }
0x106: {  	v13 =	vor.u32 v3, v11;
	_ =	sdelay $0x3  }
0x107: {  	[tilespmem:s13+$0x80] =	vst v12  }
0x108: {  	v12 =	vld.idx.msk [tilespmem:v13+s4+$0x0], $0xffff;
	_ =	sdelay $0x1  }
0x109: {  	v13 =	vadd.s32 v4, v11;
	_ =	sdelay $0x3  }
0x10a: {  	[tilespmem:s13+$0x90] =	vst v12  }
0x10b: {  	v12 =	vld.idx.msk [tilespmem:v13+s4+$0x0], $0xffff;
	_ =	sdelay $0x1  }
0x10c: {  	v13 =	vadd.s32 v5, v11;
	_ =	sdelay $0x3  }
0x10d: {  	[tilespmem:s13+$0xA0] =	vst v12  }
0x10e: {  	v12 =	vld.idx.msk [tilespmem:v13+s4+$0x0], $0xffff;
	_ =	sdelay $0x1  }
0x10f: {  	v13 =	vadd.s32 v6, v11;
	_ =	sdelay $0x3  }
0x110: {  	[tilespmem:s13+$0xB0] =	vst v12  }
0x111: {  	v12 =	vld.idx.msk [tilespmem:v13+s4+$0x0], $0xffff;
	_ =	sdelay $0x1  }
0x112: {  	v13 =	vadd.s32 v7, v11;
	_ =	sdelay $0x3  }
0x113: {  	[tilespmem:s13+$0xC0] =	vst v12  }
0x114: {  	v12 =	vld.idx.msk [tilespmem:v13+s4+$0x0], $0xffff;
	_ =	sdelay $0x1  }
0x115: {  	v13 =	vadd.s32 v8, v11;
	_ =	sdelay $0x3  }
0x116: {  	[tilespmem:s13+$0xD0] =	vst v12  }
0x117: {  	v12 =	vld.idx.msk [tilespmem:v13+s4+$0x0], $0xffff  }
.Ltmp6:
0x118: {  	(pc) =	sbr.rel @p3 .LBB2_5-.Ltmp6, $2  }
0x119: {  	v11 =	vadd.s32 v9, v11;
	_ =	sdelay $0x2  }
0x11a: {  	s23 =	sadd.s32 $0x10, s23;
	v13 =	vmov s17  }
0x11b: {  	_ =	sdelay $0x1  }
0x11c: {  	v14 =	vor.u32 s17, v0;
	v13 =	vshll.u32 v13, $0x3  }
0x11d: {  	[tilespmem:s13+$0xE0] =	vst v12;
	v32 =	vand.u32 $0x73, v14;
	v13 =	vand.u32 $0x400, v13  }
0x11e: {  	v11 =	vld.idx.msk [tilespmem:v11+s4+$0x0], $0xffff;
	v12 =	vor.u32 v13, v32  }
0x11f: {  	v13 =	vor.u32 v1, v12;
	_ =	sdelay $0x3  }
0x120: {  	[tilespmem:s13+$0xF0] =	vst v11  }
0x121: {  	v11 =	vld.idx.msk [tilespmem:v13+s4+$0x0], $0xffff  }
0x122: {  	v33 =	vor.u32 v3, v12;
	_ =	sdelay $0x2  }
0x123: {  	s13 =	sadd.s32 $0x200, s13  }
0x124: {  	[tilespmem:s13+$0xFFFFFF00] =	vst v11  }
0x125: {  	v11 =	vld.idx.msk [tilespmem:v33+s4+$0x0], $0xffff  }
0x126: {  	v34 =	vor.u32 v4, v12;
	_ =	sdelay $0x3  }
0x127: {  	[tilespmem:s13+$0xFFFFFF10] =	vst v11  }
0x128: {  	v11 =	vld.idx.msk [tilespmem:v34+s4+$0x0], $0xffff  }
0x129: {  	v35 =	vor.u32 v5, v12;
	_ =	sdelay $0x3  }
0x12a: {  	[tilespmem:s13+$0xFFFFFF20] =	vst v11  }
0x12b: {  	v11 =	vld.idx.msk [tilespmem:v35+s4+$0x0], $0xffff  }
0x12c: {  	v36 =	vor.u32 v6, v12;
	_ =	sdelay $0x3  }
0x12d: {  	[tilespmem:s13+$0xFFFFFF30] =	vst v11  }
0x12e: {  	v11 =	vld.idx.msk [tilespmem:v36+s4+$0x0], $0xffff  }
0x12f: {  	v37 =	vor.u32 v7, v12;
	_ =	sdelay $0x3  }
0x130: {  	[tilespmem:s13+$0xFFFFFF40] =	vst v11  }
0x131: {  	v11 =	vld.idx.msk [tilespmem:v37+s4+$0x0], $0xffff  }
0x132: {  	v38 =	vor.u32 v8, v12;
	_ =	sdelay $0x3  }
0x133: {  	[tilespmem:s13+$0xFFFFFF50] =	vst v11  }
0x134: {  	v11 =	vld.idx.msk [tilespmem:v38+s4+$0x0], $0xffff  }
0x135: {  	v12 =	vor.u32 v9, v12  }
0x136: {  	s19 =	sadd.s32 $0x4, s17  }
0x137: {  	v39 =	vmov s19  }
0x138: {  	v40 =	vor.u32 s19, v2;
	v13 =	vshll.u32 v39, $0x3  }
0x139: {  	v13 =	vand.u32 $0x7FFFFC00, v13;
	[tilespmem:s13+$0xFFFFFF60] =	vst v11;
	v11 =	vand.u32 $0x77, v40  }
0x13a: {  	v12 =	vld.idx.msk [tilespmem:v12+s4+$0x0], $0xffff;
	v11 =	vor.u32 v13, v11  }
0x13b: {  	v13 =	vor.u32 v1, v11;
	_ =	sdelay $0x3  }
0x13c: {  	[tilespmem:s13+$0xFFFFFF70] =	vst v12  }
0x13d: {  	v12 =	vld.idx.msk [tilespmem:v13+s4+$0x0], $0xffff  }
0x13e: {  	v41 =	vor.u32 v3, v11;
	_ =	sdelay $0x3  }
0x13f: {  	[tilespmem:s13+$0xFFFFFF80] =	vst v12  }
0x140: {  	v12 =	vld.idx.msk [tilespmem:v41+s4+$0x0], $0xffff  }
0x141: {  	v42 =	vadd.s32 v4, v11;
	_ =	sdelay $0x3  }
0x142: {  	[tilespmem:s13+$0xFFFFFF90] =	vst v12  }
0x143: {  	v12 =	vld.idx.msk [tilespmem:v42+s4+$0x0], $0xffff  }
0x144: {  	v43 =	vadd.s32 v5, v11;
	_ =	sdelay $0x3  }
0x145: {  	[tilespmem:s13+$0xFFFFFFA0] =	vst v12  }
0x146: {  	v12 =	vld.idx.msk [tilespmem:v43+s4+$0x0], $0xffff  }
0x147: {  	v44 =	vadd.s32 v6, v11;
	_ =	sdelay $0x3  }
0x148: {  	[tilespmem:s13+$0xFFFFFFB0] =	vst v12  }
0x149: {  	v12 =	vld.idx.msk [tilespmem:v44+s4+$0x0], $0xffff  }
0x14a: {  	v45 =	vadd.s32 v7, v11;
	_ =	sdelay $0x3  }
0x14b: {  	[tilespmem:s13+$0xFFFFFFC0] =	vst v12  }
0x14c: {  	v12 =	vld.idx.msk [tilespmem:v45+s4+$0x0], $0xffff  }
0x14d: {  	v46 =	vadd.s32 v8, v11;
	_ =	sdelay $0x3  }
0x14e: {  	[tilespmem:s13+$0xFFFFFFD0] =	vst v12  }
0x14f: {  	v12 =	vld.idx.msk [tilespmem:v46+s4+$0x0], $0xffff  }
0x150: {  	v11 =	vadd.s32 v9, v11  }
0x151: {  	s23 =	sadd.s32 $0x8, s17  }
0x152: {  	v47 =	vmov s23  }
0x153: {  	v48 =	vor.u32 s23, v2;
	v13 =	vshll.u32 v47, $0x3  }
0x154: {  	v49 =	vand.u32 $0x7B, v48;
	v13 =	vand.u32 $0x7FFFFC00, v13;
	[tilespmem:s13+$0xFFFFFFE0] =	vst v12  }
0x155: {  	v12 =	vor.u32 v13, v49;
	v11 =	vld.idx.msk [tilespmem:v11+s4+$0x0], $0xffff  }
0x156: {  	v13 =	vor.u32 v1, v12;
	_ =	sdelay $0x3  }
0x157: {  	[tilespmem:s13+$0xFFFFFFF0] =	vst v11  }
0x158: {  	v11 =	vld.idx.msk [tilespmem:v13+s4+$0x0], $0xffff  }
0x159: {  	v50 =	vor.u32 v3, v12;
	_ =	sdelay $0x3  }
0x15a: {  	[tilespmem:s13+$0x0] =	vst v11  }
0x15b: {  	v11 =	vld.idx.msk [tilespmem:v50+s4+$0x0], $0xffff  }
0x15c: {  	v51 =	vadd.s32 v4, v12;
	_ =	sdelay $0x3  }
0x15d: {  	[tilespmem:s13+$0x10] =	vst v11  }
0x15e: {  	v11 =	vld.idx.msk [tilespmem:v51+s4+$0x0], $0xffff  }
0x15f: {  	v52 =	vadd.s32 v5, v12;
	_ =	sdelay $0x3  }
0x160: {  	[tilespmem:s13+$0x20] =	vst v11  }
0x161: {  	v11 =	vld.idx.msk [tilespmem:v52+s4+$0x0], $0xffff  }
0x162: {  	v53 =	vadd.s32 v6, v12;
	_ =	sdelay $0x3  }
0x163: {  	[tilespmem:s13+$0x30] =	vst v11  }
0x164: {  	v11 =	vld.idx.msk [tilespmem:v53+s4+$0x0], $0xffff  }
0x165: {  	v54 =	vadd.s32 v7, v12;
	_ =	sdelay $0x3  }
0x166: {  	[tilespmem:s13+$0x40] =	vst v11  }
0x167: {  	v11 =	vld.idx.msk [tilespmem:v54+s4+$0x0], $0xffff  }
0x168: {  	v55 =	vadd.s32 v8, v12;
	_ =	sdelay $0x3  }
0x169: {  	[tilespmem:s13+$0x50] =	vst v11  }
0x16a: {  	v11 =	vld.idx.msk [tilespmem:v55+s4+$0x0], $0xffff  }
0x16b: {  	v12 =	vadd.s32 v9, v12  }
0x16c: {  	s29 =	sadd.s32 $0xC, s17  }
0x16d: {  	v56 =	vmov s29  }
0x16e: {  	v57 =	vor.u32 s29, v2;
	v13 =	vshll.u32 v56, $0x3  }
0x16f: {  	v13 =	vand.u32 $0x7FFFFC00, v13;
	[tilespmem:s13+$0x60] =	vst v11;
	v11 =	vand.u32 $0x7F, v57  }
0x170: {  	v12 =	vld.idx.msk [tilespmem:v12+s4+$0x0], $0xffff;
	v11 =	vor.u32 v13, v11  }
0x171: {  	v13 =	vor.u32 v1, v11;
	_ =	sdelay $0x3  }
0x172: {  	[tilespmem:s13+$0x70] =	vst v12  }
0x173: {  	v12 =	vld.idx.msk [tilespmem:v13+s4+$0x0], $0xffff  }
0x174: {  	v58 =	vor.u32 v3, v11;
	_ =	sdelay $0x3  }
0x175: {  	[tilespmem:s13+$0x80] =	vst v12  }
0x176: {  	v12 =	vld.idx.msk [tilespmem:v58+s4+$0x0], $0xffff  }
0x177: {  	v59 =	vadd.s32 v4, v11;
	_ =	sdelay $0x3  }
0x178: {  	[tilespmem:s13+$0x90] =	vst v12  }
0x179: {  	v12 =	vld.idx.msk [tilespmem:v59+s4+$0x0], $0xffff  }
0x17a: {  	v60 =	vadd.s32 v5, v11;
	_ =	sdelay $0x3  }
0x17b: {  	[tilespmem:s13+$0xA0] =	vst v12  }
0x17c: {  	v12 =	vld.idx.msk [tilespmem:v60+s4+$0x0], $0xffff  }
0x17d: {  	v61 =	vadd.s32 v6, v11;
	_ =	sdelay $0x3  }
0x17e: {  	[tilespmem:s13+$0xB0] =	vst v12  }
0x17f: {  	v12 =	vld.idx.msk [tilespmem:v61+s4+$0x0], $0xffff  }
0x180: {  	v62 =	vadd.s32 v7, v11;
	_ =	sdelay $0x3  }
0x181: {  	[tilespmem:s13+$0xC0] =	vst v12  }
0x182: {  	v12 =	vld.idx.msk [tilespmem:v62+s4+$0x0], $0xffff  }
0x183: {  	v63 =	vadd.s32 v8, v11;
	_ =	sdelay $0x3  }
0x184: {  	[tilespmem:s13+$0xD0] =	vst v12  }
0x185: {  	v12 =	vld.idx.msk [tilespmem:v63+s4+$0x0], $0xffff  }
0x186: {  	v11 =	vadd.s32 v9, v11;
	_ =	sdelay $0x3  }
0x187: {  	[tilespmem:s13+$0xE0] =	vst v12  }
0x188: {  	v11 =	vld.idx.msk [tilespmem:v11+s4+$0x0], $0xffff;
	_ =	sdelay $0x3  }
0x189: {  	s19 =	sshll.u32 s2, $0xF  }
0x18a: {  	s29 =	simm.s32 $0x4000;
	s23 =	sadd.s32 s19, s25;
	[tilespmem:s13+$0xF0] =	vst v11;
	s13 =	sadd.s32 $0x2, s3  }
0x18b: {  	[hbm4b:s23+s4] =	stream.linear.scatter [tilespmem:s29], [sflag:$0x3], $0x2000, $0x38;
	[tilespmem:$0x1C600] =	vst v63  }
0x18c: {  	p3 =	sge.u32 s13, s10  }
0x18d: {  	s13 =	sshll.u32 @!p3 s13, $0xC;
	s17 =	simm.s32 @!p3 $0x800  }
0x18e: {  	s19 =	simm.s32 @!p3 $0x7A1400;
	s23 =	simm.s32 @!p3 $0x0;
	s13 =	sadd.s32 @!p3 s13, s15  }
0x18f: {  	[tilespmem:s23], [sflag:$0x1] =	stream.strided.gather @!p3 [hbm4b:s13+s17], $0x2000, s19, s17, $0x38;
	[tilespmem:$0x1C600] =	vst v63  }
.LBB2_7:
0x190: {  	s13 =	sor.u32 $0x1, s3  }
0x191: {  	p3 =	sge.u32 s13, s10  }
.Ltmp7:
0x192: {  	_ = 	snop;
	(pc) =	sbr.rel @p3 .LBB2_11-.Ltmp7, $1  }
0x193: {  	_ =	sdelay $0x3  }
0x194: {  	s17 =	simm.s32 $0x0  }
0x195: {  	v11 =	vmov s17  }
0x196: {  	v12 =	vor.u32 s17, v0;
	v11 =	vshll.u32 v11, $0x3  }
0x197: {  	v12 =	vand.u32 $0x73, v12;
	v11 =	vand.u32 $0x400, v11  }
0x198: {  	_ =	swait.ge [sflag:s7], $0x2000;
	v11 =	vor.u32 v11, v12  }
0x199: {  	[sflag:s7] =	ssyncset.done $0x0;
	v12 =	vor.u32 v1, v11  }
0x19a: {  	s17 =	simm.s32 @!p2 $0x4;
	[sflag:s7] =	ssyncadd.s32 $0xFFFFE000  }
0x19b: {  	_ =	swait.ge @!p2 [sflag:s17], $0x2000  }
0x19c: {  	[sflag:s17] =	ssyncset.done @!p2 $0x0  }
0x19d: {  	[sflag:s17] =	ssyncadd.s32 @!p2 $0xFFFFE000  }
0x19e: {  	v12 =	vld.idx.msk [tilespmem:v12+s0+$0x0], $0xffff  }
0x19f: {  	v13 =	vor.u32 v3, v11;
	_ =	sdelay $0x2  }
0x1a0: {  	s17 =	simm.s32 $0x6100  }
0x1a1: {  	[tilespmem:s17+$0xFFFFFF00] =	vst v12  }
0x1a2: {  	v12 =	vld.idx.msk [tilespmem:v13+s0+$0x0], $0xffff  }
0x1a3: {  	v13 =	vor.u32 v4, v11;
	_ =	sdelay $0x3  }
0x1a4: {  	[tilespmem:s17+$0xFFFFFF10] =	vst v12  }
0x1a5: {  	v12 =	vld.idx.msk [tilespmem:v13+s0+$0x0], $0xffff  }
0x1a6: {  	v13 =	vor.u32 v5, v11;
	_ =	sdelay $0x3  }
0x1a7: {  	[tilespmem:s17+$0xFFFFFF20] =	vst v12  }
0x1a8: {  	v12 =	vld.idx.msk [tilespmem:v13+s0+$0x0], $0xffff  }
0x1a9: {  	v13 =	vor.u32 v6, v11;
	_ =	sdelay $0x3  }
0x1aa: {  	[tilespmem:s17+$0xFFFFFF30] =	vst v12  }
0x1ab: {  	v12 =	vld.idx.msk [tilespmem:v13+s0+$0x0], $0xffff  }
0x1ac: {  	v13 =	vor.u32 v7, v11;
	_ =	sdelay $0x3  }
0x1ad: {  	[tilespmem:s17+$0xFFFFFF40] =	vst v12  }
0x1ae: {  	v12 =	vld.idx.msk [tilespmem:v13+s0+$0x0], $0xffff  }
0x1af: {  	v13 =	vor.u32 v8, v11;
	_ =	sdelay $0x3  }
0x1b0: {  	[tilespmem:s17+$0xFFFFFF50] =	vst v12  }
0x1b1: {  	v12 =	vld.idx.msk [tilespmem:v13+s0+$0x0], $0xffff  }
0x1b2: {  	v11 =	vor.u32 v9, v11  }
0x1b3: {  	s19 =	simm.s32 $0x4  }
0x1b4: {  	v13 =	vmov s19  }
0x1b5: {  	v14 =	vor.u32 s19, v2;
	v13 =	vshll.u32 v13, $0x3  }
0x1b6: {  	v13 =	vand.u32 $0x7FFFFC00, v13;
	[tilespmem:s17+$0xFFFFFF60] =	vst v12;
	v12 =	vand.u32 $0x77, v14  }
0x1b7: {  	v11 =	vld.idx.msk [tilespmem:v11+s0+$0x0], $0xffff;
	v12 =	vor.u32 v13, v12  }
0x1b8: {  	v13 =	vor.u32 v1, v12;
	_ =	sdelay $0x3  }
0x1b9: {  	[tilespmem:s17+$0xFFFFFF70] =	vst v11  }
0x1ba: {  	v11 =	vld.idx.msk [tilespmem:v13+s0+$0x0], $0xffff  }
0x1bb: {  	v13 =	vor.u32 v3, v12;
	_ =	sdelay $0x3  }
0x1bc: {  	[tilespmem:s17+$0xFFFFFF80] =	vst v11  }
0x1bd: {  	v11 =	vld.idx.msk [tilespmem:v13+s0+$0x0], $0xffff  }
0x1be: {  	v13 =	vadd.s32 v4, v12;
	_ =	sdelay $0x3  }
0x1bf: {  	[tilespmem:s17+$0xFFFFFF90] =	vst v11  }
0x1c0: {  	v11 =	vld.idx.msk [tilespmem:v13+s0+$0x0], $0xffff  }
0x1c1: {  	v13 =	vadd.s32 v5, v12;
	_ =	sdelay $0x3  }
0x1c2: {  	[tilespmem:s17+$0xFFFFFFA0] =	vst v11  }
0x1c3: {  	v11 =	vld.idx.msk [tilespmem:v13+s0+$0x0], $0xffff  }
0x1c4: {  	v13 =	vadd.s32 v6, v12;
	_ =	sdelay $0x3  }
0x1c5: {  	[tilespmem:s17+$0xFFFFFFB0] =	vst v11  }
0x1c6: {  	v11 =	vld.idx.msk [tilespmem:v13+s0+$0x0], $0xffff  }
0x1c7: {  	v13 =	vadd.s32 v7, v12;
	_ =	sdelay $0x3  }
0x1c8: {  	[tilespmem:s17+$0xFFFFFFC0] =	vst v11  }
0x1c9: {  	v11 =	vld.idx.msk [tilespmem:v13+s0+$0x0], $0xffff  }
0x1ca: {  	v13 =	vadd.s32 v8, v12;
	_ =	sdelay $0x3  }
0x1cb: {  	[tilespmem:s17+$0xFFFFFFD0] =	vst v11  }
0x1cc: {  	v11 =	vld.idx.msk [tilespmem:v13+s0+$0x0], $0xffff  }
0x1cd: {  	v12 =	vadd.s32 v9, v12  }
0x1ce: {  	s23 =	simm.s32 $0x8  }
0x1cf: {  	v13 =	vmov s23  }
0x1d0: {  	v14 =	vor.u32 s23, v2;
	v13 =	vshll.u32 v13, $0x3  }
0x1d1: {  	v13 =	vand.u32 $0x7FFFFC00, v13;
	[tilespmem:s17+$0xFFFFFFE0] =	vst v11;
	v11 =	vand.u32 $0x7B, v14  }
0x1d2: {  	v12 =	vld.idx.msk [tilespmem:v12+s0+$0x0], $0xffff;
	v11 =	vor.u32 v13, v11  }
0x1d3: {  	v13 =	vor.u32 v1, v11;
	_ =	sdelay $0x3  }
0x1d4: {  	[tilespmem:s17+$0xFFFFFFF0] =	vst v12  }
0x1d5: {  	v12 =	vld.idx.msk [tilespmem:v13+s0+$0x0], $0xffff  }
0x1d6: {  	v13 =	vor.u32 v3, v11;
	_ =	sdelay $0x3  }
0x1d7: {  	[tilespmem:s17+$0x0] =	vst v12  }
0x1d8: {  	v12 =	vld.idx.msk [tilespmem:v13+s0+$0x0], $0xffff  }
0x1d9: {  	v13 =	vadd.s32 v4, v11;
	_ =	sdelay $0x3  }
0x1da: {  	[tilespmem:s17+$0x10] =	vst v12  }
0x1db: {  	v12 =	vld.idx.msk [tilespmem:v13+s0+$0x0], $0xffff  }
0x1dc: {  	v13 =	vadd.s32 v5, v11;
	_ =	sdelay $0x3  }
0x1dd: {  	[tilespmem:s17+$0x20] =	vst v12  }
0x1de: {  	v12 =	vld.idx.msk [tilespmem:v13+s0+$0x0], $0xffff  }
0x1df: {  	v13 =	vadd.s32 v6, v11;
	_ =	sdelay $0x3  }
0x1e0: {  	[tilespmem:s17+$0x30] =	vst v12  }
0x1e1: {  	v12 =	vld.idx.msk [tilespmem:v13+s0+$0x0], $0xffff  }
0x1e2: {  	v13 =	vadd.s32 v7, v11;
	_ =	sdelay $0x3  }
0x1e3: {  	[tilespmem:s17+$0x40] =	vst v12  }
0x1e4: {  	v12 =	vld.idx.msk [tilespmem:v13+s0+$0x0], $0xffff  }
0x1e5: {  	v13 =	vadd.s32 v8, v11;
	_ =	sdelay $0x3  }
0x1e6: {  	[tilespmem:s17+$0x50] =	vst v12  }
0x1e7: {  	v12 =	vld.idx.msk [tilespmem:v13+s0+$0x0], $0xffff  }
0x1e8: {  	v11 =	vadd.s32 v9, v11  }
0x1e9: {  	s23 =	simm.s32 $0xC  }
0x1ea: {  	v13 =	vmov s23  }
0x1eb: {  	v14 =	vor.u32 s23, v2;
	v13 =	vshll.u32 v13, $0x3  }
0x1ec: {  	v13 =	vand.u32 $0x7FFFFC00, v13;
	[tilespmem:s17+$0x60] =	vst v12;
	v12 =	vand.u32 $0x7F, v14  }
0x1ed: {  	v11 =	vld.idx.msk [tilespmem:v11+s0+$0x0], $0xffff;
	v13 =	vor.u32 v13, v12  }
0x1ee: {  	v12 =	vor.u32 v1, v13;
	_ =	sdelay $0x3  }
0x1ef: {  	[tilespmem:s17+$0x70] =	vst v11  }
0x1f0: {  	v11 =	vld.idx.msk [tilespmem:v12+s0+$0x0], $0xffff  }
0x1f1: {  	v12 =	vor.u32 v3, v13;
	_ =	sdelay $0x3  }
0x1f2: {  	[tilespmem:s17+$0x80] =	vst v11  }
0x1f3: {  	v11 =	vld.idx.msk [tilespmem:v12+s0+$0x0], $0xffff  }
0x1f4: {  	v12 =	vadd.s32 v4, v13;
	_ =	sdelay $0x3  }
0x1f5: {  	[tilespmem:s17+$0x90] =	vst v11  }
0x1f6: {  	v11 =	vld.idx.msk [tilespmem:v12+s0+$0x0], $0xffff  }
0x1f7: {  	v12 =	vadd.s32 v5, v13;
	_ =	sdelay $0x3  }
0x1f8: {  	[tilespmem:s17+$0xA0] =	vst v11  }
0x1f9: {  	v11 =	vld.idx.msk [tilespmem:v12+s0+$0x0], $0xffff  }
0x1fa: {  	v12 =	vadd.s32 v6, v13;
	_ =	sdelay $0x3  }
0x1fb: {  	[tilespmem:s17+$0xB0] =	vst v11  }
0x1fc: {  	v11 =	vld.idx.msk [tilespmem:v12+s0+$0x0], $0xffff  }
0x1fd: {  	v12 =	vadd.s32 v7, v13;
	_ =	sdelay $0x3  }
0x1fe: {  	[tilespmem:s17+$0xC0] =	vst v11  }
0x1ff: {  	v11 =	vld.idx.msk [tilespmem:v12+s0+$0x0], $0xffff  }
0x200: {  	v12 =	vadd.s32 v8, v13;
	_ =	sdelay $0x3  }
0x201: {  	[tilespmem:s17+$0xD0] =	vst v11  }
0x202: {  	v12 =	vld.idx.msk [tilespmem:v12+s0+$0x0], $0xffff  }
0x203: {  	v11 =	vadd.s32 v9, v13;
	_ =	sdelay $0x1  }
0x204: {  	s23 =	simm.s32 $0x10  }
0x205: {  	s29 =	simm.s32 $0x20;
	v13 =	vmov s23  }
.LBB2_9:
0x206: {  	p2 =	sne.s32 s29, $0xF0;
	v14 =	vor.u32 s23, v0;
	v13 =	vshll.u32 v13, $0x3;
	[tilespmem:s17+$0xE0] =	vst v12  }
0x207: {  	v12 =	vand.u32 $0x73, v14;
	v13 =	vand.u32 $0x400, v13;
	v11 =	vld.idx.msk [tilespmem:v11+s0+$0x0], $0xffff  }
0x208: {  	v12 =	vor.u32 v13, v12  }
0x209: {  	v13 =	vor.u32 v1, v12;
	_ =	sdelay $0x3  }
0x20a: {  	[tilespmem:s17+$0xF0] =	vst v11  }
0x20b: {  	v11 =	vld.idx.msk [tilespmem:v13+s0+$0x0], $0xffff;
	_ =	sdelay $0x1  }
0x20c: {  	v13 =	vor.u32 v3, v12;
	_ =	sdelay $0x2  }
0x20d: {  	s17 =	sadd.s32 $0x200, s17  }
0x20e: {  	[tilespmem:s17+$0xFFFFFF00] =	vst v11  }
0x20f: {  	v11 =	vld.idx.msk [tilespmem:v13+s0+$0x0], $0xffff;
	_ =	sdelay $0x1  }
0x210: {  	v13 =	vor.u32 v4, v12;
	_ =	sdelay $0x3  }
0x211: {  	[tilespmem:s17+$0xFFFFFF10] =	vst v11  }
0x212: {  	v11 =	vld.idx.msk [tilespmem:v13+s0+$0x0], $0xffff;
	_ =	sdelay $0x1  }
0x213: {  	v13 =	vor.u32 v5, v12;
	_ =	sdelay $0x3  }
0x214: {  	[tilespmem:s17+$0xFFFFFF20] =	vst v11  }
0x215: {  	v11 =	vld.idx.msk [tilespmem:v13+s0+$0x0], $0xffff;
	_ =	sdelay $0x1  }
0x216: {  	v13 =	vor.u32 v6, v12;
	_ =	sdelay $0x3  }
0x217: {  	[tilespmem:s17+$0xFFFFFF30] =	vst v11  }
0x218: {  	v11 =	vld.idx.msk [tilespmem:v13+s0+$0x0], $0xffff;
	_ =	sdelay $0x1  }
0x219: {  	v13 =	vor.u32 v7, v12;
	_ =	sdelay $0x3  }
0x21a: {  	[tilespmem:s17+$0xFFFFFF40] =	vst v11  }
0x21b: {  	v11 =	vld.idx.msk [tilespmem:v13+s0+$0x0], $0xffff;
	_ =	sdelay $0x1  }
0x21c: {  	v13 =	vor.u32 v8, v12;
	_ =	sdelay $0x3  }
0x21d: {  	[tilespmem:s17+$0xFFFFFF50] =	vst v11  }
0x21e: {  	v11 =	vld.idx.msk [tilespmem:v13+s0+$0x0], $0xffff;
	_ =	sdelay $0x1  }
0x21f: {  	v12 =	vor.u32 v9, v12;
	_ =	sdelay $0x1  }
0x220: {  	s19 =	sadd.s32 $0x4, s23  }
0x221: {  	v13 =	vmov s19  }
0x222: {  	v13 =	vshll.u32 v13, $0x3;
	[tilespmem:s17+$0xFFFFFF60] =	vst v11;
	v11 =	vor.u32 s19, v2  }
0x223: {  	v13 =	vand.u32 $0x7FFFFC00, v13;
	v12 =	vld.idx.msk [tilespmem:v12+s0+$0x0], $0xffff;
	v11 =	vand.u32 $0x77, v11  }
0x224: {  	v11 =	vor.u32 v13, v11  }
0x225: {  	v13 =	vor.u32 v1, v11;
	_ =	sdelay $0x3  }
0x226: {  	[tilespmem:s17+$0xFFFFFF70] =	vst v12  }
0x227: {  	v12 =	vld.idx.msk [tilespmem:v13+s0+$0x0], $0xffff;
	_ =	sdelay $0x1  }
0x228: {  	v13 =	vor.u32 v3, v11;
	_ =	sdelay $0x3  }
0x229: {  	[tilespmem:s17+$0xFFFFFF80] =	vst v12  }
0x22a: {  	v12 =	vld.idx.msk [tilespmem:v13+s0+$0x0], $0xffff;
	_ =	sdelay $0x1  }
0x22b: {  	v13 =	vadd.s32 v4, v11;
	_ =	sdelay $0x3  }
0x22c: {  	[tilespmem:s17+$0xFFFFFF90] =	vst v12  }
0x22d: {  	v12 =	vld.idx.msk [tilespmem:v13+s0+$0x0], $0xffff;
	_ =	sdelay $0x1  }
0x22e: {  	v13 =	vadd.s32 v5, v11;
	_ =	sdelay $0x3  }
0x22f: {  	[tilespmem:s17+$0xFFFFFFA0] =	vst v12  }
0x230: {  	v12 =	vld.idx.msk [tilespmem:v13+s0+$0x0], $0xffff;
	_ =	sdelay $0x1  }
0x231: {  	v13 =	vadd.s32 v6, v11;
	_ =	sdelay $0x3  }
0x232: {  	[tilespmem:s17+$0xFFFFFFB0] =	vst v12  }
0x233: {  	v12 =	vld.idx.msk [tilespmem:v13+s0+$0x0], $0xffff;
	_ =	sdelay $0x1  }
0x234: {  	v13 =	vadd.s32 v7, v11;
	_ =	sdelay $0x3  }
0x235: {  	[tilespmem:s17+$0xFFFFFFC0] =	vst v12  }
0x236: {  	v12 =	vld.idx.msk [tilespmem:v13+s0+$0x0], $0xffff;
	_ =	sdelay $0x1  }
0x237: {  	v13 =	vadd.s32 v8, v11;
	_ =	sdelay $0x3  }
0x238: {  	[tilespmem:s17+$0xFFFFFFD0] =	vst v12  }
0x239: {  	v12 =	vld.idx.msk [tilespmem:v13+s0+$0x0], $0xffff;
	_ =	sdelay $0x1  }
0x23a: {  	v11 =	vadd.s32 v9, v11;
	_ =	sdelay $0x1  }
0x23b: {  	s19 =	sadd.s32 $0x8, s23  }
0x23c: {  	v13 =	vmov s19  }
0x23d: {  	v13 =	vshll.u32 v13, $0x3;
	[tilespmem:s17+$0xFFFFFFE0] =	vst v12;
	v12 =	vor.u32 s19, v2  }
0x23e: {  	v13 =	vand.u32 $0x7FFFFC00, v13;
	v11 =	vld.idx.msk [tilespmem:v11+s0+$0x0], $0xffff;
	v12 =	vand.u32 $0x7B, v12  }
0x23f: {  	v12 =	vor.u32 v13, v12  }
0x240: {  	v13 =	vor.u32 v1, v12;
	_ =	sdelay $0x3  }
0x241: {  	[tilespmem:s17+$0xFFFFFFF0] =	vst v11  }
0x242: {  	v11 =	vld.idx.msk [tilespmem:v13+s0+$0x0], $0xffff;
	_ =	sdelay $0x1  }
0x243: {  	v13 =	vor.u32 v3, v12;
	_ =	sdelay $0x3  }
0x244: {  	[tilespmem:s17+$0x0] =	vst v11  }
0x245: {  	v11 =	vld.idx.msk [tilespmem:v13+s0+$0x0], $0xffff;
	_ =	sdelay $0x1  }
0x246: {  	v13 =	vadd.s32 v4, v12;
	_ =	sdelay $0x3  }
0x247: {  	[tilespmem:s17+$0x10] =	vst v11  }
0x248: {  	v11 =	vld.idx.msk [tilespmem:v13+s0+$0x0], $0xffff;
	_ =	sdelay $0x1  }
0x249: {  	v13 =	vadd.s32 v5, v12;
	_ =	sdelay $0x3  }
0x24a: {  	[tilespmem:s17+$0x20] =	vst v11  }
0x24b: {  	v11 =	vld.idx.msk [tilespmem:v13+s0+$0x0], $0xffff;
	_ =	sdelay $0x1  }
0x24c: {  	v13 =	vadd.s32 v6, v12;
	_ =	sdelay $0x3  }
0x24d: {  	[tilespmem:s17+$0x30] =	vst v11  }
0x24e: {  	v11 =	vld.idx.msk [tilespmem:v13+s0+$0x0], $0xffff;
	_ =	sdelay $0x1  }
0x24f: {  	v13 =	vadd.s32 v7, v12;
	_ =	sdelay $0x3  }
0x250: {  	[tilespmem:s17+$0x40] =	vst v11  }
0x251: {  	v11 =	vld.idx.msk [tilespmem:v13+s0+$0x0], $0xffff;
	_ =	sdelay $0x1  }
0x252: {  	v13 =	vadd.s32 v8, v12;
	_ =	sdelay $0x3  }
0x253: {  	[tilespmem:s17+$0x50] =	vst v11  }
0x254: {  	v11 =	vld.idx.msk [tilespmem:v13+s0+$0x0], $0xffff;
	_ =	sdelay $0x1  }
0x255: {  	v12 =	vadd.s32 v9, v12;
	_ =	sdelay $0x1  }
0x256: {  	s19 =	sadd.s32 $0xC, s23;
	s23 =	smov.u32 s29  }
0x257: {  	v13 =	vmov s19  }
0x258: {  	v13 =	vshll.u32 v13, $0x3;
	[tilespmem:s17+$0x60] =	vst v11;
	v11 =	vor.u32 s19, v2  }
0x259: {  	v13 =	vand.u32 $0x7FFFFC00, v13;
	v12 =	vld.idx.msk [tilespmem:v12+s0+$0x0], $0xffff;
	v11 =	vand.u32 $0x7F, v11  }
0x25a: {  	v11 =	vor.u32 v13, v11  }
0x25b: {  	v13 =	vor.u32 v1, v11;
	_ =	sdelay $0x3  }
0x25c: {  	[tilespmem:s17+$0x70] =	vst v12  }
0x25d: {  	v12 =	vld.idx.msk [tilespmem:v13+s0+$0x0], $0xffff;
	_ =	sdelay $0x1  }
0x25e: {  	v13 =	vor.u32 v3, v11;
	_ =	sdelay $0x3  }
0x25f: {  	[tilespmem:s17+$0x80] =	vst v12  }
0x260: {  	v12 =	vld.idx.msk [tilespmem:v13+s0+$0x0], $0xffff;
	_ =	sdelay $0x1  }
0x261: {  	v13 =	vadd.s32 v4, v11;
	_ =	sdelay $0x3  }
0x262: {  	[tilespmem:s17+$0x90] =	vst v12  }
0x263: {  	v12 =	vld.idx.msk [tilespmem:v13+s0+$0x0], $0xffff;
	_ =	sdelay $0x1  }
0x264: {  	v13 =	vadd.s32 v5, v11;
	_ =	sdelay $0x3  }
0x265: {  	[tilespmem:s17+$0xA0] =	vst v12  }
0x266: {  	v12 =	vld.idx.msk [tilespmem:v13+s0+$0x0], $0xffff;
	_ =	sdelay $0x1  }
0x267: {  	v13 =	vadd.s32 v6, v11;
	_ =	sdelay $0x3  }
0x268: {  	[tilespmem:s17+$0xB0] =	vst v12  }
0x269: {  	v12 =	vld.idx.msk [tilespmem:v13+s0+$0x0], $0xffff;
	_ =	sdelay $0x1  }
0x26a: {  	v13 =	vadd.s32 v7, v11;
	_ =	sdelay $0x3  }
0x26b: {  	[tilespmem:s17+$0xC0] =	vst v12  }
0x26c: {  	v12 =	vld.idx.msk [tilespmem:v13+s0+$0x0], $0xffff;
	_ =	sdelay $0x1  }
0x26d: {  	v13 =	vadd.s32 v8, v11;
	_ =	sdelay $0x3  }
0x26e: {  	[tilespmem:s17+$0xD0] =	vst v12  }
0x26f: {  	v12 =	vld.idx.msk [tilespmem:v13+s0+$0x0], $0xffff  }
.Ltmp8:
0x270: {  	(pc) =	sbr.rel @p2 .LBB2_9-.Ltmp8, $2  }
0x271: {  	v11 =	vadd.s32 v9, v11;
	_ =	sdelay $0x2  }
0x272: {  	s29 =	sadd.s32 $0x10, s29;
	v13 =	vmov s23  }
0x273: {  	_ =	sdelay $0x1  }
0x274: {  	v14 =	vor.u32 s23, v0;
	v13 =	vshll.u32 v13, $0x3  }
0x275: {  	[tilespmem:s17+$0xE0] =	vst v12;
	v32 =	vand.u32 $0x73, v14;
	v13 =	vand.u32 $0x400, v13  }
0x276: {  	v11 =	vld.idx.msk [tilespmem:v11+s0+$0x0], $0xffff;
	v12 =	vor.u32 v13, v32  }
0x277: {  	v13 =	vor.u32 v1, v12;
	_ =	sdelay $0x3  }
0x278: {  	[tilespmem:s17+$0xF0] =	vst v11  }
0x279: {  	v11 =	vld.idx.msk [tilespmem:v13+s0+$0x0], $0xffff  }
0x27a: {  	v33 =	vor.u32 v3, v12;
	_ =	sdelay $0x2  }
0x27b: {  	s17 =	sadd.s32 $0x200, s17  }
0x27c: {  	[tilespmem:s17+$0xFFFFFF00] =	vst v11  }
0x27d: {  	v11 =	vld.idx.msk [tilespmem:v33+s0+$0x0], $0xffff  }
0x27e: {  	v34 =	vor.u32 v4, v12;
	_ =	sdelay $0x3  }
0x27f: {  	[tilespmem:s17+$0xFFFFFF10] =	vst v11  }
0x280: {  	v11 =	vld.idx.msk [tilespmem:v34+s0+$0x0], $0xffff  }
0x281: {  	v35 =	vor.u32 v5, v12;
	_ =	sdelay $0x3  }
0x282: {  	[tilespmem:s17+$0xFFFFFF20] =	vst v11  }
0x283: {  	v11 =	vld.idx.msk [tilespmem:v35+s0+$0x0], $0xffff  }
0x284: {  	v36 =	vor.u32 v6, v12;
	_ =	sdelay $0x3  }
0x285: {  	[tilespmem:s17+$0xFFFFFF30] =	vst v11  }
0x286: {  	v11 =	vld.idx.msk [tilespmem:v36+s0+$0x0], $0xffff  }
0x287: {  	v37 =	vor.u32 v7, v12;
	_ =	sdelay $0x3  }
0x288: {  	[tilespmem:s17+$0xFFFFFF40] =	vst v11  }
0x289: {  	v11 =	vld.idx.msk [tilespmem:v37+s0+$0x0], $0xffff  }
0x28a: {  	v38 =	vor.u32 v8, v12;
	_ =	sdelay $0x3  }
0x28b: {  	[tilespmem:s17+$0xFFFFFF50] =	vst v11  }
0x28c: {  	v11 =	vld.idx.msk [tilespmem:v38+s0+$0x0], $0xffff  }
0x28d: {  	v12 =	vor.u32 v9, v12  }
0x28e: {  	s19 =	sadd.s32 $0x4, s23  }
0x28f: {  	v39 =	vmov s19  }
0x290: {  	v40 =	vor.u32 s19, v2;
	v13 =	vshll.u32 v39, $0x3  }
0x291: {  	v13 =	vand.u32 $0x7FFFFC00, v13;
	[tilespmem:s17+$0xFFFFFF60] =	vst v11;
	v11 =	vand.u32 $0x77, v40  }
0x292: {  	v12 =	vld.idx.msk [tilespmem:v12+s0+$0x0], $0xffff;
	v11 =	vor.u32 v13, v11  }
0x293: {  	v13 =	vor.u32 v1, v11;
	_ =	sdelay $0x3  }
0x294: {  	[tilespmem:s17+$0xFFFFFF70] =	vst v12  }
0x295: {  	v12 =	vld.idx.msk [tilespmem:v13+s0+$0x0], $0xffff  }
0x296: {  	v41 =	vor.u32 v3, v11;
	_ =	sdelay $0x3  }
0x297: {  	[tilespmem:s17+$0xFFFFFF80] =	vst v12  }
0x298: {  	v12 =	vld.idx.msk [tilespmem:v41+s0+$0x0], $0xffff  }
0x299: {  	v42 =	vadd.s32 v4, v11;
	_ =	sdelay $0x3  }
0x29a: {  	[tilespmem:s17+$0xFFFFFF90] =	vst v12  }
0x29b: {  	v12 =	vld.idx.msk [tilespmem:v42+s0+$0x0], $0xffff  }
0x29c: {  	v43 =	vadd.s32 v5, v11;
	_ =	sdelay $0x3  }
0x29d: {  	[tilespmem:s17+$0xFFFFFFA0] =	vst v12  }
0x29e: {  	v12 =	vld.idx.msk [tilespmem:v43+s0+$0x0], $0xffff  }
0x29f: {  	v44 =	vadd.s32 v6, v11;
	_ =	sdelay $0x3  }
0x2a0: {  	[tilespmem:s17+$0xFFFFFFB0] =	vst v12  }
0x2a1: {  	v12 =	vld.idx.msk [tilespmem:v44+s0+$0x0], $0xffff  }
0x2a2: {  	v45 =	vadd.s32 v7, v11;
	_ =	sdelay $0x3  }
0x2a3: {  	[tilespmem:s17+$0xFFFFFFC0] =	vst v12  }
0x2a4: {  	v12 =	vld.idx.msk [tilespmem:v45+s0+$0x0], $0xffff  }
0x2a5: {  	v46 =	vadd.s32 v8, v11;
	_ =	sdelay $0x3  }
0x2a6: {  	[tilespmem:s17+$0xFFFFFFD0] =	vst v12  }
0x2a7: {  	v12 =	vld.idx.msk [tilespmem:v46+s0+$0x0], $0xffff  }
0x2a8: {  	v11 =	vadd.s32 v9, v11  }
0x2a9: {  	s29 =	sadd.s32 $0x8, s23  }
0x2aa: {  	v47 =	vmov s29  }
0x2ab: {  	v48 =	vor.u32 s29, v2;
	v13 =	vshll.u32 v47, $0x3  }
0x2ac: {  	v49 =	vand.u32 $0x7B, v48;
	v13 =	vand.u32 $0x7FFFFC00, v13;
	[tilespmem:s17+$0xFFFFFFE0] =	vst v12  }
0x2ad: {  	v12 =	vor.u32 v13, v49;
	v11 =	vld.idx.msk [tilespmem:v11+s0+$0x0], $0xffff  }
0x2ae: {  	v13 =	vor.u32 v1, v12;
	_ =	sdelay $0x3  }
0x2af: {  	[tilespmem:s17+$0xFFFFFFF0] =	vst v11  }
0x2b0: {  	v11 =	vld.idx.msk [tilespmem:v13+s0+$0x0], $0xffff  }
0x2b1: {  	v50 =	vor.u32 v3, v12;
	_ =	sdelay $0x3  }
0x2b2: {  	[tilespmem:s17+$0x0] =	vst v11  }
0x2b3: {  	v11 =	vld.idx.msk [tilespmem:v50+s0+$0x0], $0xffff  }
0x2b4: {  	v51 =	vadd.s32 v4, v12;
	_ =	sdelay $0x3  }
0x2b5: {  	[tilespmem:s17+$0x10] =	vst v11  }
0x2b6: {  	v11 =	vld.idx.msk [tilespmem:v51+s0+$0x0], $0xffff  }
0x2b7: {  	v52 =	vadd.s32 v5, v12;
	_ =	sdelay $0x3  }
0x2b8: {  	[tilespmem:s17+$0x20] =	vst v11  }
0x2b9: {  	v11 =	vld.idx.msk [tilespmem:v52+s0+$0x0], $0xffff  }
0x2ba: {  	v53 =	vadd.s32 v6, v12;
	_ =	sdelay $0x3  }
0x2bb: {  	[tilespmem:s17+$0x30] =	vst v11  }
0x2bc: {  	v11 =	vld.idx.msk [tilespmem:v53+s0+$0x0], $0xffff  }
0x2bd: {  	v54 =	vadd.s32 v7, v12;
	_ =	sdelay $0x3  }
0x2be: {  	[tilespmem:s17+$0x40] =	vst v11  }
0x2bf: {  	v11 =	vld.idx.msk [tilespmem:v54+s0+$0x0], $0xffff  }
0x2c0: {  	v55 =	vadd.s32 v8, v12;
	_ =	sdelay $0x3  }
0x2c1: {  	[tilespmem:s17+$0x50] =	vst v11  }
0x2c2: {  	v11 =	vld.idx.msk [tilespmem:v55+s0+$0x0], $0xffff  }
0x2c3: {  	v12 =	vadd.s32 v9, v12  }
0x2c4: {  	s23 =	sadd.s32 $0xC, s23  }
0x2c5: {  	v56 =	vmov s23  }
0x2c6: {  	v57 =	vor.u32 s23, v2;
	v13 =	vshll.u32 v56, $0x3  }
0x2c7: {  	v13 =	vand.u32 $0x7FFFFC00, v13;
	[tilespmem:s17+$0x60] =	vst v11;
	v11 =	vand.u32 $0x7F, v57  }
0x2c8: {  	v12 =	vld.idx.msk [tilespmem:v12+s0+$0x0], $0xffff;
	v11 =	vor.u32 v13, v11  }
0x2c9: {  	v13 =	vor.u32 v1, v11;
	_ =	sdelay $0x3  }
0x2ca: {  	[tilespmem:s17+$0x70] =	vst v12  }
0x2cb: {  	v12 =	vld.idx.msk [tilespmem:v13+s0+$0x0], $0xffff  }
0x2cc: {  	v58 =	vor.u32 v3, v11;
	_ =	sdelay $0x3  }
0x2cd: {  	[tilespmem:s17+$0x80] =	vst v12  }
0x2ce: {  	v12 =	vld.idx.msk [tilespmem:v58+s0+$0x0], $0xffff  }
0x2cf: {  	v59 =	vadd.s32 v4, v11;
	_ =	sdelay $0x3  }
0x2d0: {  	[tilespmem:s17+$0x90] =	vst v12  }
0x2d1: {  	v12 =	vld.idx.msk [tilespmem:v59+s0+$0x0], $0xffff  }
0x2d2: {  	v60 =	vadd.s32 v5, v11;
	_ =	sdelay $0x3  }
0x2d3: {  	[tilespmem:s17+$0xA0] =	vst v12  }
0x2d4: {  	v12 =	vld.idx.msk [tilespmem:v60+s0+$0x0], $0xffff  }
0x2d5: {  	v61 =	vadd.s32 v6, v11;
	_ =	sdelay $0x3  }
0x2d6: {  	[tilespmem:s17+$0xB0] =	vst v12  }
0x2d7: {  	v12 =	vld.idx.msk [tilespmem:v61+s0+$0x0], $0xffff  }
0x2d8: {  	v62 =	vadd.s32 v7, v11;
	_ =	sdelay $0x3  }
0x2d9: {  	[tilespmem:s17+$0xC0] =	vst v12  }
0x2da: {  	v12 =	vld.idx.msk [tilespmem:v62+s0+$0x0], $0xffff  }
0x2db: {  	v63 =	vadd.s32 v8, v11;
	_ =	sdelay $0x3  }
0x2dc: {  	[tilespmem:s17+$0xD0] =	vst v12  }
0x2dd: {  	v12 =	vld.idx.msk [tilespmem:v63+s0+$0x0], $0xffff  }
0x2de: {  	v11 =	vadd.s32 v9, v11;
	_ =	sdelay $0x3  }
0x2df: {  	[tilespmem:s17+$0xE0] =	vst v12  }
0x2e0: {  	v11 =	vld.idx.msk [tilespmem:v11+s0+$0x0], $0xffff;
	_ =	sdelay $0x2  }
0x2e1: {  	s13 =	sshll.u32 s13, $0xE;
	s3 =	sadd.s32 $0x3, s3  }
.Ltmp9:
0x2e2: {  	s13 =	sadd.s32 s13, s25;
	p2 =	sge.u32 s3, s10;
	(pc) =	sbr.rel .LBB2_11-.Ltmp9, $4  }
0x2e3: {  	s29 =	simm.s32 $0x6000;
	s3 =	sshll.u32 @!p2 s3, $0xC;
	s19 =	simm.s32 @!p2 $0x2000;
	[tilespmem:s17+$0xF0] =	vst v11  }
0x2e4: {  	[hbm4b:s13+s4] =	stream.linear.scatter [tilespmem:s29], [sflag:$0x4], $0x2000, $0x38;
	[tilespmem:$0x1C600] =	vst v63  }
0x2e5: {  	s3 =	sadd.s32 @!p2 s3, s15;
	s17 =	simm.s32 @!p2 $0x7A1400;
	s13 =	simm.s32 @!p2 $0x800  }
0x2e6: {  	[tilespmem:s19], [sflag:$0x2] =	stream.strided.gather @!p2 [hbm4b:s3+s13], $0x2000, s17, s13, $0x38;
	[tilespmem:$0x1C600] =	vst v63  }
.LBB2_23:
.Ltmp10:
0x2e7: {  	(pc) =	sbr.rel .LBB2_24-.Ltmp10, $4  }
0x2e8: {  	_ = 	snop  }
0x2e9: {  	[tilespmem:s2], [sflag:$0x1] =	stream.strided.gather [hbm4b:s11+s30], $0x2000, s13, s30, $0x38;
	[tilespmem:$0x1C600] =	vst v63  }
0x2ea: {  	s3 =	rddreg [dreg:$0x9]  }
0x2eb: {  	[tilespmem:s0], [sflag:$0x2] =	stream.strided.gather [hbm4b:s3+s30], $0x2000, s13, s30, $0x38;
	[tilespmem:$0x1C600] =	vst v63  }
.LBB2_31:
0x2ec: {  	_ =	sdelay $0x1  }
0x2ed: {  	v14 =	vor.u32 s23, v0;
	v13 =	vshll.u32 v13, $0x3  }
0x2ee: {  	[tilespmem:s17+$0xE0] =	vst v12;
	v32 =	vand.u32 $0x73, v14;
	v13 =	vand.u32 $0x400, v13  }
0x2ef: {  	v11 =	vld.idx.msk [tilespmem:v11+s0+$0x0], $0xffff;
	v12 =	vor.u32 v13, v32  }
0x2f0: {  	v13 =	vor.u32 v1, v12;
	_ =	sdelay $0x3  }
0x2f1: {  	[tilespmem:s17+$0xF0] =	vst v11  }
0x2f2: {  	v11 =	vld.idx.msk [tilespmem:v13+s0+$0x0], $0xffff  }
0x2f3: {  	v33 =	vor.u32 v3, v12;
	_ =	sdelay $0x2  }
0x2f4: {  	s17 =	sadd.s32 $0x200, s17  }
0x2f5: {  	[tilespmem:s17+$0xFFFFFF00] =	vst v11  }
0x2f6: {  	v11 =	vld.idx.msk [tilespmem:v33+s0+$0x0], $0xffff  }
0x2f7: {  	v34 =	vor.u32 v4, v12;
	_ =	sdelay $0x3  }
0x2f8: {  	[tilespmem:s17+$0xFFFFFF10] =	vst v11  }
0x2f9: {  	v11 =	vld.idx.msk [tilespmem:v34+s0+$0x0], $0xffff  }
0x2fa: {  	v35 =	vor.u32 v5, v12;
	_ =	sdelay $0x3  }
0x2fb: {  	[tilespmem:s17+$0xFFFFFF20] =	vst v11  }
0x2fc: {  	v11 =	vld.idx.msk [tilespmem:v35+s0+$0x0], $0xffff  }
0x2fd: {  	v36 =	vor.u32 v6, v12;
	_ =	sdelay $0x3  }
0x2fe: {  	[tilespmem:s17+$0xFFFFFF30] =	vst v11  }
0x2ff: {  	v11 =	vld.idx.msk [tilespmem:v36+s0+$0x0], $0xffff  }
0x300: {  	v37 =	vor.u32 v7, v12;
	_ =	sdelay $0x3  }
0x301: {  	[tilespmem:s17+$0xFFFFFF40] =	vst v11  }
0x302: {  	v11 =	vld.idx.msk [tilespmem:v37+s0+$0x0], $0xffff  }
0x303: {  	v38 =	vor.u32 v8, v12;
	_ =	sdelay $0x3  }
0x304: {  	[tilespmem:s17+$0xFFFFFF50] =	vst v11  }
0x305: {  	v11 =	vld.idx.msk [tilespmem:v38+s0+$0x0], $0xffff  }
0x306: {  	v12 =	vor.u32 v9, v12  }
0x307: {  	s19 =	sadd.s32 $0x4, s23  }
0x308: {  	v39 =	vmov s19  }
0x309: {  	v40 =	vor.u32 s19, v2;
	v13 =	vshll.u32 v39, $0x3  }
0x30a: {  	v13 =	vand.u32 $0x7FFFFC00, v13;
	[tilespmem:s17+$0xFFFFFF60] =	vst v11;
	v11 =	vand.u32 $0x77, v40  }
0x30b: {  	v12 =	vld.idx.msk [tilespmem:v12+s0+$0x0], $0xffff;
	v11 =	vor.u32 v13, v11  }
0x30c: {  	v13 =	vor.u32 v1, v11;
	_ =	sdelay $0x3  }
0x30d: {  	[tilespmem:s17+$0xFFFFFF70] =	vst v12  }
0x30e: {  	v12 =	vld.idx.msk [tilespmem:v13+s0+$0x0], $0xffff  }
0x30f: {  	v41 =	vor.u32 v3, v11;
	_ =	sdelay $0x3  }
0x310: {  	[tilespmem:s17+$0xFFFFFF80] =	vst v12  }
0x311: {  	v12 =	vld.idx.msk [tilespmem:v41+s0+$0x0], $0xffff  }
0x312: {  	v42 =	vadd.s32 v4, v11;
	_ =	sdelay $0x3  }
0x313: {  	[tilespmem:s17+$0xFFFFFF90] =	vst v12  }
0x314: {  	v12 =	vld.idx.msk [tilespmem:v42+s0+$0x0], $0xffff  }
0x315: {  	v43 =	vadd.s32 v5, v11;
	_ =	sdelay $0x3  }
0x316: {  	[tilespmem:s17+$0xFFFFFFA0] =	vst v12  }
0x317: {  	v12 =	vld.idx.msk [tilespmem:v43+s0+$0x0], $0xffff  }
0x318: {  	v44 =	vadd.s32 v6, v11;
	_ =	sdelay $0x3  }
0x319: {  	[tilespmem:s17+$0xFFFFFFB0] =	vst v12  }
0x31a: {  	v12 =	vld.idx.msk [tilespmem:v44+s0+$0x0], $0xffff  }
0x31b: {  	v45 =	vadd.s32 v7, v11;
	_ =	sdelay $0x3  }
0x31c: {  	[tilespmem:s17+$0xFFFFFFC0] =	vst v12  }
0x31d: {  	v12 =	vld.idx.msk [tilespmem:v45+s0+$0x0], $0xffff  }
0x31e: {  	v46 =	vadd.s32 v8, v11;
	_ =	sdelay $0x3  }
0x31f: {  	[tilespmem:s17+$0xFFFFFFD0] =	vst v12  }
0x320: {  	v12 =	vld.idx.msk [tilespmem:v46+s0+$0x0], $0xffff  }
0x321: {  	v11 =	vadd.s32 v9, v11  }
0x322: {  	s29 =	sadd.s32 $0x8, s23  }
0x323: {  	v47 =	vmov s29  }
0x324: {  	v48 =	vor.u32 s29, v2;
	v13 =	vshll.u32 v47, $0x3  }
0x325: {  	v49 =	vand.u32 $0x7B, v48;
	v13 =	vand.u32 $0x7FFFFC00, v13;
	[tilespmem:s17+$0xFFFFFFE0] =	vst v12  }
0x326: {  	v12 =	vor.u32 v13, v49;
	v11 =	vld.idx.msk [tilespmem:v11+s0+$0x0], $0xffff  }
0x327: {  	v13 =	vor.u32 v1, v12;
	_ =	sdelay $0x3  }
0x328: {  	[tilespmem:s17+$0xFFFFFFF0] =	vst v11  }
0x329: {  	v11 =	vld.idx.msk [tilespmem:v13+s0+$0x0], $0xffff  }
0x32a: {  	v50 =	vor.u32 v3, v12;
	_ =	sdelay $0x3  }
0x32b: {  	[tilespmem:s17+$0x0] =	vst v11  }
0x32c: {  	v11 =	vld.idx.msk [tilespmem:v50+s0+$0x0], $0xffff  }
0x32d: {  	v51 =	vadd.s32 v4, v12;
	_ =	sdelay $0x3  }
0x32e: {  	[tilespmem:s17+$0x10] =	vst v11  }
0x32f: {  	v11 =	vld.idx.msk [tilespmem:v51+s0+$0x0], $0xffff  }
0x330: {  	v52 =	vadd.s32 v5, v12;
	_ =	sdelay $0x3  }
0x331: {  	[tilespmem:s17+$0x20] =	vst v11  }
0x332: {  	v11 =	vld.idx.msk [tilespmem:v52+s0+$0x0], $0xffff  }
0x333: {  	v53 =	vadd.s32 v6, v12;
	_ =	sdelay $0x3  }
0x334: {  	[tilespmem:s17+$0x30] =	vst v11  }
0x335: {  	v11 =	vld.idx.msk [tilespmem:v53+s0+$0x0], $0xffff  }
0x336: {  	v54 =	vadd.s32 v7, v12;
	_ =	sdelay $0x3  }
0x337: {  	[tilespmem:s17+$0x40] =	vst v11  }
0x338: {  	v11 =	vld.idx.msk [tilespmem:v54+s0+$0x0], $0xffff  }
0x339: {  	v55 =	vadd.s32 v8, v12;
	_ =	sdelay $0x3  }
0x33a: {  	[tilespmem:s17+$0x50] =	vst v11  }
0x33b: {  	v11 =	vld.idx.msk [tilespmem:v55+s0+$0x0], $0xffff  }
0x33c: {  	v12 =	vadd.s32 v9, v12  }
0x33d: {  	s23 =	sadd.s32 $0xC, s23  }
0x33e: {  	v56 =	vmov s23  }
0x33f: {  	v57 =	vor.u32 s23, v2;
	v13 =	vshll.u32 v56, $0x3  }
0x340: {  	v13 =	vand.u32 $0x7FFFFC00, v13;
	[tilespmem:s17+$0x60] =	vst v11;
	v11 =	vand.u32 $0x7F, v57  }
0x341: {  	v12 =	vld.idx.msk [tilespmem:v12+s0+$0x0], $0xffff;
	v11 =	vor.u32 v13, v11  }
0x342: {  	v13 =	vor.u32 v1, v11;
	_ =	sdelay $0x3  }
0x343: {  	[tilespmem:s17+$0x70] =	vst v12  }
0x344: {  	v12 =	vld.idx.msk [tilespmem:v13+s0+$0x0], $0xffff  }
0x345: {  	v58 =	vor.u32 v3, v11;
	_ =	sdelay $0x3  }
0x346: {  	[tilespmem:s17+$0x80] =	vst v12  }
0x347: {  	v12 =	vld.idx.msk [tilespmem:v58+s0+$0x0], $0xffff  }
0x348: {  	v59 =	vadd.s32 v4, v11;
	_ =	sdelay $0x3  }
0x349: {  	[tilespmem:s17+$0x90] =	vst v12  }
0x34a: {  	v12 =	vld.idx.msk [tilespmem:v59+s0+$0x0], $0xffff  }
0x34b: {  	v60 =	vadd.s32 v5, v11;
	_ =	sdelay $0x3  }
0x34c: {  	[tilespmem:s17+$0xA0] =	vst v12  }
0x34d: {  	v12 =	vld.idx.msk [tilespmem:v60+s0+$0x0], $0xffff  }
0x34e: {  	v61 =	vadd.s32 v6, v11;
	_ =	sdelay $0x3  }
0x34f: {  	[tilespmem:s17+$0xB0] =	vst v12  }
0x350: {  	v12 =	vld.idx.msk [tilespmem:v61+s0+$0x0], $0xffff  }
0x351: {  	v62 =	vadd.s32 v7, v11;
	_ =	sdelay $0x3  }
0x352: {  	[tilespmem:s17+$0xC0] =	vst v12  }
0x353: {  	v12 =	vld.idx.msk [tilespmem:v62+s0+$0x0], $0xffff  }
0x354: {  	v63 =	vadd.s32 v8, v11;
	_ =	sdelay $0x3  }
0x355: {  	[tilespmem:s17+$0xD0] =	vst v12  }
0x356: {  	v12 =	vld.idx.msk [tilespmem:v63+s0+$0x0], $0xffff  }
0x357: {  	v11 =	vadd.s32 v9, v11;
	_ =	sdelay $0x3  }
0x358: {  	[tilespmem:s17+$0xE0] =	vst v12  }
0x359: {  	v11 =	vld.idx.msk [tilespmem:v11+s0+$0x0], $0xffff;
	_ =	sdelay $0x2  }
0x35a: {  	s13 =	sshll.u32 s13, $0xE;
	s3 =	sadd.s32 $0x3, s3  }
0x35b: {  	s13 =	sadd.s32 s13, s25;
	p2 =	sge.u32 s3, s10  }
0x35c: {  	s29 =	simm.s32 $0x6000;
	s3 =	sshll.u32 @!p2 s3, $0xC;
	s19 =	simm.s32 @!p2 $0x2000;
	[tilespmem:s17+$0xF0] =	vst v11  }
0x35d: {  	[hbm4b:s13+s4] =	stream.linear.scatter [tilespmem:s29], [sflag:$0x4], $0x2000, $0x38;
	[tilespmem:$0x1C600] =	vst v63  }
0x35e: {  	s3 =	sadd.s32 @!p2 s3, s11;
	s17 =	simm.s32 @!p2 $0x7A1400;
	s13 =	simm.s32 @!p2 $0x800  }
0x35f: {  	[tilespmem:s19], [sflag:$0x2] =	stream.strided.gather @!p2 [hbm4b:s3+s13], $0x2000, s17, s13, $0x38;
	[tilespmem:$0x1C600] =	vst v63  }
.LBB2_32:
0x360: {  	s2 =	sadd.s32 $0x1, s2  }
0x361: {  	p2 =	sne.s32 s2, $0x7B  }
.Ltmp11:
0x362: {  	_ = 	snop;
	(pc) =	sbr.rel @!p2 .LBB2_33-.Ltmp11, $1  }
0x363: {  	_ =	sdelay $0x3  }
.LBB2_24:
0x364: {  	s3 =	sshll.u32 s2, $0x1  }
0x365: {  	p3 =	sge.u32 s3, s10  }
.Ltmp12:
0x366: {  	_ = 	snop;
	(pc) =	sbr.rel @p3 .LBB2_28-.Ltmp12, $2  }
0x367: {  	_ =	sdelay $0x2  }
0x368: {  	p2 =	seq.s32 s2, $0x0  }
0x369: {  	s13 =	simm.s32 $0x0  }
0x36a: {  	v11 =	vmov s13  }
0x36b: {  	v12 =	vor.u32 s13, v0;
	v11 =	vshll.u32 v11, $0x3  }
0x36c: {  	v12 =	vand.u32 $0x73, v12;
	v11 =	vand.u32 $0x400, v11  }
0x36d: {  	_ =	swait.ge [sflag:s5], $0x2000;
	v11 =	vor.u32 v11, v12  }
0x36e: {  	[sflag:s5] =	ssyncset.done $0x0;
	v12 =	vor.u32 v1, v11  }
0x36f: {  	s13 =	simm.s32 @!p2 $0x3;
	[sflag:s5] =	ssyncadd.s32 $0xFFFFE000  }
0x370: {  	_ =	swait.ge @!p2 [sflag:s13], $0x2000  }
0x371: {  	[sflag:s13] =	ssyncset.done @!p2 $0x0  }
0x372: {  	[sflag:s13] =	ssyncadd.s32 @!p2 $0xFFFFE000  }
0x373: {  	v12 =	vld.idx.msk [tilespmem:v12+s4+$0x0], $0xffff  }
0x374: {  	v13 =	vor.u32 v3, v11;
	_ =	sdelay $0x2  }
0x375: {  	s13 =	simm.s32 $0x4100  }
0x376: {  	[tilespmem:s13+$0xFFFFFF00] =	vst v12  }
0x377: {  	v12 =	vld.idx.msk [tilespmem:v13+s4+$0x0], $0xffff  }
0x378: {  	v13 =	vor.u32 v4, v11;
	_ =	sdelay $0x3  }
0x379: {  	[tilespmem:s13+$0xFFFFFF10] =	vst v12  }
0x37a: {  	v12 =	vld.idx.msk [tilespmem:v13+s4+$0x0], $0xffff  }
0x37b: {  	v13 =	vor.u32 v5, v11;
	_ =	sdelay $0x3  }
0x37c: {  	[tilespmem:s13+$0xFFFFFF20] =	vst v12  }
0x37d: {  	v12 =	vld.idx.msk [tilespmem:v13+s4+$0x0], $0xffff  }
0x37e: {  	v13 =	vor.u32 v6, v11;
	_ =	sdelay $0x3  }
0x37f: {  	[tilespmem:s13+$0xFFFFFF30] =	vst v12  }
0x380: {  	v12 =	vld.idx.msk [tilespmem:v13+s4+$0x0], $0xffff  }
0x381: {  	v13 =	vor.u32 v7, v11;
	_ =	sdelay $0x3  }
0x382: {  	[tilespmem:s13+$0xFFFFFF40] =	vst v12  }
0x383: {  	v12 =	vld.idx.msk [tilespmem:v13+s4+$0x0], $0xffff  }
0x384: {  	v13 =	vor.u32 v8, v11;
	_ =	sdelay $0x3  }
0x385: {  	[tilespmem:s13+$0xFFFFFF50] =	vst v12  }
0x386: {  	v12 =	vld.idx.msk [tilespmem:v13+s4+$0x0], $0xffff  }
0x387: {  	v11 =	vor.u32 v9, v11  }
0x388: {  	s17 =	simm.s32 $0x4  }
0x389: {  	v13 =	vmov s17  }
0x38a: {  	v14 =	vor.u32 s17, v2;
	v13 =	vshll.u32 v13, $0x3  }
0x38b: {  	v13 =	vand.u32 $0x7FFFFC00, v13;
	[tilespmem:s13+$0xFFFFFF60] =	vst v12;
	v12 =	vand.u32 $0x77, v14  }
0x38c: {  	v11 =	vld.idx.msk [tilespmem:v11+s4+$0x0], $0xffff;
	v12 =	vor.u32 v13, v12  }
0x38d: {  	v13 =	vor.u32 v1, v12;
	_ =	sdelay $0x3  }
0x38e: {  	[tilespmem:s13+$0xFFFFFF70] =	vst v11  }
0x38f: {  	v11 =	vld.idx.msk [tilespmem:v13+s4+$0x0], $0xffff  }
0x390: {  	v13 =	vor.u32 v3, v12;
	_ =	sdelay $0x3  }
0x391: {  	[tilespmem:s13+$0xFFFFFF80] =	vst v11  }
0x392: {  	v11 =	vld.idx.msk [tilespmem:v13+s4+$0x0], $0xffff  }
0x393: {  	v13 =	vadd.s32 v4, v12;
	_ =	sdelay $0x3  }
0x394: {  	[tilespmem:s13+$0xFFFFFF90] =	vst v11  }
0x395: {  	v11 =	vld.idx.msk [tilespmem:v13+s4+$0x0], $0xffff  }
0x396: {  	v13 =	vadd.s32 v5, v12;
	_ =	sdelay $0x3  }
0x397: {  	[tilespmem:s13+$0xFFFFFFA0] =	vst v11  }
0x398: {  	v11 =	vld.idx.msk [tilespmem:v13+s4+$0x0], $0xffff  }
0x399: {  	v13 =	vadd.s32 v6, v12;
	_ =	sdelay $0x3  }
0x39a: {  	[tilespmem:s13+$0xFFFFFFB0] =	vst v11  }
0x39b: {  	v11 =	vld.idx.msk [tilespmem:v13+s4+$0x0], $0xffff  }
0x39c: {  	v13 =	vadd.s32 v7, v12;
	_ =	sdelay $0x3  }
0x39d: {  	[tilespmem:s13+$0xFFFFFFC0] =	vst v11  }
0x39e: {  	v11 =	vld.idx.msk [tilespmem:v13+s4+$0x0], $0xffff  }
0x39f: {  	v13 =	vadd.s32 v8, v12;
	_ =	sdelay $0x3  }
0x3a0: {  	[tilespmem:s13+$0xFFFFFFD0] =	vst v11  }
0x3a1: {  	v11 =	vld.idx.msk [tilespmem:v13+s4+$0x0], $0xffff  }
0x3a2: {  	v12 =	vadd.s32 v9, v12  }
0x3a3: {  	s23 =	simm.s32 $0x8  }
0x3a4: {  	v13 =	vmov s23  }
0x3a5: {  	v14 =	vor.u32 s23, v2;
	v13 =	vshll.u32 v13, $0x3  }
0x3a6: {  	v13 =	vand.u32 $0x7FFFFC00, v13;
	[tilespmem:s13+$0xFFFFFFE0] =	vst v11;
	v11 =	vand.u32 $0x7B, v14  }
0x3a7: {  	v12 =	vld.idx.msk [tilespmem:v12+s4+$0x0], $0xffff;
	v11 =	vor.u32 v13, v11  }
0x3a8: {  	v13 =	vor.u32 v1, v11;
	_ =	sdelay $0x3  }
0x3a9: {  	[tilespmem:s13+$0xFFFFFFF0] =	vst v12  }
0x3aa: {  	v12 =	vld.idx.msk [tilespmem:v13+s4+$0x0], $0xffff  }
0x3ab: {  	v13 =	vor.u32 v3, v11;
	_ =	sdelay $0x3  }
0x3ac: {  	[tilespmem:s13+$0x0] =	vst v12  }
0x3ad: {  	v12 =	vld.idx.msk [tilespmem:v13+s4+$0x0], $0xffff  }
0x3ae: {  	v13 =	vadd.s32 v4, v11;
	_ =	sdelay $0x3  }
0x3af: {  	[tilespmem:s13+$0x10] =	vst v12  }
0x3b0: {  	v12 =	vld.idx.msk [tilespmem:v13+s4+$0x0], $0xffff  }
0x3b1: {  	v13 =	vadd.s32 v5, v11;
	_ =	sdelay $0x3  }
0x3b2: {  	[tilespmem:s13+$0x20] =	vst v12  }
0x3b3: {  	v12 =	vld.idx.msk [tilespmem:v13+s4+$0x0], $0xffff  }
0x3b4: {  	v13 =	vadd.s32 v6, v11;
	_ =	sdelay $0x3  }
0x3b5: {  	[tilespmem:s13+$0x30] =	vst v12  }
0x3b6: {  	v12 =	vld.idx.msk [tilespmem:v13+s4+$0x0], $0xffff  }
0x3b7: {  	v13 =	vadd.s32 v7, v11;
	_ =	sdelay $0x3  }
0x3b8: {  	[tilespmem:s13+$0x40] =	vst v12  }
0x3b9: {  	v12 =	vld.idx.msk [tilespmem:v13+s4+$0x0], $0xffff  }
0x3ba: {  	v13 =	vadd.s32 v8, v11;
	_ =	sdelay $0x3  }
0x3bb: {  	[tilespmem:s13+$0x50] =	vst v12  }
0x3bc: {  	v12 =	vld.idx.msk [tilespmem:v13+s4+$0x0], $0xffff  }
0x3bd: {  	v11 =	vadd.s32 v9, v11  }
0x3be: {  	s29 =	simm.s32 $0xC  }
0x3bf: {  	v13 =	vmov s29  }
0x3c0: {  	v14 =	vor.u32 s29, v2;
	v13 =	vshll.u32 v13, $0x3  }
0x3c1: {  	v13 =	vand.u32 $0x7FFFFC00, v13;
	[tilespmem:s13+$0x60] =	vst v12;
	v12 =	vand.u32 $0x7F, v14  }
0x3c2: {  	v11 =	vld.idx.msk [tilespmem:v11+s4+$0x0], $0xffff;
	v13 =	vor.u32 v13, v12  }
0x3c3: {  	v12 =	vor.u32 v1, v13;
	_ =	sdelay $0x3  }
0x3c4: {  	[tilespmem:s13+$0x70] =	vst v11  }
0x3c5: {  	v11 =	vld.idx.msk [tilespmem:v12+s4+$0x0], $0xffff  }
0x3c6: {  	v12 =	vor.u32 v3, v13;
	_ =	sdelay $0x3  }
0x3c7: {  	[tilespmem:s13+$0x80] =	vst v11  }
0x3c8: {  	v11 =	vld.idx.msk [tilespmem:v12+s4+$0x0], $0xffff  }
0x3c9: {  	v12 =	vadd.s32 v4, v13;
	_ =	sdelay $0x3  }
0x3ca: {  	[tilespmem:s13+$0x90] =	vst v11  }
0x3cb: {  	v11 =	vld.idx.msk [tilespmem:v12+s4+$0x0], $0xffff  }
0x3cc: {  	v12 =	vadd.s32 v5, v13;
	_ =	sdelay $0x3  }
0x3cd: {  	[tilespmem:s13+$0xA0] =	vst v11  }
0x3ce: {  	v11 =	vld.idx.msk [tilespmem:v12+s4+$0x0], $0xffff  }
0x3cf: {  	v12 =	vadd.s32 v6, v13;
	_ =	sdelay $0x3  }
0x3d0: {  	[tilespmem:s13+$0xB0] =	vst v11  }
0x3d1: {  	v11 =	vld.idx.msk [tilespmem:v12+s4+$0x0], $0xffff  }
0x3d2: {  	v12 =	vadd.s32 v7, v13;
	_ =	sdelay $0x3  }
0x3d3: {  	[tilespmem:s13+$0xC0] =	vst v11  }
0x3d4: {  	v11 =	vld.idx.msk [tilespmem:v12+s4+$0x0], $0xffff  }
0x3d5: {  	v12 =	vadd.s32 v8, v13;
	_ =	sdelay $0x3  }
0x3d6: {  	[tilespmem:s13+$0xD0] =	vst v11  }
0x3d7: {  	v12 =	vld.idx.msk [tilespmem:v12+s4+$0x0], $0xffff  }
0x3d8: {  	v11 =	vadd.s32 v9, v13;
	_ =	sdelay $0x1  }
0x3d9: {  	s17 =	simm.s32 $0x10  }
0x3da: {  	s23 =	simm.s32 $0x20;
	v13 =	vmov s17  }
.LBB2_26:
0x3db: {  	p3 =	sne.s32 s23, $0xF0;
	v14 =	vor.u32 s17, v0;
	v13 =	vshll.u32 v13, $0x3;
	[tilespmem:s13+$0xE0] =	vst v12  }
0x3dc: {  	v12 =	vand.u32 $0x73, v14;
	v13 =	vand.u32 $0x400, v13;
	v11 =	vld.idx.msk [tilespmem:v11+s4+$0x0], $0xffff  }
0x3dd: {  	v12 =	vor.u32 v13, v12  }
0x3de: {  	v13 =	vor.u32 v1, v12;
	_ =	sdelay $0x3  }
0x3df: {  	[tilespmem:s13+$0xF0] =	vst v11  }
0x3e0: {  	v11 =	vld.idx.msk [tilespmem:v13+s4+$0x0], $0xffff;
	_ =	sdelay $0x1  }
0x3e1: {  	v13 =	vor.u32 v3, v12;
	_ =	sdelay $0x2  }
0x3e2: {  	s13 =	sadd.s32 $0x200, s13  }
0x3e3: {  	[tilespmem:s13+$0xFFFFFF00] =	vst v11  }
0x3e4: {  	v11 =	vld.idx.msk [tilespmem:v13+s4+$0x0], $0xffff;
	_ =	sdelay $0x1  }
0x3e5: {  	v13 =	vor.u32 v4, v12;
	_ =	sdelay $0x3  }
0x3e6: {  	[tilespmem:s13+$0xFFFFFF10] =	vst v11  }
0x3e7: {  	v11 =	vld.idx.msk [tilespmem:v13+s4+$0x0], $0xffff;
	_ =	sdelay $0x1  }
0x3e8: {  	v13 =	vor.u32 v5, v12;
	_ =	sdelay $0x3  }
0x3e9: {  	[tilespmem:s13+$0xFFFFFF20] =	vst v11  }
0x3ea: {  	v11 =	vld.idx.msk [tilespmem:v13+s4+$0x0], $0xffff;
	_ =	sdelay $0x1  }
0x3eb: {  	v13 =	vor.u32 v6, v12;
	_ =	sdelay $0x3  }
0x3ec: {  	[tilespmem:s13+$0xFFFFFF30] =	vst v11  }
0x3ed: {  	v11 =	vld.idx.msk [tilespmem:v13+s4+$0x0], $0xffff;
	_ =	sdelay $0x1  }
0x3ee: {  	v13 =	vor.u32 v7, v12;
	_ =	sdelay $0x3  }
0x3ef: {  	[tilespmem:s13+$0xFFFFFF40] =	vst v11  }
0x3f0: {  	v11 =	vld.idx.msk [tilespmem:v13+s4+$0x0], $0xffff;
	_ =	sdelay $0x1  }
0x3f1: {  	v13 =	vor.u32 v8, v12;
	_ =	sdelay $0x3  }
0x3f2: {  	[tilespmem:s13+$0xFFFFFF50] =	vst v11  }
0x3f3: {  	v11 =	vld.idx.msk [tilespmem:v13+s4+$0x0], $0xffff;
	_ =	sdelay $0x1  }
0x3f4: {  	v12 =	vor.u32 v9, v12;
	_ =	sdelay $0x1  }
0x3f5: {  	s19 =	sadd.s32 $0x4, s17  }
0x3f6: {  	v13 =	vmov s19  }
0x3f7: {  	v13 =	vshll.u32 v13, $0x3;
	[tilespmem:s13+$0xFFFFFF60] =	vst v11;
	v11 =	vor.u32 s19, v2  }
0x3f8: {  	v13 =	vand.u32 $0x7FFFFC00, v13;
	v12 =	vld.idx.msk [tilespmem:v12+s4+$0x0], $0xffff;
	v11 =	vand.u32 $0x77, v11  }
0x3f9: {  	v11 =	vor.u32 v13, v11  }
0x3fa: {  	v13 =	vor.u32 v1, v11;
	_ =	sdelay $0x3  }
0x3fb: {  	[tilespmem:s13+$0xFFFFFF70] =	vst v12  }
0x3fc: {  	v12 =	vld.idx.msk [tilespmem:v13+s4+$0x0], $0xffff;
	_ =	sdelay $0x1  }
0x3fd: {  	v13 =	vor.u32 v3, v11;
	_ =	sdelay $0x3  }
0x3fe: {  	[tilespmem:s13+$0xFFFFFF80] =	vst v12  }
0x3ff: {  	v12 =	vld.idx.msk [tilespmem:v13+s4+$0x0], $0xffff;
	_ =	sdelay $0x1  }
0x400: {  	v13 =	vadd.s32 v4, v11;
	_ =	sdelay $0x3  }
0x401: {  	[tilespmem:s13+$0xFFFFFF90] =	vst v12  }
0x402: {  	v12 =	vld.idx.msk [tilespmem:v13+s4+$0x0], $0xffff;
	_ =	sdelay $0x1  }
0x403: {  	v13 =	vadd.s32 v5, v11;
	_ =	sdelay $0x3  }
0x404: {  	[tilespmem:s13+$0xFFFFFFA0] =	vst v12  }
0x405: {  	v12 =	vld.idx.msk [tilespmem:v13+s4+$0x0], $0xffff;
	_ =	sdelay $0x1  }
0x406: {  	v13 =	vadd.s32 v6, v11;
	_ =	sdelay $0x3  }
0x407: {  	[tilespmem:s13+$0xFFFFFFB0] =	vst v12  }
0x408: {  	v12 =	vld.idx.msk [tilespmem:v13+s4+$0x0], $0xffff;
	_ =	sdelay $0x1  }
0x409: {  	v13 =	vadd.s32 v7, v11;
	_ =	sdelay $0x3  }
0x40a: {  	[tilespmem:s13+$0xFFFFFFC0] =	vst v12  }
0x40b: {  	v12 =	vld.idx.msk [tilespmem:v13+s4+$0x0], $0xffff;
	_ =	sdelay $0x1  }
0x40c: {  	v13 =	vadd.s32 v8, v11;
	_ =	sdelay $0x3  }
0x40d: {  	[tilespmem:s13+$0xFFFFFFD0] =	vst v12  }
0x40e: {  	v12 =	vld.idx.msk [tilespmem:v13+s4+$0x0], $0xffff;
	_ =	sdelay $0x1  }
0x40f: {  	v11 =	vadd.s32 v9, v11;
	_ =	sdelay $0x1  }
0x410: {  	s19 =	sadd.s32 $0x8, s17  }
0x411: {  	v13 =	vmov s19  }
0x412: {  	v13 =	vshll.u32 v13, $0x3;
	[tilespmem:s13+$0xFFFFFFE0] =	vst v12;
	v12 =	vor.u32 s19, v2  }
0x413: {  	v13 =	vand.u32 $0x7FFFFC00, v13;
	v11 =	vld.idx.msk [tilespmem:v11+s4+$0x0], $0xffff;
	v12 =	vand.u32 $0x7B, v12  }
0x414: {  	v12 =	vor.u32 v13, v12  }
0x415: {  	v13 =	vor.u32 v1, v12;
	_ =	sdelay $0x3  }
0x416: {  	[tilespmem:s13+$0xFFFFFFF0] =	vst v11  }
0x417: {  	v11 =	vld.idx.msk [tilespmem:v13+s4+$0x0], $0xffff;
	_ =	sdelay $0x1  }
0x418: {  	v13 =	vor.u32 v3, v12;
	_ =	sdelay $0x3  }
0x419: {  	[tilespmem:s13+$0x0] =	vst v11  }
0x41a: {  	v11 =	vld.idx.msk [tilespmem:v13+s4+$0x0], $0xffff;
	_ =	sdelay $0x1  }
0x41b: {  	v13 =	vadd.s32 v4, v12;
	_ =	sdelay $0x3  }
0x41c: {  	[tilespmem:s13+$0x10] =	vst v11  }
0x41d: {  	v11 =	vld.idx.msk [tilespmem:v13+s4+$0x0], $0xffff;
	_ =	sdelay $0x1  }
0x41e: {  	v13 =	vadd.s32 v5, v12;
	_ =	sdelay $0x3  }
0x41f: {  	[tilespmem:s13+$0x20] =	vst v11  }
0x420: {  	v11 =	vld.idx.msk [tilespmem:v13+s4+$0x0], $0xffff;
	_ =	sdelay $0x1  }
0x421: {  	v13 =	vadd.s32 v6, v12;
	_ =	sdelay $0x3  }
0x422: {  	[tilespmem:s13+$0x30] =	vst v11  }
0x423: {  	v11 =	vld.idx.msk [tilespmem:v13+s4+$0x0], $0xffff;
	_ =	sdelay $0x1  }
0x424: {  	v13 =	vadd.s32 v7, v12;
	_ =	sdelay $0x3  }
0x425: {  	[tilespmem:s13+$0x40] =	vst v11  }
0x426: {  	v11 =	vld.idx.msk [tilespmem:v13+s4+$0x0], $0xffff;
	_ =	sdelay $0x1  }
0x427: {  	v13 =	vadd.s32 v8, v12;
	_ =	sdelay $0x3  }
0x428: {  	[tilespmem:s13+$0x50] =	vst v11  }
0x429: {  	v11 =	vld.idx.msk [tilespmem:v13+s4+$0x0], $0xffff;
	_ =	sdelay $0x1  }
0x42a: {  	v12 =	vadd.s32 v9, v12;
	_ =	sdelay $0x1  }
0x42b: {  	s19 =	sadd.s32 $0xC, s17;
	s17 =	smov.u32 s23  }
0x42c: {  	v13 =	vmov s19  }
0x42d: {  	v13 =	vshll.u32 v13, $0x3;
	[tilespmem:s13+$0x60] =	vst v11;
	v11 =	vor.u32 s19, v2  }
0x42e: {  	v13 =	vand.u32 $0x7FFFFC00, v13;
	v12 =	vld.idx.msk [tilespmem:v12+s4+$0x0], $0xffff;
	v11 =	vand.u32 $0x7F, v11  }
0x42f: {  	v11 =	vor.u32 v13, v11  }
0x430: {  	v13 =	vor.u32 v1, v11;
	_ =	sdelay $0x3  }
0x431: {  	[tilespmem:s13+$0x70] =	vst v12  }
0x432: {  	v12 =	vld.idx.msk [tilespmem:v13+s4+$0x0], $0xffff;
	_ =	sdelay $0x1  }
0x433: {  	v13 =	vor.u32 v3, v11;
	_ =	sdelay $0x3  }
0x434: {  	[tilespmem:s13+$0x80] =	vst v12  }
0x435: {  	v12 =	vld.idx.msk [tilespmem:v13+s4+$0x0], $0xffff;
	_ =	sdelay $0x1  }
0x436: {  	v13 =	vadd.s32 v4, v11;
	_ =	sdelay $0x3  }
0x437: {  	[tilespmem:s13+$0x90] =	vst v12  }
0x438: {  	v12 =	vld.idx.msk [tilespmem:v13+s4+$0x0], $0xffff;
	_ =	sdelay $0x1  }
0x439: {  	v13 =	vadd.s32 v5, v11;
	_ =	sdelay $0x3  }
0x43a: {  	[tilespmem:s13+$0xA0] =	vst v12  }
0x43b: {  	v12 =	vld.idx.msk [tilespmem:v13+s4+$0x0], $0xffff;
	_ =	sdelay $0x1  }
0x43c: {  	v13 =	vadd.s32 v6, v11;
	_ =	sdelay $0x3  }
0x43d: {  	[tilespmem:s13+$0xB0] =	vst v12  }
0x43e: {  	v12 =	vld.idx.msk [tilespmem:v13+s4+$0x0], $0xffff;
	_ =	sdelay $0x1  }
0x43f: {  	v13 =	vadd.s32 v7, v11;
	_ =	sdelay $0x3  }
0x440: {  	[tilespmem:s13+$0xC0] =	vst v12  }
0x441: {  	v12 =	vld.idx.msk [tilespmem:v13+s4+$0x0], $0xffff;
	_ =	sdelay $0x1  }
0x442: {  	v13 =	vadd.s32 v8, v11;
	_ =	sdelay $0x3  }
0x443: {  	[tilespmem:s13+$0xD0] =	vst v12  }
0x444: {  	v12 =	vld.idx.msk [tilespmem:v13+s4+$0x0], $0xffff  }
.Ltmp13:
0x445: {  	(pc) =	sbr.rel @p3 .LBB2_26-.Ltmp13, $2  }
0x446: {  	v11 =	vadd.s32 v9, v11;
	_ =	sdelay $0x2  }
0x447: {  	s23 =	sadd.s32 $0x10, s23;
	v13 =	vmov s17  }
0x448: {  	_ =	sdelay $0x1  }
0x449: {  	v14 =	vor.u32 s17, v0;
	v13 =	vshll.u32 v13, $0x3  }
0x44a: {  	[tilespmem:s13+$0xE0] =	vst v12;
	v32 =	vand.u32 $0x73, v14;
	v13 =	vand.u32 $0x400, v13  }
0x44b: {  	v11 =	vld.idx.msk [tilespmem:v11+s4+$0x0], $0xffff;
	v12 =	vor.u32 v13, v32  }
0x44c: {  	v13 =	vor.u32 v1, v12;
	_ =	sdelay $0x3  }
0x44d: {  	[tilespmem:s13+$0xF0] =	vst v11  }
0x44e: {  	v11 =	vld.idx.msk [tilespmem:v13+s4+$0x0], $0xffff  }
0x44f: {  	v33 =	vor.u32 v3, v12;
	_ =	sdelay $0x2  }
0x450: {  	s13 =	sadd.s32 $0x200, s13  }
0x451: {  	[tilespmem:s13+$0xFFFFFF00] =	vst v11  }
0x452: {  	v11 =	vld.idx.msk [tilespmem:v33+s4+$0x0], $0xffff  }
0x453: {  	v34 =	vor.u32 v4, v12;
	_ =	sdelay $0x3  }
0x454: {  	[tilespmem:s13+$0xFFFFFF10] =	vst v11  }
0x455: {  	v11 =	vld.idx.msk [tilespmem:v34+s4+$0x0], $0xffff  }
0x456: {  	v35 =	vor.u32 v5, v12;
	_ =	sdelay $0x3  }
0x457: {  	[tilespmem:s13+$0xFFFFFF20] =	vst v11  }
0x458: {  	v11 =	vld.idx.msk [tilespmem:v35+s4+$0x0], $0xffff  }
0x459: {  	v36 =	vor.u32 v6, v12;
	_ =	sdelay $0x3  }
0x45a: {  	[tilespmem:s13+$0xFFFFFF30] =	vst v11  }
0x45b: {  	v11 =	vld.idx.msk [tilespmem:v36+s4+$0x0], $0xffff  }
0x45c: {  	v37 =	vor.u32 v7, v12;
	_ =	sdelay $0x3  }
0x45d: {  	[tilespmem:s13+$0xFFFFFF40] =	vst v11  }
0x45e: {  	v11 =	vld.idx.msk [tilespmem:v37+s4+$0x0], $0xffff  }
0x45f: {  	v38 =	vor.u32 v8, v12;
	_ =	sdelay $0x3  }
0x460: {  	[tilespmem:s13+$0xFFFFFF50] =	vst v11  }
0x461: {  	v11 =	vld.idx.msk [tilespmem:v38+s4+$0x0], $0xffff  }
0x462: {  	v12 =	vor.u32 v9, v12  }
0x463: {  	s19 =	sadd.s32 $0x4, s17  }
0x464: {  	v39 =	vmov s19  }
0x465: {  	v40 =	vor.u32 s19, v2;
	v13 =	vshll.u32 v39, $0x3  }
0x466: {  	v13 =	vand.u32 $0x7FFFFC00, v13;
	[tilespmem:s13+$0xFFFFFF60] =	vst v11;
	v11 =	vand.u32 $0x77, v40  }
0x467: {  	v12 =	vld.idx.msk [tilespmem:v12+s4+$0x0], $0xffff;
	v11 =	vor.u32 v13, v11  }
0x468: {  	v13 =	vor.u32 v1, v11;
	_ =	sdelay $0x3  }
0x469: {  	[tilespmem:s13+$0xFFFFFF70] =	vst v12  }
0x46a: {  	v12 =	vld.idx.msk [tilespmem:v13+s4+$0x0], $0xffff  }
0x46b: {  	v41 =	vor.u32 v3, v11;
	_ =	sdelay $0x3  }
0x46c: {  	[tilespmem:s13+$0xFFFFFF80] =	vst v12  }
0x46d: {  	v12 =	vld.idx.msk [tilespmem:v41+s4+$0x0], $0xffff  }
0x46e: {  	v42 =	vadd.s32 v4, v11;
	_ =	sdelay $0x3  }
0x46f: {  	[tilespmem:s13+$0xFFFFFF90] =	vst v12  }
0x470: {  	v12 =	vld.idx.msk [tilespmem:v42+s4+$0x0], $0xffff  }
0x471: {  	v43 =	vadd.s32 v5, v11;
	_ =	sdelay $0x3  }
0x472: {  	[tilespmem:s13+$0xFFFFFFA0] =	vst v12  }
0x473: {  	v12 =	vld.idx.msk [tilespmem:v43+s4+$0x0], $0xffff  }
0x474: {  	v44 =	vadd.s32 v6, v11;
	_ =	sdelay $0x3  }
0x475: {  	[tilespmem:s13+$0xFFFFFFB0] =	vst v12  }
0x476: {  	v12 =	vld.idx.msk [tilespmem:v44+s4+$0x0], $0xffff  }
0x477: {  	v45 =	vadd.s32 v7, v11;
	_ =	sdelay $0x3  }
0x478: {  	[tilespmem:s13+$0xFFFFFFC0] =	vst v12  }
0x479: {  	v12 =	vld.idx.msk [tilespmem:v45+s4+$0x0], $0xffff  }
0x47a: {  	v46 =	vadd.s32 v8, v11;
	_ =	sdelay $0x3  }
0x47b: {  	[tilespmem:s13+$0xFFFFFFD0] =	vst v12  }
0x47c: {  	v12 =	vld.idx.msk [tilespmem:v46+s4+$0x0], $0xffff  }
0x47d: {  	v11 =	vadd.s32 v9, v11  }
0x47e: {  	s23 =	sadd.s32 $0x8, s17  }
0x47f: {  	v47 =	vmov s23  }
0x480: {  	v48 =	vor.u32 s23, v2;
	v13 =	vshll.u32 v47, $0x3  }
0x481: {  	v49 =	vand.u32 $0x7B, v48;
	v13 =	vand.u32 $0x7FFFFC00, v13;
	[tilespmem:s13+$0xFFFFFFE0] =	vst v12  }
0x482: {  	v12 =	vor.u32 v13, v49;
	v11 =	vld.idx.msk [tilespmem:v11+s4+$0x0], $0xffff  }
0x483: {  	v13 =	vor.u32 v1, v12;
	_ =	sdelay $0x3  }
0x484: {  	[tilespmem:s13+$0xFFFFFFF0] =	vst v11  }
0x485: {  	v11 =	vld.idx.msk [tilespmem:v13+s4+$0x0], $0xffff  }
0x486: {  	v50 =	vor.u32 v3, v12;
	_ =	sdelay $0x3  }
0x487: {  	[tilespmem:s13+$0x0] =	vst v11  }
0x488: {  	v11 =	vld.idx.msk [tilespmem:v50+s4+$0x0], $0xffff  }
0x489: {  	v51 =	vadd.s32 v4, v12;
	_ =	sdelay $0x3  }
0x48a: {  	[tilespmem:s13+$0x10] =	vst v11  }
0x48b: {  	v11 =	vld.idx.msk [tilespmem:v51+s4+$0x0], $0xffff  }
0x48c: {  	v52 =	vadd.s32 v5, v12;
	_ =	sdelay $0x3  }
0x48d: {  	[tilespmem:s13+$0x20] =	vst v11  }
0x48e: {  	v11 =	vld.idx.msk [tilespmem:v52+s4+$0x0], $0xffff  }
0x48f: {  	v53 =	vadd.s32 v6, v12;
	_ =	sdelay $0x3  }
0x490: {  	[tilespmem:s13+$0x30] =	vst v11  }
0x491: {  	v11 =	vld.idx.msk [tilespmem:v53+s4+$0x0], $0xffff  }
0x492: {  	v54 =	vadd.s32 v7, v12;
	_ =	sdelay $0x3  }
0x493: {  	[tilespmem:s13+$0x40] =	vst v11  }
0x494: {  	v11 =	vld.idx.msk [tilespmem:v54+s4+$0x0], $0xffff  }
0x495: {  	v55 =	vadd.s32 v8, v12;
	_ =	sdelay $0x3  }
0x496: {  	[tilespmem:s13+$0x50] =	vst v11  }
0x497: {  	v11 =	vld.idx.msk [tilespmem:v55+s4+$0x0], $0xffff  }
0x498: {  	v12 =	vadd.s32 v9, v12  }
0x499: {  	s29 =	sadd.s32 $0xC, s17  }
0x49a: {  	v56 =	vmov s29  }
0x49b: {  	v57 =	vor.u32 s29, v2;
	v13 =	vshll.u32 v56, $0x3  }
0x49c: {  	v13 =	vand.u32 $0x7FFFFC00, v13;
	[tilespmem:s13+$0x60] =	vst v11;
	v11 =	vand.u32 $0x7F, v57  }
0x49d: {  	v12 =	vld.idx.msk [tilespmem:v12+s4+$0x0], $0xffff;
	v11 =	vor.u32 v13, v11  }
0x49e: {  	v13 =	vor.u32 v1, v11;
	_ =	sdelay $0x3  }
0x49f: {  	[tilespmem:s13+$0x70] =	vst v12  }
0x4a0: {  	v12 =	vld.idx.msk [tilespmem:v13+s4+$0x0], $0xffff  }
0x4a1: {  	v58 =	vor.u32 v3, v11;
	_ =	sdelay $0x3  }
0x4a2: {  	[tilespmem:s13+$0x80] =	vst v12  }
0x4a3: {  	v12 =	vld.idx.msk [tilespmem:v58+s4+$0x0], $0xffff  }
0x4a4: {  	v59 =	vadd.s32 v4, v11;
	_ =	sdelay $0x3  }
0x4a5: {  	[tilespmem:s13+$0x90] =	vst v12  }
0x4a6: {  	v12 =	vld.idx.msk [tilespmem:v59+s4+$0x0], $0xffff  }
0x4a7: {  	v60 =	vadd.s32 v5, v11;
	_ =	sdelay $0x3  }
0x4a8: {  	[tilespmem:s13+$0xA0] =	vst v12  }
0x4a9: {  	v12 =	vld.idx.msk [tilespmem:v60+s4+$0x0], $0xffff  }
0x4aa: {  	v61 =	vadd.s32 v6, v11;
	_ =	sdelay $0x3  }
0x4ab: {  	[tilespmem:s13+$0xB0] =	vst v12  }
0x4ac: {  	v12 =	vld.idx.msk [tilespmem:v61+s4+$0x0], $0xffff  }
0x4ad: {  	v62 =	vadd.s32 v7, v11;
	_ =	sdelay $0x3  }
0x4ae: {  	[tilespmem:s13+$0xC0] =	vst v12  }
0x4af: {  	v12 =	vld.idx.msk [tilespmem:v62+s4+$0x0], $0xffff  }
0x4b0: {  	v63 =	vadd.s32 v8, v11;
	_ =	sdelay $0x3  }
0x4b1: {  	[tilespmem:s13+$0xD0] =	vst v12  }
0x4b2: {  	v12 =	vld.idx.msk [tilespmem:v63+s4+$0x0], $0xffff  }
0x4b3: {  	v11 =	vadd.s32 v9, v11;
	_ =	sdelay $0x3  }
0x4b4: {  	[tilespmem:s13+$0xE0] =	vst v12  }
0x4b5: {  	v11 =	vld.idx.msk [tilespmem:v11+s4+$0x0], $0xffff;
	_ =	sdelay $0x3  }
0x4b6: {  	s19 =	sshll.u32 s2, $0xF  }
0x4b7: {  	s29 =	simm.s32 $0x4000;
	s23 =	sadd.s32 s19, s25;
	[tilespmem:s13+$0xF0] =	vst v11;
	s13 =	sadd.s32 $0x2, s3  }
0x4b8: {  	[hbm4b:s23+s4] =	stream.linear.scatter [tilespmem:s29], [sflag:$0x3], $0x2000, $0x38;
	[tilespmem:$0x1C600] =	vst v63  }
0x4b9: {  	p3 =	sge.u32 s13, s10  }
0x4ba: {  	s13 =	sshll.u32 @!p3 s13, $0xC;
	s17 =	simm.s32 @!p3 $0x800  }
0x4bb: {  	s19 =	simm.s32 @!p3 $0x7A1400;
	s23 =	simm.s32 @!p3 $0x0;
	s13 =	sadd.s32 @!p3 s13, s11  }
0x4bc: {  	[tilespmem:s23], [sflag:$0x1] =	stream.strided.gather @!p3 [hbm4b:s13+s17], $0x2000, s19, s17, $0x38;
	[tilespmem:$0x1C600] =	vst v63  }
.LBB2_28:
0x4bd: {  	s13 =	sor.u32 $0x1, s3  }
0x4be: {  	p3 =	sge.u32 s13, s10  }
.Ltmp14:
0x4bf: {  	_ = 	snop;
	(pc) =	sbr.rel @p3 .LBB2_32-.Ltmp14, $1  }
0x4c0: {  	_ =	sdelay $0x3  }
0x4c1: {  	s17 =	simm.s32 $0x0  }
0x4c2: {  	v11 =	vmov s17  }
0x4c3: {  	v12 =	vor.u32 s17, v0;
	v11 =	vshll.u32 v11, $0x3  }
0x4c4: {  	v12 =	vand.u32 $0x73, v12;
	v11 =	vand.u32 $0x400, v11  }
0x4c5: {  	_ =	swait.ge [sflag:s7], $0x2000;
	v11 =	vor.u32 v11, v12  }
0x4c6: {  	[sflag:s7] =	ssyncset.done $0x0;
	v12 =	vor.u32 v1, v11  }
0x4c7: {  	s17 =	simm.s32 @!p2 $0x4;
	[sflag:s7] =	ssyncadd.s32 $0xFFFFE000  }
0x4c8: {  	_ =	swait.ge @!p2 [sflag:s17], $0x2000  }
0x4c9: {  	[sflag:s17] =	ssyncset.done @!p2 $0x0  }
0x4ca: {  	[sflag:s17] =	ssyncadd.s32 @!p2 $0xFFFFE000  }
0x4cb: {  	v12 =	vld.idx.msk [tilespmem:v12+s0+$0x0], $0xffff  }
0x4cc: {  	v13 =	vor.u32 v3, v11;
	_ =	sdelay $0x2  }
0x4cd: {  	s17 =	simm.s32 $0x6100  }
0x4ce: {  	[tilespmem:s17+$0xFFFFFF00] =	vst v12  }
0x4cf: {  	v12 =	vld.idx.msk [tilespmem:v13+s0+$0x0], $0xffff  }
0x4d0: {  	v13 =	vor.u32 v4, v11;
	_ =	sdelay $0x3  }
0x4d1: {  	[tilespmem:s17+$0xFFFFFF10] =	vst v12  }
0x4d2: {  	v12 =	vld.idx.msk [tilespmem:v13+s0+$0x0], $0xffff  }
0x4d3: {  	v13 =	vor.u32 v5, v11;
	_ =	sdelay $0x3  }
0x4d4: {  	[tilespmem:s17+$0xFFFFFF20] =	vst v12  }
0x4d5: {  	v12 =	vld.idx.msk [tilespmem:v13+s0+$0x0], $0xffff  }
0x4d6: {  	v13 =	vor.u32 v6, v11;
	_ =	sdelay $0x3  }
0x4d7: {  	[tilespmem:s17+$0xFFFFFF30] =	vst v12  }
0x4d8: {  	v12 =	vld.idx.msk [tilespmem:v13+s0+$0x0], $0xffff  }
0x4d9: {  	v13 =	vor.u32 v7, v11;
	_ =	sdelay $0x3  }
0x4da: {  	[tilespmem:s17+$0xFFFFFF40] =	vst v12  }
0x4db: {  	v12 =	vld.idx.msk [tilespmem:v13+s0+$0x0], $0xffff  }
0x4dc: {  	v13 =	vor.u32 v8, v11;
	_ =	sdelay $0x3  }
0x4dd: {  	[tilespmem:s17+$0xFFFFFF50] =	vst v12  }
0x4de: {  	v12 =	vld.idx.msk [tilespmem:v13+s0+$0x0], $0xffff  }
0x4df: {  	v11 =	vor.u32 v9, v11  }
0x4e0: {  	s19 =	simm.s32 $0x4  }
0x4e1: {  	v13 =	vmov s19  }
0x4e2: {  	v14 =	vor.u32 s19, v2;
	v13 =	vshll.u32 v13, $0x3  }
0x4e3: {  	v13 =	vand.u32 $0x7FFFFC00, v13;
	[tilespmem:s17+$0xFFFFFF60] =	vst v12;
	v12 =	vand.u32 $0x77, v14  }
0x4e4: {  	v11 =	vld.idx.msk [tilespmem:v11+s0+$0x0], $0xffff;
	v12 =	vor.u32 v13, v12  }
0x4e5: {  	v13 =	vor.u32 v1, v12;
	_ =	sdelay $0x3  }
0x4e6: {  	[tilespmem:s17+$0xFFFFFF70] =	vst v11  }
0x4e7: {  	v11 =	vld.idx.msk [tilespmem:v13+s0+$0x0], $0xffff  }
0x4e8: {  	v13 =	vor.u32 v3, v12;
	_ =	sdelay $0x3  }
0x4e9: {  	[tilespmem:s17+$0xFFFFFF80] =	vst v11  }
0x4ea: {  	v11 =	vld.idx.msk [tilespmem:v13+s0+$0x0], $0xffff  }
0x4eb: {  	v13 =	vadd.s32 v4, v12;
	_ =	sdelay $0x3  }
0x4ec: {  	[tilespmem:s17+$0xFFFFFF90] =	vst v11  }
0x4ed: {  	v11 =	vld.idx.msk [tilespmem:v13+s0+$0x0], $0xffff  }
0x4ee: {  	v13 =	vadd.s32 v5, v12;
	_ =	sdelay $0x3  }
0x4ef: {  	[tilespmem:s17+$0xFFFFFFA0] =	vst v11  }
0x4f0: {  	v11 =	vld.idx.msk [tilespmem:v13+s0+$0x0], $0xffff  }
0x4f1: {  	v13 =	vadd.s32 v6, v12;
	_ =	sdelay $0x3  }
0x4f2: {  	[tilespmem:s17+$0xFFFFFFB0] =	vst v11  }
0x4f3: {  	v11 =	vld.idx.msk [tilespmem:v13+s0+$0x0], $0xffff  }
0x4f4: {  	v13 =	vadd.s32 v7, v12;
	_ =	sdelay $0x3  }
0x4f5: {  	[tilespmem:s17+$0xFFFFFFC0] =	vst v11  }
0x4f6: {  	v11 =	vld.idx.msk [tilespmem:v13+s0+$0x0], $0xffff  }
0x4f7: {  	v13 =	vadd.s32 v8, v12;
	_ =	sdelay $0x3  }
0x4f8: {  	[tilespmem:s17+$0xFFFFFFD0] =	vst v11  }
0x4f9: {  	v11 =	vld.idx.msk [tilespmem:v13+s0+$0x0], $0xffff  }
0x4fa: {  	v12 =	vadd.s32 v9, v12  }
0x4fb: {  	s23 =	simm.s32 $0x8  }
0x4fc: {  	v13 =	vmov s23  }
0x4fd: {  	v14 =	vor.u32 s23, v2;
	v13 =	vshll.u32 v13, $0x3  }
0x4fe: {  	v13 =	vand.u32 $0x7FFFFC00, v13;
	[tilespmem:s17+$0xFFFFFFE0] =	vst v11;
	v11 =	vand.u32 $0x7B, v14  }
0x4ff: {  	v12 =	vld.idx.msk [tilespmem:v12+s0+$0x0], $0xffff;
	v11 =	vor.u32 v13, v11  }
0x500: {  	v13 =	vor.u32 v1, v11;
	_ =	sdelay $0x3  }
0x501: {  	[tilespmem:s17+$0xFFFFFFF0] =	vst v12  }
0x502: {  	v12 =	vld.idx.msk [tilespmem:v13+s0+$0x0], $0xffff  }
0x503: {  	v13 =	vor.u32 v3, v11;
	_ =	sdelay $0x3  }
0x504: {  	[tilespmem:s17+$0x0] =	vst v12  }
0x505: {  	v12 =	vld.idx.msk [tilespmem:v13+s0+$0x0], $0xffff  }
0x506: {  	v13 =	vadd.s32 v4, v11;
	_ =	sdelay $0x3  }
0x507: {  	[tilespmem:s17+$0x10] =	vst v12  }
0x508: {  	v12 =	vld.idx.msk [tilespmem:v13+s0+$0x0], $0xffff  }
0x509: {  	v13 =	vadd.s32 v5, v11;
	_ =	sdelay $0x3  }
0x50a: {  	[tilespmem:s17+$0x20] =	vst v12  }
0x50b: {  	v12 =	vld.idx.msk [tilespmem:v13+s0+$0x0], $0xffff  }
0x50c: {  	v13 =	vadd.s32 v6, v11;
	_ =	sdelay $0x3  }
0x50d: {  	[tilespmem:s17+$0x30] =	vst v12  }
0x50e: {  	v12 =	vld.idx.msk [tilespmem:v13+s0+$0x0], $0xffff  }
0x50f: {  	v13 =	vadd.s32 v7, v11;
	_ =	sdelay $0x3  }
0x510: {  	[tilespmem:s17+$0x40] =	vst v12  }
0x511: {  	v12 =	vld.idx.msk [tilespmem:v13+s0+$0x0], $0xffff  }
0x512: {  	v13 =	vadd.s32 v8, v11;
	_ =	sdelay $0x3  }
0x513: {  	[tilespmem:s17+$0x50] =	vst v12  }
0x514: {  	v12 =	vld.idx.msk [tilespmem:v13+s0+$0x0], $0xffff  }
0x515: {  	v11 =	vadd.s32 v9, v11  }
0x516: {  	s23 =	simm.s32 $0xC  }
0x517: {  	v13 =	vmov s23  }
0x518: {  	v14 =	vor.u32 s23, v2;
	v13 =	vshll.u32 v13, $0x3  }
0x519: {  	v13 =	vand.u32 $0x7FFFFC00, v13;
	[tilespmem:s17+$0x60] =	vst v12;
	v12 =	vand.u32 $0x7F, v14  }
0x51a: {  	v11 =	vld.idx.msk [tilespmem:v11+s0+$0x0], $0xffff;
	v13 =	vor.u32 v13, v12  }
0x51b: {  	v12 =	vor.u32 v1, v13;
	_ =	sdelay $0x3  }
0x51c: {  	[tilespmem:s17+$0x70] =	vst v11  }
0x51d: {  	v11 =	vld.idx.msk [tilespmem:v12+s0+$0x0], $0xffff  }
0x51e: {  	v12 =	vor.u32 v3, v13;
	_ =	sdelay $0x3  }
0x51f: {  	[tilespmem:s17+$0x80] =	vst v11  }
0x520: {  	v11 =	vld.idx.msk [tilespmem:v12+s0+$0x0], $0xffff  }
0x521: {  	v12 =	vadd.s32 v4, v13;
	_ =	sdelay $0x3  }
0x522: {  	[tilespmem:s17+$0x90] =	vst v11  }
0x523: {  	v11 =	vld.idx.msk [tilespmem:v12+s0+$0x0], $0xffff  }
0x524: {  	v12 =	vadd.s32 v5, v13;
	_ =	sdelay $0x3  }
0x525: {  	[tilespmem:s17+$0xA0] =	vst v11  }
0x526: {  	v11 =	vld.idx.msk [tilespmem:v12+s0+$0x0], $0xffff  }
0x527: {  	v12 =	vadd.s32 v6, v13;
	_ =	sdelay $0x3  }
0x528: {  	[tilespmem:s17+$0xB0] =	vst v11  }
0x529: {  	v11 =	vld.idx.msk [tilespmem:v12+s0+$0x0], $0xffff  }
0x52a: {  	v12 =	vadd.s32 v7, v13;
	_ =	sdelay $0x3  }
0x52b: {  	[tilespmem:s17+$0xC0] =	vst v11  }
0x52c: {  	v11 =	vld.idx.msk [tilespmem:v12+s0+$0x0], $0xffff  }
0x52d: {  	v12 =	vadd.s32 v8, v13;
	_ =	sdelay $0x3  }
0x52e: {  	[tilespmem:s17+$0xD0] =	vst v11  }
0x52f: {  	v12 =	vld.idx.msk [tilespmem:v12+s0+$0x0], $0xffff  }
0x530: {  	v11 =	vadd.s32 v9, v13;
	_ =	sdelay $0x1  }
0x531: {  	s23 =	simm.s32 $0x10  }
0x532: {  	s29 =	simm.s32 $0x20;
	v13 =	vmov s23  }
.LBB2_30:
0x533: {  	p2 =	sne.s32 s29, $0xF0;
	v14 =	vor.u32 s23, v0;
	v13 =	vshll.u32 v13, $0x3;
	[tilespmem:s17+$0xE0] =	vst v12  }
0x534: {  	v12 =	vand.u32 $0x73, v14;
	v13 =	vand.u32 $0x400, v13;
	v11 =	vld.idx.msk [tilespmem:v11+s0+$0x0], $0xffff  }
0x535: {  	v12 =	vor.u32 v13, v12  }
0x536: {  	v13 =	vor.u32 v1, v12;
	_ =	sdelay $0x3  }
0x537: {  	[tilespmem:s17+$0xF0] =	vst v11  }
0x538: {  	v11 =	vld.idx.msk [tilespmem:v13+s0+$0x0], $0xffff;
	_ =	sdelay $0x1  }
0x539: {  	v13 =	vor.u32 v3, v12;
	_ =	sdelay $0x2  }
0x53a: {  	s17 =	sadd.s32 $0x200, s17  }
0x53b: {  	[tilespmem:s17+$0xFFFFFF00] =	vst v11  }
0x53c: {  	v11 =	vld.idx.msk [tilespmem:v13+s0+$0x0], $0xffff;
	_ =	sdelay $0x1  }
0x53d: {  	v13 =	vor.u32 v4, v12;
	_ =	sdelay $0x3  }
0x53e: {  	[tilespmem:s17+$0xFFFFFF10] =	vst v11  }
0x53f: {  	v11 =	vld.idx.msk [tilespmem:v13+s0+$0x0], $0xffff;
	_ =	sdelay $0x1  }
0x540: {  	v13 =	vor.u32 v5, v12;
	_ =	sdelay $0x3  }
0x541: {  	[tilespmem:s17+$0xFFFFFF20] =	vst v11  }
0x542: {  	v11 =	vld.idx.msk [tilespmem:v13+s0+$0x0], $0xffff;
	_ =	sdelay $0x1  }
0x543: {  	v13 =	vor.u32 v6, v12;
	_ =	sdelay $0x3  }
0x544: {  	[tilespmem:s17+$0xFFFFFF30] =	vst v11  }
0x545: {  	v11 =	vld.idx.msk [tilespmem:v13+s0+$0x0], $0xffff;
	_ =	sdelay $0x1  }
0x546: {  	v13 =	vor.u32 v7, v12;
	_ =	sdelay $0x3  }
0x547: {  	[tilespmem:s17+$0xFFFFFF40] =	vst v11  }
0x548: {  	v11 =	vld.idx.msk [tilespmem:v13+s0+$0x0], $0xffff;
	_ =	sdelay $0x1  }
0x549: {  	v13 =	vor.u32 v8, v12;
	_ =	sdelay $0x3  }
0x54a: {  	[tilespmem:s17+$0xFFFFFF50] =	vst v11  }
0x54b: {  	v11 =	vld.idx.msk [tilespmem:v13+s0+$0x0], $0xffff;
	_ =	sdelay $0x1  }
0x54c: {  	v12 =	vor.u32 v9, v12;
	_ =	sdelay $0x1  }
0x54d: {  	s19 =	sadd.s32 $0x4, s23  }
0x54e: {  	v13 =	vmov s19  }
0x54f: {  	v13 =	vshll.u32 v13, $0x3;
	[tilespmem:s17+$0xFFFFFF60] =	vst v11;
	v11 =	vor.u32 s19, v2  }
0x550: {  	v13 =	vand.u32 $0x7FFFFC00, v13;
	v12 =	vld.idx.msk [tilespmem:v12+s0+$0x0], $0xffff;
	v11 =	vand.u32 $0x77, v11  }
0x551: {  	v11 =	vor.u32 v13, v11  }
0x552: {  	v13 =	vor.u32 v1, v11;
	_ =	sdelay $0x3  }
0x553: {  	[tilespmem:s17+$0xFFFFFF70] =	vst v12  }
0x554: {  	v12 =	vld.idx.msk [tilespmem:v13+s0+$0x0], $0xffff;
	_ =	sdelay $0x1  }
0x555: {  	v13 =	vor.u32 v3, v11;
	_ =	sdelay $0x3  }
0x556: {  	[tilespmem:s17+$0xFFFFFF80] =	vst v12  }
0x557: {  	v12 =	vld.idx.msk [tilespmem:v13+s0+$0x0], $0xffff;
	_ =	sdelay $0x1  }
0x558: {  	v13 =	vadd.s32 v4, v11;
	_ =	sdelay $0x3  }
0x559: {  	[tilespmem:s17+$0xFFFFFF90] =	vst v12  }
0x55a: {  	v12 =	vld.idx.msk [tilespmem:v13+s0+$0x0], $0xffff;
	_ =	sdelay $0x1  }
0x55b: {  	v13 =	vadd.s32 v5, v11;
	_ =	sdelay $0x3  }
0x55c: {  	[tilespmem:s17+$0xFFFFFFA0] =	vst v12  }
0x55d: {  	v12 =	vld.idx.msk [tilespmem:v13+s0+$0x0], $0xffff;
	_ =	sdelay $0x1  }
0x55e: {  	v13 =	vadd.s32 v6, v11;
	_ =	sdelay $0x3  }
0x55f: {  	[tilespmem:s17+$0xFFFFFFB0] =	vst v12  }
0x560: {  	v12 =	vld.idx.msk [tilespmem:v13+s0+$0x0], $0xffff;
	_ =	sdelay $0x1  }
0x561: {  	v13 =	vadd.s32 v7, v11;
	_ =	sdelay $0x3  }
0x562: {  	[tilespmem:s17+$0xFFFFFFC0] =	vst v12  }
0x563: {  	v12 =	vld.idx.msk [tilespmem:v13+s0+$0x0], $0xffff;
	_ =	sdelay $0x1  }
0x564: {  	v13 =	vadd.s32 v8, v11;
	_ =	sdelay $0x3  }
0x565: {  	[tilespmem:s17+$0xFFFFFFD0] =	vst v12  }
0x566: {  	v12 =	vld.idx.msk [tilespmem:v13+s0+$0x0], $0xffff;
	_ =	sdelay $0x1  }
0x567: {  	v11 =	vadd.s32 v9, v11;
	_ =	sdelay $0x1  }
0x568: {  	s19 =	sadd.s32 $0x8, s23  }
0x569: {  	v13 =	vmov s19  }
0x56a: {  	v13 =	vshll.u32 v13, $0x3;
	[tilespmem:s17+$0xFFFFFFE0] =	vst v12;
	v12 =	vor.u32 s19, v2  }
0x56b: {  	v13 =	vand.u32 $0x7FFFFC00, v13;
	v11 =	vld.idx.msk [tilespmem:v11+s0+$0x0], $0xffff;
	v12 =	vand.u32 $0x7B, v12  }
0x56c: {  	v12 =	vor.u32 v13, v12  }
0x56d: {  	v13 =	vor.u32 v1, v12;
	_ =	sdelay $0x3  }
0x56e: {  	[tilespmem:s17+$0xFFFFFFF0] =	vst v11  }
0x56f: {  	v11 =	vld.idx.msk [tilespmem:v13+s0+$0x0], $0xffff;
	_ =	sdelay $0x1  }
0x570: {  	v13 =	vor.u32 v3, v12;
	_ =	sdelay $0x3  }
0x571: {  	[tilespmem:s17+$0x0] =	vst v11  }
0x572: {  	v11 =	vld.idx.msk [tilespmem:v13+s0+$0x0], $0xffff;
	_ =	sdelay $0x1  }
0x573: {  	v13 =	vadd.s32 v4, v12;
	_ =	sdelay $0x3  }
0x574: {  	[tilespmem:s17+$0x10] =	vst v11  }
0x575: {  	v11 =	vld.idx.msk [tilespmem:v13+s0+$0x0], $0xffff;
	_ =	sdelay $0x1  }
0x576: {  	v13 =	vadd.s32 v5, v12;
	_ =	sdelay $0x3  }
0x577: {  	[tilespmem:s17+$0x20] =	vst v11  }
0x578: {  	v11 =	vld.idx.msk [tilespmem:v13+s0+$0x0], $0xffff;
	_ =	sdelay $0x1  }
0x579: {  	v13 =	vadd.s32 v6, v12;
	_ =	sdelay $0x3  }
0x57a: {  	[tilespmem:s17+$0x30] =	vst v11  }
0x57b: {  	v11 =	vld.idx.msk [tilespmem:v13+s0+$0x0], $0xffff;
	_ =	sdelay $0x1  }
0x57c: {  	v13 =	vadd.s32 v7, v12;
	_ =	sdelay $0x3  }
0x57d: {  	[tilespmem:s17+$0x40] =	vst v11  }
0x57e: {  	v11 =	vld.idx.msk [tilespmem:v13+s0+$0x0], $0xffff;
	_ =	sdelay $0x1  }
0x57f: {  	v13 =	vadd.s32 v8, v12;
	_ =	sdelay $0x3  }
0x580: {  	[tilespmem:s17+$0x50] =	vst v11  }
0x581: {  	v11 =	vld.idx.msk [tilespmem:v13+s0+$0x0], $0xffff;
	_ =	sdelay $0x1  }
0x582: {  	v12 =	vadd.s32 v9, v12;
	_ =	sdelay $0x1  }
0x583: {  	s19 =	sadd.s32 $0xC, s23;
	s23 =	smov.u32 s29  }
0x584: {  	v13 =	vmov s19  }
0x585: {  	v13 =	vshll.u32 v13, $0x3;
	[tilespmem:s17+$0x60] =	vst v11;
	v11 =	vor.u32 s19, v2  }
0x586: {  	v13 =	vand.u32 $0x7FFFFC00, v13;
	v12 =	vld.idx.msk [tilespmem:v12+s0+$0x0], $0xffff;
	v11 =	vand.u32 $0x7F, v11  }
0x587: {  	v11 =	vor.u32 v13, v11  }
0x588: {  	v13 =	vor.u32 v1, v11;
	_ =	sdelay $0x3  }
0x589: {  	[tilespmem:s17+$0x70] =	vst v12  }
0x58a: {  	v12 =	vld.idx.msk [tilespmem:v13+s0+$0x0], $0xffff;
	_ =	sdelay $0x1  }
0x58b: {  	v13 =	vor.u32 v3, v11;
	_ =	sdelay $0x3  }
0x58c: {  	[tilespmem:s17+$0x80] =	vst v12  }
0x58d: {  	v12 =	vld.idx.msk [tilespmem:v13+s0+$0x0], $0xffff;
	_ =	sdelay $0x1  }
0x58e: {  	v13 =	vadd.s32 v4, v11;
	_ =	sdelay $0x3  }
0x58f: {  	[tilespmem:s17+$0x90] =	vst v12  }
0x590: {  	v12 =	vld.idx.msk [tilespmem:v13+s0+$0x0], $0xffff;
	_ =	sdelay $0x1  }
0x591: {  	v13 =	vadd.s32 v5, v11;
	_ =	sdelay $0x3  }
0x592: {  	[tilespmem:s17+$0xA0] =	vst v12  }
0x593: {  	v12 =	vld.idx.msk [tilespmem:v13+s0+$0x0], $0xffff;
	_ =	sdelay $0x1  }
0x594: {  	v13 =	vadd.s32 v6, v11;
	_ =	sdelay $0x3  }
0x595: {  	[tilespmem:s17+$0xB0] =	vst v12  }
0x596: {  	v12 =	vld.idx.msk [tilespmem:v13+s0+$0x0], $0xffff;
	_ =	sdelay $0x1  }
0x597: {  	v13 =	vadd.s32 v7, v11;
	_ =	sdelay $0x3  }
0x598: {  	[tilespmem:s17+$0xC0] =	vst v12  }
0x599: {  	v12 =	vld.idx.msk [tilespmem:v13+s0+$0x0], $0xffff;
	_ =	sdelay $0x1  }
0x59a: {  	v13 =	vadd.s32 v8, v11;
	_ =	sdelay $0x3  }
0x59b: {  	[tilespmem:s17+$0xD0] =	vst v12  }
0x59c: {  	v12 =	vld.idx.msk [tilespmem:v13+s0+$0x0], $0xffff  }
.Ltmp15:
0x59d: {  	(pc) =	sbr.rel @p2 .LBB2_30-.Ltmp15, $2  }
0x59e: {  	v11 =	vadd.s32 v9, v11;
	_ =	sdelay $0x2  }
0x59f: {  	s29 =	sadd.s32 $0x10, s29;
	v13 =	vmov s23  }
.Ltmp16:
0x5a0: {  	_ = 	snop;
	(pc) =	sbr.rel .LBB2_31-.Ltmp16, $1  }
0x5a1: {  	_ =	sdelay $0x3  }
.LBB2_12:
0x5a2: {  	s2 =	simm.s32 $0x3  }
0x5a3: {  	_ =	swait.ge [sflag:s2], $0x2000  }
0x5a4: {  	[sflag:s2] =	ssyncset.done $0x0  }
0x5a5: {  	s19 =	simm.s32 $0x4;
	[sflag:s2] =	ssyncadd.s32 $0xFFFFE000  }
0x5a6: {  	_ =	swait.ge [sflag:s19], $0x2000  }
0x5a7: {  	s3 =	simm.s32 @!p1 $0x4000;
	[sflag:s19] =	ssyncset.done $0x0  }
0x5a8: {  	s2 =	simm.s32 @!p1 $0x0;
	s13 =	rddreg [dreg:$0x7];
	[sflag:s19] =	ssyncadd.s32 $0xFFFFE000  }
0x5a9: {  	[tilespmem:s3], [sflag:$0xB] =	stream.linear.gather @!p1 [hbm4b:s13+s2], $0x800, $0x38;
	[tilespmem:$0x1C600] =	vst v63  }
0x5aa: {  	s13 =	simm.s32 @!p1 $0xB  }
0x5ab: {  	_ =	swait.ge @!p1 [sflag:s13], $0x800  }
0x5ac: {  	[sflag:s13] =	ssyncset.done @!p1 $0x0  }
0x5ad: {  	s17 =	rddreg [dreg:$0xe];
	[sflag:s13] =	ssyncadd.s32 @!p1 $0xFFFFF800  }
0x5ae: {  	[hbm4b:s17+s2] =	stream.linear.scatter @!p1 [tilespmem:s3], [sflag:$0xB], $0x800, $0x38;
	[tilespmem:$0x1C600] =	vst v63  }
0x5af: {  	_ =	swait.ge @!p1 [sflag:s13], $0x800  }
0x5b0: {  	[sflag:s13] =	ssyncset.done @!p1 $0x0  }
0x5b1: {  	[sflag:s13] =	ssyncadd.s32 @!p1 $0xFFFFF800  }
0x5b2: {  	[bflag:$0x0] =	sbarrier.arrive $0xFFFF  }
0x5b3: {  	s23 =	simm.s32 $0x0;
	s29 =	simm.s32 $0x8000;
	s25 =	rddreg [dreg:$0xf]  }
0x5b4: {  	[tilespmem:s29], [sflag:$0x9] =	stream.linear.gather [hbm4b:s25+s23], $0x100, $0x38;
	[tilespmem:$0x1C600] =	vst v63  }
0x5b5: {  	_ =	swait.ge [sflag:s18], $0x100  }
0x5b6: {  	[sflag:s18] =	ssyncset.done $0x0  }
0x5b7: {  	s2 =	simm.s32 $0x0;
	[sflag:s18] =	ssyncadd.s32 $0xFFFFFF00  }
0x5b8: {  	v11 =	vld [tilespmem:s2+$0x8000];
	_ =	sdelay $0x3  }
0x5b9: {  	s3 =	simm.s32 $0x40;
	v3 =	vld [tilespmem:$0x1FFB0]  }
.LBB2_13:
0x5ba: {  	s13 =	sshra.s32 s3, $0x2;
	p2 =	sne.s32 s3, $0x3C0;
	s3 =	sadd.s32 $0x40, s3;
	v12 =	vshrl.u32 v11, $0x2;
	v13 =	vshra.s32 v11, $0x1F;
	v14 =	vmov v11  }
.Ltmp17:
0x5bb: {  	v11 =	vld [tilespmem:s13+$0x8000];
	[tilespmem:s2+$0x8200] =	vst v12;
	v12 =	vshrl.u32 v13, $0x1E;
	(pc) =	sbr.rel @p2 .LBB2_13-.Ltmp17, $4  }
0x5bc: {  	v12 =	vadd.s32 v12, v14  }
0x5bd: {  	v12 =	vand.u32 $0xFFFFFFFC, v12  }
0x5be: {  	v12 =	vsub.s32 v14, v12  }
0x5bf: {  	[tilespmem:s2+$0x8400] =	vst v12;
	s2 =	smov.u32 s13  }
0x5c0: {  	v12 =	vshra.s32 v11, $0x1F  }
0x5c1: {  	v12 =	vshrl.u32 v12, $0x1E  }
0x5c2: {  	v12 =	vadd.s32 v12, v11  }
0x5c3: {  	v13 =	vshrl.u32 v11, $0x2;
	v12 =	vand.u32 $0xFFFFFFFC, v12  }
0x5c4: {  	[tilespmem:s2+$0x8200] =	vst v13;
	v11 =	vsub.s32 v11, v12  }
0x5c5: {  	s29 =	simm.s32 $0x8200;
	[tilespmem:s2+$0x8400] =	vst v11  }
0x5c6: {  	[tilespmem:s20], [sflag:$0x5] =	stream.indirect.gather [hbm4b:s8+s21], $0x80, s29, s21, $0xb8;
	[tilespmem:$0x1C600] =	vst v63  }
0x5c7: {  	s3 =	rddreg [dreg:$0x10];
	s13 =	simm.s32 $0x8100;
	s2 =	simm.s32 $0x0  }
0x5c8: {  	[tilespmem:s13], [sflag:$0xA] =	stream.linear.gather [hbm4b:s3+s2], $0x100, $0x38;
	[tilespmem:$0x1C600] =	vst v63  }
.LBB2_15:
0x5c9: {  	_ =	swait.ge [sflag:s31], $0x100  }
0x5ca: {  	[sflag:s31] =	ssyncset.done $0x0  }
0x5cb: {  	s3 =	simm.s32 $0x0;
	[sflag:s31] =	ssyncadd.s32 $0xFFFFFF00  }
0x5cc: {  	v11 =	vld [tilespmem:s3+$0x8100];
	_ =	sdelay $0x3  }
0x5cd: {  	s13 =	simm.s32 $0x40  }
.LBB2_16:
0x5ce: {  	s17 =	sshra.s32 s13, $0x2;
	p2 =	sne.s32 s13, $0x3C0;
	s13 =	sadd.s32 $0x40, s13;
	v12 =	vshrl.u32 v11, $0x2;
	v13 =	vshra.s32 v11, $0x1F;
	v14 =	vmov v11  }
.Ltmp18:
0x5cf: {  	v11 =	vld [tilespmem:s17+$0x8100];
	[tilespmem:s3+$0x8300] =	vst v12;
	v12 =	vshrl.u32 v13, $0x1E;
	(pc) =	sbr.rel @p2 .LBB2_16-.Ltmp18, $4  }
0x5d0: {  	v12 =	vadd.s32 v12, v14  }
0x5d1: {  	v12 =	vand.u32 $0xFFFFFFFC, v12  }
0x5d2: {  	v12 =	vsub.s32 v14, v12  }
0x5d3: {  	[tilespmem:s3+$0x8500] =	vst v12;
	s3 =	smov.u32 s17  }
0x5d4: {  	v12 =	vshra.s32 v11, $0x1F  }
0x5d5: {  	v12 =	vshrl.u32 v12, $0x1E  }
0x5d6: {  	v12 =	vadd.s32 v12, v11  }
0x5d7: {  	v13 =	vshrl.u32 v11, $0x2;
	v12 =	vand.u32 $0xFFFFFFFC, v12  }
0x5d8: {  	s13 =	sshll.u32 s2, $0x9;
	p3 =	seq.s32 s2, $0x3F;
	[tilespmem:s3+$0x8300] =	vst v13;
	v11 =	vsub.s32 v11, v12  }
0x5d9: {  	s23 =	simm.s32 $0x8300;
	[tilespmem:s3+$0x8500] =	vst v11;
	s3 =	sadd.s32 @!p3 s13, s22  }
0x5da: {  	[tilespmem:s14], [sflag:$0x6] =	stream.indirect.gather [hbm4b:s8+s21], $0x80, s23, s21, $0xb8;
	[tilespmem:$0x1C600] =	vst v63  }
0x5db: {  	s17 =	rddreg [dreg:$0x2];
	s3 =	sshrl.u32 @!p3 s3, $0x3  }
0x5dc: {  	s19 =	simm.s32 @!p3 $0x8000;
	s3 =	sadd.s32 @!p3 s17, s3;
	s17 =	simm.s32 @!p3 $0x0  }
0x5dd: {  	[tilespmem:s19], [sflag:$0x9] =	stream.linear.gather @!p3 [hbm4b:s3+s17], $0x100, $0x38;
	[tilespmem:$0x1C600] =	vst v63  }
0x5de: {  	_ =	swait.ge [sflag:s16], $0x8000  }
0x5df: {  	p2 =	seq.s32 s2, $0x0;
	[sflag:s16] =	ssyncset.done $0x0  }
0x5e0: {  	s3 =	simm.s32 @!p2 $0x7;
	[sflag:s16] =	ssyncadd.s32 $0xFFFF8000  }
0x5e1: {  	_ =	swait.ge @!p2 [sflag:s3], $0x2000  }
0x5e2: {  	[sflag:s3] =	ssyncset.done @!p2 $0x0  }
0x5e3: {  	[sflag:s3] =	ssyncadd.s32 @!p2 $0xFFFFE000;
	s3 =	simm.s32 $0x8400  }
0x5e4: {  	v11 =	vld [tilespmem:s3+$0x0];
	_ =	sdelay $0x1  }
0x5e5: {  	s17 =	simm.s32 $0x0  }
0x5e6: {  	v18 =	vmov s17  }
0x5e7: {  	v12 =	vshll.u32 v18, $0x7  }
0x5e8: {  	v12 =	vor.u32 v3, v12;
	v19 =	vand.u32 $0xFFFFFF80, v11  }
0x5e9: {  	v14 =	vand.u32 $0x7F, v11;
	v13 =	vadd.s32 v12, v19  }
0x5ea: {  	v13 =	vor.u32 v14, v13;
	_ =	sdelay $0x2  }
0x5eb: {  	v20 =	vadd.s32 $0x4, v11  }
0x5ec: {  	v15 =	vand.u32 $0xFFFFFF80, v20  }
0x5ed: {  	v15 =	vadd.s32 v12, v15;
	v14 =	vand.u32 $0x7F, v20;
	v13 =	vld.idx.msk [tilespmem:v13+s20+$0x0], $0xffff  }
0x5ee: {  	v14 =	vor.u32 v14, v15;
	_ =	sdelay $0x1  }
0x5ef: {  	s25 =	sand.u32 $0x70, s17;
	s23 =	sand.u32 $0x400, s17  }
0x5f0: {  	s23 =	sor.u32 s25, s23;
	v21 =	vadd.s32 $0x8, v11  }
0x5f1: {  	v16 =	vand.u32 $0xFFFFFF80, v21;
	[tilespmem:s23+$0x18600] =	vst v13  }
0x5f2: {  	v22 =	vadd.s32 v12, v16;
	v15 =	vand.u32 $0x7F, v21;
	v14 =	vld.idx.msk [tilespmem:v14+s20+$0x0], $0xffff  }
0x5f3: {  	v13 =	vor.u32 v15, v22;
	_ =	sdelay $0x2  }
0x5f4: {  	s19 =	sadd.s32 $0x18600, s23;
	v23 =	vadd.s32 $0xC, v11  }
0x5f5: {  	v24 =	vand.u32 $0xFFFFFF80, v23;
	[tilespmem:s19+$0x80] =	vst v14  }
0x5f6: {  	v25 =	vadd.s32 v12, v24;
	v15 =	vand.u32 $0x7F, v23;
	v13 =	vld.idx.msk [tilespmem:v13+s20+$0x0], $0xffff  }
0x5f7: {  	v14 =	vor.u32 v15, v25;
	_ =	sdelay $0x2  }
0x5f8: {  	v26 =	vadd.s32 $0x10, v11  }
0x5f9: {  	v27 =	vand.u32 $0xFFFFFF80, v26;
	[tilespmem:s19+$0x100] =	vst v13  }
0x5fa: {  	v28 =	vadd.s32 v12, v27;
	v15 =	vand.u32 $0x7F, v26;
	v14 =	vld.idx.msk [tilespmem:v14+s20+$0x0], $0xffff  }
0x5fb: {  	v13 =	vor.u32 v15, v28;
	_ =	sdelay $0x2  }
0x5fc: {  	v29 =	vadd.s32 $0x14, v11  }
0x5fd: {  	v30 =	vand.u32 $0xFFFFFF80, v29;
	[tilespmem:s19+$0x180] =	vst v14  }
0x5fe: {  	v31 =	vadd.s32 v12, v30;
	v15 =	vand.u32 $0x7F, v29;
	v13 =	vld.idx.msk [tilespmem:v13+s20+$0x0], $0xffff  }
0x5ff: {  	v14 =	vor.u32 v15, v31;
	_ =	sdelay $0x2  }
0x600: {  	v32 =	vadd.s32 $0x18, v11  }
0x601: {  	v33 =	vand.u32 $0xFFFFFF80, v32;
	[tilespmem:s19+$0x200] =	vst v13  }
0x602: {  	v34 =	vadd.s32 v12, v33;
	v15 =	vand.u32 $0x7F, v32;
	v14 =	vld.idx.msk [tilespmem:v14+s20+$0x0], $0xffff  }
0x603: {  	v13 =	vor.u32 v15, v34;
	_ =	sdelay $0x2  }
0x604: {  	v35 =	vadd.s32 $0x1C, v11  }
0x605: {  	v36 =	vand.u32 $0xFFFFFF80, v35;
	[tilespmem:s19+$0x280] =	vst v14  }
0x606: {  	v37 =	vadd.s32 v12, v36;
	v15 =	vand.u32 $0x7F, v35;
	v13 =	vld.idx.msk [tilespmem:v13+s20+$0x0], $0xffff  }
0x607: {  	v14 =	vor.u32 v15, v37;
	_ =	sdelay $0x2  }
0x608: {  	v38 =	vadd.s32 $0x20, v11  }
0x609: {  	v39 =	vand.u32 $0xFFFFFF80, v38;
	[tilespmem:s19+$0x300] =	vst v13  }
0x60a: {  	v40 =	vadd.s32 v12, v39;
	v15 =	vand.u32 $0x7F, v38;
	v14 =	vld.idx.msk [tilespmem:v14+s20+$0x0], $0xffff  }
0x60b: {  	v13 =	vor.u32 v15, v40;
	_ =	sdelay $0x1  }
0x60c: {  	s25 =	sor.u32 s17, s17  }
0x60d: {  	v41 =	vadd.s32 $0x24, v11;
	s19 =	sor.u32 $0x380, s25  }
0x60e: {  	v42 =	vand.u32 $0xFFFFFF80, v41;
	[tilespmem:s19+$0x18600] =	vst v14  }
0x60f: {  	v43 =	vadd.s32 v12, v42;
	v15 =	vand.u32 $0x7F, v41;
	v13 =	vld.idx.msk [tilespmem:v13+s20+$0x0], $0xffff  }
0x610: {  	v14 =	vor.u32 v15, v43;
	_ =	sdelay $0x2  }
0x611: {  	v44 =	vadd.s32 $0x28, v11  }
0x612: {  	v45 =	vand.u32 $0xFFFFFF80, v44;
	[tilespmem:s23+$0x18E00] =	vst v13  }
0x613: {  	v46 =	vadd.s32 v12, v45;
	v15 =	vand.u32 $0x7F, v44;
	v14 =	vld.idx.msk [tilespmem:v14+s20+$0x0], $0xffff  }
0x614: {  	v13 =	vor.u32 v15, v46;
	_ =	sdelay $0x2  }
0x615: {  	v47 =	vadd.s32 $0x2C, v11  }
0x616: {  	v48 =	vand.u32 $0xFFFFFF80, v47;
	[tilespmem:s23+$0x18E80] =	vst v14  }
0x617: {  	v49 =	vadd.s32 v12, v48;
	v15 =	vand.u32 $0x7F, v47;
	v13 =	vld.idx.msk [tilespmem:v13+s20+$0x0], $0xffff  }
0x618: {  	v14 =	vor.u32 v15, v49;
	_ =	sdelay $0x2  }
0x619: {  	v50 =	vadd.s32 $0x30, v11  }
0x61a: {  	v51 =	vand.u32 $0xFFFFFF80, v50;
	[tilespmem:s23+$0x18F00] =	vst v13  }
0x61b: {  	v52 =	vadd.s32 v12, v51;
	v15 =	vand.u32 $0x7F, v50;
	v14 =	vld.idx.msk [tilespmem:v14+s20+$0x0], $0xffff  }
0x61c: {  	v13 =	vor.u32 v15, v52;
	_ =	sdelay $0x2  }
0x61d: {  	v53 =	vadd.s32 $0x34, v11  }
0x61e: {  	v54 =	vand.u32 $0xFFFFFF80, v53;
	[tilespmem:s23+$0x18F80] =	vst v14  }
0x61f: {  	v55 =	vadd.s32 v12, v54;
	v15 =	vand.u32 $0x7F, v53;
	v13 =	vld.idx.msk [tilespmem:v13+s20+$0x0], $0xffff  }
0x620: {  	v14 =	vor.u32 v15, v55;
	_ =	sdelay $0x2  }
0x621: {  	v56 =	vadd.s32 $0x38, v11  }
0x622: {  	v57 =	vand.u32 $0xFFFFFF80, v56;
	[tilespmem:s23+$0x19000] =	vst v13  }
0x623: {  	v58 =	vadd.s32 v12, v57;
	v15 =	vand.u32 $0x7F, v56;
	v14 =	vld.idx.msk [tilespmem:v14+s20+$0x0], $0xffff  }
0x624: {  	v13 =	vor.u32 v15, v58;
	_ =	sdelay $0x2  }
0x625: {  	v59 =	vadd.s32 $0x3C, v11  }
0x626: {  	v60 =	vand.u32 $0xFFFFFF80, v59;
	[tilespmem:s23+$0x19080] =	vst v14  }
0x627: {  	v61 =	vadd.s32 v12, v60;
	v15 =	vand.u32 $0x7F, v59;
	v13 =	vld.idx.msk [tilespmem:v13+s20+$0x0], $0xffff  }
0x628: {  	v14 =	vor.u32 v15, v61;
	_ =	sdelay $0x2  }
0x629: {  	v62 =	vadd.s32 $0x40, v11  }
0x62a: {  	v63 =	vand.u32 $0xFFFFFF80, v62;
	[tilespmem:s23+$0x19100] =	vst v13  }
0x62b: {  	v20 =	vadd.s32 v12, v63;
	v15 =	vand.u32 $0x7F, v62;
	v14 =	vld.idx.msk [tilespmem:v14+s20+$0x0], $0xffff  }
0x62c: {  	v13 =	vor.u32 v15, v20;
	_ =	sdelay $0x2  }
0x62d: {  	v21 =	vadd.s32 $0x44, v11  }
0x62e: {  	v22 =	vand.u32 $0xFFFFFF80, v21;
	[tilespmem:s23+$0x19180] =	vst v14  }
0x62f: {  	v23 =	vadd.s32 v12, v22;
	v15 =	vand.u32 $0x7F, v21;
	v13 =	vld.idx.msk [tilespmem:v13+s20+$0x0], $0xffff  }
0x630: {  	v14 =	vor.u32 v15, v23;
	_ =	sdelay $0x2  }
0x631: {  	v24 =	vadd.s32 $0x48, v11  }
0x632: {  	v25 =	vand.u32 $0xFFFFFF80, v24;
	[tilespmem:s23+$0x19600] =	vst v13  }
0x633: {  	v26 =	vadd.s32 v12, v25;
	v15 =	vand.u32 $0x7F, v24;
	v14 =	vld.idx.msk [tilespmem:v14+s20+$0x0], $0xffff  }
0x634: {  	v13 =	vor.u32 v15, v26;
	_ =	sdelay $0x2  }
0x635: {  	v27 =	vadd.s32 $0x4C, v11  }
0x636: {  	v28 =	vand.u32 $0xFFFFFF80, v27;
	[tilespmem:s23+$0x19680] =	vst v14  }
0x637: {  	v29 =	vadd.s32 v12, v28;
	v15 =	vand.u32 $0x7F, v27;
	v13 =	vld.idx.msk [tilespmem:v13+s20+$0x0], $0xffff  }
0x638: {  	v14 =	vor.u32 v15, v29;
	_ =	sdelay $0x2  }
0x639: {  	v30 =	vadd.s32 $0x50, v11  }
0x63a: {  	v31 =	vand.u32 $0xFFFFFF80, v30;
	[tilespmem:s23+$0x19700] =	vst v13  }
0x63b: {  	v32 =	vadd.s32 v12, v31;
	v15 =	vand.u32 $0x7F, v30;
	v14 =	vld.idx.msk [tilespmem:v14+s20+$0x0], $0xffff  }
0x63c: {  	v13 =	vor.u32 v15, v32;
	_ =	sdelay $0x2  }
0x63d: {  	v33 =	vadd.s32 $0x54, v11  }
0x63e: {  	v34 =	vand.u32 $0xFFFFFF80, v33;
	[tilespmem:s23+$0x19780] =	vst v14  }
0x63f: {  	v35 =	vadd.s32 v12, v34;
	v15 =	vand.u32 $0x7F, v33;
	v13 =	vld.idx.msk [tilespmem:v13+s20+$0x0], $0xffff  }
0x640: {  	v14 =	vor.u32 v15, v35;
	_ =	sdelay $0x2  }
0x641: {  	v36 =	vadd.s32 $0x58, v11  }
0x642: {  	v37 =	vand.u32 $0xFFFFFF80, v36;
	[tilespmem:s23+$0x19800] =	vst v13  }
0x643: {  	v38 =	vadd.s32 v12, v37;
	v15 =	vand.u32 $0x7F, v36;
	v14 =	vld.idx.msk [tilespmem:v14+s20+$0x0], $0xffff  }
0x644: {  	v13 =	vor.u32 v15, v38;
	_ =	sdelay $0x2  }
0x645: {  	v39 =	vadd.s32 $0x5C, v11  }
0x646: {  	v40 =	vand.u32 $0xFFFFFF80, v39;
	[tilespmem:s23+$0x19880] =	vst v14  }
0x647: {  	v41 =	vadd.s32 v12, v40;
	v15 =	vand.u32 $0x7F, v39;
	v13 =	vld.idx.msk [tilespmem:v13+s20+$0x0], $0xffff  }
0x648: {  	v14 =	vor.u32 v15, v41;
	_ =	sdelay $0x2  }
0x649: {  	v42 =	vadd.s32 $0x60, v11  }
0x64a: {  	v43 =	vand.u32 $0xFFFFFF80, v42;
	[tilespmem:s23+$0x19900] =	vst v13  }
0x64b: {  	v44 =	vadd.s32 v12, v43;
	v15 =	vand.u32 $0x7F, v42;
	v14 =	vld.idx.msk [tilespmem:v14+s20+$0x0], $0xffff  }
0x64c: {  	v13 =	vor.u32 v15, v44;
	_ =	sdelay $0x2  }
0x64d: {  	v45 =	vadd.s32 $0x64, v11  }
0x64e: {  	v46 =	vand.u32 $0xFFFFFF80, v45;
	[tilespmem:s23+$0x19980] =	vst v14  }
0x64f: {  	v47 =	vadd.s32 v12, v46;
	v15 =	vand.u32 $0x7F, v45;
	v13 =	vld.idx.msk [tilespmem:v13+s20+$0x0], $0xffff  }
0x650: {  	v14 =	vor.u32 v15, v47;
	_ =	sdelay $0x2  }
0x651: {  	v48 =	vadd.s32 $0x68, v11  }
0x652: {  	v49 =	vand.u32 $0xFFFFFF80, v48;
	[tilespmem:s23+$0x19E00] =	vst v13  }
0x653: {  	v50 =	vadd.s32 v12, v49;
	v15 =	vand.u32 $0x7F, v48;
	v14 =	vld.idx.msk [tilespmem:v14+s20+$0x0], $0xffff  }
0x654: {  	v13 =	vor.u32 v15, v50;
	_ =	sdelay $0x2  }
0x655: {  	v51 =	vadd.s32 $0x6C, v11  }
0x656: {  	v52 =	vand.u32 $0xFFFFFF80, v51;
	[tilespmem:s23+$0x19E80] =	vst v14  }
0x657: {  	v53 =	vadd.s32 v12, v52;
	v15 =	vand.u32 $0x7F, v51;
	v13 =	vld.idx.msk [tilespmem:v13+s20+$0x0], $0xffff  }
0x658: {  	v14 =	vor.u32 v15, v53;
	_ =	sdelay $0x2  }
0x659: {  	v54 =	vadd.s32 $0x70, v11  }
0x65a: {  	v55 =	vand.u32 $0xFFFFFF80, v54;
	[tilespmem:s23+$0x19F00] =	vst v13  }
0x65b: {  	v56 =	vadd.s32 v12, v55;
	v15 =	vand.u32 $0x7F, v54;
	v14 =	vld.idx.msk [tilespmem:v14+s20+$0x0], $0xffff  }
0x65c: {  	v13 =	vor.u32 v15, v56;
	_ =	sdelay $0x2  }
0x65d: {  	v57 =	vadd.s32 $0x74, v11  }
0x65e: {  	v58 =	vand.u32 $0xFFFFFF80, v57;
	[tilespmem:s23+$0x19F80] =	vst v14  }
0x65f: {  	v59 =	vadd.s32 v12, v58;
	v15 =	vand.u32 $0x7F, v57;
	v13 =	vld.idx.msk [tilespmem:v13+s20+$0x0], $0xffff  }
0x660: {  	v14 =	vor.u32 v15, v59;
	_ =	sdelay $0x2  }
0x661: {  	v60 =	vadd.s32 $0x78, v11  }
0x662: {  	v61 =	vand.u32 $0xFFFFFF80, v60;
	[tilespmem:s23+$0x1A000] =	vst v13  }
0x663: {  	v62 =	vadd.s32 v12, v61;
	v15 =	vand.u32 $0x7F, v60;
	v14 =	vld.idx.msk [tilespmem:v14+s20+$0x0], $0xffff  }
0x664: {  	v13 =	vor.u32 v15, v62;
	_ =	sdelay $0x2  }
0x665: {  	v11 =	vadd.s32 $0x7C, v11  }
0x666: {  	v63 =	vand.u32 $0xFFFFFF80, v11;
	[tilespmem:s23+$0x1A080] =	vst v14  }
0x667: {  	v11 =	vand.u32 $0x7F, v11;
	v12 =	vadd.s32 v12, v63;
	v13 =	vld.idx.msk [tilespmem:v13+s20+$0x0], $0xffff  }
0x668: {  	v11 =	vor.u32 v11, v12;
	_ =	sdelay $0x3  }
0x669: {  	[tilespmem:s23+$0x1A100] =	vst v13  }
0x66a: {  	s29 =	simm.s32 $0x10;
	v11 =	vld.idx.msk [tilespmem:v11+s20+$0x0], $0xffff  }
.LBB2_18:
0x66b: {  	_ =	sdelay $0x3  }
0x66c: {  	p4 =	sne.s32 s29, $0xF0;
	s17 =	sadd.s32 $0x80, s17;
	s3 =	sadd.s32 $0x10, s3;
	[tilespmem:s23+$0x1A180] =	vst v11  }
0x66d: {  	s25 =	smov.u32 s29;
	s29 =	sadd.s32 $0x10, s29;
	v11 =	vld [tilespmem:s3+$0x0];
	_ =	sdelay $0x2  }
0x66e: {  	v12 =	vmov s25  }
0x66f: {  	v12 =	vshll.u32 v12, $0x7  }
0x670: {  	v12 =	vor.u32 v3, v12;
	v13 =	vand.u32 $0xFFFFFF80, v11;
	v14 =	vadd.s32 $0x4, v11  }
0x671: {  	v15 =	vand.u32 $0x7F, v11;
	v13 =	vadd.s32 v12, v13;
	v16 =	vand.u32 $0xFFFFFF80, v14  }
0x672: {  	v13 =	vor.u32 v15, v13;
	v15 =	vadd.s32 v12, v16;
	v16 =	vadd.s32 $0x8, v11  }
0x673: {  	v18 =	vadd.s32 $0xC, v11;
	v20 =	vadd.s32 $0x10, v11;
	v17 =	vand.u32 $0xFFFFFF80, v16  }
0x674: {  	v19 =	vand.u32 $0xFFFFFF80, v18;
	v21 =	vand.u32 $0xFFFFFF80, v20;
	v17 =	vadd.s32 v12, v17  }
0x675: {  	v63 =	vadd.s32 $0x14, v11;
	v19 =	vadd.s32 v12, v19;
	v21 =	vadd.s32 v12, v21  }
0x676: {  	v61 =	vadd.s32 $0x18, v11;
	v57 =	vadd.s32 $0x1C, v11;
	v22 =	vand.u32 $0xFFFFFF80, v63  }
0x677: {  	v23 =	vand.u32 $0xFFFFFF80, v57;
	v0 =	vadd.s32 v12, v22;
	v22 =	vand.u32 $0xFFFFFF80, v61;
	v13 =	vld.idx.msk [tilespmem:v13+s20+$0x0], $0xffff  }
0x678: {  	v14 =	vand.u32 $0x7F, v14;
	v59 =	vadd.s32 v12, v23;
	v62 =	vadd.s32 v12, v22  }
0x679: {  	v58 =	vadd.s32 $0x20, v11;
	v54 =	vadd.s32 $0x24, v11;
	v14 =	vor.u32 v14, v15  }
0x67a: {  	v52 =	vadd.s32 $0x28, v11;
	v15 =	vand.u32 $0xFFFFFF80, v58;
	v22 =	vand.u32 $0xFFFFFF80, v54  }
0x67b: {  	s19 =	sand.u32 $0x70, s25;
	s23 =	sand.u32 $0x400, s17;
	v60 =	vadd.s32 v12, v15;
	v56 =	vadd.s32 v12, v22;
	v15 =	vand.u32 $0xFFFFFF80, v52  }
0x67c: {  	s23 =	sor.u32 s19, s23;
	v51 =	vadd.s32 $0x2C, v11;
	v48 =	vadd.s32 $0x30, v11;
	v55 =	vadd.s32 v12, v15  }
0x67d: {  	v46 =	vadd.s32 $0x34, v11;
	v15 =	vand.u32 $0xFFFFFF80, v48;
	[tilespmem:s23+$0x18600] =	vst v13;
	v13 =	vand.u32 $0xFFFFFF80, v51  }
0x67e: {  	v50 =	vadd.s32 v12, v15;
	v14 =	vld.idx.msk [tilespmem:v14+s20+$0x0], $0xffff;
	v53 =	vadd.s32 v12, v13;
	v13 =	vand.u32 $0xFFFFFF80, v46  }
0x67f: {  	v45 =	vadd.s32 $0x38, v11;
	v15 =	vand.u32 $0x7F, v16;
	v49 =	vadd.s32 v12, v13  }
0x680: {  	v43 =	vadd.s32 $0x3C, v11;
	v13 =	vor.u32 v15, v17;
	v15 =	vand.u32 $0xFFFFFF80, v45  }
0x681: {  	v41 =	vadd.s32 $0x40, v11;
	v47 =	vadd.s32 v12, v15;
	v15 =	vand.u32 $0xFFFFFF80, v43  }
0x682: {  	v38 =	vadd.s32 $0x44, v11;
	v44 =	vadd.s32 v12, v15;
	v15 =	vand.u32 $0xFFFFFF80, v41  }
0x683: {  	s19 =	sadd.s32 $0x18600, s23;
	v36 =	vadd.s32 $0x48, v11;
	v42 =	vadd.s32 v12, v15;
	v15 =	vand.u32 $0xFFFFFF80, v38  }
0x684: {  	v35 =	vadd.s32 $0x4C, v11;
	v40 =	vadd.s32 v12, v15;
	[tilespmem:s19+$0x80] =	vst v14;
	v14 =	vand.u32 $0xFFFFFF80, v36  }
0x685: {  	v32 =	vadd.s32 $0x50, v11;
	v13 =	vld.idx.msk [tilespmem:v13+s20+$0x0], $0xffff;
	v39 =	vadd.s32 v12, v14;
	v14 =	vand.u32 $0xFFFFFF80, v35  }
0x686: {  	v15 =	vand.u32 $0x7F, v18;
	v37 =	vadd.s32 v12, v14;
	v14 =	vand.u32 $0xFFFFFF80, v32  }
0x687: {  	v31 =	vadd.s32 $0x54, v11;
	v15 =	vor.u32 v15, v19;
	v34 =	vadd.s32 v12, v14  }
0x688: {  	v29 =	vadd.s32 $0x58, v11;
	v26 =	vadd.s32 $0x5C, v11;
	v14 =	vand.u32 $0xFFFFFF80, v31  }
0x689: {  	v16 =	vand.u32 $0xFFFFFF80, v26;
	v33 =	vadd.s32 v12, v14;
	v14 =	vand.u32 $0xFFFFFF80, v29  }
0x68a: {  	v24 =	vadd.s32 $0x60, v11;
	v28 =	vadd.s32 v12, v16;
	v30 =	vadd.s32 v12, v14  }
0x68b: {  	v23 =	vadd.s32 $0x64, v11;
	v19 =	vadd.s32 $0x68, v11;
	[tilespmem:s19+$0x100] =	vst v13;
	v13 =	vand.u32 $0xFFFFFF80, v24  }
0x68c: {  	v14 =	vand.u32 $0xFFFFFF80, v19;
	v15 =	vld.idx.msk [tilespmem:v15+s20+$0x0], $0xffff;
	v27 =	vadd.s32 v12, v13;
	v13 =	vand.u32 $0xFFFFFF80, v23  }
0x68d: {  	v16 =	vand.u32 $0x7F, v20;
	v22 =	vadd.s32 v12, v14;
	v25 =	vadd.s32 v12, v13  }
0x68e: {  	v20 =	vadd.s32 $0x6C, v11;
	v10 =	vor.u32 v16, v21;
	v17 =	vadd.s32 $0x70, v11  }
0x68f: {  	v16 =	vand.u32 $0xFFFFFF80, v17;
	v14 =	vadd.s32 $0x74, v11;
	v13 =	vand.u32 $0xFFFFFF80, v20  }
0x690: {  	v18 =	vadd.s32 v12, v16;
	v21 =	vadd.s32 v12, v13;
	v13 =	vand.u32 $0xFFFFFF80, v14  }
0x691: {  	v16 =	vadd.s32 v12, v13;
	v13 =	vadd.s32 $0x78, v11;
	v11 =	vadd.s32 $0x7C, v11  }
0x692: {  	v2 =	vand.u32 $0xFFFFFF80, v11;
	[tilespmem:s19+$0x180] =	vst v15;
	v15 =	vand.u32 $0xFFFFFF80, v13  }
0x693: {  	v10 =	vld.idx.msk [tilespmem:v10+s20+$0x0], $0xffff;
	v15 =	vadd.s32 v12, v15;
	v12 =	vadd.s32 v12, v2  }
0x694: {  	v2 =	vand.u32 $0x7F, v63  }
0x695: {  	v0 =	vor.u32 v2, v0;
	_ =	sdelay $0x3  }
0x696: {  	[tilespmem:s19+$0x200] =	vst v10  }
0x697: {  	v0 =	vld.idx.msk [tilespmem:v0+s20+$0x0], $0xffff  }
0x698: {  	v2 =	vand.u32 $0x7F, v61  }
0x699: {  	v2 =	vor.u32 v2, v62;
	_ =	sdelay $0x3  }
0x69a: {  	[tilespmem:s19+$0x280] =	vst v0  }
0x69b: {  	v0 =	vld.idx.msk [tilespmem:v2+s20+$0x0], $0xffff  }
0x69c: {  	v2 =	vand.u32 $0x7F, v57  }
0x69d: {  	v2 =	vor.u32 v2, v59;
	_ =	sdelay $0x3  }
0x69e: {  	[tilespmem:s19+$0x300] =	vst v0  }
0x69f: {  	v0 =	vld.idx.msk [tilespmem:v2+s20+$0x0], $0xffff  }
0x6a0: {  	v2 =	vand.u32 $0x7F, v58  }
0x6a1: {  	v2 =	vor.u32 v2, v60;
	_ =	sdelay $0x1  }
0x6a2: {  	s19 =	sor.u32 s17, s25  }
0x6a3: {  	s19 =	sor.u32 $0x380, s19  }
0x6a4: {  	[tilespmem:s19+$0x18600] =	vst v0  }
0x6a5: {  	v0 =	vld.idx.msk [tilespmem:v2+s20+$0x0], $0xffff  }
0x6a6: {  	v2 =	vand.u32 $0x7F, v54  }
0x6a7: {  	v2 =	vor.u32 v2, v56;
	_ =	sdelay $0x3  }
0x6a8: {  	[tilespmem:s23+$0x18E00] =	vst v0  }
0x6a9: {  	v0 =	vld.idx.msk [tilespmem:v2+s20+$0x0], $0xffff  }
0x6aa: {  	v2 =	vand.u32 $0x7F, v52  }
0x6ab: {  	v2 =	vor.u32 v2, v55;
	_ =	sdelay $0x3  }
0x6ac: {  	[tilespmem:s23+$0x18E80] =	vst v0  }
0x6ad: {  	v0 =	vld.idx.msk [tilespmem:v2+s20+$0x0], $0xffff  }
0x6ae: {  	v2 =	vand.u32 $0x7F, v51  }
0x6af: {  	v2 =	vor.u32 v2, v53;
	_ =	sdelay $0x3  }
0x6b0: {  	[tilespmem:s23+$0x18F00] =	vst v0  }
0x6b1: {  	v0 =	vld.idx.msk [tilespmem:v2+s20+$0x0], $0xffff  }
0x6b2: {  	v2 =	vand.u32 $0x7F, v48  }
0x6b3: {  	v2 =	vor.u32 v2, v50;
	_ =	sdelay $0x3  }
0x6b4: {  	[tilespmem:s23+$0x18F80] =	vst v0  }
0x6b5: {  	v0 =	vld.idx.msk [tilespmem:v2+s20+$0x0], $0xffff  }
0x6b6: {  	v2 =	vand.u32 $0x7F, v46  }
0x6b7: {  	v2 =	vor.u32 v2, v49;
	_ =	sdelay $0x3  }
0x6b8: {  	[tilespmem:s23+$0x19000] =	vst v0  }
0x6b9: {  	v0 =	vld.idx.msk [tilespmem:v2+s20+$0x0], $0xffff  }
0x6ba: {  	v2 =	vand.u32 $0x7F, v45  }
0x6bb: {  	v2 =	vor.u32 v2, v47;
	_ =	sdelay $0x3  }
0x6bc: {  	[tilespmem:s23+$0x19080] =	vst v0  }
0x6bd: {  	v0 =	vld.idx.msk [tilespmem:v2+s20+$0x0], $0xffff  }
0x6be: {  	v2 =	vand.u32 $0x7F, v43  }
0x6bf: {  	v2 =	vor.u32 v2, v44;
	_ =	sdelay $0x3  }
0x6c0: {  	[tilespmem:s23+$0x19100] =	vst v0  }
0x6c1: {  	v0 =	vld.idx.msk [tilespmem:v2+s20+$0x0], $0xffff  }
0x6c2: {  	v2 =	vand.u32 $0x7F, v41  }
0x6c3: {  	v2 =	vor.u32 v2, v42;
	_ =	sdelay $0x3  }
0x6c4: {  	[tilespmem:s23+$0x19180] =	vst v0  }
0x6c5: {  	v0 =	vld.idx.msk [tilespmem:v2+s20+$0x0], $0xffff  }
0x6c6: {  	v2 =	vand.u32 $0x7F, v38  }
0x6c7: {  	v2 =	vor.u32 v2, v40;
	_ =	sdelay $0x3  }
0x6c8: {  	[tilespmem:s23+$0x19600] =	vst v0  }
0x6c9: {  	v0 =	vld.idx.msk [tilespmem:v2+s20+$0x0], $0xffff  }
0x6ca: {  	v2 =	vand.u32 $0x7F, v36  }
0x6cb: {  	v2 =	vor.u32 v2, v39;
	_ =	sdelay $0x3  }
0x6cc: {  	[tilespmem:s23+$0x19680] =	vst v0  }
0x6cd: {  	v0 =	vld.idx.msk [tilespmem:v2+s20+$0x0], $0xffff  }
0x6ce: {  	v2 =	vand.u32 $0x7F, v35  }
0x6cf: {  	v2 =	vor.u32 v2, v37;
	_ =	sdelay $0x3  }
0x6d0: {  	[tilespmem:s23+$0x19700] =	vst v0  }
0x6d1: {  	v0 =	vld.idx.msk [tilespmem:v2+s20+$0x0], $0xffff  }
0x6d2: {  	v2 =	vand.u32 $0x7F, v32  }
0x6d3: {  	v2 =	vor.u32 v2, v34;
	_ =	sdelay $0x3  }
0x6d4: {  	[tilespmem:s23+$0x19780] =	vst v0  }
0x6d5: {  	v0 =	vld.idx.msk [tilespmem:v2+s20+$0x0], $0xffff  }
0x6d6: {  	v2 =	vand.u32 $0x7F, v31  }
0x6d7: {  	v2 =	vor.u32 v2, v33;
	_ =	sdelay $0x3  }
0x6d8: {  	[tilespmem:s23+$0x19800] =	vst v0  }
0x6d9: {  	v0 =	vld.idx.msk [tilespmem:v2+s20+$0x0], $0xffff  }
0x6da: {  	v2 =	vand.u32 $0x7F, v29  }
0x6db: {  	v2 =	vor.u32 v2, v30;
	_ =	sdelay $0x3  }
0x6dc: {  	[tilespmem:s23+$0x19880] =	vst v0  }
0x6dd: {  	v0 =	vld.idx.msk [tilespmem:v2+s20+$0x0], $0xffff  }
0x6de: {  	v2 =	vand.u32 $0x7F, v26  }
0x6df: {  	v2 =	vor.u32 v2, v28;
	_ =	sdelay $0x3  }
0x6e0: {  	[tilespmem:s23+$0x19900] =	vst v0  }
0x6e1: {  	v0 =	vld.idx.msk [tilespmem:v2+s20+$0x0], $0xffff  }
0x6e2: {  	v2 =	vand.u32 $0x7F, v24  }
0x6e3: {  	v2 =	vor.u32 v2, v27;
	_ =	sdelay $0x3  }
0x6e4: {  	[tilespmem:s23+$0x19980] =	vst v0  }
0x6e5: {  	v0 =	vld.idx.msk [tilespmem:v2+s20+$0x0], $0xffff  }
0x6e6: {  	v2 =	vand.u32 $0x7F, v23  }
0x6e7: {  	v2 =	vor.u32 v2, v25;
	_ =	sdelay $0x3  }
0x6e8: {  	[tilespmem:s23+$0x19E00] =	vst v0  }
0x6e9: {  	v0 =	vld.idx.msk [tilespmem:v2+s20+$0x0], $0xffff  }
0x6ea: {  	v2 =	vand.u32 $0x7F, v19  }
0x6eb: {  	v2 =	vor.u32 v2, v22;
	_ =	sdelay $0x3  }
0x6ec: {  	[tilespmem:s23+$0x19E80] =	vst v0  }
0x6ed: {  	v0 =	vld.idx.msk [tilespmem:v2+s20+$0x0], $0xffff  }
0x6ee: {  	v2 =	vand.u32 $0x7F, v20  }
0x6ef: {  	v2 =	vor.u32 v2, v21;
	_ =	sdelay $0x3  }
0x6f0: {  	[tilespmem:s23+$0x19F00] =	vst v0  }
0x6f1: {  	v0 =	vld.idx.msk [tilespmem:v2+s20+$0x0], $0xffff  }
0x6f2: {  	v2 =	vand.u32 $0x7F, v17  }
0x6f3: {  	v2 =	vor.u32 v2, v18;
	_ =	sdelay $0x3  }
0x6f4: {  	[tilespmem:s23+$0x19F80] =	vst v0  }
0x6f5: {  	v0 =	vld.idx.msk [tilespmem:v2+s20+$0x0], $0xffff  }
0x6f6: {  	v2 =	vand.u32 $0x7F, v14  }
0x6f7: {  	v2 =	vor.u32 v2, v16;
	_ =	sdelay $0x3  }
0x6f8: {  	[tilespmem:s23+$0x1A000] =	vst v0  }
0x6f9: {  	v0 =	vld.idx.msk [tilespmem:v2+s20+$0x0], $0xffff  }
0x6fa: {  	v2 =	vand.u32 $0x7F, v13  }
0x6fb: {  	v2 =	vor.u32 v2, v15;
	_ =	sdelay $0x3  }
0x6fc: {  	[tilespmem:s23+$0x1A080] =	vst v0  }
0x6fd: {  	v0 =	vld.idx.msk [tilespmem:v2+s20+$0x0], $0xffff  }
0x6fe: {  	v2 =	vand.u32 $0x7F, v11  }
0x6ff: {  	v2 =	vor.u32 v2, v12  }
.Ltmp19:
0x700: {  	(pc) =	sbr.rel @p4 .LBB2_18-.Ltmp19, $3  }
0x701: {  	_ =	sdelay $0x1  }
0x702: {  	[tilespmem:s23+$0x1A100] =	vst v0  }
0x703: {  	v11 =	vld.idx.msk [tilespmem:v2+s20+$0x0], $0xffff  }
0x704: {  	_ = 	snop  }
.Ltmp20:
0x705: {  	_ = 	snop;
	(pc) =	sbr.rel @!p3 .LBB2_20-.Ltmp20, $4  }
0x706: {  	_ = 	snop  }
0x707: {  	s3 =	sor.u32 s1, s13  }
0x708: {  	s19 =	simm.s32 $0x18600;
	s17 =	sadd.s32 s12, s3;
	[tilespmem:s23+$0x1A180] =	vst v11  }
0x709: {  	[hbm4b:s17+s30] =	stream.strided.scatter [tilespmem:s19], [sflag:$0x7], $0x2000, s6, s30, $0x38;
	[tilespmem:$0x1C600] =	vst v63  }
.Ltmp21:
0x70a: {  	(pc) =	sbr.rel .LBB2_45-.Ltmp21, $4  }
0x70b: {  	_ = 	snop  }
0x70c: {  	_ =	swait.ge [sflag:s28], $0x8000  }
0x70d: {  	[sflag:s28] =	ssyncset.done $0x0  }
0x70e: {  	[sflag:s28] =	ssyncadd.s32 $0xFFFF8000  }
.LBB2_20:
0x70f: {  	_ =	swait.ge [sflag:s18], $0x100  }
0x710: {  	[sflag:s18] =	ssyncset.done $0x0  }
0x711: {  	s17 =	simm.s32 $0x0;
	[sflag:s18] =	ssyncadd.s32 $0xFFFFFF00  }
0x712: {  	v11 =	vld [tilespmem:s17+$0x8000];
	_ =	sdelay $0x3  }
0x713: {  	s19 =	simm.s32 $0x40  }
.LBB2_21:
0x714: {  	s23 =	sshra.s32 s19, $0x2;
	p3 =	sne.s32 s19, $0x3C0;
	s19 =	sadd.s32 $0x40, s19;
	v0 =	vshrl.u32 v11, $0x2;
	v2 =	vshra.s32 v11, $0x1F;
	v10 =	vmov v11  }
.Ltmp22:
0x715: {  	v11 =	vld [tilespmem:s23+$0x8000];
	[tilespmem:s17+$0x8200] =	vst v0;
	v0 =	vshrl.u32 v2, $0x1E;
	(pc) =	sbr.rel @p3 .LBB2_21-.Ltmp22, $4  }
0x716: {  	v0 =	vadd.s32 v0, v10  }
0x717: {  	v0 =	vand.u32 $0xFFFFFFFC, v0  }
0x718: {  	v0 =	vsub.s32 v10, v0  }
0x719: {  	[tilespmem:s17+$0x8400] =	vst v0;
	s17 =	smov.u32 s23  }
0x71a: {  	v0 =	vshra.s32 v11, $0x1F  }
0x71b: {  	v0 =	vshrl.u32 v0, $0x1E  }
0x71c: {  	v0 =	vadd.s32 v0, v11  }
0x71d: {  	v2 =	vshrl.u32 v11, $0x2;
	s23 =	rddreg [dreg:$0x11];
	v0 =	vand.u32 $0xFFFFFFFC, v0  }
0x71e: {  	[tilespmem:s17+$0x8200] =	vst v2;
	s13 =	sadd.s32 s13, s23;
	v0 =	vsub.s32 v11, v0  }
0x71f: {  	s19 =	simm.s32 $0x8200;
	s25 =	rddreg [dreg:$0x2];
	s13 =	sshrl.u32 s13, $0x3;
	[tilespmem:s17+$0x8400] =	vst v0  }
0x720: {  	[tilespmem:s20], [sflag:$0x5] =	stream.indirect.gather [hbm4b:s8+s21], $0x80, s19, s21, $0xb8;
	[tilespmem:$0x1C600] =	vst v63  }
.Ltmp23:
0x721: {  	s29 =	simm.s32 $0x8100;
	s13 =	sadd.s32 s25, s13;
	(pc) =	sbr.rel @p2 .LBB2_46-.Ltmp23, $4  }
0x722: {  	[tilespmem:s29], [sflag:$0xA] =	stream.linear.gather [hbm4b:s13+s4], $0x100, $0x38;
	[tilespmem:$0x1C600] =	vst v63  }
0x723: {  	_ =	swait.ge [sflag:s28], $0x8000  }
0x724: {  	[sflag:s28] =	ssyncset.done $0x0  }
0x725: {  	[sflag:s28] =	ssyncadd.s32 $0xFFFF8000  }
.LBB2_45:
0x726: {  	_ =	swait.ge [sflag:s24], $0x2000  }
0x727: {  	[sflag:s24] =	ssyncset.done $0x0  }
0x728: {  	[sflag:s24] =	ssyncadd.s32 $0xFFFFE000  }
.LBB2_46:
0x729: {  	s13 =	simm.s32 $0x8500  }
0x72a: {  	v11 =	vld [tilespmem:s13+$0x0];
	_ =	sdelay $0x1  }
0x72b: {  	s17 =	simm.s32 $0x0  }
0x72c: {  	v0 =	vmov s17  }
0x72d: {  	v0 =	vshll.u32 v0, $0x7  }
0x72e: {  	v12 =	vor.u32 v3, v0;
	v2 =	vand.u32 $0xFFFFFF80, v11  }
0x72f: {  	v0 =	vand.u32 $0x7F, v11;
	v2 =	vadd.s32 v12, v2  }
0x730: {  	v0 =	vor.u32 v0, v2;
	_ =	sdelay $0x2  }
0x731: {  	v2 =	vadd.s32 $0x4, v11  }
0x732: {  	v10 =	vand.u32 $0xFFFFFF80, v2  }
0x733: {  	v2 =	vand.u32 $0x7F, v2;
	v10 =	vadd.s32 v12, v10;
	v0 =	vld.idx.msk [tilespmem:v0+s14+$0x0], $0xffff  }
0x734: {  	v2 =	vor.u32 v2, v10;
	_ =	sdelay $0x1  }
0x735: {  	s19 =	sand.u32 $0x70, s17;
	s23 =	sand.u32 $0x400, s17  }
0x736: {  	s23 =	sor.u32 s19, s23;
	v10 =	vadd.s32 $0x8, v11  }
0x737: {  	v13 =	vand.u32 $0xFFFFFF80, v10;
	[tilespmem:s23+$0x1A600] =	vst v0  }
0x738: {  	v10 =	vand.u32 $0x7F, v10;
	v0 =	vadd.s32 v12, v13;
	v2 =	vld.idx.msk [tilespmem:v2+s14+$0x0], $0xffff  }
0x739: {  	v0 =	vor.u32 v10, v0;
	_ =	sdelay $0x2  }
0x73a: {  	s19 =	sadd.s32 $0x1A600, s23;
	v10 =	vadd.s32 $0xC, v11  }
0x73b: {  	v36 =	vand.u32 $0xFFFFFF80, v10;
	[tilespmem:s19+$0x80] =	vst v2  }
0x73c: {  	v10 =	vand.u32 $0x7F, v10;
	v2 =	vadd.s32 v12, v36;
	v0 =	vld.idx.msk [tilespmem:v0+s14+$0x0], $0xffff  }
0x73d: {  	v2 =	vor.u32 v10, v2;
	_ =	sdelay $0x2  }
0x73e: {  	v10 =	vadd.s32 $0x10, v11  }
0x73f: {  	v37 =	vand.u32 $0xFFFFFF80, v10;
	[tilespmem:s19+$0x100] =	vst v0  }
0x740: {  	v10 =	vand.u32 $0x7F, v10;
	v0 =	vadd.s32 v12, v37;
	v2 =	vld.idx.msk [tilespmem:v2+s14+$0x0], $0xffff  }
0x741: {  	v0 =	vor.u32 v10, v0;
	_ =	sdelay $0x2  }
0x742: {  	v10 =	vadd.s32 $0x14, v11  }
0x743: {  	v38 =	vand.u32 $0xFFFFFF80, v10;
	[tilespmem:s19+$0x180] =	vst v2  }
0x744: {  	v10 =	vand.u32 $0x7F, v10;
	v2 =	vadd.s32 v12, v38;
	v0 =	vld.idx.msk [tilespmem:v0+s14+$0x0], $0xffff  }
0x745: {  	v2 =	vor.u32 v10, v2;
	_ =	sdelay $0x2  }
0x746: {  	v10 =	vadd.s32 $0x18, v11  }
0x747: {  	v39 =	vand.u32 $0xFFFFFF80, v10;
	[tilespmem:s19+$0x200] =	vst v0  }
0x748: {  	v10 =	vand.u32 $0x7F, v10;
	v0 =	vadd.s32 v12, v39;
	v2 =	vld.idx.msk [tilespmem:v2+s14+$0x0], $0xffff  }
0x749: {  	v0 =	vor.u32 v10, v0;
	_ =	sdelay $0x2  }
0x74a: {  	v10 =	vadd.s32 $0x1C, v11  }
0x74b: {  	v40 =	vand.u32 $0xFFFFFF80, v10;
	[tilespmem:s19+$0x280] =	vst v2  }
0x74c: {  	v10 =	vand.u32 $0x7F, v10;
	v2 =	vadd.s32 v12, v40;
	v0 =	vld.idx.msk [tilespmem:v0+s14+$0x0], $0xffff  }
0x74d: {  	v2 =	vor.u32 v10, v2;
	_ =	sdelay $0x2  }
0x74e: {  	v10 =	vadd.s32 $0x20, v11  }
0x74f: {  	v41 =	vand.u32 $0xFFFFFF80, v10;
	[tilespmem:s19+$0x300] =	vst v0  }
0x750: {  	v10 =	vand.u32 $0x7F, v10;
	v0 =	vadd.s32 v12, v41;
	v2 =	vld.idx.msk [tilespmem:v2+s14+$0x0], $0xffff  }
0x751: {  	v0 =	vor.u32 v10, v0;
	_ =	sdelay $0x1  }
0x752: {  	s25 =	sor.u32 s17, s17  }
0x753: {  	s19 =	sor.u32 $0x380, s25;
	v10 =	vadd.s32 $0x24, v11  }
0x754: {  	v42 =	vand.u32 $0xFFFFFF80, v10;
	[tilespmem:s19+$0x1A600] =	vst v2  }
0x755: {  	v10 =	vand.u32 $0x7F, v10;
	v2 =	vadd.s32 v12, v42;
	v0 =	vld.idx.msk [tilespmem:v0+s14+$0x0], $0xffff  }
0x756: {  	v2 =	vor.u32 v10, v2;
	_ =	sdelay $0x2  }
0x757: {  	v10 =	vadd.s32 $0x28, v11  }
0x758: {  	v43 =	vand.u32 $0xFFFFFF80, v10;
	[tilespmem:s23+$0x1AE00] =	vst v0  }
0x759: {  	v10 =	vand.u32 $0x7F, v10;
	v0 =	vadd.s32 v12, v43;
	v2 =	vld.idx.msk [tilespmem:v2+s14+$0x0], $0xffff  }
0x75a: {  	v0 =	vor.u32 v10, v0;
	_ =	sdelay $0x2  }
0x75b: {  	v10 =	vadd.s32 $0x2C, v11  }
0x75c: {  	v44 =	vand.u32 $0xFFFFFF80, v10;
	[tilespmem:s23+$0x1AE80] =	vst v2  }
0x75d: {  	v10 =	vand.u32 $0x7F, v10;
	v2 =	vadd.s32 v12, v44;
	v0 =	vld.idx.msk [tilespmem:v0+s14+$0x0], $0xffff  }
0x75e: {  	v2 =	vor.u32 v10, v2;
	_ =	sdelay $0x2  }
0x75f: {  	v10 =	vadd.s32 $0x30, v11  }
0x760: {  	v45 =	vand.u32 $0xFFFFFF80, v10;
	[tilespmem:s23+$0x1AF00] =	vst v0  }
0x761: {  	v10 =	vand.u32 $0x7F, v10;
	v0 =	vadd.s32 v12, v45;
	v2 =	vld.idx.msk [tilespmem:v2+s14+$0x0], $0xffff  }
0x762: {  	v0 =	vor.u32 v10, v0;
	_ =	sdelay $0x2  }
0x763: {  	v10 =	vadd.s32 $0x34, v11  }
0x764: {  	v46 =	vand.u32 $0xFFFFFF80, v10;
	[tilespmem:s23+$0x1AF80] =	vst v2  }
0x765: {  	v10 =	vand.u32 $0x7F, v10;
	v2 =	vadd.s32 v12, v46;
	v0 =	vld.idx.msk [tilespmem:v0+s14+$0x0], $0xffff  }
0x766: {  	v2 =	vor.u32 v10, v2;
	_ =	sdelay $0x2  }
0x767: {  	v10 =	vadd.s32 $0x38, v11  }
0x768: {  	v47 =	vand.u32 $0xFFFFFF80, v10;
	[tilespmem:s23+$0x1B000] =	vst v0  }
0x769: {  	v10 =	vand.u32 $0x7F, v10;
	v0 =	vadd.s32 v12, v47;
	v2 =	vld.idx.msk [tilespmem:v2+s14+$0x0], $0xffff  }
0x76a: {  	v0 =	vor.u32 v10, v0;
	_ =	sdelay $0x2  }
0x76b: {  	v10 =	vadd.s32 $0x3C, v11  }
0x76c: {  	v48 =	vand.u32 $0xFFFFFF80, v10;
	[tilespmem:s23+$0x1B080] =	vst v2  }
0x76d: {  	v10 =	vand.u32 $0x7F, v10;
	v2 =	vadd.s32 v12, v48;
	v0 =	vld.idx.msk [tilespmem:v0+s14+$0x0], $0xffff  }
0x76e: {  	v2 =	vor.u32 v10, v2;
	_ =	sdelay $0x2  }
0x76f: {  	v10 =	vadd.s32 $0x40, v11  }
0x770: {  	v49 =	vand.u32 $0xFFFFFF80, v10;
	[tilespmem:s23+$0x1B100] =	vst v0  }
0x771: {  	v10 =	vand.u32 $0x7F, v10;
	v0 =	vadd.s32 v12, v49;
	v2 =	vld.idx.msk [tilespmem:v2+s14+$0x0], $0xffff  }
0x772: {  	v0 =	vor.u32 v10, v0;
	_ =	sdelay $0x2  }
0x773: {  	v10 =	vadd.s32 $0x44, v11  }
0x774: {  	v50 =	vand.u32 $0xFFFFFF80, v10;
	[tilespmem:s23+$0x1B180] =	vst v2  }
0x775: {  	v10 =	vand.u32 $0x7F, v10;
	v2 =	vadd.s32 v12, v50;
	v0 =	vld.idx.msk [tilespmem:v0+s14+$0x0], $0xffff  }
0x776: {  	v2 =	vor.u32 v10, v2;
	_ =	sdelay $0x2  }
0x777: {  	v10 =	vadd.s32 $0x48, v11  }
0x778: {  	v51 =	vand.u32 $0xFFFFFF80, v10;
	[tilespmem:s23+$0x1B600] =	vst v0  }
0x779: {  	v10 =	vand.u32 $0x7F, v10;
	v0 =	vadd.s32 v12, v51;
	v2 =	vld.idx.msk [tilespmem:v2+s14+$0x0], $0xffff  }
0x77a: {  	v0 =	vor.u32 v10, v0;
	_ =	sdelay $0x2  }
0x77b: {  	v10 =	vadd.s32 $0x4C, v11  }
0x77c: {  	v52 =	vand.u32 $0xFFFFFF80, v10;
	[tilespmem:s23+$0x1B680] =	vst v2  }
0x77d: {  	v10 =	vand.u32 $0x7F, v10;
	v2 =	vadd.s32 v12, v52;
	v0 =	vld.idx.msk [tilespmem:v0+s14+$0x0], $0xffff  }
0x77e: {  	v2 =	vor.u32 v10, v2;
	_ =	sdelay $0x2  }
0x77f: {  	v10 =	vadd.s32 $0x50, v11  }
0x780: {  	v53 =	vand.u32 $0xFFFFFF80, v10;
	[tilespmem:s23+$0x1B700] =	vst v0  }
0x781: {  	v10 =	vand.u32 $0x7F, v10;
	v0 =	vadd.s32 v12, v53;
	v2 =	vld.idx.msk [tilespmem:v2+s14+$0x0], $0xffff  }
0x782: {  	v0 =	vor.u32 v10, v0;
	_ =	sdelay $0x2  }
0x783: {  	v10 =	vadd.s32 $0x54, v11  }
0x784: {  	v54 =	vand.u32 $0xFFFFFF80, v10;
	[tilespmem:s23+$0x1B780] =	vst v2  }
0x785: {  	v10 =	vand.u32 $0x7F, v10;
	v2 =	vadd.s32 v12, v54;
	v0 =	vld.idx.msk [tilespmem:v0+s14+$0x0], $0xffff  }
0x786: {  	v2 =	vor.u32 v10, v2;
	_ =	sdelay $0x2  }
0x787: {  	v10 =	vadd.s32 $0x58, v11  }
0x788: {  	v55 =	vand.u32 $0xFFFFFF80, v10;
	[tilespmem:s23+$0x1B800] =	vst v0  }
0x789: {  	v10 =	vand.u32 $0x7F, v10;
	v0 =	vadd.s32 v12, v55;
	v2 =	vld.idx.msk [tilespmem:v2+s14+$0x0], $0xffff  }
0x78a: {  	v0 =	vor.u32 v10, v0;
	_ =	sdelay $0x2  }
0x78b: {  	v10 =	vadd.s32 $0x5C, v11  }
0x78c: {  	v56 =	vand.u32 $0xFFFFFF80, v10;
	[tilespmem:s23+$0x1B880] =	vst v2  }
0x78d: {  	v10 =	vand.u32 $0x7F, v10;
	v2 =	vadd.s32 v12, v56;
	v0 =	vld.idx.msk [tilespmem:v0+s14+$0x0], $0xffff  }
0x78e: {  	v2 =	vor.u32 v10, v2;
	_ =	sdelay $0x2  }
0x78f: {  	v10 =	vadd.s32 $0x60, v11  }
0x790: {  	v57 =	vand.u32 $0xFFFFFF80, v10;
	[tilespmem:s23+$0x1B900] =	vst v0  }
0x791: {  	v10 =	vand.u32 $0x7F, v10;
	v0 =	vadd.s32 v12, v57;
	v2 =	vld.idx.msk [tilespmem:v2+s14+$0x0], $0xffff  }
0x792: {  	v0 =	vor.u32 v10, v0;
	_ =	sdelay $0x2  }
0x793: {  	v10 =	vadd.s32 $0x64, v11  }
0x794: {  	v58 =	vand.u32 $0xFFFFFF80, v10;
	[tilespmem:s23+$0x1B980] =	vst v2  }
0x795: {  	v10 =	vand.u32 $0x7F, v10;
	v2 =	vadd.s32 v12, v58;
	v0 =	vld.idx.msk [tilespmem:v0+s14+$0x0], $0xffff  }
0x796: {  	v2 =	vor.u32 v10, v2;
	_ =	sdelay $0x2  }
0x797: {  	v10 =	vadd.s32 $0x68, v11  }
0x798: {  	v59 =	vand.u32 $0xFFFFFF80, v10;
	[tilespmem:s23+$0x1BE00] =	vst v0  }
0x799: {  	v10 =	vand.u32 $0x7F, v10;
	v0 =	vadd.s32 v12, v59;
	v2 =	vld.idx.msk [tilespmem:v2+s14+$0x0], $0xffff  }
0x79a: {  	v0 =	vor.u32 v10, v0;
	_ =	sdelay $0x2  }
0x79b: {  	v10 =	vadd.s32 $0x6C, v11  }
0x79c: {  	v60 =	vand.u32 $0xFFFFFF80, v10;
	[tilespmem:s23+$0x1BE80] =	vst v2  }
0x79d: {  	v10 =	vand.u32 $0x7F, v10;
	v2 =	vadd.s32 v12, v60;
	v0 =	vld.idx.msk [tilespmem:v0+s14+$0x0], $0xffff  }
0x79e: {  	v2 =	vor.u32 v10, v2;
	_ =	sdelay $0x2  }
0x79f: {  	v10 =	vadd.s32 $0x70, v11  }
0x7a0: {  	v61 =	vand.u32 $0xFFFFFF80, v10;
	[tilespmem:s23+$0x1BF00] =	vst v0  }
0x7a1: {  	v10 =	vand.u32 $0x7F, v10;
	v0 =	vadd.s32 v12, v61;
	v2 =	vld.idx.msk [tilespmem:v2+s14+$0x0], $0xffff  }
0x7a2: {  	v0 =	vor.u32 v10, v0;
	_ =	sdelay $0x2  }
0x7a3: {  	v10 =	vadd.s32 $0x74, v11  }
0x7a4: {  	v62 =	vand.u32 $0xFFFFFF80, v10;
	[tilespmem:s23+$0x1BF80] =	vst v2  }
0x7a5: {  	v10 =	vand.u32 $0x7F, v10;
	v2 =	vadd.s32 v12, v62;
	v0 =	vld.idx.msk [tilespmem:v0+s14+$0x0], $0xffff  }
0x7a6: {  	v2 =	vor.u32 v10, v2;
	_ =	sdelay $0x2  }
0x7a7: {  	v10 =	vadd.s32 $0x78, v11  }
0x7a8: {  	v63 =	vand.u32 $0xFFFFFF80, v10;
	[tilespmem:s23+$0x1C000] =	vst v0  }
0x7a9: {  	v10 =	vand.u32 $0x7F, v10;
	v0 =	vadd.s32 v12, v63;
	v2 =	vld.idx.msk [tilespmem:v2+s14+$0x0], $0xffff  }
0x7aa: {  	v0 =	vor.u32 v10, v0;
	_ =	sdelay $0x2  }
0x7ab: {  	v10 =	vadd.s32 $0x7C, v11  }
0x7ac: {  	v11 =	vand.u32 $0xFFFFFF80, v10;
	[tilespmem:s23+$0x1C080] =	vst v2  }
0x7ad: {  	v10 =	vand.u32 $0x7F, v10;
	v2 =	vadd.s32 v12, v11;
	v0 =	vld.idx.msk [tilespmem:v0+s14+$0x0], $0xffff  }
0x7ae: {  	v2 =	vor.u32 v10, v2;
	_ =	sdelay $0x3  }
0x7af: {  	[tilespmem:s23+$0x1C100] =	vst v0  }
0x7b0: {  	s29 =	simm.s32 $0x10;
	v11 =	vld.idx.msk [tilespmem:v2+s14+$0x0], $0xffff  }
.LBB2_47:
0x7b1: {  	_ =	sdelay $0x3  }
0x7b2: {  	p2 =	sne.s32 s29, $0xF0;
	s17 =	sadd.s32 $0x80, s17;
	s13 =	sadd.s32 $0x10, s13;
	[tilespmem:s23+$0x1C180] =	vst v11  }
0x7b3: {  	s25 =	smov.u32 s29;
	s29 =	sadd.s32 $0x10, s29;
	v11 =	vld [tilespmem:s13+$0x0];
	_ =	sdelay $0x2  }
0x7b4: {  	v0 =	vmov s25  }
0x7b5: {  	v0 =	vshll.u32 v0, $0x7  }
0x7b6: {  	v12 =	vor.u32 v3, v0;
	v2 =	vand.u32 $0xFFFFFF80, v11;
	v0 =	vadd.s32 $0x4, v11  }
0x7b7: {  	v10 =	vand.u32 $0x7F, v11;
	v2 =	vadd.s32 v12, v2;
	v13 =	vand.u32 $0xFFFFFF80, v0  }
0x7b8: {  	v2 =	vor.u32 v10, v2;
	v10 =	vadd.s32 v12, v13;
	v13 =	vadd.s32 $0x8, v11  }
0x7b9: {  	v15 =	vadd.s32 $0xC, v11;
	v16 =	vadd.s32 $0x10, v11;
	v14 =	vand.u32 $0xFFFFFF80, v13  }
0x7ba: {  	v17 =	vand.u32 $0xFFFFFF80, v15;
	v18 =	vand.u32 $0xFFFFFF80, v16;
	v14 =	vadd.s32 v12, v14  }
0x7bb: {  	v63 =	vadd.s32 $0x14, v11;
	v17 =	vadd.s32 v12, v17;
	v18 =	vadd.s32 v12, v18  }
0x7bc: {  	v61 =	vadd.s32 $0x18, v11;
	v57 =	vadd.s32 $0x1C, v11;
	v19 =	vand.u32 $0xFFFFFF80, v63  }
0x7bd: {  	v20 =	vand.u32 $0xFFFFFF80, v57;
	v1 =	vadd.s32 v12, v19;
	v19 =	vand.u32 $0xFFFFFF80, v61;
	v2 =	vld.idx.msk [tilespmem:v2+s14+$0x0], $0xffff  }
0x7be: {  	v0 =	vand.u32 $0x7F, v0;
	v59 =	vadd.s32 v12, v20;
	v62 =	vadd.s32 v12, v19  }
0x7bf: {  	v58 =	vadd.s32 $0x20, v11;
	v54 =	vadd.s32 $0x24, v11;
	v0 =	vor.u32 v0, v10  }
0x7c0: {  	v52 =	vadd.s32 $0x28, v11;
	v10 =	vand.u32 $0xFFFFFF80, v58;
	v19 =	vand.u32 $0xFFFFFF80, v54  }
0x7c1: {  	s19 =	sand.u32 $0x70, s25;
	s23 =	sand.u32 $0x400, s17;
	v60 =	vadd.s32 v12, v10;
	v56 =	vadd.s32 v12, v19;
	v10 =	vand.u32 $0xFFFFFF80, v52  }
0x7c2: {  	s23 =	sor.u32 s19, s23;
	v51 =	vadd.s32 $0x2C, v11;
	v48 =	vadd.s32 $0x30, v11;
	v55 =	vadd.s32 v12, v10  }
0x7c3: {  	v46 =	vadd.s32 $0x34, v11;
	v10 =	vand.u32 $0xFFFFFF80, v48;
	[tilespmem:s23+$0x1A600] =	vst v2;
	v2 =	vand.u32 $0xFFFFFF80, v51  }
0x7c4: {  	v50 =	vadd.s32 v12, v10;
	v0 =	vld.idx.msk [tilespmem:v0+s14+$0x0], $0xffff;
	v53 =	vadd.s32 v12, v2;
	v2 =	vand.u32 $0xFFFFFF80, v46  }
0x7c5: {  	v45 =	vadd.s32 $0x38, v11;
	v10 =	vand.u32 $0x7F, v13;
	v49 =	vadd.s32 v12, v2  }
0x7c6: {  	v43 =	vadd.s32 $0x3C, v11;
	v2 =	vor.u32 v10, v14;
	v10 =	vand.u32 $0xFFFFFF80, v45  }
0x7c7: {  	v41 =	vadd.s32 $0x40, v11;
	v47 =	vadd.s32 v12, v10;
	v10 =	vand.u32 $0xFFFFFF80, v43  }
0x7c8: {  	v38 =	vadd.s32 $0x44, v11;
	v44 =	vadd.s32 v12, v10;
	v10 =	vand.u32 $0xFFFFFF80, v41  }
0x7c9: {  	s19 =	sadd.s32 $0x1A600, s23;
	v36 =	vadd.s32 $0x48, v11;
	v42 =	vadd.s32 v12, v10;
	v10 =	vand.u32 $0xFFFFFF80, v38  }
0x7ca: {  	v35 =	vadd.s32 $0x4C, v11;
	v40 =	vadd.s32 v12, v10;
	[tilespmem:s19+$0x80] =	vst v0;
	v0 =	vand.u32 $0xFFFFFF80, v36  }
0x7cb: {  	v32 =	vadd.s32 $0x50, v11;
	v2 =	vld.idx.msk [tilespmem:v2+s14+$0x0], $0xffff;
	v39 =	vadd.s32 v12, v0;
	v0 =	vand.u32 $0xFFFFFF80, v35  }
0x7cc: {  	v10 =	vand.u32 $0x7F, v15;
	v37 =	vadd.s32 v12, v0;
	v0 =	vand.u32 $0xFFFFFF80, v32  }
0x7cd: {  	v31 =	vadd.s32 $0x54, v11;
	v10 =	vor.u32 v10, v17;
	v34 =	vadd.s32 v12, v0  }
0x7ce: {  	v29 =	vadd.s32 $0x58, v11;
	v26 =	vadd.s32 $0x5C, v11;
	v0 =	vand.u32 $0xFFFFFF80, v31  }
0x7cf: {  	v13 =	vand.u32 $0xFFFFFF80, v26;
	v33 =	vadd.s32 v12, v0;
	v0 =	vand.u32 $0xFFFFFF80, v29  }
0x7d0: {  	v24 =	vadd.s32 $0x60, v11;
	v28 =	vadd.s32 v12, v13;
	v30 =	vadd.s32 v12, v0  }
0x7d1: {  	v23 =	vadd.s32 $0x64, v11;
	v19 =	vadd.s32 $0x68, v11;
	v0 =	vand.u32 $0xFFFFFF80, v24;
	[tilespmem:s19+$0x100] =	vst v2  }
0x7d2: {  	v27 =	vadd.s32 v12, v0;
	v0 =	vand.u32 $0xFFFFFF80, v23;
	v2 =	vld.idx.msk [tilespmem:v10+s14+$0x0], $0xffff;
	v10 =	vand.u32 $0xFFFFFF80, v19  }
0x7d3: {  	v13 =	vand.u32 $0x7F, v16;
	v25 =	vadd.s32 v12, v0;
	v22 =	vadd.s32 v12, v10  }
0x7d4: {  	v20 =	vadd.s32 $0x6C, v11;
	v17 =	vadd.s32 $0x70, v11;
	v0 =	vor.u32 v13, v18  }
0x7d5: {  	v14 =	vadd.s32 $0x74, v11;
	v13 =	vand.u32 $0xFFFFFF80, v17;
	v10 =	vand.u32 $0xFFFFFF80, v20  }
0x7d6: {  	v18 =	vadd.s32 v12, v13;
	v21 =	vadd.s32 v12, v10;
	v10 =	vand.u32 $0xFFFFFF80, v14  }
0x7d7: {  	v13 =	vadd.s32 $0x78, v11;
	v11 =	vadd.s32 $0x7C, v11;
	v16 =	vadd.s32 v12, v10  }
0x7d8: {  	v10 =	vand.u32 $0xFFFFFF80, v11;
	[tilespmem:s19+$0x180] =	vst v2;
	v2 =	vand.u32 $0xFFFFFF80, v13  }
0x7d9: {  	v0 =	vld.idx.msk [tilespmem:v0+s14+$0x0], $0xffff;
	v15 =	vadd.s32 v12, v2;
	v12 =	vadd.s32 v12, v10  }
0x7da: {  	v2 =	vand.u32 $0x7F, v63  }
0x7db: {  	v1 =	vor.u32 v2, v1;
	_ =	sdelay $0x3  }
0x7dc: {  	[tilespmem:s19+$0x200] =	vst v0  }
0x7dd: {  	v0 =	vld.idx.msk [tilespmem:v1+s14+$0x0], $0xffff  }
0x7de: {  	v1 =	vand.u32 $0x7F, v61  }
0x7df: {  	v1 =	vor.u32 v1, v62;
	_ =	sdelay $0x3  }
0x7e0: {  	[tilespmem:s19+$0x280] =	vst v0  }
0x7e1: {  	v0 =	vld.idx.msk [tilespmem:v1+s14+$0x0], $0xffff  }
0x7e2: {  	v1 =	vand.u32 $0x7F, v57  }
0x7e3: {  	v1 =	vor.u32 v1, v59;
	_ =	sdelay $0x3  }
0x7e4: {  	[tilespmem:s19+$0x300] =	vst v0  }
0x7e5: {  	v0 =	vld.idx.msk [tilespmem:v1+s14+$0x0], $0xffff  }
0x7e6: {  	v1 =	vand.u32 $0x7F, v58  }
0x7e7: {  	v1 =	vor.u32 v1, v60;
	_ =	sdelay $0x1  }
0x7e8: {  	s19 =	sor.u32 s17, s25  }
0x7e9: {  	s19 =	sor.u32 $0x380, s19  }
0x7ea: {  	[tilespmem:s19+$0x1A600] =	vst v0  }
0x7eb: {  	v0 =	vld.idx.msk [tilespmem:v1+s14+$0x0], $0xffff  }
0x7ec: {  	v1 =	vand.u32 $0x7F, v54  }
0x7ed: {  	v1 =	vor.u32 v1, v56;
	_ =	sdelay $0x3  }
0x7ee: {  	[tilespmem:s23+$0x1AE00] =	vst v0  }
0x7ef: {  	v0 =	vld.idx.msk [tilespmem:v1+s14+$0x0], $0xffff  }
0x7f0: {  	v1 =	vand.u32 $0x7F, v52  }
0x7f1: {  	v1 =	vor.u32 v1, v55;
	_ =	sdelay $0x3  }
0x7f2: {  	[tilespmem:s23+$0x1AE80] =	vst v0  }
0x7f3: {  	v0 =	vld.idx.msk [tilespmem:v1+s14+$0x0], $0xffff  }
0x7f4: {  	v1 =	vand.u32 $0x7F, v51  }
0x7f5: {  	v1 =	vor.u32 v1, v53;
	_ =	sdelay $0x3  }
0x7f6: {  	[tilespmem:s23+$0x1AF00] =	vst v0  }
0x7f7: {  	v0 =	vld.idx.msk [tilespmem:v1+s14+$0x0], $0xffff  }
0x7f8: {  	v1 =	vand.u32 $0x7F, v48  }
0x7f9: {  	v1 =	vor.u32 v1, v50;
	_ =	sdelay $0x3  }
0x7fa: {  	[tilespmem:s23+$0x1AF80] =	vst v0  }
0x7fb: {  	v0 =	vld.idx.msk [tilespmem:v1+s14+$0x0], $0xffff  }
0x7fc: {  	v1 =	vand.u32 $0x7F, v46  }
0x7fd: {  	v1 =	vor.u32 v1, v49;
	_ =	sdelay $0x3  }
0x7fe: {  	[tilespmem:s23+$0x1B000] =	vst v0  }
0x7ff: {  	v0 =	vld.idx.msk [tilespmem:v1+s14+$0x0], $0xffff  }
0x800: {  	v1 =	vand.u32 $0x7F, v45  }
0x801: {  	v1 =	vor.u32 v1, v47;
	_ =	sdelay $0x3  }
0x802: {  	[tilespmem:s23+$0x1B080] =	vst v0  }
0x803: {  	v0 =	vld.idx.msk [tilespmem:v1+s14+$0x0], $0xffff  }
0x804: {  	v1 =	vand.u32 $0x7F, v43  }
0x805: {  	v1 =	vor.u32 v1, v44;
	_ =	sdelay $0x3  }
0x806: {  	[tilespmem:s23+$0x1B100] =	vst v0  }
0x807: {  	v0 =	vld.idx.msk [tilespmem:v1+s14+$0x0], $0xffff  }
0x808: {  	v1 =	vand.u32 $0x7F, v41  }
0x809: {  	v1 =	vor.u32 v1, v42;
	_ =	sdelay $0x3  }
0x80a: {  	[tilespmem:s23+$0x1B180] =	vst v0  }
0x80b: {  	v0 =	vld.idx.msk [tilespmem:v1+s14+$0x0], $0xffff  }
0x80c: {  	v1 =	vand.u32 $0x7F, v38  }
0x80d: {  	v1 =	vor.u32 v1, v40;
	_ =	sdelay $0x3  }
0x80e: {  	[tilespmem:s23+$0x1B600] =	vst v0  }
0x80f: {  	v0 =	vld.idx.msk [tilespmem:v1+s14+$0x0], $0xffff  }
0x810: {  	v1 =	vand.u32 $0x7F, v36  }
0x811: {  	v1 =	vor.u32 v1, v39;
	_ =	sdelay $0x3  }
0x812: {  	[tilespmem:s23+$0x1B680] =	vst v0  }
0x813: {  	v0 =	vld.idx.msk [tilespmem:v1+s14+$0x0], $0xffff  }
0x814: {  	v1 =	vand.u32 $0x7F, v35  }
0x815: {  	v1 =	vor.u32 v1, v37;
	_ =	sdelay $0x3  }
0x816: {  	[tilespmem:s23+$0x1B700] =	vst v0  }
0x817: {  	v0 =	vld.idx.msk [tilespmem:v1+s14+$0x0], $0xffff  }
0x818: {  	v1 =	vand.u32 $0x7F, v32  }
0x819: {  	v1 =	vor.u32 v1, v34;
	_ =	sdelay $0x3  }
0x81a: {  	[tilespmem:s23+$0x1B780] =	vst v0  }
0x81b: {  	v0 =	vld.idx.msk [tilespmem:v1+s14+$0x0], $0xffff  }
0x81c: {  	v1 =	vand.u32 $0x7F, v31  }
0x81d: {  	v1 =	vor.u32 v1, v33;
	_ =	sdelay $0x3  }
0x81e: {  	[tilespmem:s23+$0x1B800] =	vst v0  }
0x81f: {  	v0 =	vld.idx.msk [tilespmem:v1+s14+$0x0], $0xffff  }
0x820: {  	v1 =	vand.u32 $0x7F, v29  }
0x821: {  	v1 =	vor.u32 v1, v30;
	_ =	sdelay $0x3  }
0x822: {  	[tilespmem:s23+$0x1B880] =	vst v0  }
0x823: {  	v0 =	vld.idx.msk [tilespmem:v1+s14+$0x0], $0xffff  }
0x824: {  	v1 =	vand.u32 $0x7F, v26  }
0x825: {  	v1 =	vor.u32 v1, v28;
	_ =	sdelay $0x3  }
0x826: {  	[tilespmem:s23+$0x1B900] =	vst v0  }
0x827: {  	v0 =	vld.idx.msk [tilespmem:v1+s14+$0x0], $0xffff  }
0x828: {  	v1 =	vand.u32 $0x7F, v24  }
0x829: {  	v1 =	vor.u32 v1, v27;
	_ =	sdelay $0x3  }
0x82a: {  	[tilespmem:s23+$0x1B980] =	vst v0  }
0x82b: {  	v0 =	vld.idx.msk [tilespmem:v1+s14+$0x0], $0xffff  }
0x82c: {  	v1 =	vand.u32 $0x7F, v23  }
0x82d: {  	v1 =	vor.u32 v1, v25;
	_ =	sdelay $0x3  }
0x82e: {  	[tilespmem:s23+$0x1BE00] =	vst v0  }
0x82f: {  	v0 =	vld.idx.msk [tilespmem:v1+s14+$0x0], $0xffff  }
0x830: {  	v1 =	vand.u32 $0x7F, v19  }
0x831: {  	v1 =	vor.u32 v1, v22;
	_ =	sdelay $0x3  }
0x832: {  	[tilespmem:s23+$0x1BE80] =	vst v0  }
0x833: {  	v0 =	vld.idx.msk [tilespmem:v1+s14+$0x0], $0xffff  }
0x834: {  	v1 =	vand.u32 $0x7F, v20  }
0x835: {  	v1 =	vor.u32 v1, v21;
	_ =	sdelay $0x3  }
0x836: {  	[tilespmem:s23+$0x1BF00] =	vst v0  }
0x837: {  	v0 =	vld.idx.msk [tilespmem:v1+s14+$0x0], $0xffff  }
0x838: {  	v1 =	vand.u32 $0x7F, v17  }
0x839: {  	v1 =	vor.u32 v1, v18;
	_ =	sdelay $0x3  }
0x83a: {  	[tilespmem:s23+$0x1BF80] =	vst v0  }
0x83b: {  	v0 =	vld.idx.msk [tilespmem:v1+s14+$0x0], $0xffff  }
0x83c: {  	v1 =	vand.u32 $0x7F, v14  }
0x83d: {  	v1 =	vor.u32 v1, v16;
	_ =	sdelay $0x3  }
0x83e: {  	[tilespmem:s23+$0x1C000] =	vst v0  }
0x83f: {  	v0 =	vld.idx.msk [tilespmem:v1+s14+$0x0], $0xffff  }
0x840: {  	v1 =	vand.u32 $0x7F, v13  }
0x841: {  	v1 =	vor.u32 v1, v15;
	_ =	sdelay $0x3  }
0x842: {  	[tilespmem:s23+$0x1C080] =	vst v0  }
0x843: {  	v0 =	vld.idx.msk [tilespmem:v1+s14+$0x0], $0xffff  }
0x844: {  	v1 =	vand.u32 $0x7F, v11  }
0x845: {  	v1 =	vor.u32 v1, v12  }
.Ltmp24:
0x846: {  	(pc) =	sbr.rel @p2 .LBB2_47-.Ltmp24, $3  }
0x847: {  	_ =	sdelay $0x1  }
0x848: {  	[tilespmem:s23+$0x1C100] =	vst v0  }
0x849: {  	v11 =	vld.idx.msk [tilespmem:v1+s14+$0x0], $0xffff  }
0x84a: {  	s2 =	sadd.s32 $0x1, s2  }
0x84b: {  	p2 =	seq.s32 s2, $0x40  }
.Ltmp25:
0x84c: {  	_ = 	snop;
	(pc) =	sbr.rel @!p2 .LBB2_15-.Ltmp25, $4  }
.Ltmp26:
0x84d: {  	_ = 	snop;
	(pc) =	sbr.rel @p2 .LBB2_54-.Ltmp26, $4  }
0x84e: {  	_ = 	snop  }
0x84f: {  	s3 =	sadd.s32 s3, s26;
	s13 =	simm.s32 $0x1A600;
	[tilespmem:s23+$0x1C180] =	vst v11  }
0x850: {  	[hbm4b:s3+s30] =	stream.strided.scatter [tilespmem:s13], [sflag:$0x8], $0x2000, s6, s30, $0x38;
	[tilespmem:$0x1C600] =	vst v63  }
0x851: {  	_ = 	snop  }
.LBB2_33:
0x852: {  	s2 =	simm.s32 $0x3  }
0x853: {  	_ =	swait.ge [sflag:s2], $0x2000  }
0x854: {  	[sflag:s2] =	ssyncset.done $0x0  }
0x855: {  	s19 =	simm.s32 $0x4;
	[sflag:s2] =	ssyncadd.s32 $0xFFFFE000  }
0x856: {  	_ =	swait.ge [sflag:s19], $0x2000  }
0x857: {  	s3 =	simm.s32 @!p1 $0x4000;
	[sflag:s19] =	ssyncset.done $0x0  }
0x858: {  	s2 =	simm.s32 @!p1 $0x0;
	s13 =	rddreg [dreg:$0x8];
	[sflag:s19] =	ssyncadd.s32 $0xFFFFE000  }
0x859: {  	[tilespmem:s3], [sflag:$0xB] =	stream.linear.gather @!p1 [hbm4b:s13+s2], $0x800, $0x38;
	[tilespmem:$0x1C600] =	vst v63  }
0x85a: {  	s13 =	simm.s32 @!p1 $0xB  }
0x85b: {  	_ =	swait.ge @!p1 [sflag:s13], $0x800  }
0x85c: {  	[sflag:s13] =	ssyncset.done @!p1 $0x0  }
0x85d: {  	s17 =	rddreg [dreg:$0xb];
	[sflag:s13] =	ssyncadd.s32 @!p1 $0xFFFFF800  }
0x85e: {  	[hbm4b:s17+s2] =	stream.linear.scatter @!p1 [tilespmem:s3], [sflag:$0xB], $0x800, $0x38;
	[tilespmem:$0x1C600] =	vst v63  }
0x85f: {  	_ =	swait.ge @!p1 [sflag:s13], $0x800  }
0x860: {  	[sflag:s13] =	ssyncset.done @!p1 $0x0  }
0x861: {  	[sflag:s13] =	ssyncadd.s32 @!p1 $0xFFFFF800  }
0x862: {  	[bflag:$0x0] =	sbarrier.arrive $0xFFFF  }
0x863: {  	s23 =	simm.s32 $0x0;
	s29 =	simm.s32 $0x8000;
	s25 =	rddreg [dreg:$0x12]  }
0x864: {  	[tilespmem:s29], [sflag:$0x9] =	stream.linear.gather [hbm4b:s25+s23], $0x100, $0x38;
	[tilespmem:$0x1C600] =	vst v63  }
0x865: {  	_ =	swait.ge [sflag:s18], $0x100  }
0x866: {  	[sflag:s18] =	ssyncset.done $0x0  }
0x867: {  	s2 =	simm.s32 $0x0;
	[sflag:s18] =	ssyncadd.s32 $0xFFFFFF00  }
0x868: {  	v11 =	vld [tilespmem:s2+$0x8000];
	_ =	sdelay $0x3  }
0x869: {  	s3 =	simm.s32 $0x40;
	v4 =	vld [tilespmem:$0x1FFB0]  }
.LBB2_34:
0x86a: {  	s13 =	sshra.s32 s3, $0x2;
	p2 =	sne.s32 s3, $0x3C0;
	s3 =	sadd.s32 $0x40, s3;
	v0 =	vshrl.u32 v11, $0x2;
	v1 =	vshra.s32 v11, $0x1F;
	v2 =	vmov v11  }
.Ltmp27:
0x86b: {  	v11 =	vld [tilespmem:s13+$0x8000];
	[tilespmem:s2+$0x8200] =	vst v0;
	v0 =	vshrl.u32 v1, $0x1E;
	(pc) =	sbr.rel @p2 .LBB2_34-.Ltmp27, $4  }
0x86c: {  	v0 =	vadd.s32 v0, v2  }
0x86d: {  	v0 =	vand.u32 $0xFFFFFFFC, v0  }
0x86e: {  	v0 =	vsub.s32 v2, v0  }
0x86f: {  	[tilespmem:s2+$0x8400] =	vst v0;
	s2 =	smov.u32 s13  }
0x870: {  	v0 =	vshra.s32 v11, $0x1F  }
0x871: {  	v0 =	vshrl.u32 v0, $0x1E  }
0x872: {  	v0 =	vadd.s32 v0, v11  }
0x873: {  	v1 =	vshrl.u32 v11, $0x2;
	v0 =	vand.u32 $0xFFFFFFFC, v0  }
0x874: {  	[tilespmem:s2+$0x8200] =	vst v1;
	v0 =	vsub.s32 v11, v0  }
0x875: {  	s29 =	simm.s32 $0x8200;
	[tilespmem:s2+$0x8400] =	vst v0  }
0x876: {  	[tilespmem:s20], [sflag:$0x5] =	stream.indirect.gather [hbm4b:s9+s21], $0x80, s29, s21, $0xb8;
	[tilespmem:$0x1C600] =	vst v63  }
0x877: {  	s3 =	rddreg [dreg:$0x14];
	s13 =	simm.s32 $0x8100;
	s2 =	simm.s32 $0x0  }
0x878: {  	[tilespmem:s13], [sflag:$0xA] =	stream.linear.gather [hbm4b:s3+s2], $0x100, $0x38;
	[tilespmem:$0x1C600] =	vst v63  }
.LBB2_36:
0x879: {  	_ =	swait.ge [sflag:s31], $0x100  }
0x87a: {  	[sflag:s31] =	ssyncset.done $0x0  }
0x87b: {  	s3 =	simm.s32 $0x0;
	[sflag:s31] =	ssyncadd.s32 $0xFFFFFF00  }
0x87c: {  	v11 =	vld [tilespmem:s3+$0x8100];
	_ =	sdelay $0x3  }
0x87d: {  	s13 =	simm.s32 $0x40  }
.LBB2_37:
0x87e: {  	s17 =	sshra.s32 s13, $0x2;
	p2 =	sne.s32 s13, $0x3C0;
	s13 =	sadd.s32 $0x40, s13;
	v0 =	vshrl.u32 v11, $0x2;
	v1 =	vshra.s32 v11, $0x1F;
	v2 =	vmov v11  }
.Ltmp28:
0x87f: {  	v11 =	vld [tilespmem:s17+$0x8100];
	[tilespmem:s3+$0x8300] =	vst v0;
	v0 =	vshrl.u32 v1, $0x1E;
	(pc) =	sbr.rel @p2 .LBB2_37-.Ltmp28, $4  }
0x880: {  	v0 =	vadd.s32 v0, v2  }
0x881: {  	v0 =	vand.u32 $0xFFFFFFFC, v0  }
0x882: {  	v0 =	vsub.s32 v2, v0  }
0x883: {  	[tilespmem:s3+$0x8500] =	vst v0;
	s3 =	smov.u32 s17  }
0x884: {  	v0 =	vshra.s32 v11, $0x1F  }
0x885: {  	v0 =	vshrl.u32 v0, $0x1E  }
0x886: {  	v0 =	vadd.s32 v0, v11  }
0x887: {  	v1 =	vshrl.u32 v11, $0x2;
	v0 =	vand.u32 $0xFFFFFFFC, v0  }
0x888: {  	s13 =	sshll.u32 s2, $0x9;
	p3 =	seq.s32 s2, $0x3F;
	[tilespmem:s3+$0x8300] =	vst v1;
	v0 =	vsub.s32 v11, v0  }
0x889: {  	s23 =	simm.s32 $0x8300;
	[tilespmem:s3+$0x8500] =	vst v0;
	s3 =	sadd.s32 @!p3 s13, s22  }
0x88a: {  	[tilespmem:s14], [sflag:$0x6] =	stream.indirect.gather [hbm4b:s9+s21], $0x80, s23, s21, $0xb8;
	[tilespmem:$0x1C600] =	vst v63  }
0x88b: {  	s17 =	rddreg [dreg:$0x3];
	s3 =	sshrl.u32 @!p3 s3, $0x3  }
0x88c: {  	s19 =	simm.s32 @!p3 $0x8000;
	s3 =	sadd.s32 @!p3 s17, s3;
	s17 =	simm.s32 @!p3 $0x0  }
0x88d: {  	[tilespmem:s19], [sflag:$0x9] =	stream.linear.gather @!p3 [hbm4b:s3+s17], $0x100, $0x38;
	[tilespmem:$0x1C600] =	vst v63  }
0x88e: {  	_ =	swait.ge [sflag:s16], $0x8000  }
0x88f: {  	p2 =	seq.s32 s2, $0x0;
	[sflag:s16] =	ssyncset.done $0x0  }
0x890: {  	s3 =	simm.s32 @!p2 $0x7;
	[sflag:s16] =	ssyncadd.s32 $0xFFFF8000  }
0x891: {  	_ =	swait.ge @!p2 [sflag:s3], $0x2000  }
0x892: {  	[sflag:s3] =	ssyncset.done @!p2 $0x0  }
0x893: {  	[sflag:s3] =	ssyncadd.s32 @!p2 $0xFFFFE000;
	s3 =	simm.s32 $0x8400  }
0x894: {  	v11 =	vld [tilespmem:s3+$0x0];
	_ =	sdelay $0x1  }
0x895: {  	s17 =	simm.s32 $0x0  }
0x896: {  	v51 =	vmov s17  }
0x897: {  	v0 =	vshll.u32 v51, $0x7  }
0x898: {  	v12 =	vor.u32 v4, v0;
	v52 =	vand.u32 $0xFFFFFF80, v11  }
0x899: {  	v53 =	vand.u32 $0x7F, v11;
	v1 =	vadd.s32 v12, v52  }
0x89a: {  	v0 =	vor.u32 v53, v1;
	_ =	sdelay $0x2  }
0x89b: {  	v54 =	vadd.s32 $0x4, v11  }
0x89c: {  	v2 =	vand.u32 $0xFFFFFF80, v54  }
0x89d: {  	v2 =	vadd.s32 v12, v2;
	v1 =	vand.u32 $0x7F, v54;
	v0 =	vld.idx.msk [tilespmem:v0+s20+$0x0], $0xffff  }
0x89e: {  	v1 =	vor.u32 v1, v2;
	_ =	sdelay $0x1  }
0x89f: {  	s25 =	sand.u32 $0x70, s17;
	s23 =	sand.u32 $0x400, s17  }
0x8a0: {  	s23 =	sor.u32 s25, s23;
	v55 =	vadd.s32 $0x8, v11  }
0x8a1: {  	v10 =	vand.u32 $0xFFFFFF80, v55;
	[tilespmem:s23+$0x18600] =	vst v0  }
0x8a2: {  	v56 =	vadd.s32 v12, v10;
	v2 =	vand.u32 $0x7F, v55;
	v1 =	vld.idx.msk [tilespmem:v1+s20+$0x0], $0xffff  }
0x8a3: {  	v0 =	vor.u32 v2, v56;
	_ =	sdelay $0x2  }
0x8a4: {  	s19 =	sadd.s32 $0x18600, s23;
	v57 =	vadd.s32 $0xC, v11  }
0x8a5: {  	v10 =	vand.u32 $0xFFFFFF80, v57;
	[tilespmem:s19+$0x80] =	vst v1  }
0x8a6: {  	v58 =	vadd.s32 v12, v10;
	v2 =	vand.u32 $0x7F, v57;
	v0 =	vld.idx.msk [tilespmem:v0+s20+$0x0], $0xffff  }
0x8a7: {  	v1 =	vor.u32 v2, v58;
	_ =	sdelay $0x2  }
0x8a8: {  	v59 =	vadd.s32 $0x10, v11  }
0x8a9: {  	v10 =	vand.u32 $0xFFFFFF80, v59;
	[tilespmem:s19+$0x100] =	vst v0  }
0x8aa: {  	v60 =	vadd.s32 v12, v10;
	v2 =	vand.u32 $0x7F, v59;
	v1 =	vld.idx.msk [tilespmem:v1+s20+$0x0], $0xffff  }
0x8ab: {  	v0 =	vor.u32 v2, v60;
	_ =	sdelay $0x2  }
0x8ac: {  	v61 =	vadd.s32 $0x14, v11  }
0x8ad: {  	v10 =	vand.u32 $0xFFFFFF80, v61;
	[tilespmem:s19+$0x180] =	vst v1  }
0x8ae: {  	v62 =	vadd.s32 v12, v10;
	v2 =	vand.u32 $0x7F, v61;
	v0 =	vld.idx.msk [tilespmem:v0+s20+$0x0], $0xffff  }
0x8af: {  	v1 =	vor.u32 v2, v62;
	_ =	sdelay $0x2  }
0x8b0: {  	v63 =	vadd.s32 $0x18, v11  }
0x8b1: {  	v10 =	vand.u32 $0xFFFFFF80, v63;
	[tilespmem:s19+$0x200] =	vst v0  }
0x8b2: {  	v13 =	vadd.s32 v12, v10;
	v2 =	vand.u32 $0x7F, v63;
	v1 =	vld.idx.msk [tilespmem:v1+s20+$0x0], $0xffff  }
0x8b3: {  	v0 =	vor.u32 v2, v13;
	_ =	sdelay $0x2  }
0x8b4: {  	v14 =	vadd.s32 $0x1C, v11  }
0x8b5: {  	v10 =	vand.u32 $0xFFFFFF80, v14;
	[tilespmem:s19+$0x280] =	vst v1  }
0x8b6: {  	v15 =	vadd.s32 v12, v10;
	v2 =	vand.u32 $0x7F, v14;
	v0 =	vld.idx.msk [tilespmem:v0+s20+$0x0], $0xffff  }
0x8b7: {  	v1 =	vor.u32 v2, v15;
	_ =	sdelay $0x2  }
0x8b8: {  	v16 =	vadd.s32 $0x20, v11  }
0x8b9: {  	v10 =	vand.u32 $0xFFFFFF80, v16;
	[tilespmem:s19+$0x300] =	vst v0  }
0x8ba: {  	v17 =	vadd.s32 v12, v10;
	v2 =	vand.u32 $0x7F, v16;
	v1 =	vld.idx.msk [tilespmem:v1+s20+$0x0], $0xffff  }
0x8bb: {  	v0 =	vor.u32 v2, v17;
	_ =	sdelay $0x1  }
0x8bc: {  	s25 =	sor.u32 s17, s17  }
0x8bd: {  	v18 =	vadd.s32 $0x24, v11;
	s19 =	sor.u32 $0x380, s25  }
0x8be: {  	v10 =	vand.u32 $0xFFFFFF80, v18;
	[tilespmem:s19+$0x18600] =	vst v1  }
0x8bf: {  	v19 =	vadd.s32 v12, v10;
	v2 =	vand.u32 $0x7F, v18;
	v0 =	vld.idx.msk [tilespmem:v0+s20+$0x0], $0xffff  }
0x8c0: {  	v1 =	vor.u32 v2, v19;
	_ =	sdelay $0x2  }
0x8c1: {  	v20 =	vadd.s32 $0x28, v11  }
0x8c2: {  	v10 =	vand.u32 $0xFFFFFF80, v20;
	[tilespmem:s23+$0x18E00] =	vst v0  }
0x8c3: {  	v21 =	vadd.s32 v12, v10;
	v2 =	vand.u32 $0x7F, v20;
	v1 =	vld.idx.msk [tilespmem:v1+s20+$0x0], $0xffff  }
0x8c4: {  	v0 =	vor.u32 v2, v21;
	_ =	sdelay $0x2  }
0x8c5: {  	v22 =	vadd.s32 $0x2C, v11  }
0x8c6: {  	v10 =	vand.u32 $0xFFFFFF80, v22;
	[tilespmem:s23+$0x18E80] =	vst v1  }
0x8c7: {  	v23 =	vadd.s32 v12, v10;
	v2 =	vand.u32 $0x7F, v22;
	v0 =	vld.idx.msk [tilespmem:v0+s20+$0x0], $0xffff  }
0x8c8: {  	v1 =	vor.u32 v2, v23;
	_ =	sdelay $0x2  }
0x8c9: {  	v24 =	vadd.s32 $0x30, v11  }
0x8ca: {  	v10 =	vand.u32 $0xFFFFFF80, v24;
	[tilespmem:s23+$0x18F00] =	vst v0  }
0x8cb: {  	v25 =	vadd.s32 v12, v10;
	v2 =	vand.u32 $0x7F, v24;
	v1 =	vld.idx.msk [tilespmem:v1+s20+$0x0], $0xffff  }
0x8cc: {  	v0 =	vor.u32 v2, v25;
	_ =	sdelay $0x2  }
0x8cd: {  	v26 =	vadd.s32 $0x34, v11  }
0x8ce: {  	v10 =	vand.u32 $0xFFFFFF80, v26;
	[tilespmem:s23+$0x18F80] =	vst v1  }
0x8cf: {  	v27 =	vadd.s32 v12, v10;
	v2 =	vand.u32 $0x7F, v26;
	v0 =	vld.idx.msk [tilespmem:v0+s20+$0x0], $0xffff  }
0x8d0: {  	v1 =	vor.u32 v2, v27;
	_ =	sdelay $0x2  }
0x8d1: {  	v28 =	vadd.s32 $0x38, v11  }
0x8d2: {  	v10 =	vand.u32 $0xFFFFFF80, v28;
	[tilespmem:s23+$0x19000] =	vst v0  }
0x8d3: {  	v29 =	vadd.s32 v12, v10;
	v2 =	vand.u32 $0x7F, v28;
	v1 =	vld.idx.msk [tilespmem:v1+s20+$0x0], $0xffff  }
0x8d4: {  	v0 =	vor.u32 v2, v29;
	_ =	sdelay $0x2  }
0x8d5: {  	v30 =	vadd.s32 $0x3C, v11  }
0x8d6: {  	v10 =	vand.u32 $0xFFFFFF80, v30;
	[tilespmem:s23+$0x19080] =	vst v1  }
0x8d7: {  	v31 =	vadd.s32 v12, v10;
	v2 =	vand.u32 $0x7F, v30;
	v0 =	vld.idx.msk [tilespmem:v0+s20+$0x0], $0xffff  }
0x8d8: {  	v1 =	vor.u32 v2, v31;
	_ =	sdelay $0x2  }
0x8d9: {  	v32 =	vadd.s32 $0x40, v11  }
0x8da: {  	v10 =	vand.u32 $0xFFFFFF80, v32;
	[tilespmem:s23+$0x19100] =	vst v0  }
0x8db: {  	v33 =	vadd.s32 v12, v10;
	v2 =	vand.u32 $0x7F, v32;
	v1 =	vld.idx.msk [tilespmem:v1+s20+$0x0], $0xffff  }
0x8dc: {  	v0 =	vor.u32 v2, v33;
	_ =	sdelay $0x2  }
0x8dd: {  	v34 =	vadd.s32 $0x44, v11  }
0x8de: {  	v10 =	vand.u32 $0xFFFFFF80, v34;
	[tilespmem:s23+$0x19180] =	vst v1  }
0x8df: {  	v35 =	vadd.s32 v12, v10;
	v2 =	vand.u32 $0x7F, v34;
	v0 =	vld.idx.msk [tilespmem:v0+s20+$0x0], $0xffff  }
0x8e0: {  	v1 =	vor.u32 v2, v35;
	_ =	sdelay $0x2  }
0x8e1: {  	v36 =	vadd.s32 $0x48, v11  }
0x8e2: {  	v10 =	vand.u32 $0xFFFFFF80, v36;
	[tilespmem:s23+$0x19600] =	vst v0  }
0x8e3: {  	v37 =	vadd.s32 v12, v10;
	v2 =	vand.u32 $0x7F, v36;
	v1 =	vld.idx.msk [tilespmem:v1+s20+$0x0], $0xffff  }
0x8e4: {  	v0 =	vor.u32 v2, v37;
	_ =	sdelay $0x2  }
0x8e5: {  	v38 =	vadd.s32 $0x4C, v11  }
0x8e6: {  	v10 =	vand.u32 $0xFFFFFF80, v38;
	[tilespmem:s23+$0x19680] =	vst v1  }
0x8e7: {  	v39 =	vadd.s32 v12, v10;
	v2 =	vand.u32 $0x7F, v38;
	v0 =	vld.idx.msk [tilespmem:v0+s20+$0x0], $0xffff  }
0x8e8: {  	v1 =	vor.u32 v2, v39;
	_ =	sdelay $0x2  }
0x8e9: {  	v40 =	vadd.s32 $0x50, v11  }
0x8ea: {  	v10 =	vand.u32 $0xFFFFFF80, v40;
	[tilespmem:s23+$0x19700] =	vst v0  }
0x8eb: {  	v41 =	vadd.s32 v12, v10;
	v2 =	vand.u32 $0x7F, v40;
	v1 =	vld.idx.msk [tilespmem:v1+s20+$0x0], $0xffff  }
0x8ec: {  	v0 =	vor.u32 v2, v41;
	_ =	sdelay $0x2  }
0x8ed: {  	v42 =	vadd.s32 $0x54, v11  }
0x8ee: {  	v10 =	vand.u32 $0xFFFFFF80, v42;
	[tilespmem:s23+$0x19780] =	vst v1  }
0x8ef: {  	v43 =	vadd.s32 v12, v10;
	v2 =	vand.u32 $0x7F, v42;
	v0 =	vld.idx.msk [tilespmem:v0+s20+$0x0], $0xffff  }
0x8f0: {  	v1 =	vor.u32 v2, v43;
	_ =	sdelay $0x2  }
0x8f1: {  	v44 =	vadd.s32 $0x58, v11  }
0x8f2: {  	v10 =	vand.u32 $0xFFFFFF80, v44;
	[tilespmem:s23+$0x19800] =	vst v0  }
0x8f3: {  	v45 =	vadd.s32 v12, v10;
	v2 =	vand.u32 $0x7F, v44;
	v1 =	vld.idx.msk [tilespmem:v1+s20+$0x0], $0xffff  }
0x8f4: {  	v0 =	vor.u32 v2, v45;
	_ =	sdelay $0x2  }
0x8f5: {  	v46 =	vadd.s32 $0x5C, v11  }
0x8f6: {  	v10 =	vand.u32 $0xFFFFFF80, v46;
	[tilespmem:s23+$0x19880] =	vst v1  }
0x8f7: {  	v47 =	vadd.s32 v12, v10;
	v2 =	vand.u32 $0x7F, v46;
	v0 =	vld.idx.msk [tilespmem:v0+s20+$0x0], $0xffff  }
0x8f8: {  	v1 =	vor.u32 v2, v47;
	_ =	sdelay $0x2  }
0x8f9: {  	v48 =	vadd.s32 $0x60, v11  }
0x8fa: {  	v10 =	vand.u32 $0xFFFFFF80, v48;
	[tilespmem:s23+$0x19900] =	vst v0  }
0x8fb: {  	v49 =	vadd.s32 v12, v10;
	v2 =	vand.u32 $0x7F, v48;
	v1 =	vld.idx.msk [tilespmem:v1+s20+$0x0], $0xffff  }
0x8fc: {  	v0 =	vor.u32 v2, v49;
	_ =	sdelay $0x2  }
0x8fd: {  	v50 =	vadd.s32 $0x64, v11  }
0x8fe: {  	v10 =	vand.u32 $0xFFFFFF80, v50;
	[tilespmem:s23+$0x19980] =	vst v1  }
0x8ff: {  	v51 =	vadd.s32 v12, v10;
	v2 =	vand.u32 $0x7F, v50;
	v0 =	vld.idx.msk [tilespmem:v0+s20+$0x0], $0xffff  }
0x900: {  	v1 =	vor.u32 v2, v51;
	_ =	sdelay $0x2  }
0x901: {  	v52 =	vadd.s32 $0x68, v11  }
0x902: {  	v10 =	vand.u32 $0xFFFFFF80, v52;
	[tilespmem:s23+$0x19E00] =	vst v0  }
0x903: {  	v53 =	vadd.s32 v12, v10;
	v2 =	vand.u32 $0x7F, v52;
	v1 =	vld.idx.msk [tilespmem:v1+s20+$0x0], $0xffff  }
0x904: {  	v0 =	vor.u32 v2, v53;
	_ =	sdelay $0x2  }
0x905: {  	v54 =	vadd.s32 $0x6C, v11  }
0x906: {  	v10 =	vand.u32 $0xFFFFFF80, v54;
	[tilespmem:s23+$0x19E80] =	vst v1  }
0x907: {  	v55 =	vadd.s32 v12, v10;
	v2 =	vand.u32 $0x7F, v54;
	v0 =	vld.idx.msk [tilespmem:v0+s20+$0x0], $0xffff  }
0x908: {  	v1 =	vor.u32 v2, v55;
	_ =	sdelay $0x2  }
0x909: {  	v56 =	vadd.s32 $0x70, v11  }
0x90a: {  	v10 =	vand.u32 $0xFFFFFF80, v56;
	[tilespmem:s23+$0x19F00] =	vst v0  }
0x90b: {  	v57 =	vadd.s32 v12, v10;
	v2 =	vand.u32 $0x7F, v56;
	v1 =	vld.idx.msk [tilespmem:v1+s20+$0x0], $0xffff  }
0x90c: {  	v0 =	vor.u32 v2, v57;
	_ =	sdelay $0x2  }
0x90d: {  	v58 =	vadd.s32 $0x74, v11  }
0x90e: {  	v10 =	vand.u32 $0xFFFFFF80, v58;
	[tilespmem:s23+$0x19F80] =	vst v1  }
0x90f: {  	v59 =	vadd.s32 v12, v10;
	v2 =	vand.u32 $0x7F, v58;
	v0 =	vld.idx.msk [tilespmem:v0+s20+$0x0], $0xffff  }
0x910: {  	v1 =	vor.u32 v2, v59;
	_ =	sdelay $0x2  }
0x911: {  	v60 =	vadd.s32 $0x78, v11  }
0x912: {  	v10 =	vand.u32 $0xFFFFFF80, v60;
	[tilespmem:s23+$0x1A000] =	vst v0  }
0x913: {  	v61 =	vadd.s32 v12, v10;
	v2 =	vand.u32 $0x7F, v60;
	v1 =	vld.idx.msk [tilespmem:v1+s20+$0x0], $0xffff  }
0x914: {  	v0 =	vor.u32 v2, v61;
	_ =	sdelay $0x2  }
0x915: {  	v62 =	vadd.s32 $0x7C, v11  }
0x916: {  	v10 =	vand.u32 $0xFFFFFF80, v62;
	[tilespmem:s23+$0x1A080] =	vst v1  }
0x917: {  	v63 =	vadd.s32 v12, v10;
	v2 =	vand.u32 $0x7F, v62;
	v0 =	vld.idx.msk [tilespmem:v0+s20+$0x0], $0xffff  }
0x918: {  	v1 =	vor.u32 v2, v63;
	_ =	sdelay $0x3  }
0x919: {  	[tilespmem:s23+$0x1A100] =	vst v0  }
0x91a: {  	s29 =	simm.s32 $0x10;
	v11 =	vld.idx.msk [tilespmem:v1+s20+$0x0], $0xffff  }
.LBB2_39:
0x91b: {  	_ =	sdelay $0x3  }
0x91c: {  	p4 =	sne.s32 s29, $0xF0;
	s17 =	sadd.s32 $0x80, s17;
	s3 =	sadd.s32 $0x10, s3;
	[tilespmem:s23+$0x1A180] =	vst v11  }
0x91d: {  	s25 =	smov.u32 s29;
	s29 =	sadd.s32 $0x10, s29;
	v11 =	vld [tilespmem:s3+$0x0];
	_ =	sdelay $0x2  }
0x91e: {  	v0 =	vmov s25  }
0x91f: {  	v0 =	vshll.u32 v0, $0x7  }
0x920: {  	v12 =	vor.u32 v4, v0;
	v1 =	vand.u32 $0xFFFFFF80, v11;
	v0 =	vadd.s32 $0x4, v11  }
0x921: {  	v2 =	vand.u32 $0x7F, v11;
	v1 =	vadd.s32 v12, v1;
	v10 =	vand.u32 $0xFFFFFF80, v0  }
0x922: {  	v1 =	vor.u32 v2, v1;
	v2 =	vadd.s32 v12, v10;
	v10 =	vadd.s32 $0x8, v11  }
0x923: {  	v14 =	vadd.s32 $0xC, v11;
	v15 =	vadd.s32 $0x10, v11;
	v13 =	vand.u32 $0xFFFFFF80, v10  }
0x924: {  	v16 =	vand.u32 $0xFFFFFF80, v14;
	v17 =	vand.u32 $0xFFFFFF80, v15;
	v13 =	vadd.s32 v12, v13  }
0x925: {  	v63 =	vadd.s32 $0x14, v11;
	v16 =	vadd.s32 v12, v16;
	v17 =	vadd.s32 v12, v17  }
0x926: {  	v61 =	vadd.s32 $0x18, v11;
	v57 =	vadd.s32 $0x1C, v11;
	v18 =	vand.u32 $0xFFFFFF80, v63  }
0x927: {  	v19 =	vand.u32 $0xFFFFFF80, v57;
	v3 =	vadd.s32 v12, v18;
	v18 =	vand.u32 $0xFFFFFF80, v61;
	v1 =	vld.idx.msk [tilespmem:v1+s20+$0x0], $0xffff  }
0x928: {  	v0 =	vand.u32 $0x7F, v0;
	v59 =	vadd.s32 v12, v19;
	v62 =	vadd.s32 v12, v18  }
0x929: {  	v58 =	vadd.s32 $0x20, v11;
	v54 =	vadd.s32 $0x24, v11;
	v0 =	vor.u32 v0, v2  }
0x92a: {  	v52 =	vadd.s32 $0x28, v11;
	v2 =	vand.u32 $0xFFFFFF80, v58;
	v18 =	vand.u32 $0xFFFFFF80, v54  }
0x92b: {  	s19 =	sand.u32 $0x70, s25;
	s23 =	sand.u32 $0x400, s17;
	v60 =	vadd.s32 v12, v2;
	v56 =	vadd.s32 v12, v18;
	v2 =	vand.u32 $0xFFFFFF80, v52  }
0x92c: {  	s23 =	sor.u32 s19, s23;
	v51 =	vadd.s32 $0x2C, v11;
	v48 =	vadd.s32 $0x30, v11;
	v55 =	vadd.s32 v12, v2  }
0x92d: {  	v46 =	vadd.s32 $0x34, v11;
	v2 =	vand.u32 $0xFFFFFF80, v48;
	[tilespmem:s23+$0x18600] =	vst v1;
	v1 =	vand.u32 $0xFFFFFF80, v51  }
0x92e: {  	v50 =	vadd.s32 v12, v2;
	v0 =	vld.idx.msk [tilespmem:v0+s20+$0x0], $0xffff;
	v53 =	vadd.s32 v12, v1;
	v1 =	vand.u32 $0xFFFFFF80, v46  }
0x92f: {  	v45 =	vadd.s32 $0x38, v11;
	v2 =	vand.u32 $0x7F, v10;
	v49 =	vadd.s32 v12, v1  }
0x930: {  	v43 =	vadd.s32 $0x3C, v11;
	v1 =	vor.u32 v2, v13;
	v2 =	vand.u32 $0xFFFFFF80, v45  }
0x931: {  	v41 =	vadd.s32 $0x40, v11;
	v47 =	vadd.s32 v12, v2;
	v2 =	vand.u32 $0xFFFFFF80, v43  }
0x932: {  	v38 =	vadd.s32 $0x44, v11;
	v44 =	vadd.s32 v12, v2;
	v2 =	vand.u32 $0xFFFFFF80, v41  }
0x933: {  	s19 =	sadd.s32 $0x18600, s23;
	v36 =	vadd.s32 $0x48, v11;
	v42 =	vadd.s32 v12, v2;
	v2 =	vand.u32 $0xFFFFFF80, v38  }
0x934: {  	v35 =	vadd.s32 $0x4C, v11;
	v40 =	vadd.s32 v12, v2;
	[tilespmem:s19+$0x80] =	vst v0;
	v0 =	vand.u32 $0xFFFFFF80, v36  }
0x935: {  	v32 =	vadd.s32 $0x50, v11;
	v1 =	vld.idx.msk [tilespmem:v1+s20+$0x0], $0xffff;
	v39 =	vadd.s32 v12, v0;
	v0 =	vand.u32 $0xFFFFFF80, v35  }
0x936: {  	v2 =	vand.u32 $0x7F, v14;
	v37 =	vadd.s32 v12, v0;
	v0 =	vand.u32 $0xFFFFFF80, v32  }
0x937: {  	v31 =	vadd.s32 $0x54, v11;
	v2 =	vor.u32 v2, v16;
	v34 =	vadd.s32 v12, v0  }
0x938: {  	v29 =	vadd.s32 $0x58, v11;
	v26 =	vadd.s32 $0x5C, v11;
	v0 =	vand.u32 $0xFFFFFF80, v31  }
0x939: {  	v10 =	vand.u32 $0xFFFFFF80, v26;
	v33 =	vadd.s32 v12, v0;
	v0 =	vand.u32 $0xFFFFFF80, v29  }
0x93a: {  	v24 =	vadd.s32 $0x60, v11;
	v28 =	vadd.s32 v12, v10;
	v30 =	vadd.s32 v12, v0  }
0x93b: {  	v23 =	vadd.s32 $0x64, v11;
	v19 =	vadd.s32 $0x68, v11;
	v0 =	vand.u32 $0xFFFFFF80, v24;
	[tilespmem:s19+$0x100] =	vst v1  }
0x93c: {  	v27 =	vadd.s32 v12, v0;
	v0 =	vand.u32 $0xFFFFFF80, v23;
	v1 =	vld.idx.msk [tilespmem:v2+s20+$0x0], $0xffff;
	v2 =	vand.u32 $0xFFFFFF80, v19  }
0x93d: {  	v10 =	vand.u32 $0x7F, v15;
	v25 =	vadd.s32 v12, v0;
	v22 =	vadd.s32 v12, v2  }
0x93e: {  	v20 =	vadd.s32 $0x6C, v11;
	v0 =	vor.u32 v10, v17;
	v17 =	vadd.s32 $0x70, v11  }
0x93f: {  	v14 =	vadd.s32 $0x74, v11;
	v10 =	vand.u32 $0xFFFFFF80, v17;
	v2 =	vand.u32 $0xFFFFFF80, v20  }
0x940: {  	v18 =	vadd.s32 v12, v10;
	v21 =	vadd.s32 v12, v2;
	v2 =	vand.u32 $0xFFFFFF80, v14  }
0x941: {  	v13 =	vadd.s32 $0x78, v11;
	v11 =	vadd.s32 $0x7C, v11;
	v16 =	vadd.s32 v12, v2  }
0x942: {  	v2 =	vand.u32 $0xFFFFFF80, v11;
	[tilespmem:s19+$0x180] =	vst v1;
	v1 =	vand.u32 $0xFFFFFF80, v13  }
0x943: {  	v0 =	vld.idx.msk [tilespmem:v0+s20+$0x0], $0xffff;
	v15 =	vadd.s32 v12, v1;
	v12 =	vadd.s32 v12, v2  }
0x944: {  	v1 =	vand.u32 $0x7F, v63  }
0x945: {  	v1 =	vor.u32 v1, v3;
	_ =	sdelay $0x3  }
0x946: {  	[tilespmem:s19+$0x200] =	vst v0  }
0x947: {  	v0 =	vld.idx.msk [tilespmem:v1+s20+$0x0], $0xffff  }
0x948: {  	v1 =	vand.u32 $0x7F, v61  }
0x949: {  	v1 =	vor.u32 v1, v62;
	_ =	sdelay $0x3  }
0x94a: {  	[tilespmem:s19+$0x280] =	vst v0  }
0x94b: {  	v0 =	vld.idx.msk [tilespmem:v1+s20+$0x0], $0xffff  }
0x94c: {  	v1 =	vand.u32 $0x7F, v57  }
0x94d: {  	v1 =	vor.u32 v1, v59;
	_ =	sdelay $0x3  }
0x94e: {  	[tilespmem:s19+$0x300] =	vst v0  }
0x94f: {  	v0 =	vld.idx.msk [tilespmem:v1+s20+$0x0], $0xffff  }
0x950: {  	v1 =	vand.u32 $0x7F, v58  }
0x951: {  	v1 =	vor.u32 v1, v60;
	_ =	sdelay $0x1  }
0x952: {  	s19 =	sor.u32 s17, s25  }
0x953: {  	s19 =	sor.u32 $0x380, s19  }
0x954: {  	[tilespmem:s19+$0x18600] =	vst v0  }
0x955: {  	v0 =	vld.idx.msk [tilespmem:v1+s20+$0x0], $0xffff  }
0x956: {  	v1 =	vand.u32 $0x7F, v54  }
0x957: {  	v1 =	vor.u32 v1, v56;
	_ =	sdelay $0x3  }
0x958: {  	[tilespmem:s23+$0x18E00] =	vst v0  }
0x959: {  	v0 =	vld.idx.msk [tilespmem:v1+s20+$0x0], $0xffff  }
0x95a: {  	v1 =	vand.u32 $0x7F, v52  }
0x95b: {  	v1 =	vor.u32 v1, v55;
	_ =	sdelay $0x3  }
0x95c: {  	[tilespmem:s23+$0x18E80] =	vst v0  }
0x95d: {  	v0 =	vld.idx.msk [tilespmem:v1+s20+$0x0], $0xffff  }
0x95e: {  	v1 =	vand.u32 $0x7F, v51  }
0x95f: {  	v1 =	vor.u32 v1, v53;
	_ =	sdelay $0x3  }
0x960: {  	[tilespmem:s23+$0x18F00] =	vst v0  }
0x961: {  	v0 =	vld.idx.msk [tilespmem:v1+s20+$0x0], $0xffff  }
0x962: {  	v1 =	vand.u32 $0x7F, v48  }
0x963: {  	v1 =	vor.u32 v1, v50;
	_ =	sdelay $0x3  }
0x964: {  	[tilespmem:s23+$0x18F80] =	vst v0  }
0x965: {  	v0 =	vld.idx.msk [tilespmem:v1+s20+$0x0], $0xffff  }
0x966: {  	v1 =	vand.u32 $0x7F, v46  }
0x967: {  	v1 =	vor.u32 v1, v49;
	_ =	sdelay $0x3  }
0x968: {  	[tilespmem:s23+$0x19000] =	vst v0  }
0x969: {  	v0 =	vld.idx.msk [tilespmem:v1+s20+$0x0], $0xffff  }
0x96a: {  	v1 =	vand.u32 $0x7F, v45  }
0x96b: {  	v1 =	vor.u32 v1, v47;
	_ =	sdelay $0x3  }
0x96c: {  	[tilespmem:s23+$0x19080] =	vst v0  }
0x96d: {  	v0 =	vld.idx.msk [tilespmem:v1+s20+$0x0], $0xffff  }
0x96e: {  	v1 =	vand.u32 $0x7F, v43  }
0x96f: {  	v1 =	vor.u32 v1, v44;
	_ =	sdelay $0x3  }
0x970: {  	[tilespmem:s23+$0x19100] =	vst v0  }
0x971: {  	v0 =	vld.idx.msk [tilespmem:v1+s20+$0x0], $0xffff  }
0x972: {  	v1 =	vand.u32 $0x7F, v41  }
0x973: {  	v1 =	vor.u32 v1, v42;
	_ =	sdelay $0x3  }
0x974: {  	[tilespmem:s23+$0x19180] =	vst v0  }
0x975: {  	v0 =	vld.idx.msk [tilespmem:v1+s20+$0x0], $0xffff  }
0x976: {  	v1 =	vand.u32 $0x7F, v38  }
0x977: {  	v1 =	vor.u32 v1, v40;
	_ =	sdelay $0x3  }
0x978: {  	[tilespmem:s23+$0x19600] =	vst v0  }
0x979: {  	v0 =	vld.idx.msk [tilespmem:v1+s20+$0x0], $0xffff  }
0x97a: {  	v1 =	vand.u32 $0x7F, v36  }
0x97b: {  	v1 =	vor.u32 v1, v39;
	_ =	sdelay $0x3  }
0x97c: {  	[tilespmem:s23+$0x19680] =	vst v0  }
0x97d: {  	v0 =	vld.idx.msk [tilespmem:v1+s20+$0x0], $0xffff  }
0x97e: {  	v1 =	vand.u32 $0x7F, v35  }
0x97f: {  	v1 =	vor.u32 v1, v37;
	_ =	sdelay $0x3  }
0x980: {  	[tilespmem:s23+$0x19700] =	vst v0  }
0x981: {  	v0 =	vld.idx.msk [tilespmem:v1+s20+$0x0], $0xffff  }
0x982: {  	v1 =	vand.u32 $0x7F, v32  }
0x983: {  	v1 =	vor.u32 v1, v34;
	_ =	sdelay $0x3  }
0x984: {  	[tilespmem:s23+$0x19780] =	vst v0  }
0x985: {  	v0 =	vld.idx.msk [tilespmem:v1+s20+$0x0], $0xffff  }
0x986: {  	v1 =	vand.u32 $0x7F, v31  }
0x987: {  	v1 =	vor.u32 v1, v33;
	_ =	sdelay $0x3  }
0x988: {  	[tilespmem:s23+$0x19800] =	vst v0  }
0x989: {  	v0 =	vld.idx.msk [tilespmem:v1+s20+$0x0], $0xffff  }
0x98a: {  	v1 =	vand.u32 $0x7F, v29  }
0x98b: {  	v1 =	vor.u32 v1, v30;
	_ =	sdelay $0x3  }
0x98c: {  	[tilespmem:s23+$0x19880] =	vst v0  }
0x98d: {  	v0 =	vld.idx.msk [tilespmem:v1+s20+$0x0], $0xffff  }
0x98e: {  	v1 =	vand.u32 $0x7F, v26  }
0x98f: {  	v1 =	vor.u32 v1, v28;
	_ =	sdelay $0x3  }
0x990: {  	[tilespmem:s23+$0x19900] =	vst v0  }
0x991: {  	v0 =	vld.idx.msk [tilespmem:v1+s20+$0x0], $0xffff  }
0x992: {  	v1 =	vand.u32 $0x7F, v24  }
0x993: {  	v1 =	vor.u32 v1, v27;
	_ =	sdelay $0x3  }
0x994: {  	[tilespmem:s23+$0x19980] =	vst v0  }
0x995: {  	v0 =	vld.idx.msk [tilespmem:v1+s20+$0x0], $0xffff  }
0x996: {  	v1 =	vand.u32 $0x7F, v23  }
0x997: {  	v1 =	vor.u32 v1, v25;
	_ =	sdelay $0x3  }
0x998: {  	[tilespmem:s23+$0x19E00] =	vst v0  }
0x999: {  	v0 =	vld.idx.msk [tilespmem:v1+s20+$0x0], $0xffff  }
0x99a: {  	v1 =	vand.u32 $0x7F, v19  }
0x99b: {  	v1 =	vor.u32 v1, v22;
	_ =	sdelay $0x3  }
0x99c: {  	[tilespmem:s23+$0x19E80] =	vst v0  }
0x99d: {  	v0 =	vld.idx.msk [tilespmem:v1+s20+$0x0], $0xffff  }
0x99e: {  	v1 =	vand.u32 $0x7F, v20  }
0x99f: {  	v1 =	vor.u32 v1, v21;
	_ =	sdelay $0x3  }
0x9a0: {  	[tilespmem:s23+$0x19F00] =	vst v0  }
0x9a1: {  	v0 =	vld.idx.msk [tilespmem:v1+s20+$0x0], $0xffff  }
0x9a2: {  	v1 =	vand.u32 $0x7F, v17  }
0x9a3: {  	v1 =	vor.u32 v1, v18;
	_ =	sdelay $0x3  }
0x9a4: {  	[tilespmem:s23+$0x19F80] =	vst v0  }
0x9a5: {  	v0 =	vld.idx.msk [tilespmem:v1+s20+$0x0], $0xffff  }
0x9a6: {  	v1 =	vand.u32 $0x7F, v14  }
0x9a7: {  	v1 =	vor.u32 v1, v16;
	_ =	sdelay $0x3  }
0x9a8: {  	[tilespmem:s23+$0x1A000] =	vst v0  }
0x9a9: {  	v0 =	vld.idx.msk [tilespmem:v1+s20+$0x0], $0xffff  }
0x9aa: {  	v1 =	vand.u32 $0x7F, v13  }
0x9ab: {  	v1 =	vor.u32 v1, v15;
	_ =	sdelay $0x3  }
0x9ac: {  	[tilespmem:s23+$0x1A080] =	vst v0  }
0x9ad: {  	v0 =	vld.idx.msk [tilespmem:v1+s20+$0x0], $0xffff  }
0x9ae: {  	v1 =	vand.u32 $0x7F, v11  }
0x9af: {  	v1 =	vor.u32 v1, v12  }
.Ltmp29:
0x9b0: {  	(pc) =	sbr.rel @p4 .LBB2_39-.Ltmp29, $3  }
0x9b1: {  	_ =	sdelay $0x1  }
0x9b2: {  	[tilespmem:s23+$0x1A100] =	vst v0  }
0x9b3: {  	v11 =	vld.idx.msk [tilespmem:v1+s20+$0x0], $0xffff  }
0x9b4: {  	_ = 	snop  }
.Ltmp30:
0x9b5: {  	_ = 	snop;
	(pc) =	sbr.rel @!p3 .LBB2_41-.Ltmp30, $4  }
0x9b6: {  	s3 =	rddreg [dreg:$0x15]  }
0x9b7: {  	s3 =	sor.u32 s3, s13  }
0x9b8: {  	s19 =	simm.s32 $0x18600;
	s17 =	sadd.s32 s12, s3;
	[tilespmem:s23+$0x1A180] =	vst v11  }
0x9b9: {  	[hbm4b:s17+s30] =	stream.strided.scatter [tilespmem:s19], [sflag:$0x7], $0x2000, s6, s30, $0x38;
	[tilespmem:$0x1C600] =	vst v63  }
.Ltmp31:
0x9ba: {  	(pc) =	sbr.rel .LBB2_50-.Ltmp31, $4  }
0x9bb: {  	_ = 	snop  }
0x9bc: {  	_ =	swait.ge [sflag:s28], $0x8000  }
0x9bd: {  	[sflag:s28] =	ssyncset.done $0x0  }
0x9be: {  	[sflag:s28] =	ssyncadd.s32 $0xFFFF8000  }
.LBB2_41:
0x9bf: {  	_ =	swait.ge [sflag:s18], $0x100  }
0x9c0: {  	[sflag:s18] =	ssyncset.done $0x0  }
0x9c1: {  	s17 =	simm.s32 $0x0;
	[sflag:s18] =	ssyncadd.s32 $0xFFFFFF00  }
0x9c2: {  	v11 =	vld [tilespmem:s17+$0x8000];
	_ =	sdelay $0x3  }
0x9c3: {  	s19 =	simm.s32 $0x40  }
.LBB2_42:
0x9c4: {  	s23 =	sshra.s32 s19, $0x2;
	p3 =	sne.s32 s19, $0x3C0;
	s19 =	sadd.s32 $0x40, s19;
	v0 =	vshrl.u32 v11, $0x2;
	v1 =	vshra.s32 v11, $0x1F;
	v2 =	vmov v11  }
.Ltmp32:
0x9c5: {  	v11 =	vld [tilespmem:s23+$0x8000];
	[tilespmem:s17+$0x8200] =	vst v0;
	v0 =	vshrl.u32 v1, $0x1E;
	(pc) =	sbr.rel @p3 .LBB2_42-.Ltmp32, $4  }
0x9c6: {  	v0 =	vadd.s32 v0, v2  }
0x9c7: {  	v0 =	vand.u32 $0xFFFFFFFC, v0  }
0x9c8: {  	v0 =	vsub.s32 v2, v0  }
0x9c9: {  	[tilespmem:s17+$0x8400] =	vst v0;
	s17 =	smov.u32 s23  }
0x9ca: {  	v0 =	vshra.s32 v11, $0x1F  }
0x9cb: {  	v0 =	vshrl.u32 v0, $0x1E  }
0x9cc: {  	v0 =	vadd.s32 v0, v11  }
0x9cd: {  	v1 =	vshrl.u32 v11, $0x2;
	s23 =	rddreg [dreg:$0x11];
	v0 =	vand.u32 $0xFFFFFFFC, v0  }
0x9ce: {  	[tilespmem:s17+$0x8200] =	vst v1;
	s13 =	sadd.s32 s13, s23;
	v0 =	vsub.s32 v11, v0  }
0x9cf: {  	s19 =	simm.s32 $0x8200;
	s25 =	rddreg [dreg:$0x3];
	s13 =	sshrl.u32 s13, $0x3;
	[tilespmem:s17+$0x8400] =	vst v0  }
0x9d0: {  	[tilespmem:s20], [sflag:$0x5] =	stream.indirect.gather [hbm4b:s9+s21], $0x80, s19, s21, $0xb8;
	[tilespmem:$0x1C600] =	vst v63  }
.Ltmp33:
0x9d1: {  	s29 =	simm.s32 $0x8100;
	s13 =	sadd.s32 s25, s13;
	(pc) =	sbr.rel @p2 .LBB2_51-.Ltmp33, $4  }
0x9d2: {  	[tilespmem:s29], [sflag:$0xA] =	stream.linear.gather [hbm4b:s13+s4], $0x100, $0x38;
	[tilespmem:$0x1C600] =	vst v63  }
0x9d3: {  	_ =	swait.ge [sflag:s28], $0x8000  }
0x9d4: {  	[sflag:s28] =	ssyncset.done $0x0  }
0x9d5: {  	[sflag:s28] =	ssyncadd.s32 $0xFFFF8000  }
.LBB2_50:
0x9d6: {  	_ =	swait.ge [sflag:s24], $0x2000  }
0x9d7: {  	[sflag:s24] =	ssyncset.done $0x0  }
0x9d8: {  	[sflag:s24] =	ssyncadd.s32 $0xFFFFE000  }
.LBB2_51:
0x9d9: {  	s13 =	simm.s32 $0x8500  }
0x9da: {  	v11 =	vld [tilespmem:s13+$0x0];
	_ =	sdelay $0x1  }
0x9db: {  	s17 =	simm.s32 $0x0  }
0x9dc: {  	v0 =	vmov s17  }
0x9dd: {  	v0 =	vshll.u32 v0, $0x7  }
0x9de: {  	v12 =	vor.u32 v4, v0;
	v1 =	vand.u32 $0xFFFFFF80, v11  }
0x9df: {  	v53 =	vand.u32 $0x7F, v11;
	v1 =	vadd.s32 v12, v1  }
0x9e0: {  	v0 =	vor.u32 v53, v1;
	_ =	sdelay $0x2  }
0x9e1: {  	v54 =	vadd.s32 $0x4, v11  }
0x9e2: {  	v2 =	vand.u32 $0xFFFFFF80, v54  }
0x9e3: {  	v2 =	vadd.s32 v12, v2;
	v1 =	vand.u32 $0x7F, v54;
	v0 =	vld.idx.msk [tilespmem:v0+s14+$0x0], $0xffff  }
0x9e4: {  	v1 =	vor.u32 v1, v2;
	_ =	sdelay $0x1  }
0x9e5: {  	s19 =	sand.u32 $0x70, s17;
	s23 =	sand.u32 $0x400, s17  }
0x9e6: {  	s23 =	sor.u32 s19, s23;
	v55 =	vadd.s32 $0x8, v11  }
0x9e7: {  	v3 =	vand.u32 $0xFFFFFF80, v55;
	[tilespmem:s23+$0x1A600] =	vst v0  }
0x9e8: {  	v56 =	vadd.s32 v12, v3;
	v2 =	vand.u32 $0x7F, v55;
	v1 =	vld.idx.msk [tilespmem:v1+s14+$0x0], $0xffff  }
0x9e9: {  	v0 =	vor.u32 v2, v56;
	_ =	sdelay $0x2  }
0x9ea: {  	s19 =	sadd.s32 $0x1A600, s23;
	v57 =	vadd.s32 $0xC, v11  }
0x9eb: {  	v3 =	vand.u32 $0xFFFFFF80, v57;
	[tilespmem:s19+$0x80] =	vst v1  }
0x9ec: {  	v58 =	vadd.s32 v12, v3;
	v2 =	vand.u32 $0x7F, v57;
	v0 =	vld.idx.msk [tilespmem:v0+s14+$0x0], $0xffff  }
0x9ed: {  	v1 =	vor.u32 v2, v58;
	_ =	sdelay $0x2  }
0x9ee: {  	v59 =	vadd.s32 $0x10, v11  }
0x9ef: {  	v3 =	vand.u32 $0xFFFFFF80, v59;
	[tilespmem:s19+$0x100] =	vst v0  }
0x9f0: {  	v60 =	vadd.s32 v12, v3;
	v2 =	vand.u32 $0x7F, v59;
	v1 =	vld.idx.msk [tilespmem:v1+s14+$0x0], $0xffff  }
0x9f1: {  	v0 =	vor.u32 v2, v60;
	_ =	sdelay $0x2  }
0x9f2: {  	v61 =	vadd.s32 $0x14, v11  }
0x9f3: {  	v3 =	vand.u32 $0xFFFFFF80, v61;
	[tilespmem:s19+$0x180] =	vst v1  }
0x9f4: {  	v62 =	vadd.s32 v12, v3;
	v2 =	vand.u32 $0x7F, v61;
	v0 =	vld.idx.msk [tilespmem:v0+s14+$0x0], $0xffff  }
0x9f5: {  	v1 =	vor.u32 v2, v62;
	_ =	sdelay $0x2  }
0x9f6: {  	v63 =	vadd.s32 $0x18, v11  }
0x9f7: {  	v3 =	vand.u32 $0xFFFFFF80, v63;
	[tilespmem:s19+$0x200] =	vst v0  }
0x9f8: {  	v13 =	vadd.s32 v12, v3;
	v2 =	vand.u32 $0x7F, v63;
	v1 =	vld.idx.msk [tilespmem:v1+s14+$0x0], $0xffff  }
0x9f9: {  	v0 =	vor.u32 v2, v13;
	_ =	sdelay $0x2  }
0x9fa: {  	v14 =	vadd.s32 $0x1C, v11  }
0x9fb: {  	v3 =	vand.u32 $0xFFFFFF80, v14;
	[tilespmem:s19+$0x280] =	vst v1  }
0x9fc: {  	v15 =	vadd.s32 v12, v3;
	v2 =	vand.u32 $0x7F, v14;
	v0 =	vld.idx.msk [tilespmem:v0+s14+$0x0], $0xffff  }
0x9fd: {  	v1 =	vor.u32 v2, v15;
	_ =	sdelay $0x2  }
0x9fe: {  	v16 =	vadd.s32 $0x20, v11  }
0x9ff: {  	v3 =	vand.u32 $0xFFFFFF80, v16;
	[tilespmem:s19+$0x300] =	vst v0  }
0xa00: {  	v17 =	vadd.s32 v12, v3;
	v2 =	vand.u32 $0x7F, v16;
	v1 =	vld.idx.msk [tilespmem:v1+s14+$0x0], $0xffff  }
0xa01: {  	v0 =	vor.u32 v2, v17;
	_ =	sdelay $0x1  }
0xa02: {  	s25 =	sor.u32 s17, s17  }
0xa03: {  	v18 =	vadd.s32 $0x24, v11;
	s19 =	sor.u32 $0x380, s25  }
0xa04: {  	v3 =	vand.u32 $0xFFFFFF80, v18;
	[tilespmem:s19+$0x1A600] =	vst v1  }
0xa05: {  	v19 =	vadd.s32 v12, v3;
	v2 =	vand.u32 $0x7F, v18;
	v0 =	vld.idx.msk [tilespmem:v0+s14+$0x0], $0xffff  }
0xa06: {  	v1 =	vor.u32 v2, v19;
	_ =	sdelay $0x2  }
0xa07: {  	v20 =	vadd.s32 $0x28, v11  }
0xa08: {  	v3 =	vand.u32 $0xFFFFFF80, v20;
	[tilespmem:s23+$0x1AE00] =	vst v0  }
0xa09: {  	v21 =	vadd.s32 v12, v3;
	v2 =	vand.u32 $0x7F, v20;
	v1 =	vld.idx.msk [tilespmem:v1+s14+$0x0], $0xffff  }
0xa0a: {  	v0 =	vor.u32 v2, v21;
	_ =	sdelay $0x2  }
0xa0b: {  	v22 =	vadd.s32 $0x2C, v11  }
0xa0c: {  	v3 =	vand.u32 $0xFFFFFF80, v22;
	[tilespmem:s23+$0x1AE80] =	vst v1  }
0xa0d: {  	v23 =	vadd.s32 v12, v3;
	v2 =	vand.u32 $0x7F, v22;
	v0 =	vld.idx.msk [tilespmem:v0+s14+$0x0], $0xffff  }
0xa0e: {  	v1 =	vor.u32 v2, v23;
	_ =	sdelay $0x2  }
0xa0f: {  	v24 =	vadd.s32 $0x30, v11  }
0xa10: {  	v3 =	vand.u32 $0xFFFFFF80, v24;
	[tilespmem:s23+$0x1AF00] =	vst v0  }
0xa11: {  	v25 =	vadd.s32 v12, v3;
	v2 =	vand.u32 $0x7F, v24;
	v1 =	vld.idx.msk [tilespmem:v1+s14+$0x0], $0xffff  }
0xa12: {  	v0 =	vor.u32 v2, v25;
	_ =	sdelay $0x2  }
0xa13: {  	v26 =	vadd.s32 $0x34, v11  }
0xa14: {  	v3 =	vand.u32 $0xFFFFFF80, v26;
	[tilespmem:s23+$0x1AF80] =	vst v1  }
0xa15: {  	v27 =	vadd.s32 v12, v3;
	v2 =	vand.u32 $0x7F, v26;
	v0 =	vld.idx.msk [tilespmem:v0+s14+$0x0], $0xffff  }
0xa16: {  	v1 =	vor.u32 v2, v27;
	_ =	sdelay $0x2  }
0xa17: {  	v28 =	vadd.s32 $0x38, v11  }
0xa18: {  	v3 =	vand.u32 $0xFFFFFF80, v28;
	[tilespmem:s23+$0x1B000] =	vst v0  }
0xa19: {  	v29 =	vadd.s32 v12, v3;
	v2 =	vand.u32 $0x7F, v28;
	v1 =	vld.idx.msk [tilespmem:v1+s14+$0x0], $0xffff  }
0xa1a: {  	v0 =	vor.u32 v2, v29;
	_ =	sdelay $0x2  }
0xa1b: {  	v30 =	vadd.s32 $0x3C, v11  }
0xa1c: {  	v3 =	vand.u32 $0xFFFFFF80, v30;
	[tilespmem:s23+$0x1B080] =	vst v1  }
0xa1d: {  	v31 =	vadd.s32 v12, v3;
	v2 =	vand.u32 $0x7F, v30;
	v0 =	vld.idx.msk [tilespmem:v0+s14+$0x0], $0xffff  }
0xa1e: {  	v1 =	vor.u32 v2, v31;
	_ =	sdelay $0x2  }
0xa1f: {  	v32 =	vadd.s32 $0x40, v11  }
0xa20: {  	v3 =	vand.u32 $0xFFFFFF80, v32;
	[tilespmem:s23+$0x1B100] =	vst v0  }
0xa21: {  	v33 =	vadd.s32 v12, v3;
	v2 =	vand.u32 $0x7F, v32;
	v1 =	vld.idx.msk [tilespmem:v1+s14+$0x0], $0xffff  }
0xa22: {  	v0 =	vor.u32 v2, v33;
	_ =	sdelay $0x2  }
0xa23: {  	v34 =	vadd.s32 $0x44, v11  }
0xa24: {  	v3 =	vand.u32 $0xFFFFFF80, v34;
	[tilespmem:s23+$0x1B180] =	vst v1  }
0xa25: {  	v35 =	vadd.s32 v12, v3;
	v2 =	vand.u32 $0x7F, v34;
	v0 =	vld.idx.msk [tilespmem:v0+s14+$0x0], $0xffff  }
0xa26: {  	v1 =	vor.u32 v2, v35;
	_ =	sdelay $0x2  }
0xa27: {  	v36 =	vadd.s32 $0x48, v11  }
0xa28: {  	v3 =	vand.u32 $0xFFFFFF80, v36;
	[tilespmem:s23+$0x1B600] =	vst v0  }
0xa29: {  	v37 =	vadd.s32 v12, v3;
	v2 =	vand.u32 $0x7F, v36;
	v1 =	vld.idx.msk [tilespmem:v1+s14+$0x0], $0xffff  }
0xa2a: {  	v0 =	vor.u32 v2, v37;
	_ =	sdelay $0x2  }
0xa2b: {  	v38 =	vadd.s32 $0x4C, v11  }
0xa2c: {  	v3 =	vand.u32 $0xFFFFFF80, v38;
	[tilespmem:s23+$0x1B680] =	vst v1  }
0xa2d: {  	v39 =	vadd.s32 v12, v3;
	v2 =	vand.u32 $0x7F, v38;
	v0 =	vld.idx.msk [tilespmem:v0+s14+$0x0], $0xffff  }
0xa2e: {  	v1 =	vor.u32 v2, v39;
	_ =	sdelay $0x2  }
0xa2f: {  	v40 =	vadd.s32 $0x50, v11  }
0xa30: {  	v3 =	vand.u32 $0xFFFFFF80, v40;
	[tilespmem:s23+$0x1B700] =	vst v0  }
0xa31: {  	v41 =	vadd.s32 v12, v3;
	v2 =	vand.u32 $0x7F, v40;
	v1 =	vld.idx.msk [tilespmem:v1+s14+$0x0], $0xffff  }
0xa32: {  	v0 =	vor.u32 v2, v41;
	_ =	sdelay $0x2  }
0xa33: {  	v42 =	vadd.s32 $0x54, v11  }
0xa34: {  	v3 =	vand.u32 $0xFFFFFF80, v42;
	[tilespmem:s23+$0x1B780] =	vst v1  }
0xa35: {  	v43 =	vadd.s32 v12, v3;
	v2 =	vand.u32 $0x7F, v42;
	v0 =	vld.idx.msk [tilespmem:v0+s14+$0x0], $0xffff  }
0xa36: {  	v1 =	vor.u32 v2, v43;
	_ =	sdelay $0x2  }
0xa37: {  	v44 =	vadd.s32 $0x58, v11  }
0xa38: {  	v3 =	vand.u32 $0xFFFFFF80, v44;
	[tilespmem:s23+$0x1B800] =	vst v0  }
0xa39: {  	v45 =	vadd.s32 v12, v3;
	v2 =	vand.u32 $0x7F, v44;
	v1 =	vld.idx.msk [tilespmem:v1+s14+$0x0], $0xffff  }
0xa3a: {  	v0 =	vor.u32 v2, v45;
	_ =	sdelay $0x2  }
0xa3b: {  	v46 =	vadd.s32 $0x5C, v11  }
0xa3c: {  	v3 =	vand.u32 $0xFFFFFF80, v46;
	[tilespmem:s23+$0x1B880] =	vst v1  }
0xa3d: {  	v47 =	vadd.s32 v12, v3;
	v2 =	vand.u32 $0x7F, v46;
	v0 =	vld.idx.msk [tilespmem:v0+s14+$0x0], $0xffff  }
0xa3e: {  	v1 =	vor.u32 v2, v47;
	_ =	sdelay $0x2  }
0xa3f: {  	v48 =	vadd.s32 $0x60, v11  }
0xa40: {  	v3 =	vand.u32 $0xFFFFFF80, v48;
	[tilespmem:s23+$0x1B900] =	vst v0  }
0xa41: {  	v49 =	vadd.s32 v12, v3;
	v2 =	vand.u32 $0x7F, v48;
	v1 =	vld.idx.msk [tilespmem:v1+s14+$0x0], $0xffff  }
0xa42: {  	v0 =	vor.u32 v2, v49;
	_ =	sdelay $0x2  }
0xa43: {  	v50 =	vadd.s32 $0x64, v11  }
0xa44: {  	v3 =	vand.u32 $0xFFFFFF80, v50;
	[tilespmem:s23+$0x1B980] =	vst v1  }
0xa45: {  	v51 =	vadd.s32 v12, v3;
	v2 =	vand.u32 $0x7F, v50;
	v0 =	vld.idx.msk [tilespmem:v0+s14+$0x0], $0xffff  }
0xa46: {  	v1 =	vor.u32 v2, v51;
	_ =	sdelay $0x2  }
0xa47: {  	v52 =	vadd.s32 $0x68, v11  }
0xa48: {  	v3 =	vand.u32 $0xFFFFFF80, v52;
	[tilespmem:s23+$0x1BE00] =	vst v0  }
0xa49: {  	v53 =	vadd.s32 v12, v3;
	v2 =	vand.u32 $0x7F, v52;
	v1 =	vld.idx.msk [tilespmem:v1+s14+$0x0], $0xffff  }
0xa4a: {  	v0 =	vor.u32 v2, v53;
	_ =	sdelay $0x2  }
0xa4b: {  	v54 =	vadd.s32 $0x6C, v11  }
0xa4c: {  	v3 =	vand.u32 $0xFFFFFF80, v54;
	[tilespmem:s23+$0x1BE80] =	vst v1  }
0xa4d: {  	v55 =	vadd.s32 v12, v3;
	v2 =	vand.u32 $0x7F, v54;
	v0 =	vld.idx.msk [tilespmem:v0+s14+$0x0], $0xffff  }
0xa4e: {  	v1 =	vor.u32 v2, v55;
	_ =	sdelay $0x2  }
0xa4f: {  	v56 =	vadd.s32 $0x70, v11  }
0xa50: {  	v3 =	vand.u32 $0xFFFFFF80, v56;
	[tilespmem:s23+$0x1BF00] =	vst v0  }
0xa51: {  	v57 =	vadd.s32 v12, v3;
	v2 =	vand.u32 $0x7F, v56;
	v1 =	vld.idx.msk [tilespmem:v1+s14+$0x0], $0xffff  }
0xa52: {  	v0 =	vor.u32 v2, v57;
	_ =	sdelay $0x2  }
0xa53: {  	v58 =	vadd.s32 $0x74, v11  }
0xa54: {  	v3 =	vand.u32 $0xFFFFFF80, v58;
	[tilespmem:s23+$0x1BF80] =	vst v1  }
0xa55: {  	v59 =	vadd.s32 v12, v3;
	v2 =	vand.u32 $0x7F, v58;
	v0 =	vld.idx.msk [tilespmem:v0+s14+$0x0], $0xffff  }
0xa56: {  	v1 =	vor.u32 v2, v59;
	_ =	sdelay $0x2  }
0xa57: {  	v60 =	vadd.s32 $0x78, v11  }
0xa58: {  	v3 =	vand.u32 $0xFFFFFF80, v60;
	[tilespmem:s23+$0x1C000] =	vst v0  }
0xa59: {  	v61 =	vadd.s32 v12, v3;
	v2 =	vand.u32 $0x7F, v60;
	v1 =	vld.idx.msk [tilespmem:v1+s14+$0x0], $0xffff  }
0xa5a: {  	v0 =	vor.u32 v2, v61;
	_ =	sdelay $0x2  }
0xa5b: {  	v62 =	vadd.s32 $0x7C, v11  }
0xa5c: {  	v3 =	vand.u32 $0xFFFFFF80, v62;
	[tilespmem:s23+$0x1C080] =	vst v1  }
0xa5d: {  	v63 =	vadd.s32 v12, v3;
	v2 =	vand.u32 $0x7F, v62;
	v0 =	vld.idx.msk [tilespmem:v0+s14+$0x0], $0xffff  }
0xa5e: {  	v1 =	vor.u32 v2, v63;
	_ =	sdelay $0x3  }
0xa5f: {  	[tilespmem:s23+$0x1C100] =	vst v0  }
0xa60: {  	s29 =	simm.s32 $0x10;
	v11 =	vld.idx.msk [tilespmem:v1+s14+$0x0], $0xffff  }
.LBB2_52:
0xa61: {  	_ =	sdelay $0x3  }
0xa62: {  	s13 =	sadd.s32 $0x10, s13;
	[tilespmem:s23+$0x1C180] =	vst v11  }
0xa63: {  	v11 =	vld [tilespmem:s13+$0x0];
	_ =	sdelay $0x1  }
0xa64: {  	s25 =	smov.u32 s29  }
0xa65: {  	v0 =	vmov s25  }
0xa66: {  	v0 =	vshll.u32 v0, $0x7  }
0xa67: {  	v12 =	vor.u32 v4, v0;
	v1 =	vand.u32 $0xFFFFFF80, v11  }
0xa68: {  	v2 =	vand.u32 $0x7F, v11;
	v1 =	vadd.s32 v12, v1  }
0xa69: {  	v1 =	vor.u32 v2, v1;
	_ =	sdelay $0x2  }
0xa6a: {  	v47 =	vadd.s32 $0x4, v11  }
0xa6b: {  	v3 =	vand.u32 $0xFFFFFF80, v47  }
0xa6c: {  	v0 =	vand.u32 $0x7F, v47;
	v48 =	vadd.s32 v12, v3;
	v1 =	vld.idx.msk [tilespmem:v1+s14+$0x0], $0xffff  }
0xa6d: {  	v0 =	vor.u32 v0, v48  }
0xa6e: {  	s17 =	sadd.s32 $0x80, s17  }
0xa6f: {  	s19 =	sand.u32 $0x70, s25;
	s23 =	sand.u32 $0x400, s17  }
0xa70: {  	s23 =	sor.u32 s19, s23;
	v3 =	vadd.s32 $0x8, v11  }
0xa71: {  	v10 =	vand.u32 $0xFFFFFF80, v3;
	[tilespmem:s23+$0x1A600] =	vst v1  }
0xa72: {  	v22 =	vand.u32 $0x7F, v3;
	v10 =	vadd.s32 v12, v10;
	v0 =	vld.idx.msk [tilespmem:v0+s14+$0x0], $0xffff  }
0xa73: {  	v23 =	vor.u32 v22, v10;
	_ =	sdelay $0x2  }
0xa74: {  	s19 =	sadd.s32 $0x1A600, s23;
	v13 =	vadd.s32 $0xC, v11  }
0xa75: {  	v15 =	vand.u32 $0xFFFFFF80, v13;
	[tilespmem:s19+$0x80] =	vst v0  }
0xa76: {  	v30 =	vand.u32 $0x7F, v13;
	v15 =	vadd.s32 v12, v15;
	v1 =	vld.idx.msk [tilespmem:v23+s14+$0x0], $0xffff  }
0xa77: {  	v2 =	vor.u32 v30, v15  }
0xa78: {  	v41 =	vadd.s32 $0x40, v11  }
0xa79: {  	v14 =	vadd.s32 $0x10, v11;
	v36 =	vadd.s32 $0x48, v11;
	v26 =	vand.u32 $0xFFFFFF80, v41  }
0xa7a: {  	v16 =	vand.u32 $0xFFFFFF80, v14;
	v42 =	vadd.s32 v12, v26;
	v26 =	vadd.s32 $0x5C, v11  }
0xa7b: {  	v28 =	vand.u32 $0xFFFFFF80, v36;
	v16 =	vadd.s32 v12, v16;
	v3 =	vand.u32 $0xFFFFFF80, v26;
	[tilespmem:s19+$0x100] =	vst v1  }
0xa7c: {  	v39 =	vadd.s32 v12, v28;
	v28 =	vadd.s32 v12, v3;
	v3 =	vand.u32 $0x7F, v14;
	v1 =	vld.idx.msk [tilespmem:v2+s14+$0x0], $0xffff  }
0xa7d: {  	v0 =	vor.u32 v3, v16;
	_ =	sdelay $0x2  }
0xa7e: {  	v63 =	vadd.s32 $0x14, v11  }
0xa7f: {  	v17 =	vand.u32 $0xFFFFFF80, v63;
	[tilespmem:s19+$0x180] =	vst v1  }
0xa80: {  	v63 =	vand.u32 $0x7F, v63;
	v4 =	vadd.s32 v12, v17;
	v0 =	vld.idx.msk [tilespmem:v0+s14+$0x0], $0xffff  }
0xa81: {  	v1 =	vor.u32 v63, v4;
	_ =	sdelay $0x2  }
0xa82: {  	v61 =	vadd.s32 $0x18, v11  }
0xa83: {  	v49 =	vand.u32 $0xFFFFFF80, v61;
	[tilespmem:s19+$0x200] =	vst v0  }
0xa84: {  	v62 =	vadd.s32 v12, v49;
	v63 =	vand.u32 $0x7F, v61;
	v0 =	vld.idx.msk [tilespmem:v1+s14+$0x0], $0xffff  }
0xa85: {  	v1 =	vor.u32 v63, v62;
	_ =	sdelay $0x2  }
0xa86: {  	v57 =	vadd.s32 $0x1C, v11  }
0xa87: {  	v18 =	vand.u32 $0xFFFFFF80, v57;
	[tilespmem:s19+$0x280] =	vst v0  }
0xa88: {  	v57 =	vand.u32 $0x7F, v57;
	v59 =	vadd.s32 v12, v18;
	v0 =	vld.idx.msk [tilespmem:v1+s14+$0x0], $0xffff  }
0xa89: {  	v1 =	vor.u32 v57, v59;
	_ =	sdelay $0x2  }
0xa8a: {  	v58 =	vadd.s32 $0x20, v11  }
0xa8b: {  	v50 =	vand.u32 $0xFFFFFF80, v58;
	[tilespmem:s19+$0x300] =	vst v0  }
0xa8c: {  	v58 =	vand.u32 $0x7F, v58;
	v60 =	vadd.s32 v12, v50;
	v0 =	vld.idx.msk [tilespmem:v1+s14+$0x0], $0xffff  }
0xa8d: {  	v1 =	vor.u32 v58, v60;
	_ =	sdelay $0x1  }
0xa8e: {  	s25 =	sor.u32 s17, s25  }
0xa8f: {  	v54 =	vadd.s32 $0x24, v11;
	s19 =	sor.u32 $0x380, s25  }
0xa90: {  	v56 =	vand.u32 $0xFFFFFF80, v54;
	[tilespmem:s19+$0x1A600] =	vst v0  }
0xa91: {  	v56 =	vadd.s32 v12, v56;
	v59 =	vand.u32 $0x7F, v54;
	v0 =	vld.idx.msk [tilespmem:v1+s14+$0x0], $0xffff  }
0xa92: {  	v1 =	vor.u32 v59, v56;
	_ =	sdelay $0x2  }
0xa93: {  	v52 =	vadd.s32 $0x28, v11  }
0xa94: {  	v18 =	vand.u32 $0xFFFFFF80, v52;
	[tilespmem:s23+$0x1AE00] =	vst v0  }
0xa95: {  	v55 =	vadd.s32 v12, v18;
	v60 =	vand.u32 $0x7F, v52;
	v0 =	vld.idx.msk [tilespmem:v1+s14+$0x0], $0xffff  }
0xa96: {  	v1 =	vor.u32 v60, v55;
	_ =	sdelay $0x2  }
0xa97: {  	v51 =	vadd.s32 $0x2C, v11  }
0xa98: {  	v19 =	vand.u32 $0xFFFFFF80, v51;
	[tilespmem:s23+$0x1AE80] =	vst v0  }
0xa99: {  	v53 =	vadd.s32 v12, v19;
	v61 =	vand.u32 $0x7F, v51;
	v0 =	vld.idx.msk [tilespmem:v1+s14+$0x0], $0xffff  }
0xa9a: {  	v1 =	vor.u32 v61, v53;
	_ =	sdelay $0x2  }
0xa9b: {  	v48 =	vadd.s32 $0x30, v11  }
0xa9c: {  	v20 =	vand.u32 $0xFFFFFF80, v48;
	[tilespmem:s23+$0x1AF00] =	vst v0  }
0xa9d: {  	v50 =	vadd.s32 v12, v20;
	v62 =	vand.u32 $0x7F, v48;
	v0 =	vld.idx.msk [tilespmem:v1+s14+$0x0], $0xffff  }
0xa9e: {  	v1 =	vor.u32 v62, v50;
	_ =	sdelay $0x2  }
0xa9f: {  	v46 =	vadd.s32 $0x34, v11  }
0xaa0: {  	v21 =	vand.u32 $0xFFFFFF80, v46;
	[tilespmem:s23+$0x1AF80] =	vst v0  }
0xaa1: {  	v49 =	vadd.s32 v12, v21;
	v63 =	vand.u32 $0x7F, v46;
	v0 =	vld.idx.msk [tilespmem:v1+s14+$0x0], $0xffff  }
0xaa2: {  	v1 =	vor.u32 v63, v49;
	_ =	sdelay $0x2  }
0xaa3: {  	v45 =	vadd.s32 $0x38, v11  }
0xaa4: {  	v24 =	vand.u32 $0xFFFFFF80, v45;
	[tilespmem:s23+$0x1B000] =	vst v0  }
0xaa5: {  	v47 =	vadd.s32 v12, v24;
	v46 =	vand.u32 $0x7F, v45;
	v0 =	vld.idx.msk [tilespmem:v1+s14+$0x0], $0xffff  }
0xaa6: {  	v1 =	vor.u32 v46, v47;
	_ =	sdelay $0x2  }
0xaa7: {  	v43 =	vadd.s32 $0x3C, v11  }
0xaa8: {  	v25 =	vand.u32 $0xFFFFFF80, v43;
	[tilespmem:s23+$0x1B080] =	vst v0  }
0xaa9: {  	v44 =	vadd.s32 v12, v25;
	v47 =	vand.u32 $0x7F, v43;
	v0 =	vld.idx.msk [tilespmem:v1+s14+$0x0], $0xffff  }
0xaaa: {  	v1 =	vor.u32 v47, v44;
	_ =	sdelay $0x3  }
0xaab: {  	[tilespmem:s23+$0x1B100] =	vst v0  }
0xaac: {  	v48 =	vand.u32 $0x7F, v41;
	v0 =	vld.idx.msk [tilespmem:v1+s14+$0x0], $0xffff  }
0xaad: {  	v1 =	vor.u32 v48, v42;
	_ =	sdelay $0x2  }
0xaae: {  	v38 =	vadd.s32 $0x44, v11  }
0xaaf: {  	v27 =	vand.u32 $0xFFFFFF80, v38;
	[tilespmem:s23+$0x1B180] =	vst v0  }
0xab0: {  	v40 =	vadd.s32 v12, v27;
	v49 =	vand.u32 $0x7F, v38;
	v0 =	vld.idx.msk [tilespmem:v1+s14+$0x0], $0xffff  }
0xab1: {  	v1 =	vor.u32 v49, v40;
	_ =	sdelay $0x3  }
0xab2: {  	[tilespmem:s23+$0x1B600] =	vst v0  }
0xab3: {  	v50 =	vand.u32 $0x7F, v36;
	v0 =	vld.idx.msk [tilespmem:v1+s14+$0x0], $0xffff  }
0xab4: {  	v1 =	vor.u32 v50, v39;
	_ =	sdelay $0x2  }
0xab5: {  	v35 =	vadd.s32 $0x4C, v11  }
0xab6: {  	v29 =	vand.u32 $0xFFFFFF80, v35;
	[tilespmem:s23+$0x1B680] =	vst v0  }
0xab7: {  	v37 =	vadd.s32 v12, v29;
	v51 =	vand.u32 $0x7F, v35;
	v0 =	vld.idx.msk [tilespmem:v1+s14+$0x0], $0xffff  }
0xab8: {  	v1 =	vor.u32 v51, v37;
	_ =	sdelay $0x2  }
0xab9: {  	v32 =	vadd.s32 $0x50, v11  }
0xaba: {  	v31 =	vand.u32 $0xFFFFFF80, v32;
	[tilespmem:s23+$0x1B700] =	vst v0  }
0xabb: {  	v34 =	vadd.s32 v12, v31;
	v52 =	vand.u32 $0x7F, v32;
	v0 =	vld.idx.msk [tilespmem:v1+s14+$0x0], $0xffff  }
0xabc: {  	v1 =	vor.u32 v52, v34;
	_ =	sdelay $0x2  }
0xabd: {  	v31 =	vadd.s32 $0x54, v11  }
0xabe: {  	v33 =	vand.u32 $0xFFFFFF80, v31;
	[tilespmem:s23+$0x1B780] =	vst v0  }
0xabf: {  	v33 =	vadd.s32 v12, v33;
	v53 =	vand.u32 $0x7F, v31;
	v0 =	vld.idx.msk [tilespmem:v1+s14+$0x0], $0xffff  }
0xac0: {  	v1 =	vor.u32 v53, v33;
	_ =	sdelay $0x2  }
0xac1: {  	v29 =	vadd.s32 $0x58, v11  }
0xac2: {  	v13 =	vand.u32 $0xFFFFFF80, v29;
	[tilespmem:s23+$0x1B800] =	vst v0  }
0xac3: {  	v30 =	vadd.s32 v12, v13;
	v54 =	vand.u32 $0x7F, v29;
	v0 =	vld.idx.msk [tilespmem:v1+s14+$0x0], $0xffff  }
0xac4: {  	v1 =	vor.u32 v54, v30;
	_ =	sdelay $0x3  }
0xac5: {  	[tilespmem:s23+$0x1B880] =	vst v0  }
0xac6: {  	v55 =	vand.u32 $0x7F, v26;
	v0 =	vld.idx.msk [tilespmem:v1+s14+$0x0], $0xffff  }
0xac7: {  	v1 =	vor.u32 v55, v28;
	_ =	sdelay $0x2  }
0xac8: {  	v24 =	vadd.s32 $0x60, v11  }
0xac9: {  	v15 =	vand.u32 $0xFFFFFF80, v24;
	[tilespmem:s23+$0x1B900] =	vst v0  }
0xaca: {  	v27 =	vadd.s32 v12, v15;
	v56 =	vand.u32 $0x7F, v24;
	v0 =	vld.idx.msk [tilespmem:v1+s14+$0x0], $0xffff  }
0xacb: {  	v1 =	vor.u32 v56, v27;
	_ =	sdelay $0x2  }
0xacc: {  	v23 =	vadd.s32 $0x64, v11  }
0xacd: {  	v18 =	vand.u32 $0xFFFFFF80, v23;
	[tilespmem:s23+$0x1B980] =	vst v0  }
0xace: {  	v25 =	vadd.s32 v12, v18;
	v57 =	vand.u32 $0x7F, v23;
	v0 =	vld.idx.msk [tilespmem:v1+s14+$0x0], $0xffff  }
0xacf: {  	v1 =	vor.u32 v57, v25;
	_ =	sdelay $0x2  }
0xad0: {  	v19 =	vadd.s32 $0x68, v11  }
0xad1: {  	v20 =	vand.u32 $0xFFFFFF80, v19;
	[tilespmem:s23+$0x1BE00] =	vst v0  }
0xad2: {  	v22 =	vadd.s32 v12, v20;
	v58 =	vand.u32 $0x7F, v19;
	v0 =	vld.idx.msk [tilespmem:v1+s14+$0x0], $0xffff  }
0xad3: {  	v1 =	vor.u32 v58, v22;
	_ =	sdelay $0x2  }
0xad4: {  	v20 =	vadd.s32 $0x6C, v11  }
0xad5: {  	v21 =	vand.u32 $0xFFFFFF80, v20;
	[tilespmem:s23+$0x1BE80] =	vst v0  }
0xad6: {  	v21 =	vadd.s32 v12, v21;
	v59 =	vand.u32 $0x7F, v20;
	v0 =	vld.idx.msk [tilespmem:v1+s14+$0x0], $0xffff  }
0xad7: {  	v1 =	vor.u32 v59, v21;
	_ =	sdelay $0x2  }
0xad8: {  	v17 =	vadd.s32 $0x70, v11  }
0xad9: {  	v3 =	vand.u32 $0xFFFFFF80, v17;
	[tilespmem:s23+$0x1BF00] =	vst v0  }
0xada: {  	v18 =	vadd.s32 v12, v3;
	v60 =	vand.u32 $0x7F, v17;
	v0 =	vld.idx.msk [tilespmem:v1+s14+$0x0], $0xffff  }
0xadb: {  	v1 =	vor.u32 v60, v18;
	_ =	sdelay $0x2  }
0xadc: {  	v14 =	vadd.s32 $0x74, v11  }
0xadd: {  	v13 =	vand.u32 $0xFFFFFF80, v14;
	[tilespmem:s23+$0x1BF80] =	vst v0  }
0xade: {  	v16 =	vadd.s32 v12, v13;
	v61 =	vand.u32 $0x7F, v14;
	v0 =	vld.idx.msk [tilespmem:v1+s14+$0x0], $0xffff  }
0xadf: {  	v1 =	vor.u32 v61, v16;
	_ =	sdelay $0x2  }
0xae0: {  	v13 =	vadd.s32 $0x78, v11  }
0xae1: {  	v15 =	vand.u32 $0xFFFFFF80, v13;
	[tilespmem:s23+$0x1C000] =	vst v0  }
0xae2: {  	v15 =	vadd.s32 v12, v15;
	v62 =	vand.u32 $0x7F, v13;
	v0 =	vld.idx.msk [tilespmem:v1+s14+$0x0], $0xffff  }
0xae3: {  	v1 =	vor.u32 v62, v15;
	_ =	sdelay $0x2  }
0xae4: {  	v11 =	vadd.s32 $0x7C, v11  }
0xae5: {  	v2 =	vand.u32 $0xFFFFFF80, v11;
	[tilespmem:s23+$0x1C080] =	vst v0  }
0xae6: {  	v12 =	vadd.s32 v12, v2;
	v63 =	vand.u32 $0x7F, v11;
	v0 =	vld.idx.msk [tilespmem:v1+s14+$0x0], $0xffff  }
0xae7: {  	p2 =	sne.s32 s29, $0xF0;
	v1 =	vor.u32 v63, v12  }
.Ltmp34:
0xae8: {  	_ = 	snop;
	(pc) =	sbr.rel @p2 .LBB2_52-.Ltmp34, $3  }
0xae9: {  	_ =	sdelay $0x1  }
0xaea: {  	v4 =	vld [tilespmem:$0x1FFB0];
	[tilespmem:s23+$0x1C100] =	vst v0  }
0xaeb: {  	s29 =	sadd.s32 $0x10, s29;
	v11 =	vld.idx.msk [tilespmem:v1+s14+$0x0], $0xffff  }
0xaec: {  	s2 =	sadd.s32 $0x1, s2  }
0xaed: {  	p2 =	sne.s32 s2, $0x40  }
.Ltmp35:
0xaee: {  	_ = 	snop;
	(pc) =	sbr.rel @p2 .LBB2_36-.Ltmp35, $4  }
.Ltmp36:
0xaef: {  	_ = 	snop;
	(pc) =	sbr.rel @!p2 .LBB2_54-.Ltmp36, $4  }
0xaf0: {  	_ = 	snop  }
0xaf1: {  	s3 =	sadd.s32 s3, s26;
	s13 =	simm.s32 $0x1A600;
	[tilespmem:s23+$0x1C180] =	vst v11  }
0xaf2: {  	[hbm4b:s3+s30] =	stream.strided.scatter [tilespmem:s13], [sflag:$0x8], $0x2000, s6, s30, $0x38;
	[tilespmem:$0x1C600] =	vst v63  }
0xaf3: {  	_ = 	snop  }
.LBB2_55:
0xaf4: {  	_ =	sfence.sel $0x180000  }
0xaf5: {  	[bflag:$0x0] =	sbarrier.arrive $0xFFFF  }
0xaf6: {  	_ =	strace $0x90000047  }
0xaf7: {  	s0 =	stileid.u32;
	[bflag:$0x2] =	sbarrier.arrive $0xFFFF  }
0xaf8: {  	p0 =	sne.s32 s0, $0x0;
	s0 =	rddreg [dreg:$0x6]  }
0xaf9: {  	s0 =	sadd.s32 @!p0 $0x100000, s0  }
0xafa: {  	[sflag:s0] =	ssyncadd.tile.s32 @!p0 $0x1;
	_ =	shalt  }
.Lfunc_end2:
_tile_overlayer_lowered:
.L_overlay_start_2:
0xafb: {  	(tag) =	ssettag $0x2  }
0xafc: {  	s0 =	rddreg [dreg:$0x0];
	s2 =	stileid.u32  }
0xafd: {  	s1 =	rddreg [dreg:$0x1];
	p0 =	sne.s32 s2, $0x0  }
0xafe: {  	s3 =	rddreg [dreg:$0x2];
	[bflag:$0x3] =	sbarrier.arrive $0xFFFF;
	s2 =	simm.s32 @!p0 $0x1C0B  }
0xaff: {  	[timem:s3], [sflag:s2] =	dma.local @!p0 [hbm:s0], s1  }
0xb00: {  	s0 =	simm.s32 @!p0 $0xB  }
0xb01: {  	_ =	swait.ge @!p0 [sflag:s0], s1  }
0xb02: {  	s1 =	ssub.s32 @!p0 $0x0, s1;
	[sflag:s0] =	ssyncset.done @!p0 $0x0  }
0xb03: {  	[sflag:s0] =	ssyncadd.s32 @!p0 s1  }
0xb04: {  	[bflag:$0x3] =	sbarrier.arrive $0xFFFF  }
0xb05: {  	_ =	shalt  }

</sc_bundles>
